<compile_context>
chip_gen: v7x
topology: tpu7x:2x2x1
jax: 0.10.2.dev20260603
libtpu: 0.0.44.dev20260713+nightly
codegen_flags: <defaults>
</compile_context>

<pallas_src>
import functools

import jax
import jax.numpy as jnp
from jax import lax
from jax.experimental import pallas as pl
from jax.experimental.pallas import tpu as pltpu
from jax.experimental.pallas import tpu_sc as plsc

B = 256
NPG = 64
EG = 512
E_TOTAL = B * EG
D = 256
K1 = 32
K2 = 16
NREL = 86
GB = 16
PD = B // GB
GPS = B // 32
F32 = jnp.float32
HI = jax.lax.Precision.HIGHEST
DEF = jax.lax.Precision.DEFAULT

_CONTRACT_LAST = (((1,), (1,)), ((), ()))


def _rank_row(fit_col, n):
    ii = jax.lax.broadcasted_iota(jnp.int32, (n, n), 0)
    jj = jax.lax.broadcasted_iota(jnp.int32, (n, n), 1)
    eye = (ii == jj).astype(F32)
    fit_row = jnp.sum(fit_col * eye, axis=0, keepdims=True)
    beats = (fit_col > fit_row) | ((fit_col == fit_row) & (ii < jj))
    return jnp.sum(beats.astype(F32), axis=0, keepdims=True)


def _gcn_block(h, src, dst, bias, n, extra=None):
    node = jax.lax.broadcasted_iota(jnp.int32, (n, EG), 0)
    os_ = (node == src).astype(F32)
    od_ = (node == dst).astype(F32)
    deg = jnp.sum(od_, axis=1, keepdims=True) + 1.0
    if extra is not None:
        deg = deg + extra
    rs = jax.lax.rsqrt(deg)
    cnt = jax.lax.dot_general(od_, os_, _CONTRACT_LAST,
                              preferred_element_type=F32,
                              precision=DEF)
    agg = rs * jnp.dot(cnt, rs * h, preferred_element_type=F32, precision=HI)
    if extra is not None:
        agg = agg + (extra / deg) * h[0:1, :]
    out = jax.nn.relu(agg + h * (1.0 / deg) + bias)
    return out, os_, od_


def _k1_body(x_ref, es_ref, ed_ref, w1_ref, b1_ref, wf1_ref,
             x11_ref, rank_ref):
    x_all = x_ref[...].reshape(GB * NPG, D)
    h_all = jnp.dot(x_all, w1_ref[...], preferred_element_type=F32,
                    precision=DEF)

    outs = []
    for j in range(GB):
        h = h_all[j * NPG:(j + 1) * NPG]
        out, _, _ = _gcn_block(h, es_ref[j, 0:1, :], ed_ref[j, 0:1, :],
                               b1_ref[...], NPG)
        outs.append(out)

    out_all = jnp.concatenate(outs, axis=0)
    fitz = jnp.dot(out_all, wf1_ref[...], preferred_element_type=F32,
                   precision=DEF)[:, 0:1]

    for j in range(GB):
        fit = jax.nn.sigmoid(fitz[j * NPG:(j + 1) * NPG])
        rank = _rank_row(fit, NPG)
        pos = jax.lax.broadcasted_iota(jnp.int32, (K1, NPG), 0).astype(F32)
        perm = (pos == rank).astype(F32)
        x11_ref[j] = jnp.dot(perm, outs[j] * fit,
                             preferred_element_type=F32, precision=HI)
        rank_ref[j] = rank.astype(jnp.int32)


def _vgather16(tbl, idx):
    dnums = lax.GatherDimensionNumbers(offset_dims=(),
                                       collapsed_slice_dims=(0,),
                                       start_index_map=(0,))
    return lax.gather(tbl, idx[:, None], dnums, slice_sizes=(1,),
                      mode=lax.GatherScatterMode.PROMISE_IN_BOUNDS)


def _rank_lookup(rank_q, idx):
    lo = idx & 15
    q = idx >> 4
    out = jnp.zeros((16,), jnp.int32)
    for k in range(4):
        out = jnp.where(q == k, _vgather16(rank_q[k], lo), out)
    return out


def _sc_remap_body(es_hbm, ed_hbm, rank_hbm, ens_hbm, end_hbm,
                   rank_v, s_v, d_v, os_v, od_v):
    wid = lax.axis_index("c") * 16 + lax.axis_index("s")

    def graph_body(i, carry):
        g = wid * GPS + i
        pltpu.sync_copy(es_hbm.at[g, 0], s_v)
        pltpu.sync_copy(ed_hbm.at[g, 0], d_v)
        pltpu.sync_copy(rank_hbm.at[g, 0], rank_v)
        rank_q = [rank_v[pl.ds(k * 16, 16)] for k in range(4)]

        def chunk(cix, carry2):
            si = s_v[pl.ds(cix * 16, 16)]
            di = d_v[pl.ds(cix * 16, 16)]
            ns = _rank_lookup(rank_q, si)
            nd = _rank_lookup(rank_q, di)
            kept = (ns < K1) & (nd < K1)
            neg = jnp.full((16,), -1, jnp.int32)
            os_v[pl.ds(cix * 16, 16)] = jnp.where(kept, ns, neg)
            od_v[pl.ds(cix * 16, 16)] = jnp.where(kept, nd, neg)
            return carry2

        carry = lax.fori_loop(0, EG // 16, chunk, carry)
        pltpu.sync_copy(os_v, ens_hbm.at[g, 0])
        pltpu.sync_copy(od_v, end_hbm.at[g, 0])
        return carry

    lax.fori_loop(0, GPS, graph_body, jnp.zeros((16,), F32))


def _sc_remap(es, ed, rank):
    mesh = plsc.VectorSubcoreMesh(core_axis_name="c", subcore_axis_name="s")
    k = functools.partial(
        pl.kernel,
        mesh=mesh,
        out_type=[jax.ShapeDtypeStruct((B, 1, EG), jnp.int32),
                  jax.ShapeDtypeStruct((B, 1, EG), jnp.int32)],
        scratch_types=[
            pltpu.VMEM((NPG,), jnp.int32),
            pltpu.VMEM((EG,), jnp.int32),
            pltpu.VMEM((EG,), jnp.int32),
            pltpu.VMEM((EG,), jnp.int32),
            pltpu.VMEM((EG,), jnp.int32),
        ],
    )(_sc_remap_body)
    return k(es, ed, rank)


def _k2_body(x_ref, ens_ref, end_ref, w2_ref, b2_ref, wf2_ref, gm_ref,
             acc_ref):
    g = pl.program_id(0)
    x_all = x_ref[...].reshape(GB * K1, D)
    h_all = jnp.dot(x_all, w2_ref[...], preferred_element_type=F32,
                    precision=DEF)
    row0 = (jax.lax.broadcasted_iota(jnp.int32, (K1, 1), 0) == 0).astype(F32)

    blk = jnp.sum((ens_ref[...] < 0).astype(F32))
    base = jnp.where(g == 0, 0.0, acc_ref[0])
    total = base + blk
    acc_ref[0] = total
    td = total * (g == PD - 1).astype(F32)

    outs = []
    for j in range(GB):
        h = h_all[j * K1:(j + 1) * K1]
        if j == 0:
            extra = row0 * td
        else:
            extra = None
        out, _, _ = _gcn_block(h, ens_ref[j, 0:1, :], end_ref[j, 0:1, :],
                               b2_ref[...], K1, extra=extra)
        outs.append(out)

    out_all = jnp.concatenate(outs, axis=0)
    fitz = jnp.dot(out_all, wf2_ref[...], preferred_element_type=F32,
                   precision=DEF)[:, 0:1]

    for j in range(GB):
        fit = jax.nn.sigmoid(fitz[j * K1:(j + 1) * K1])
        rank = _rank_row(fit, K1)
        pos = jax.lax.broadcasted_iota(jnp.int32, (K2, K1), 0).astype(F32)
        perm = (pos == rank).astype(F32)
        x12 = jnp.dot(perm, outs[j] * fit,
                      preferred_element_type=F32, precision=HI)
        gm_ref[j] = jnp.sum(x12, axis=0, keepdims=True) * (1.0 / K2)


def _k3_body(g1_ref, g2_ref, inter_ref, rel_ref, wa_ref, wb_ref, wc_ref,
             bm1_ref, wm2_ref, bm2_ref, out_ref):
    ii = jax.lax.broadcasted_iota(jnp.int32, (B, B), 0)
    jj = jax.lax.broadcasted_iota(jnp.int32, (B, B), 1)
    eye = (ii == jj).astype(jnp.int32)
    inter_col = jnp.sum(inter_ref[...] * eye, axis=1, keepdims=True)
    rel_hot = (inter_col ==
               jax.lax.broadcasted_iota(jnp.int32, (B, NREL), 1)).astype(F32)
    rel = jnp.dot(rel_hot, rel_ref[...], preferred_element_type=F32,
                  precision=HI)

    h = (jnp.dot(g1_ref[...], wa_ref[...], preferred_element_type=F32,
                 precision=DEF) +
         jnp.dot(g2_ref[...], wb_ref[...], preferred_element_type=F32,
                 precision=DEF) +
         jnp.dot(rel, wc_ref[...], preferred_element_type=F32,
                 precision=DEF) +
         bm1_ref[...])
    h = jax.nn.relu(h)
    out_ref[...] = jnp.dot(h, wm2_ref[...], preferred_element_type=F32,
                           precision=DEF) + bm2_ref[...]


def _cpg(*shape):
    return pl.BlockSpec(shape, lambda g: (0,) * len(shape))


def _drug_pipeline(x, es, ed, W1, b1r, wf1r, W2, b2r, wf2r):
    x11, rank = pl.pallas_call(
        _k1_body,
        grid=(B // GB,),
        in_specs=[
            pl.BlockSpec((GB, NPG, D), lambda g: (g, 0, 0)),
            pl.BlockSpec((GB, 1, EG), lambda g: (g, 0, 0)),
            pl.BlockSpec((GB, 1, EG), lambda g: (g, 0, 0)),
            _cpg(D, D), _cpg(1, D), _cpg(D, 128),
        ],
        out_specs=[
            pl.BlockSpec((GB, K1, D), lambda g: (g, 0, 0)),
            pl.BlockSpec((GB, 1, NPG), lambda g: (g, 0, 0)),
        ],
        out_shape=[
            jax.ShapeDtypeStruct((B, K1, D), F32),
            jax.ShapeDtypeStruct((B, 1, NPG), jnp.int32),
        ],
    )(x, es, ed, W1, b1r, wf1r)

    ens, end_ = _sc_remap(es, ed, rank)

    rot = lambda g: ((g + 1) % PD, 0, 0)
    gm = pl.pallas_call(
        _k2_body,
        grid=(PD,),
        in_specs=[
            pl.BlockSpec((GB, K1, D), rot),
            pl.BlockSpec((GB, 1, EG), rot),
            pl.BlockSpec((GB, 1, EG), rot),
            _cpg(D, D), _cpg(1, D), _cpg(D, 128),
        ],
        out_specs=pl.BlockSpec((GB, 1, D), rot),
        out_shape=jax.ShapeDtypeStruct((B, 1, D), F32),
        scratch_shapes=[pltpu.SMEM((1,), F32)],
    )(x11, ens, end_, W2, b2r, wf2r)
    return gm[:, 0, :]


@jax.jit
def kernel(Drug_1_E, Drug_1_x, D1_batch, Drug_2_E, Drug_2_x, D2_batch,
           Interaction, W1, b1, W2, b2, wfit1, wfit2, rel_table,
           Wm1, bm1, Wm2, bm2):
    del D1_batch, D2_batch

    offs = (jnp.arange(E_TOTAL, dtype=jnp.int32) // EG) * NPG
    b1r = b1.reshape(1, D)
    b2r = b2.reshape(1, D)
    wf1r = jnp.zeros((D, 128), F32).at[:, 0].set(wfit1)
    wf2r = jnp.zeros((D, 128), F32).at[:, 0].set(wfit2)

    gms = []
    for E_k, x_k in ((Drug_1_E, Drug_1_x), (Drug_2_E, Drug_2_x)):
        el = E_k.astype(jnp.int32) - offs[None, :]
        es = el[0].reshape(B, 1, EG)
        ed = el[1].reshape(B, 1, EG)
        gms.append(_drug_pipeline(x_k.reshape(B, NPG, D), es, ed,
                                  W1, b1r, wf1r, W2, b2r, wf2r))
    g1, g2 = gms

    wm2p = jnp.zeros((D, 128), F32).at[:, :2].set(Wm2)
    bm2p = jnp.zeros((1, 128), F32).at[0, :2].set(bm2)

    ans_p = pl.pallas_call(
        _k3_body,
        in_specs=[pl.BlockSpec(s.shape, lambda: (0,) * len(s.shape))
                  for s in (jax.ShapeDtypeStruct((B, D), F32),
                            jax.ShapeDtypeStruct((B, D), F32),
                            jax.ShapeDtypeStruct((1, B), jnp.int32),
                            jax.ShapeDtypeStruct((NREL, D), F32),
                            jax.ShapeDtypeStruct((D, D), F32),
                            jax.ShapeDtypeStruct((D, D), F32),
                            jax.ShapeDtypeStruct((D, D), F32),
                            jax.ShapeDtypeStruct((1, D), F32),
                            jax.ShapeDtypeStruct((D, 128), F32),
                            jax.ShapeDtypeStruct((1, 128), F32))],
        out_specs=pl.BlockSpec((B, 128), lambda: (0, 0)),
        out_shape=jax.ShapeDtypeStruct((B, 128), F32),
    )(g1, g2, Interaction.reshape(1, B).astype(jnp.int32), rel_table,
      Wm1[0:D], Wm1[D:2 * D], Wm1[2 * D:3 * D], bm1.reshape(1, D),
      wm2p, bm2p)

    return ans_p[:, :2]

# --- scband reference (transcript-rebuilt; emitter-appended) ---
"""Pipeline reference for scband-dd-pre-41446434406633 (READ-ONLY COPY).

The authoritative reference and input builder live on the scoring server;
editing this copy changes nothing except your own understanding.
"""

import jax, jax.numpy as jnp
import numpy as np
import math

B = 256      # graphs per batch (drug pairs)
NPG = 64     # nodes per graph
N = B * NPG  # 16384
E = 131072   # edges per drug batch
D = 256      # in_channels
NREL = 86    # number of DDI interaction types
R1 = 0.5
R2 = 0.5


def setup_inputs(seed: int = 0):
    key = jax.random.key(seed)
    ks = jax.random.split(key, 16)
    Eg = E // B
    off = (jnp.arange(E) // Eg) * NPG
    e1 = jax.random.randint(ks[0], (2, E), 0, NPG) + off[None, :]
    e2 = jax.random.randint(ks[1], (2, E), 0, NPG) + off[None, :]
    x1 = jax.random.normal(ks[2], (N, D), dtype=jnp.float32)
    x2 = jax.random.normal(ks[3], (N, D), dtype=jnp.float32)
    batch = jnp.repeat(jnp.arange(B), NPG)
    inter = jax.random.randint(ks[4], (B,), 0, NREL)
    s = 1.0 / math.sqrt(D)
    return {
        "Drug_1_E": e1, "Drug_1_x": x1, "D1_batch": batch,
        "Drug_2_E": e2, "Drug_2_x": x2, "D2_batch": batch,
        "Interaction": inter,
        "W1": jax.random.normal(ks[5], (D, D), dtype=jnp.float32) * s,
        "b1": jnp.zeros((D,), dtype=jnp.float32),
        "W2": jax.random.normal(ks[6], (D, D), dtype=jnp.float32) * s,
        "b2": jnp.zeros((D,), dtype=jnp.float32),
        "wfit1": jax.random.normal(ks[7], (D,), dtype=jnp.float32) * s,
        "wfit2": jax.random.normal(ks[8], (D,), dtype=jnp.float32) * s,
        "rel_table": jax.random.normal(ks[9], (NREL, D), dtype=jnp.float32) * 0.05,
        "Wm1": jax.random.normal(ks[10], (3 * D, D), dtype=jnp.float32) * (1.0 / math.sqrt(3 * D)),
        "bm1": jnp.zeros((D,), dtype=jnp.float32),
        "Wm2": jax.random.normal(ks[11], (D, 2), dtype=jnp.float32) * s,
        "bm2": jnp.zeros((2,), dtype=jnp.float32),
    }


def _gcn(x, ei, W, bb):
    n = x.shape[0]
    src, dst = ei[0], ei[1]
    h = x @ W
    deg = jax.ops.segment_sum(jnp.ones(src.shape[0], x.dtype), dst, num_segments=n) + 1.0
    norm = jax.lax.rsqrt(deg[src] * deg[dst])
    agg = jax.ops.segment_sum(h[src] * norm[:, None], dst, num_segments=n)
    return agg + h / deg[:, None] + bb


def _asap(x, ei, batch, wfit, ratio):
    n_nodes = x.shape[0]
    npg = n_nodes // B
    k = max(1, int(math.ceil(ratio * npg)))
    fit = jax.nn.sigmoid(x @ wfit)
    vals, idx = jax.lax.top_k(fit.reshape(B, npg), k)
    perm = (jnp.arange(B)[:, None] * npg + idx).reshape(-1)
    x_new = x[perm] * fit[perm][:, None]
    new_id = jnp.full((n_nodes,), -1, dtype=jnp.int32).at[perm].set(jnp.arange(B * k, dtype=jnp.int32))
    ns, nd = new_id[ei[0]], new_id[ei[1]]
    kept = (ns >= 0) & (nd >= 0)
    new_ei = jnp.stack([jnp.where(kept, ns, 0), jnp.where(kept, nd, 0)])
    new_batch = jnp.repeat(jnp.arange(B), k)
    ew = kept.astype(x.dtype)
    return x_new, new_ei, new_batch, perm, fit, perm, fit[perm], ew


def _interactions(x1, bt1, x2, bt2, inter, rel_table, Wm1, bm1, Wm2, bm2):
    c1 = jax.ops.segment_sum(jnp.ones(x1.shape[0], x1.dtype), bt1, num_segments=B)
    g1 = jax.ops.segment_sum(x1, bt1, num_segments=B) / c1[:, None]
    c2 = jax.ops.segment_sum(jnp.ones(x2.shape[0], x2.dtype), bt2, num_segments=B)
    g2 = jax.ops.segment_sum(x2, bt2, num_segments=B) / c2[:, None]
    rel = rel_table[inter]
    h = jnp.concatenate([g1, g2, rel], axis=1)
    h = jax.nn.relu(h @ Wm1 + bm1)
    ans = h @ Wm2 + bm2
    return ans, ans


def reference(Drug_1_E, Drug_1_x, D1_batch, Drug_2_E, Drug_2_x, D2_batch, Interaction,
              W1, b1, W2, b2, wfit1, wfit2, rel_table, Wm1, bm1, Wm2, bm2):
    x1 = jax.nn.relu(_gcn(Drug_1_x, Drug_1_E, W1, b1))
    x2 = jax.nn.relu(_gcn(Drug_2_x, Drug_2_E, W1, b1))
    X11, e11, bt11, p11, f11, i11, v11, w11 = _asap(x1, Drug_1_E, D1_batch, wfit1, R1)
    X21, e21, bt21, p21, f21, i21, v21, w21 = _asap(x2, Drug_2_E, D2_batch, wfit1, R1)
    x1 = jax.nn.relu(_gcn(X11, e11, W2, b2))
    x2 = jax.nn.relu(_gcn(X21, e21, W2, b2))
    X12, e12, bt12, p12, f12, i12, v12, w12 = _asap(x1, e11, bt11, wfit2, R2)
    X22, e22, bt22, p22, f22, i22, v22, w22 = _asap(x2, e21, bt21, wfit2, R2)
    ans, ans_SSI = _interactions(X12, bt12, X22, bt22, Interaction, rel_table, Wm1, bm1, Wm2, bm2)
    return ans

if __name__ == "__main__":
    import jax
    _d = setup_inputs()
    print(jax.jit(kernel)(*tuple(_d.values())))

</pallas_src>

<mosaic_0001>
#map = affine_map<(d0, d1) -> (0, 0, 0)>
module attributes {stable_mosaic.version = 14 : i64} {
  func.func @_sc_remap_body(%arg0: i32, %arg1: i32, %arg2: memref<256x1x512xi32, #tpu.memory_space<hbm>>, %arg3: memref<256x1x512xi32, #tpu.memory_space<hbm>>, %arg4: memref<256x1x64xi32, #tpu.memory_space<hbm>>, %arg5: memref<256x1x512xi32, #tpu.memory_space<hbm>>, %arg6: memref<256x1x512xi32, #tpu.memory_space<hbm>>, %arg7: memref<64xi32, #tpu.memory_space<vmem>>, %arg8: memref<512xi32, #tpu.memory_space<vmem>>, %arg9: memref<512xi32, #tpu.memory_space<vmem>>, %arg10: memref<512xi32, #tpu.memory_space<vmem>>, %arg11: memref<512xi32, #tpu.memory_space<vmem>>) attributes {dimension_semantics = [#tpu.dimension_semantics<core_parallel>, #tpu.dimension_semantics<subcore_parallel>], iteration_bounds = array<i64: 2, 16>, scalar_prefetch = 0 : i64, scratch_operands = 5 : i64, tpu.core_type = #tpu.core_type<sc_vector_subcore>, window_params = [{transform_indices = #map}, {transform_indices = #map}, {transform_indices = #map}, {transform_indices = #map}, {transform_indices = #map}]} {
    %mul3A = arith.constant 16 : i32
    %mul3A_0 = arith.muli %arg0, %mul3A : i32
    %add3A = arith.addi %mul3A_0, %arg1 : i32
    %broadcast_in_dim3A = arith.constant 0.000000e+00 : f32
    %broadcast_in_dim3A_1 = vector.broadcast %broadcast_in_dim3A : f32 to vector<16xf32>
    %scan3A = arith.constant 0 : i32
    %scan3A_2 = arith.constant 8 : i32
    %scan3A_3 = arith.addi %scan3A, %scan3A_2 : i32
    %scan3A_4 = arith.constant 1 : i32
    scf.for %scan3A_6 = %scan3A to %scan3A_3 step %scan3A_4  : i32 {
      %mul3A_7 = arith.constant 8 : i32
      %mul3A_8 = arith.muli %add3A, %mul3A_7 : i32
      %add3A_9 = arith.addi %mul3A_8, %scan3A_6 : i32
      %run_scoped3A = arith.constant 0 : i32
      "tpu.region"() ({
        %run_scoped3A_30 = tpu.sem_alloc : memref<!tpu.dma_semaphore, #tpu.memory_space<semaphore_mem>>
        %dma_start3A = arith.constant 0 : i32
        %dma_start3A_31 = tpu.memref_slice %arg2[%add3A_9, %run_scoped3A, %dma_start3A] : memref<256x1x512xi32, #tpu.memory_space<hbm>> -> memref<1x1x512xi32, #tpu.memory_space<hbm>>
        %dma_start3A_32 = tpu.memref_squeeze %dma_start3A_31 : memref<1x1x512xi32, #tpu.memory_space<hbm>> -> memref<512xi32, #tpu.memory_space<hbm>>
        %dma_start3A_33 = arith.constant 0 : i32
        %dma_start3A_34 = tpu.memref_slice %arg2[%add3A_9, %run_scoped3A, %dma_start3A_33] : memref<256x1x512xi32, #tpu.memory_space<hbm>> -> memref<1x1x512xi32, #tpu.memory_space<hbm>>
        %dma_start3A_35 = tpu.memref_squeeze %dma_start3A_34 : memref<1x1x512xi32, #tpu.memory_space<hbm>> -> memref<512xi32, #tpu.memory_space<hbm>>
        tpu.enqueue_dma source(%dma_start3A_35 : memref<512xi32, #tpu.memory_space<hbm>>) target(%arg8 : memref<512xi32, #tpu.memory_space<vmem>>) target_semaphore(%run_scoped3A_30 : memref<!tpu.dma_semaphore, #tpu.memory_space<semaphore_mem>>)
        %dma_wait3A = arith.constant 0 : i32
        %dma_wait3A_36 = tpu.memref_slice %arg2[%add3A_9, %run_scoped3A, %dma_wait3A] : memref<256x1x512xi32, #tpu.memory_space<hbm>> -> memref<1x1x512xi32, #tpu.memory_space<hbm>>
        %dma_wait3A_37 = tpu.memref_squeeze %dma_wait3A_36 : memref<1x1x512xi32, #tpu.memory_space<hbm>> -> memref<512xi32, #tpu.memory_space<hbm>>
        %dma_wait3A_38 = arith.constant 0 : i32
        %dma_wait3A_39 = tpu.memref_slice %arg2[%add3A_9, %run_scoped3A, %dma_wait3A_38] : memref<256x1x512xi32, #tpu.memory_space<hbm>> -> memref<1x1x512xi32, #tpu.memory_space<hbm>>
        %dma_wait3A_40 = tpu.memref_squeeze %dma_wait3A_39 : memref<1x1x512xi32, #tpu.memory_space<hbm>> -> memref<512xi32, #tpu.memory_space<hbm>>
        tpu.wait_dma2 semaphore(%run_scoped3A_30 : memref<!tpu.dma_semaphore, #tpu.memory_space<semaphore_mem>>) src(%dma_wait3A_40 : memref<512xi32, #tpu.memory_space<hbm>>) dst(%arg8 : memref<512xi32, #tpu.memory_space<vmem>>)
        tpu.yield
      }) : () -> ()
      %run_scoped3A_10 = arith.constant 0 : i32
      "tpu.region"() ({
        %run_scoped3A_30 = tpu.sem_alloc : memref<!tpu.dma_semaphore, #tpu.memory_space<semaphore_mem>>
        %dma_start3A = arith.constant 0 : i32
        %dma_start3A_31 = tpu.memref_slice %arg3[%add3A_9, %run_scoped3A_10, %dma_start3A] : memref<256x1x512xi32, #tpu.memory_space<hbm>> -> memref<1x1x512xi32, #tpu.memory_space<hbm>>
        %dma_start3A_32 = tpu.memref_squeeze %dma_start3A_31 : memref<1x1x512xi32, #tpu.memory_space<hbm>> -> memref<512xi32, #tpu.memory_space<hbm>>
        %dma_start3A_33 = arith.constant 0 : i32
        %dma_start3A_34 = tpu.memref_slice %arg3[%add3A_9, %run_scoped3A_10, %dma_start3A_33] : memref<256x1x512xi32, #tpu.memory_space<hbm>> -> memref<1x1x512xi32, #tpu.memory_space<hbm>>
        %dma_start3A_35 = tpu.memref_squeeze %dma_start3A_34 : memref<1x1x512xi32, #tpu.memory_space<hbm>> -> memref<512xi32, #tpu.memory_space<hbm>>
        tpu.enqueue_dma source(%dma_start3A_35 : memref<512xi32, #tpu.memory_space<hbm>>) target(%arg9 : memref<512xi32, #tpu.memory_space<vmem>>) target_semaphore(%run_scoped3A_30 : memref<!tpu.dma_semaphore, #tpu.memory_space<semaphore_mem>>)
        %dma_wait3A = arith.constant 0 : i32
        %dma_wait3A_36 = tpu.memref_slice %arg3[%add3A_9, %run_scoped3A_10, %dma_wait3A] : memref<256x1x512xi32, #tpu.memory_space<hbm>> -> memref<1x1x512xi32, #tpu.memory_space<hbm>>
        %dma_wait3A_37 = tpu.memref_squeeze %dma_wait3A_36 : memref<1x1x512xi32, #tpu.memory_space<hbm>> -> memref<512xi32, #tpu.memory_space<hbm>>
        %dma_wait3A_38 = arith.constant 0 : i32
        %dma_wait3A_39 = tpu.memref_slice %arg3[%add3A_9, %run_scoped3A_10, %dma_wait3A_38] : memref<256x1x512xi32, #tpu.memory_space<hbm>> -> memref<1x1x512xi32, #tpu.memory_space<hbm>>
        %dma_wait3A_40 = tpu.memref_squeeze %dma_wait3A_39 : memref<1x1x512xi32, #tpu.memory_space<hbm>> -> memref<512xi32, #tpu.memory_space<hbm>>
        tpu.wait_dma2 semaphore(%run_scoped3A_30 : memref<!tpu.dma_semaphore, #tpu.memory_space<semaphore_mem>>) src(%dma_wait3A_40 : memref<512xi32, #tpu.memory_space<hbm>>) dst(%arg9 : memref<512xi32, #tpu.memory_space<vmem>>)
        tpu.yield
      }) : () -> ()
      %run_scoped3A_11 = arith.constant 0 : i32
      "tpu.region"() ({
        %run_scoped3A_30 = tpu.sem_alloc : memref<!tpu.dma_semaphore, #tpu.memory_space<semaphore_mem>>
        %dma_start3A = arith.constant 0 : i32
        %dma_start3A_31 = tpu.memref_slice %arg4[%add3A_9, %run_scoped3A_11, %dma_start3A] : memref<256x1x64xi32, #tpu.memory_space<hbm>> -> memref<1x1x64xi32, #tpu.memory_space<hbm>>
        %dma_start3A_32 = tpu.memref_squeeze %dma_start3A_31 : memref<1x1x64xi32, #tpu.memory_space<hbm>> -> memref<64xi32, #tpu.memory_space<hbm>>
        %dma_start3A_33 = arith.constant 0 : i32
        %dma_start3A_34 = tpu.memref_slice %arg4[%add3A_9, %run_scoped3A_11, %dma_start3A_33] : memref<256x1x64xi32, #tpu.memory_space<hbm>> -> memref<1x1x64xi32, #tpu.memory_space<hbm>>
        %dma_start3A_35 = tpu.memref_squeeze %dma_start3A_34 : memref<1x1x64xi32, #tpu.memory_space<hbm>> -> memref<64xi32, #tpu.memory_space<hbm>>
        tpu.enqueue_dma source(%dma_start3A_35 : memref<64xi32, #tpu.memory_space<hbm>>) target(%arg7 : memref<64xi32, #tpu.memory_space<vmem>>) target_semaphore(%run_scoped3A_30 : memref<!tpu.dma_semaphore, #tpu.memory_space<semaphore_mem>>)
        %dma_wait3A = arith.constant 0 : i32
        %dma_wait3A_36 = tpu.memref_slice %arg4[%add3A_9, %run_scoped3A_11, %dma_wait3A] : memref<256x1x64xi32, #tpu.memory_space<hbm>> -> memref<1x1x64xi32, #tpu.memory_space<hbm>>
        %dma_wait3A_37 = tpu.memref_squeeze %dma_wait3A_36 : memref<1x1x64xi32, #tpu.memory_space<hbm>> -> memref<64xi32, #tpu.memory_space<hbm>>
        %dma_wait3A_38 = arith.constant 0 : i32
        %dma_wait3A_39 = tpu.memref_slice %arg4[%add3A_9, %run_scoped3A_11, %dma_wait3A_38] : memref<256x1x64xi32, #tpu.memory_space<hbm>> -> memref<1x1x64xi32, #tpu.memory_space<hbm>>
        %dma_wait3A_40 = tpu.memref_squeeze %dma_wait3A_39 : memref<1x1x64xi32, #tpu.memory_space<hbm>> -> memref<64xi32, #tpu.memory_space<hbm>>
        tpu.wait_dma2 semaphore(%run_scoped3A_30 : memref<!tpu.dma_semaphore, #tpu.memory_space<semaphore_mem>>) src(%dma_wait3A_40 : memref<64xi32, #tpu.memory_space<hbm>>) dst(%arg7 : memref<64xi32, #tpu.memory_space<vmem>>)
        tpu.yield
      }) : () -> ()
      %get3A = arith.constant 0 : index
      %get3A_12 = tpu.vector_load %arg7[%get3A] {strides = array<i32>} : memref<64xi32, #tpu.memory_space<vmem>>, vector<16xi32>,
      %get3A_13 = vector.shape_cast %get3A_12 : vector<16xi32> to vector<16xi32>
      %get3A_14 = arith.constant 16 : index
      %get3A_15 = tpu.vector_load %arg7[%get3A_14] {strides = array<i32>} : memref<64xi32, #tpu.memory_space<vmem>>, vector<16xi32>,
      %get3A_16 = vector.shape_cast %get3A_15 : vector<16xi32> to vector<16xi32>
      %get3A_17 = arith.constant 32 : index
      %get3A_18 = tpu.vector_load %arg7[%get3A_17] {strides = array<i32>} : memref<64xi32, #tpu.memory_space<vmem>>, vector<16xi32>,
      %get3A_19 = vector.shape_cast %get3A_18 : vector<16xi32> to vector<16xi32>
      %get3A_20 = arith.constant 48 : index
      %get3A_21 = tpu.vector_load %arg7[%get3A_20] {strides = array<i32>} : memref<64xi32, #tpu.memory_space<vmem>>, vector<16xi32>,
      %get3A_22 = vector.shape_cast %get3A_21 : vector<16xi32> to vector<16xi32>
      %scan3A_23 = arith.constant 0 : i32
      %scan3A_24 = arith.constant 32 : i32
      %scan3A_25 = arith.addi %scan3A_23, %scan3A_24 : i32
      %scan3A_26 = arith.constant 1 : i32
      scf.for %scan3A_30 = %scan3A_23 to %scan3A_25 step %scan3A_26  : i32 {
        %mul3A_31 = arith.constant 16 : i32
        %mul3A_32 = arith.muli %scan3A_30, %mul3A_31 : i32
        %get3A_33 = arith.index_cast %mul3A_32 : i32 to index
        %get3A_34 = tpu.vector_load %arg8[%get3A_33] {strides = array<i32>} : memref<512xi32, #tpu.memory_space<vmem>>, vector<16xi32>,
        %get3A_35 = vector.shape_cast %get3A_34 : vector<16xi32> to vector<16xi32>
        %mul3A_36 = arith.constant 16 : i32
        %mul3A_37 = arith.muli %scan3A_30, %mul3A_36 : i32
        %get3A_38 = arith.index_cast %mul3A_37 : i32 to index
        %get3A_39 = tpu.vector_load %arg9[%get3A_38] {strides = array<i32>} : memref<512xi32, #tpu.memory_space<vmem>>, vector<16xi32>,
        %get3A_40 = vector.shape_cast %get3A_39 : vector<16xi32> to vector<16xi32>
        %and3A = arith.constant 15 : i32
        %and3A_41 = vector.broadcast %and3A : i32 to vector<16xi32>
        %and3A_42 = arith.andi %get3A_35, %and3A_41 : vector<16xi32>
        %shift_right_arithmetic3A = arith.constant 4 : i32
        %shift_right_arithmetic3A_43 = vector.broadcast %shift_right_arithmetic3A : i32 to vector<16xi32>
        %shift_right_arithmetic3A_44 = arith.shrsi %get3A_35, %shift_right_arithmetic3A_43 : vector<16xi32>
        %broadcast_in_dim3A_45 = arith.constant 0 : i32
        %broadcast_in_dim3A_46 = vector.broadcast %broadcast_in_dim3A_45 : i32 to vector<16xi32>
        %eq3A = arith.constant 0 : i32
        %eq3A_47 = vector.broadcast %eq3A : i32 to vector<16xi32>
        %eq3A_48 = arith.cmpi eq, %shift_right_arithmetic3A_44, %eq3A_47 : vector<16xi32>
        %broadcast_in_dim3A_49 = vector.shape_cast %and3A_42 : vector<16xi32> to vector<16x1xi32>
        %gather3A = vector.shape_cast %broadcast_in_dim3A_49 : vector<16x1xi32> to vector<16xi32>
        %gather3A_50 = tpu.dynamic_gather %get3A_13[%gather3A] in [0] : vector<16xi32>, vector<16xi32> -> vector<16xi32>
        %select_n3A = arith.select %eq3A_48, %gather3A_50, %broadcast_in_dim3A_46 : vector<16xi1>, vector<16xi32>
        %eq3A_51 = arith.constant 1 : i32
        %eq3A_52 = vector.broadcast %eq3A_51 : i32 to vector<16xi32>
        %eq3A_53 = arith.cmpi eq, %shift_right_arithmetic3A_44, %eq3A_52 : vector<16xi32>
        %broadcast_in_dim3A_54 = vector.shape_cast %and3A_42 : vector<16xi32> to vector<16x1xi32>
        %gather3A_55 = vector.shape_cast %broadcast_in_dim3A_54 : vector<16x1xi32> to vector<16xi32>
        %gather3A_56 = tpu.dynamic_gather %get3A_16[%gather3A_55] in [0] : vector<16xi32>, vector<16xi32> -> vector<16xi32>
        %select_n3A_57 = arith.select %eq3A_53, %gather3A_56, %select_n3A : vector<16xi1>, vector<16xi32>
        %eq3A_58 = arith.constant 2 : i32
        %eq3A_59 = vector.broadcast %eq3A_58 : i32 to vector<16xi32>
        %eq3A_60 = arith.cmpi eq, %shift_right_arithmetic3A_44, %eq3A_59 : vector<16xi32>
        %broadcast_in_dim3A_61 = vector.shape_cast %and3A_42 : vector<16xi32> to vector<16x1xi32>
        %gather3A_62 = vector.shape_cast %broadcast_in_dim3A_61 : vector<16x1xi32> to vector<16xi32>
        %gather3A_63 = tpu.dynamic_gather %get3A_19[%gather3A_62] in [0] : vector<16xi32>, vector<16xi32> -> vector<16xi32>
        %select_n3A_64 = arith.select %eq3A_60, %gather3A_63, %select_n3A_57 : vector<16xi1>, vector<16xi32>
        %eq3A_65 = arith.constant 3 : i32
        %eq3A_66 = vector.broadcast %eq3A_65 : i32 to vector<16xi32>
        %eq3A_67 = arith.cmpi eq, %shift_right_arithmetic3A_44, %eq3A_66 : vector<16xi32>
        %broadcast_in_dim3A_68 = vector.shape_cast %and3A_42 : vector<16xi32> to vector<16x1xi32>
        %gather3A_69 = vector.shape_cast %broadcast_in_dim3A_68 : vector<16x1xi32> to vector<16xi32>
        %gather3A_70 = tpu.dynamic_gather %get3A_22[%gather3A_69] in [0] : vector<16xi32>, vector<16xi32> -> vector<16xi32>
        %select_n3A_71 = arith.select %eq3A_67, %gather3A_70, %select_n3A_64 : vector<16xi1>, vector<16xi32>
        %and3A_72 = arith.constant 15 : i32
        %and3A_73 = vector.broadcast %and3A_72 : i32 to vector<16xi32>
        %and3A_74 = arith.andi %get3A_40, %and3A_73 : vector<16xi32>
        %shift_right_arithmetic3A_75 = arith.constant 4 : i32
        %shift_right_arithmetic3A_76 = vector.broadcast %shift_right_arithmetic3A_75 : i32 to vector<16xi32>
        %shift_right_arithmetic3A_77 = arith.shrsi %get3A_40, %shift_right_arithmetic3A_76 : vector<16xi32>
        %broadcast_in_dim3A_78 = arith.constant 0 : i32
        %broadcast_in_dim3A_79 = vector.broadcast %broadcast_in_dim3A_78 : i32 to vector<16xi32>
        %eq3A_80 = arith.constant 0 : i32
        %eq3A_81 = vector.broadcast %eq3A_80 : i32 to vector<16xi32>
        %eq3A_82 = arith.cmpi eq, %shift_right_arithmetic3A_77, %eq3A_81 : vector<16xi32>
        %broadcast_in_dim3A_83 = vector.shape_cast %and3A_74 : vector<16xi32> to vector<16x1xi32>
        %gather3A_84 = vector.shape_cast %broadcast_in_dim3A_83 : vector<16x1xi32> to vector<16xi32>
        %gather3A_85 = tpu.dynamic_gather %get3A_13[%gather3A_84] in [0] : vector<16xi32>, vector<16xi32> -> vector<16xi32>
        %select_n3A_86 = arith.select %eq3A_82, %gather3A_85, %broadcast_in_dim3A_79 : vector<16xi1>, vector<16xi32>
        %eq3A_87 = arith.constant 1 : i32
        %eq3A_88 = vector.broadcast %eq3A_87 : i32 to vector<16xi32>
        %eq3A_89 = arith.cmpi eq, %shift_right_arithmetic3A_77, %eq3A_88 : vector<16xi32>
        %broadcast_in_dim3A_90 = vector.shape_cast %and3A_74 : vector<16xi32> to vector<16x1xi32>
        %gather3A_91 = vector.shape_cast %broadcast_in_dim3A_90 : vector<16x1xi32> to vector<16xi32>
        %gather3A_92 = tpu.dynamic_gather %get3A_16[%gather3A_91] in [0] : vector<16xi32>, vector<16xi32> -> vector<16xi32>
        %select_n3A_93 = arith.select %eq3A_89, %gather3A_92, %select_n3A_86 : vector<16xi1>, vector<16xi32>
        %eq3A_94 = arith.constant 2 : i32
        %eq3A_95 = vector.broadcast %eq3A_94 : i32 to vector<16xi32>
        %eq3A_96 = arith.cmpi eq, %shift_right_arithmetic3A_77, %eq3A_95 : vector<16xi32>
        %broadcast_in_dim3A_97 = vector.shape_cast %and3A_74 : vector<16xi32> to vector<16x1xi32>
        %gather3A_98 = vector.shape_cast %broadcast_in_dim3A_97 : vector<16x1xi32> to vector<16xi32>
        %gather3A_99 = tpu.dynamic_gather %get3A_19[%gather3A_98] in [0] : vector<16xi32>, vector<16xi32> -> vector<16xi32>
        %select_n3A_100 = arith.select %eq3A_96, %gather3A_99, %select_n3A_93 : vector<16xi1>, vector<16xi32>
        %eq3A_101 = arith.constant 3 : i32
        %eq3A_102 = vector.broadcast %eq3A_101 : i32 to vector<16xi32>
        %eq3A_103 = arith.cmpi eq, %shift_right_arithmetic3A_77, %eq3A_102 : vector<16xi32>
        %broadcast_in_dim3A_104 = vector.shape_cast %and3A_74 : vector<16xi32> to vector<16x1xi32>
        %gather3A_105 = vector.shape_cast %broadcast_in_dim3A_104 : vector<16x1xi32> to vector<16xi32>
        %gather3A_106 = tpu.dynamic_gather %get3A_22[%gather3A_105] in [0] : vector<16xi32>, vector<16xi32> -> vector<16xi32>
        %select_n3A_107 = arith.select %eq3A_103, %gather3A_106, %select_n3A_100 : vector<16xi1>, vector<16xi32>
        %lt3A = arith.constant 32 : i32
        %lt3A_108 = vector.broadcast %lt3A : i32 to vector<16xi32>
        %lt3A_109 = arith.cmpi slt, %select_n3A_71, %lt3A_108 : vector<16xi32>
        %lt3A_110 = arith.constant 32 : i32
        %lt3A_111 = vector.broadcast %lt3A_110 : i32 to vector<16xi32>
        %lt3A_112 = arith.cmpi slt, %select_n3A_107, %lt3A_111 : vector<16xi32>
        %and3A_113 = arith.andi %lt3A_109, %lt3A_112 : vector<16xi1>
        %broadcast_in_dim3A_114 = arith.constant -1 : i32
        %broadcast_in_dim3A_115 = vector.broadcast %broadcast_in_dim3A_114 : i32 to vector<16xi32>
        %select_n3A_116 = arith.select %and3A_113, %select_n3A_71, %broadcast_in_dim3A_115 : vector<16xi1>, vector<16xi32>
        %mul3A_117 = arith.constant 16 : i32
        %mul3A_118 = arith.muli %scan3A_30, %mul3A_117 : i32
        %swap3A = arith.index_cast %mul3A_118 : i32 to index
        %swap3A_119 = tpu.vector_load %arg10[%swap3A] {strides = array<i32>} : memref<512xi32, #tpu.memory_space<vmem>>, vector<16xi32>,
        %swap3A_120 = vector.shape_cast %swap3A_119 : vector<16xi32> to vector<16xi32>
        %swap3A_121 = vector.shape_cast %select_n3A_116 : vector<16xi32> to vector<16xi32>
        tpu.vector_store %arg10[%swap3A], %swap3A_121 {strides = array<i32>} : memref<512xi32, #tpu.memory_space<vmem>>, vector<16xi32>,
        %select_n3A_122 = arith.select %and3A_113, %select_n3A_107, %broadcast_in_dim3A_115 : vector<16xi1>, vector<16xi32>
        %mul3A_123 = arith.constant 16 : i32
        %mul3A_124 = arith.muli %scan3A_30, %mul3A_123 : i32
        %swap3A_125 = arith.index_cast %mul3A_124 : i32 to index
        %swap3A_126 = tpu.vector_load %arg11[%swap3A_125] {strides = array<i32>} : memref<512xi32, #tpu.memory_space<vmem>>, vector<16xi32>,
        %swap3A_127 = vector.shape_cast %swap3A_126 : vector<16xi32> to vector<16xi32>
        %swap3A_128 = vector.shape_cast %select_n3A_122 : vector<16xi32> to vector<16xi32>
        tpu.vector_store %arg11[%swap3A_125], %swap3A_128 {strides = array<i32>} : memref<512xi32, #tpu.memory_space<vmem>>, vector<16xi32>,
      }
      %scan3A_27 = arith.constant 32 : i32
      %run_scoped3A_28 = arith.constant 0 : i32
      "tpu.region"() ({
        %run_scoped3A_30 = tpu.sem_alloc : memref<!tpu.dma_semaphore, #tpu.memory_space<semaphore_mem>>
        %dma_start3A = arith.constant 0 : i32
        %dma_start3A_31 = tpu.memref_slice %arg5[%add3A_9, %run_scoped3A_28, %dma_start3A] : memref<256x1x512xi32, #tpu.memory_space<hbm>> -> memref<1x1x512xi32, #tpu.memory_space<hbm>>
        %dma_start3A_32 = tpu.memref_squeeze %dma_start3A_31 : memref<1x1x512xi32, #tpu.memory_space<hbm>> -> memref<512xi32, #tpu.memory_space<hbm>>
        %dma_start3A_33 = arith.constant 0 : i32
        %dma_start3A_34 = tpu.memref_slice %arg5[%add3A_9, %run_scoped3A_28, %dma_start3A_33] : memref<256x1x512xi32, #tpu.memory_space<hbm>> -> memref<1x1x512xi32, #tpu.memory_space<hbm>>
        %dma_start3A_35 = tpu.memref_squeeze %dma_start3A_34 : memref<1x1x512xi32, #tpu.memory_space<hbm>> -> memref<512xi32, #tpu.memory_space<hbm>>
        tpu.enqueue_dma source(%arg10 : memref<512xi32, #tpu.memory_space<vmem>>) target(%dma_start3A_35 : memref<512xi32, #tpu.memory_space<hbm>>) target_semaphore(%run_scoped3A_30 : memref<!tpu.dma_semaphore, #tpu.memory_space<semaphore_mem>>)
        %dma_wait3A = arith.constant 0 : i32
        %dma_wait3A_36 = tpu.memref_slice %arg5[%add3A_9, %run_scoped3A_28, %dma_wait3A] : memref<256x1x512xi32, #tpu.memory_space<hbm>> -> memref<1x1x512xi32, #tpu.memory_space<hbm>>
        %dma_wait3A_37 = tpu.memref_squeeze %dma_wait3A_36 : memref<1x1x512xi32, #tpu.memory_space<hbm>> -> memref<512xi32, #tpu.memory_space<hbm>>
        %dma_wait3A_38 = arith.constant 0 : i32
        %dma_wait3A_39 = tpu.memref_slice %arg5[%add3A_9, %run_scoped3A_28, %dma_wait3A_38] : memref<256x1x512xi32, #tpu.memory_space<hbm>> -> memref<1x1x512xi32, #tpu.memory_space<hbm>>
        %dma_wait3A_40 = tpu.memref_squeeze %dma_wait3A_39 : memref<1x1x512xi32, #tpu.memory_space<hbm>> -> memref<512xi32, #tpu.memory_space<hbm>>
        tpu.wait_dma2 semaphore(%run_scoped3A_30 : memref<!tpu.dma_semaphore, #tpu.memory_space<semaphore_mem>>) src(%arg10 : memref<512xi32, #tpu.memory_space<vmem>>) dst(%dma_wait3A_40 : memref<512xi32, #tpu.memory_space<hbm>>)
        tpu.yield
      }) : () -> ()
      %run_scoped3A_29 = arith.constant 0 : i32
      "tpu.region"() ({
        %run_scoped3A_30 = tpu.sem_alloc : memref<!tpu.dma_semaphore, #tpu.memory_space<semaphore_mem>>
        %dma_start3A = arith.constant 0 : i32
        %dma_start3A_31 = tpu.memref_slice %arg6[%add3A_9, %run_scoped3A_29, %dma_start3A] : memref<256x1x512xi32, #tpu.memory_space<hbm>> -> memref<1x1x512xi32, #tpu.memory_space<hbm>>
        %dma_start3A_32 = tpu.memref_squeeze %dma_start3A_31 : memref<1x1x512xi32, #tpu.memory_space<hbm>> -> memref<512xi32, #tpu.memory_space<hbm>>
        %dma_start3A_33 = arith.constant 0 : i32
        %dma_start3A_34 = tpu.memref_slice %arg6[%add3A_9, %run_scoped3A_29, %dma_start3A_33] : memref<256x1x512xi32, #tpu.memory_space<hbm>> -> memref<1x1x512xi32, #tpu.memory_space<hbm>>
        %dma_start3A_35 = tpu.memref_squeeze %dma_start3A_34 : memref<1x1x512xi32, #tpu.memory_space<hbm>> -> memref<512xi32, #tpu.memory_space<hbm>>
        tpu.enqueue_dma source(%arg11 : memref<512xi32, #tpu.memory_space<vmem>>) target(%dma_start3A_35 : memref<512xi32, #tpu.memory_space<hbm>>) target_semaphore(%run_scoped3A_30 : memref<!tpu.dma_semaphore, #tpu.memory_space<semaphore_mem>>)
        %dma_wait3A = arith.constant 0 : i32
        %dma_wait3A_36 = tpu.memref_slice %arg6[%add3A_9, %run_scoped3A_29, %dma_wait3A] : memref<256x1x512xi32, #tpu.memory_space<hbm>> -> memref<1x1x512xi32, #tpu.memory_space<hbm>>
        %dma_wait3A_37 = tpu.memref_squeeze %dma_wait3A_36 : memref<1x1x512xi32, #tpu.memory_space<hbm>> -> memref<512xi32, #tpu.memory_space<hbm>>
        %dma_wait3A_38 = arith.constant 0 : i32
        %dma_wait3A_39 = tpu.memref_slice %arg6[%add3A_9, %run_scoped3A_29, %dma_wait3A_38] : memref<256x1x512xi32, #tpu.memory_space<hbm>> -> memref<1x1x512xi32, #tpu.memory_space<hbm>>
        %dma_wait3A_40 = tpu.memref_squeeze %dma_wait3A_39 : memref<1x1x512xi32, #tpu.memory_space<hbm>> -> memref<512xi32, #tpu.memory_space<hbm>>
        tpu.wait_dma2 semaphore(%run_scoped3A_30 : memref<!tpu.dma_semaphore, #tpu.memory_space<semaphore_mem>>) src(%arg11 : memref<512xi32, #tpu.memory_space<vmem>>) dst(%dma_wait3A_40 : memref<512xi32, #tpu.memory_space<hbm>>)
        tpu.yield
      }) : () -> ()
    }
    %scan3A_5 = arith.constant 8 : i32
    return
  }
}

#map = affine_map<(d0, d1) -> (0, 0, 0)>
module attributes {stable_mosaic.version = 14 : i64} {
  func.func @_sc_remap_body(%arg0: i32, %arg1: i32, %arg2: memref<256x1x512xi32, #tpu.memory_space<hbm>>, %arg3: memref<256x1x512xi32, #tpu.memory_space<hbm>>, %arg4: memref<256x1x64xi32, #tpu.memory_space<hbm>>, %arg5: memref<256x1x512xi32, #tpu.memory_space<hbm>>, %arg6: memref<256x1x512xi32, #tpu.memory_space<hbm>>, %arg7: memref<64xi32, #tpu.memory_space<vmem>>, %arg8: memref<512xi32, #tpu.memory_space<vmem>>, %arg9: memref<512xi32, #tpu.memory_space<vmem>>, %arg10: memref<512xi32, #tpu.memory_space<vmem>>, %arg11: memref<512xi32, #tpu.memory_space<vmem>>) attributes {dimension_semantics = [#tpu.dimension_semantics<core_parallel>, #tpu.dimension_semantics<subcore_parallel>], iteration_bounds = array<i64: 2, 16>, scalar_prefetch = 0 : i64, scratch_operands = 5 : i64, tpu.core_type = #tpu.core_type<sc_vector_subcore>, window_params = [{transform_indices = #map}, {transform_indices = #map}, {transform_indices = #map}, {transform_indices = #map}, {transform_indices = #map}]} {
    %mul3A = arith.constant 16 : i32
    %mul3A_0 = arith.muli %arg0, %mul3A : i32
    %add3A = arith.addi %mul3A_0, %arg1 : i32
    %broadcast_in_dim3A = arith.constant 0.000000e+00 : f32
    %broadcast_in_dim3A_1 = vector.broadcast %broadcast_in_dim3A : f32 to vector<16xf32>
    %scan3A = arith.constant 0 : i32
    %scan3A_2 = arith.constant 8 : i32
    %scan3A_3 = arith.addi %scan3A, %scan3A_2 : i32
    %scan3A_4 = arith.constant 1 : i32
    scf.for %scan3A_6 = %scan3A to %scan3A_3 step %scan3A_4  : i32 {
      %mul3A_7 = arith.constant 8 : i32
      %mul3A_8 = arith.muli %add3A, %mul3A_7 : i32
      %add3A_9 = arith.addi %mul3A_8, %scan3A_6 : i32
      %run_scoped3A = arith.constant 0 : i32
      "tpu.region"() ({
        %run_scoped3A_30 = tpu.sem_alloc : memref<!tpu.dma_semaphore, #tpu.memory_space<semaphore_mem>>
        %dma_start3A = arith.constant 0 : i32
        %dma_start3A_31 = tpu.memref_slice %arg2[%add3A_9, %run_scoped3A, %dma_start3A] : memref<256x1x512xi32, #tpu.memory_space<hbm>> -> memref<1x1x512xi32, #tpu.memory_space<hbm>>
        %dma_start3A_32 = tpu.memref_squeeze %dma_start3A_31 : memref<1x1x512xi32, #tpu.memory_space<hbm>> -> memref<512xi32, #tpu.memory_space<hbm>>
        %dma_start3A_33 = arith.constant 0 : i32
        %dma_start3A_34 = tpu.memref_slice %arg2[%add3A_9, %run_scoped3A, %dma_start3A_33] : memref<256x1x512xi32, #tpu.memory_space<hbm>> -> memref<1x1x512xi32, #tpu.memory_space<hbm>>
        %dma_start3A_35 = tpu.memref_squeeze %dma_start3A_34 : memref<1x1x512xi32, #tpu.memory_space<hbm>> -> memref<512xi32, #tpu.memory_space<hbm>>
        tpu.enqueue_dma source(%dma_start3A_35 : memref<512xi32, #tpu.memory_space<hbm>>) target(%arg8 : memref<512xi32, #tpu.memory_space<vmem>>) target_semaphore(%run_scoped3A_30 : memref<!tpu.dma_semaphore, #tpu.memory_space<semaphore_mem>>)
        %dma_wait3A = arith.constant 0 : i32
        %dma_wait3A_36 = tpu.memref_slice %arg2[%add3A_9, %run_scoped3A, %dma_wait3A] : memref<256x1x512xi32, #tpu.memory_space<hbm>> -> memref<1x1x512xi32, #tpu.memory_space<hbm>>
        %dma_wait3A_37 = tpu.memref_squeeze %dma_wait3A_36 : memref<1x1x512xi32, #tpu.memory_space<hbm>> -> memref<512xi32, #tpu.memory_space<hbm>>
        %dma_wait3A_38 = arith.constant 0 : i32
        %dma_wait3A_39 = tpu.memref_slice %arg2[%add3A_9, %run_scoped3A, %dma_wait3A_38] : memref<256x1x512xi32, #tpu.memory_space<hbm>> -> memref<1x1x512xi32, #tpu.memory_space<hbm>>
        %dma_wait3A_40 = tpu.memref_squeeze %dma_wait3A_39 : memref<1x1x512xi32, #tpu.memory_space<hbm>> -> memref<512xi32, #tpu.memory_space<hbm>>
        tpu.wait_dma2 semaphore(%run_scoped3A_30 : memref<!tpu.dma_semaphore, #tpu.memory_space<semaphore_mem>>) src(%dma_wait3A_40 : memref<512xi32, #tpu.memory_space<hbm>>) dst(%arg8 : memref<512xi32, #tpu.memory_space<vmem>>)
        tpu.yield
      }) : () -> ()
      %run_scoped3A_10 = arith.constant 0 : i32
      "tpu.region"() ({
        %run_scoped3A_30 = tpu.sem_alloc : memref<!tpu.dma_semaphore, #tpu.memory_space<semaphore_mem>>
        %dma_start3A = arith.constant 0 : i32
        %dma_start3A_31 = tpu.memref_slice %arg3[%add3A_9, %run_scoped3A_10, %dma_start3A] : memref<256x1x512xi32, #tpu.memory_space<hbm>> -> memref<1x1x512xi32, #tpu.memory_space<hbm>>
        %dma_start3A_32 = tpu.memref_squeeze %dma_start3A_31 : memref<1x1x512xi32, #tpu.memory_space<hbm>> -> memref<512xi32, #tpu.memory_space<hbm>>
        %dma_start3A_33 = arith.constant 0 : i32
        %dma_start3A_34 = tpu.memref_slice %arg3[%add3A_9, %run_scoped3A_10, %dma_start3A_33] : memref<256x1x512xi32, #tpu.memory_space<hbm>> -> memref<1x1x512xi32, #tpu.memory_space<hbm>>
        %dma_start3A_35 = tpu.memref_squeeze %dma_start3A_34 : memref<1x1x512xi32, #tpu.memory_space<hbm>> -> memref<512xi32, #tpu.memory_space<hbm>>
        tpu.enqueue_dma source(%dma_start3A_35 : memref<512xi32, #tpu.memory_space<hbm>>) target(%arg9 : memref<512xi32, #tpu.memory_space<vmem>>) target_semaphore(%run_scoped3A_30 : memref<!tpu.dma_semaphore, #tpu.memory_space<semaphore_mem>>)
        %dma_wait3A = arith.constant 0 : i32
        %dma_wait3A_36 = tpu.memref_slice %arg3[%add3A_9, %run_scoped3A_10, %dma_wait3A] : memref<256x1x512xi32, #tpu.memory_space<hbm>> -> memref<1x1x512xi32, #tpu.memory_space<hbm>>
        %dma_wait3A_37 = tpu.memref_squeeze %dma_wait3A_36 : memref<1x1x512xi32, #tpu.memory_space<hbm>> -> memref<512xi32, #tpu.memory_space<hbm>>
        %dma_wait3A_38 = arith.constant 0 : i32
        %dma_wait3A_39 = tpu.memref_slice %arg3[%add3A_9, %run_scoped3A_10, %dma_wait3A_38] : memref<256x1x512xi32, #tpu.memory_space<hbm>> -> memref<1x1x512xi32, #tpu.memory_space<hbm>>
        %dma_wait3A_40 = tpu.memref_squeeze %dma_wait3A_39 : memref<1x1x512xi32, #tpu.memory_space<hbm>> -> memref<512xi32, #tpu.memory_space<hbm>>
        tpu.wait_dma2 semaphore(%run_scoped3A_30 : memref<!tpu.dma_semaphore, #tpu.memory_space<semaphore_mem>>) src(%dma_wait3A_40 : memref<512xi32, #tpu.memory_space<hbm>>) dst(%arg9 : memref<512xi32, #tpu.memory_space<vmem>>)
        tpu.yield
      }) : () -> ()
      %run_scoped3A_11 = arith.constant 0 : i32
      "tpu.region"() ({
        %run_scoped3A_30 = tpu.sem_alloc : memref<!tpu.dma_semaphore, #tpu.memory_space<semaphore_mem>>
        %dma_start3A = arith.constant 0 : i32
        %dma_start3A_31 = tpu.memref_slice %arg4[%add3A_9, %run_scoped3A_11, %dma_start3A] : memref<256x1x64xi32, #tpu.memory_space<hbm>> -> memref<1x1x64xi32, #tpu.memory_space<hbm>>
        %dma_start3A_32 = tpu.memref_squeeze %dma_start3A_31 : memref<1x1x64xi32, #tpu.memory_space<hbm>> -> memref<64xi32, #tpu.memory_space<hbm>>
        %dma_start3A_33 = arith.constant 0 : i32
        %dma_start3A_34 = tpu.memref_slice %arg4[%add3A_9, %run_scoped3A_11, %dma_start3A_33] : memref<256x1x64xi32, #tpu.memory_space<hbm>> -> memref<1x1x64xi32, #tpu.memory_space<hbm>>
        %dma_start3A_35 = tpu.memref_squeeze %dma_start3A_34 : memref<1x1x64xi32, #tpu.memory_space<hbm>> -> memref<64xi32, #tpu.memory_space<hbm>>
        tpu.enqueue_dma source(%dma_start3A_35 : memref<64xi32, #tpu.memory_space<hbm>>) target(%arg7 : memref<64xi32, #tpu.memory_space<vmem>>) target_semaphore(%run_scoped3A_30 : memref<!tpu.dma_semaphore, #tpu.memory_space<semaphore_mem>>)
        %dma_wait3A = arith.constant 0 : i32
        %dma_wait3A_36 = tpu.memref_slice %arg4[%add3A_9, %run_scoped3A_11, %dma_wait3A] : memref<256x1x64xi32, #tpu.memory_space<hbm>> -> memref<1x1x64xi32, #tpu.memory_space<hbm>>
        %dma_wait3A_37 = tpu.memref_squeeze %dma_wait3A_36 : memref<1x1x64xi32, #tpu.memory_space<hbm>> -> memref<64xi32, #tpu.memory_space<hbm>>
        %dma_wait3A_38 = arith.constant 0 : i32
        %dma_wait3A_39 = tpu.memref_slice %arg4[%add3A_9, %run_scoped3A_11, %dma_wait3A_38] : memref<256x1x64xi32, #tpu.memory_space<hbm>> -> memref<1x1x64xi32, #tpu.memory_space<hbm>>
        %dma_wait3A_40 = tpu.memref_squeeze %dma_wait3A_39 : memref<1x1x64xi32, #tpu.memory_space<hbm>> -> memref<64xi32, #tpu.memory_space<hbm>>
        tpu.wait_dma2 semaphore(%run_scoped3A_30 : memref<!tpu.dma_semaphore, #tpu.memory_space<semaphore_mem>>) src(%dma_wait3A_40 : memref<64xi32, #tpu.memory_space<hbm>>) dst(%arg7 : memref<64xi32, #tpu.memory_space<vmem>>)
        tpu.yield
      }) : () -> ()
      %get3A = arith.constant 0 : index
      %get3A_12 = tpu.vector_load %arg7[%get3A] {strides = array<i32>} : memref<64xi32, #tpu.memory_space<vmem>>, vector<16xi32>,
      %get3A_13 = vector.shape_cast %get3A_12 : vector<16xi32> to vector<16xi32>
      %get3A_14 = arith.constant 16 : index
      %get3A_15 = tpu.vector_load %arg7[%get3A_14] {strides = array<i32>} : memref<64xi32, #tpu.memory_space<vmem>>, vector<16xi32>,
      %get3A_16 = vector.shape_cast %get3A_15 : vector<16xi32> to vector<16xi32>
      %get3A_17 = arith.constant 32 : index
      %get3A_18 = tpu.vector_load %arg7[%get3A_17] {strides = array<i32>} : memref<64xi32, #tpu.memory_space<vmem>>, vector<16xi32>,
      %get3A_19 = vector.shape_cast %get3A_18 : vector<16xi32> to vector<16xi32>
      %get3A_20 = arith.constant 48 : index
      %get3A_21 = tpu.vector_load %arg7[%get3A_20] {strides = array<i32>} : memref<64xi32, #tpu.memory_space<vmem>>, vector<16xi32>,
      %get3A_22 = vector.shape_cast %get3A_21 : vector<16xi32> to vector<16xi32>
      %scan3A_23 = arith.constant 0 : i32
      %scan3A_24 = arith.constant 32 : i32
      %scan3A_25 = arith.addi %scan3A_23, %scan3A_24 : i32
      %scan3A_26 = arith.constant 1 : i32
      scf.for %scan3A_30 = %scan3A_23 to %scan3A_25 step %scan3A_26  : i32 {
        %mul3A_31 = arith.constant 16 : i32
        %mul3A_32 = arith.muli %scan3A_30, %mul3A_31 : i32
        %get3A_33 = arith.index_cast %mul3A_32 : i32 to index
        %get3A_34 = tpu.vector_load %arg8[%get3A_33] {strides = array<i32>} : memref<512xi32, #tpu.memory_space<vmem>>, vector<16xi32>,
        %get3A_35 = vector.shape_cast %get3A_34 : vector<16xi32> to vector<16xi32>
        %mul3A_36 = arith.constant 16 : i32
        %mul3A_37 = arith.muli %scan3A_30, %mul3A_36 : i32
        %get3A_38 = arith.index_cast %mul3A_37 : i32 to index
        %get3A_39 = tpu.vector_load %arg9[%get3A_38] {strides = array<i32>} : memref<512xi32, #tpu.memory_space<vmem>>, vector<16xi32>,
        %get3A_40 = vector.shape_cast %get3A_39 : vector<16xi32> to vector<16xi32>
        %and3A = arith.constant 15 : i32
        %and3A_41 = vector.broadcast %and3A : i32 to vector<16xi32>
        %and3A_42 = arith.andi %get3A_35, %and3A_41 : vector<16xi32>
        %shift_right_arithmetic3A = arith.constant 4 : i32
        %shift_right_arithmetic3A_43 = vector.broadcast %shift_right_arithmetic3A : i32 to vector<16xi32>
        %shift_right_arithmetic3A_44 = arith.shrsi %get3A_35, %shift_right_arithmetic3A_43 : vector<16xi32>
        %broadcast_in_dim3A_45 = arith.constant 0 : i32
        %broadcast_in_dim3A_46 = vector.broadcast %broadcast_in_dim3A_45 : i32 to vector<16xi32>
        %eq3A = arith.constant 0 : i32
        %eq3A_47 = vector.broadcast %eq3A : i32 to vector<16xi32>
        %eq3A_48 = arith.cmpi eq, %shift_right_arithmetic3A_44, %eq3A_47 : vector<16xi32>
        %broadcast_in_dim3A_49 = vector.shape_cast %and3A_42 : vector<16xi32> to vector<16x1xi32>
        %gather3A = vector.shape_cast %broadcast_in_dim3A_49 : vector<16x1xi32> to vector<16xi32>
        %gather3A_50 = tpu.dynamic_gather %get3A_13[%gather3A] in [0] : vector<16xi32>, vector<16xi32> -> vector<16xi32>
        %select_n3A = arith.select %eq3A_48, %gather3A_50, %broadcast_in_dim3A_46 : vector<16xi1>, vector<16xi32>
        %eq3A_51 = arith.constant 1 : i32
        %eq3A_52 = vector.broadcast %eq3A_51 : i32 to vector<16xi32>
        %eq3A_53 = arith.cmpi eq, %shift_right_arithmetic3A_44, %eq3A_52 : vector<16xi32>
        %broadcast_in_dim3A_54 = vector.shape_cast %and3A_42 : vector<16xi32> to vector<16x1xi32>
        %gather3A_55 = vector.shape_cast %broadcast_in_dim3A_54 : vector<16x1xi32> to vector<16xi32>
        %gather3A_56 = tpu.dynamic_gather %get3A_16[%gather3A_55] in [0] : vector<16xi32>, vector<16xi32> -> vector<16xi32>
        %select_n3A_57 = arith.select %eq3A_53, %gather3A_56, %select_n3A : vector<16xi1>, vector<16xi32>
        %eq3A_58 = arith.constant 2 : i32
        %eq3A_59 = vector.broadcast %eq3A_58 : i32 to vector<16xi32>
        %eq3A_60 = arith.cmpi eq, %shift_right_arithmetic3A_44, %eq3A_59 : vector<16xi32>
        %broadcast_in_dim3A_61 = vector.shape_cast %and3A_42 : vector<16xi32> to vector<16x1xi32>
        %gather3A_62 = vector.shape_cast %broadcast_in_dim3A_61 : vector<16x1xi32> to vector<16xi32>
        %gather3A_63 = tpu.dynamic_gather %get3A_19[%gather3A_62] in [0] : vector<16xi32>, vector<16xi32> -> vector<16xi32>
        %select_n3A_64 = arith.select %eq3A_60, %gather3A_63, %select_n3A_57 : vector<16xi1>, vector<16xi32>
        %eq3A_65 = arith.constant 3 : i32
        %eq3A_66 = vector.broadcast %eq3A_65 : i32 to vector<16xi32>
        %eq3A_67 = arith.cmpi eq, %shift_right_arithmetic3A_44, %eq3A_66 : vector<16xi32>
        %broadcast_in_dim3A_68 = vector.shape_cast %and3A_42 : vector<16xi32> to vector<16x1xi32>
        %gather3A_69 = vector.shape_cast %broadcast_in_dim3A_68 : vector<16x1xi32> to vector<16xi32>
        %gather3A_70 = tpu.dynamic_gather %get3A_22[%gather3A_69] in [0] : vector<16xi32>, vector<16xi32> -> vector<16xi32>
        %select_n3A_71 = arith.select %eq3A_67, %gather3A_70, %select_n3A_64 : vector<16xi1>, vector<16xi32>
        %and3A_72 = arith.constant 15 : i32
        %and3A_73 = vector.broadcast %and3A_72 : i32 to vector<16xi32>
        %and3A_74 = arith.andi %get3A_40, %and3A_73 : vector<16xi32>
        %shift_right_arithmetic3A_75 = arith.constant 4 : i32
        %shift_right_arithmetic3A_76 = vector.broadcast %shift_right_arithmetic3A_75 : i32 to vector<16xi32>
        %shift_right_arithmetic3A_77 = arith.shrsi %get3A_40, %shift_right_arithmetic3A_76 : vector<16xi32>
        %broadcast_in_dim3A_78 = arith.constant 0 : i32
        %broadcast_in_dim3A_79 = vector.broadcast %broadcast_in_dim3A_78 : i32 to vector<16xi32>
        %eq3A_80 = arith.constant 0 : i32
        %eq3A_81 = vector.broadcast %eq3A_80 : i32 to vector<16xi32>
        %eq3A_82 = arith.cmpi eq, %shift_right_arithmetic3A_77, %eq3A_81 : vector<16xi32>
        %broadcast_in_dim3A_83 = vector.shape_cast %and3A_74 : vector<16xi32> to vector<16x1xi32>
        %gather3A_84 = vector.shape_cast %broadcast_in_dim3A_83 : vector<16x1xi32> to vector<16xi32>
        %gather3A_85 = tpu.dynamic_gather %get3A_13[%gather3A_84] in [0] : vector<16xi32>, vector<16xi32> -> vector<16xi32>
        %select_n3A_86 = arith.select %eq3A_82, %gather3A_85, %broadcast_in_dim3A_79 : vector<16xi1>, vector<16xi32>
        %eq3A_87 = arith.constant 1 : i32
        %eq3A_88 = vector.broadcast %eq3A_87 : i32 to vector<16xi32>
        %eq3A_89 = arith.cmpi eq, %shift_right_arithmetic3A_77, %eq3A_88 : vector<16xi32>
        %broadcast_in_dim3A_90 = vector.shape_cast %and3A_74 : vector<16xi32> to vector<16x1xi32>
        %gather3A_91 = vector.shape_cast %broadcast_in_dim3A_90 : vector<16x1xi32> to vector<16xi32>
        %gather3A_92 = tpu.dynamic_gather %get3A_16[%gather3A_91] in [0] : vector<16xi32>, vector<16xi32> -> vector<16xi32>
        %select_n3A_93 = arith.select %eq3A_89, %gather3A_92, %select_n3A_86 : vector<16xi1>, vector<16xi32>
        %eq3A_94 = arith.constant 2 : i32
        %eq3A_95 = vector.broadcast %eq3A_94 : i32 to vector<16xi32>
        %eq3A_96 = arith.cmpi eq, %shift_right_arithmetic3A_77, %eq3A_95 : vector<16xi32>
        %broadcast_in_dim3A_97 = vector.shape_cast %and3A_74 : vector<16xi32> to vector<16x1xi32>
        %gather3A_98 = vector.shape_cast %broadcast_in_dim3A_97 : vector<16x1xi32> to vector<16xi32>
        %gather3A_99 = tpu.dynamic_gather %get3A_19[%gather3A_98] in [0] : vector<16xi32>, vector<16xi32> -> vector<16xi32>
        %select_n3A_100 = arith.select %eq3A_96, %gather3A_99, %select_n3A_93 : vector<16xi1>, vector<16xi32>
        %eq3A_101 = arith.constant 3 : i32
        %eq3A_102 = vector.broadcast %eq3A_101 : i32 to vector<16xi32>
        %eq3A_103 = arith.cmpi eq, %shift_right_arithmetic3A_77, %eq3A_102 : vector<16xi32>
        %broadcast_in_dim3A_104 = vector.shape_cast %and3A_74 : vector<16xi32> to vector<16x1xi32>
        %gather3A_105 = vector.shape_cast %broadcast_in_dim3A_104 : vector<16x1xi32> to vector<16xi32>
        %gather3A_106 = tpu.dynamic_gather %get3A_22[%gather3A_105] in [0] : vector<16xi32>, vector<16xi32> -> vector<16xi32>
        %select_n3A_107 = arith.select %eq3A_103, %gather3A_106, %select_n3A_100 : vector<16xi1>, vector<16xi32>
        %lt3A = arith.constant 32 : i32
        %lt3A_108 = vector.broadcast %lt3A : i32 to vector<16xi32>
        %lt3A_109 = arith.cmpi slt, %select_n3A_71, %lt3A_108 : vector<16xi32>
        %lt3A_110 = arith.constant 32 : i32
        %lt3A_111 = vector.broadcast %lt3A_110 : i32 to vector<16xi32>
        %lt3A_112 = arith.cmpi slt, %select_n3A_107, %lt3A_111 : vector<16xi32>
        %and3A_113 = arith.andi %lt3A_109, %lt3A_112 : vector<16xi1>
        %broadcast_in_dim3A_114 = arith.constant -1 : i32
        %broadcast_in_dim3A_115 = vector.broadcast %broadcast_in_dim3A_114 : i32 to vector<16xi32>
        %select_n3A_116 = arith.select %and3A_113, %select_n3A_71, %broadcast_in_dim3A_115 : vector<16xi1>, vector<16xi32>
        %mul3A_117 = arith.constant 16 : i32
        %mul3A_118 = arith.muli %scan3A_30, %mul3A_117 : i32
        %swap3A = arith.index_cast %mul3A_118 : i32 to index
        %swap3A_119 = tpu.vector_load %arg10[%swap3A] {strides = array<i32>} : memref<512xi32, #tpu.memory_space<vmem>>, vector<16xi32>,
        %swap3A_120 = vector.shape_cast %swap3A_119 : vector<16xi32> to vector<16xi32>
        %swap3A_121 = vector.shape_cast %select_n3A_116 : vector<16xi32> to vector<16xi32>
        tpu.vector_store %arg10[%swap3A], %swap3A_121 {strides = array<i32>} : memref<512xi32, #tpu.memory_space<vmem>>, vector<16xi32>,
        %select_n3A_122 = arith.select %and3A_113, %select_n3A_107, %broadcast_in_dim3A_115 : vector<16xi1>, vector<16xi32>
        %mul3A_123 = arith.constant 16 : i32
        %mul3A_124 = arith.muli %scan3A_30, %mul3A_123 : i32
        %swap3A_125 = arith.index_cast %mul3A_124 : i32 to index
        %swap3A_126 = tpu.vector_load %arg11[%swap3A_125] {strides = array<i32>} : memref<512xi32, #tpu.memory_space<vmem>>, vector<16xi32>,
        %swap3A_127 = vector.shape_cast %swap3A_126 : vector<16xi32> to vector<16xi32>
        %swap3A_128 = vector.shape_cast %select_n3A_122 : vector<16xi32> to vector<16xi32>
        tpu.vector_store %arg11[%swap3A_125], %swap3A_128 {strides = array<i32>} : memref<512xi32, #tpu.memory_space<vmem>>, vector<16xi32>,
      }
      %scan3A_27 = arith.constant 32 : i32
      %run_scoped3A_28 = arith.constant 0 : i32
      "tpu.region"() ({
        %run_scoped3A_30 = tpu.sem_alloc : memref<!tpu.dma_semaphore, #tpu.memory_space<semaphore_mem>>
        %dma_start3A = arith.constant 0 : i32
        %dma_start3A_31 = tpu.memref_slice %arg5[%add3A_9, %run_scoped3A_28, %dma_start3A] : memref<256x1x512xi32, #tpu.memory_space<hbm>> -> memref<1x1x512xi32, #tpu.memory_space<hbm>>
        %dma_start3A_32 = tpu.memref_squeeze %dma_start3A_31 : memref<1x1x512xi32, #tpu.memory_space<hbm>> -> memref<512xi32, #tpu.memory_space<hbm>>
        %dma_start3A_33 = arith.constant 0 : i32
        %dma_start3A_34 = tpu.memref_slice %arg5[%add3A_9, %run_scoped3A_28, %dma_start3A_33] : memref<256x1x512xi32, #tpu.memory_space<hbm>> -> memref<1x1x512xi32, #tpu.memory_space<hbm>>
        %dma_start3A_35 = tpu.memref_squeeze %dma_start3A_34 : memref<1x1x512xi32, #tpu.memory_space<hbm>> -> memref<512xi32, #tpu.memory_space<hbm>>
        tpu.enqueue_dma source(%arg10 : memref<512xi32, #tpu.memory_space<vmem>>) target(%dma_start3A_35 : memref<512xi32, #tpu.memory_space<hbm>>) target_semaphore(%run_scoped3A_30 : memref<!tpu.dma_semaphore, #tpu.memory_space<semaphore_mem>>)
        %dma_wait3A = arith.constant 0 : i32
        %dma_wait3A_36 = tpu.memref_slice %arg5[%add3A_9, %run_scoped3A_28, %dma_wait3A] : memref<256x1x512xi32, #tpu.memory_space<hbm>> -> memref<1x1x512xi32, #tpu.memory_space<hbm>>
        %dma_wait3A_37 = tpu.memref_squeeze %dma_wait3A_36 : memref<1x1x512xi32, #tpu.memory_space<hbm>> -> memref<512xi32, #tpu.memory_space<hbm>>
        %dma_wait3A_38 = arith.constant 0 : i32
        %dma_wait3A_39 = tpu.memref_slice %arg5[%add3A_9, %run_scoped3A_28, %dma_wait3A_38] : memref<256x1x512xi32, #tpu.memory_space<hbm>> -> memref<1x1x512xi32, #tpu.memory_space<hbm>>
        %dma_wait3A_40 = tpu.memref_squeeze %dma_wait3A_39 : memref<1x1x512xi32, #tpu.memory_space<hbm>> -> memref<512xi32, #tpu.memory_space<hbm>>
        tpu.wait_dma2 semaphore(%run_scoped3A_30 : memref<!tpu.dma_semaphore, #tpu.memory_space<semaphore_mem>>) src(%arg10 : memref<512xi32, #tpu.memory_space<vmem>>) dst(%dma_wait3A_40 : memref<512xi32, #tpu.memory_space<hbm>>)
        tpu.yield
      }) : () -> ()
      %run_scoped3A_29 = arith.constant 0 : i32
      "tpu.region"() ({
        %run_scoped3A_30 = tpu.sem_alloc : memref<!tpu.dma_semaphore, #tpu.memory_space<semaphore_mem>>
        %dma_start3A = arith.constant 0 : i32
        %dma_start3A_31 = tpu.memref_slice %arg6[%add3A_9, %run_scoped3A_29, %dma_start3A] : memref<256x1x512xi32, #tpu.memory_space<hbm>> -> memref<1x1x512xi32, #tpu.memory_space<hbm>>
        %dma_start3A_32 = tpu.memref_squeeze %dma_start3A_31 : memref<1x1x512xi32, #tpu.memory_space<hbm>> -> memref<512xi32, #tpu.memory_space<hbm>>
        %dma_start3A_33 = arith.constant 0 : i32
        %dma_start3A_34 = tpu.memref_slice %arg6[%add3A_9, %run_scoped3A_29, %dma_start3A_33] : memref<256x1x512xi32, #tpu.memory_space<hbm>> -> memref<1x1x512xi32, #tpu.memory_space<hbm>>
        %dma_start3A_35 = tpu.memref_squeeze %dma_start3A_34 : memref<1x1x512xi32, #tpu.memory_space<hbm>> -> memref<512xi32, #tpu.memory_space<hbm>>
        tpu.enqueue_dma source(%arg11 : memref<512xi32, #tpu.memory_space<vmem>>) target(%dma_start3A_35 : memref<512xi32, #tpu.memory_space<hbm>>) target_semaphore(%run_scoped3A_30 : memref<!tpu.dma_semaphore, #tpu.memory_space<semaphore_mem>>)
        %dma_wait3A = arith.constant 0 : i32
        %dma_wait3A_36 = tpu.memref_slice %arg6[%add3A_9, %run_scoped3A_29, %dma_wait3A] : memref<256x1x512xi32, #tpu.memory_space<hbm>> -> memref<1x1x512xi32, #tpu.memory_space<hbm>>
        %dma_wait3A_37 = tpu.memref_squeeze %dma_wait3A_36 : memref<1x1x512xi32, #tpu.memory_space<hbm>> -> memref<512xi32, #tpu.memory_space<hbm>>
        %dma_wait3A_38 = arith.constant 0 : i32
        %dma_wait3A_39 = tpu.memref_slice %arg6[%add3A_9, %run_scoped3A_29, %dma_wait3A_38] : memref<256x1x512xi32, #tpu.memory_space<hbm>> -> memref<1x1x512xi32, #tpu.memory_space<hbm>>
        %dma_wait3A_40 = tpu.memref_squeeze %dma_wait3A_39 : memref<1x1x512xi32, #tpu.memory_space<hbm>> -> memref<512xi32, #tpu.memory_space<hbm>>
        tpu.wait_dma2 semaphore(%run_scoped3A_30 : memref<!tpu.dma_semaphore, #tpu.memory_space<semaphore_mem>>) src(%arg11 : memref<512xi32, #tpu.memory_space<vmem>>) dst(%dma_wait3A_40 : memref<512xi32, #tpu.memory_space<hbm>>)
        tpu.yield
      }) : () -> ()
    }
    %scan3A_5 = arith.constant 8 : i32
    return
  }
}

module attributes {stable_mosaic.version = 14 : i64} {
  func.func @_k1_body(%arg0: i32, %arg1: memref<16x64x256xf32, #tpu.memory_space<vmem>>, %arg2: memref<16x1x512xi32, #tpu.memory_space<vmem>>, %arg3: memref<16x1x512xi32, #tpu.memory_space<vmem>>, %arg4: memref<256x256xf32, #tpu.memory_space<vmem>>, %arg5: memref<1x256xf32, #tpu.memory_space<vmem>>, %arg6: memref<256x128xf32, #tpu.memory_space<vmem>>, %arg7: memref<16x32x256xf32, #tpu.memory_space<vmem>>, %arg8: memref<16x1x64xi32, #tpu.memory_space<vmem>>) attributes {dimension_semantics = [#tpu.dimension_semantics<arbitrary>], iteration_bounds = array<i64: 16>, scalar_prefetch = 0 : i64, scratch_operands = 0 : i64, tpu.core_type = #tpu.core_type<tc>, window_params = [{transform_indices = @transform_0, window_bounds = array<i64: 16, 64, 256>}, {transform_indices = @transform_1, window_bounds = array<i64: 16, 1, 512>}, {transform_indices = @transform_2, window_bounds = array<i64: 16, 1, 512>}, {pipeline_mode = #tpu.pipeline_mode<synchronous>, transform_indices = @transform_3, window_bounds = array<i64: 256, 256>}, {pipeline_mode = #tpu.pipeline_mode<synchronous>, transform_indices = @transform_4, window_bounds = array<i64: 1, 256>}, {pipeline_mode = #tpu.pipeline_mode<synchronous>, transform_indices = @transform_5, window_bounds = array<i64: 256, 128>}, {transform_indices = @transform_6, window_bounds = array<i64: 16, 32, 256>}, {transform_indices = @transform_7, window_bounds = array<i64: 16, 1, 64>}]} {
    %get3A = arith.constant 0 : index
    %get3A_0 = arith.constant 0 : index
    %get3A_1 = arith.constant 0 : index
    %get3A_2 = vector.load %arg1[%get3A, %get3A_0, %get3A_1] : memref<16x64x256xf32, #tpu.memory_space<vmem>>, vector<16x64x256xf32>
    %reshape3A = vector.shape_cast %get3A_2 : vector<16x64x256xf32> to vector<1024x256xf32>
    %get3A_3 = arith.constant 0 : index
    %get3A_4 = arith.constant 0 : index
    %get3A_5 = vector.load %arg4[%get3A_3, %get3A_4] : memref<256x256xf32, #tpu.memory_space<vmem>>, vector<256x256xf32>
    %dot_general3A = arith.constant dense<0.000000e+00> : vector<1024x256xf32>
    %dot_general3A_6 = tpu.matmul %reshape3A, %get3A_5, %dot_general3A {dimension_numbers = #tpu.dot_dimension_numbers<[1], [0], [0], [1], [0, 0, 1, 1], [], []>, transpose_lhs_hint = false} : vector<1024x256xf32>, vector<256x256xf32>, vector<1024x256xf32> -> vector<1024x256xf32>
    %slice3A = vector.extract_strided_slice %dot_general3A_6 {offsets = [0, 0], sizes = [64, 256], strides = [1, 1]} : vector<1024x256xf32> to vector<64x256xf32>
    %get3A_7 = arith.constant 0 : index
    %get3A_8 = arith.constant 0 : index
    %get3A_9 = arith.constant 0 : index
    %get3A_10 = vector.load %arg2[%get3A_7, %get3A_8, %get3A_9] : memref<16x1x512xi32, #tpu.memory_space<vmem>>, vector<1x1x512xi32>
    %get3A_11 = vector.shape_cast %get3A_10 : vector<1x1x512xi32> to vector<1x512xi32>
    %get3A_12 = arith.constant 0 : index
    %get3A_13 = arith.constant 0 : index
    %get3A_14 = arith.constant 0 : index
    %get3A_15 = vector.load %arg3[%get3A_12, %get3A_13, %get3A_14] : memref<16x1x512xi32, #tpu.memory_space<vmem>>, vector<1x1x512xi32>
    %get3A_16 = vector.shape_cast %get3A_15 : vector<1x1x512xi32> to vector<1x512xi32>
    %get3A_17 = arith.constant 0 : index
    %get3A_18 = arith.constant 0 : index
    %get3A_19 = vector.load %arg5[%get3A_17, %get3A_18] : memref<1x256xf32, #tpu.memory_space<vmem>>, vector<1x256xf32>
    %iota3A = tpu.iota {dimensions = array<i32: 0>} : vector<64x512xi32>
    %eq3A = vector.broadcast %get3A_11 : vector<1x512xi32> to vector<64x512xi32>
    %eq3A_20 = arith.cmpi eq, %iota3A, %eq3A : vector<64x512xi32>
    %convert_element_type3A = arith.extui %eq3A_20 : vector<64x512xi1> to vector<64x512xi32>
    %convert_element_type3A_21 = arith.sitofp %convert_element_type3A : vector<64x512xi32> to vector<64x512xf32>
    %eq3A_22 = vector.broadcast %get3A_16 : vector<1x512xi32> to vector<64x512xi32>
    %eq3A_23 = arith.cmpi eq, %iota3A, %eq3A_22 : vector<64x512xi32>
    %convert_element_type3A_24 = arith.extui %eq3A_23 : vector<64x512xi1> to vector<64x512xi32>
    %convert_element_type3A_25 = arith.sitofp %convert_element_type3A_24 : vector<64x512xi32> to vector<64x512xf32>
    %reduce_sum3A = arith.constant dense<0.000000e+00> : vector<64xf32>
    %reduce_sum3A_26 = vector.multi_reduction <add>, %convert_element_type3A_25, %reduce_sum3A [1] : vector<64x512xf32> to vector<64xf32>
    %broadcast_in_dim3A = vector.shape_cast %reduce_sum3A_26 : vector<64xf32> to vector<64x1xf32>
    %add3A = arith.constant 1.000000e+00 : f32
    %add3A_27 = vector.broadcast %add3A : f32 to vector<64x1xf32>
    %add3A_28 = arith.addf %broadcast_in_dim3A, %add3A_27 : vector<64x1xf32>
    %rsqrt3A = math.rsqrt %add3A_28 : vector<64x1xf32>
    %dot_general3A_29 = arith.constant dense<0.000000e+00> : vector<64x64xf32>
    %dot_general3A_30 = tpu.matmul %convert_element_type3A_25, %convert_element_type3A_21, %dot_general3A_29 {dimension_numbers = #tpu.dot_dimension_numbers<[1], [1], [0], [0], [0, 0, 1, 0], [], []>, transpose_lhs_hint = false} : vector<64x512xf32>, vector<64x512xf32>, vector<64x64xf32> -> vector<64x64xf32>
    %mul3A = vector.broadcast %rsqrt3A : vector<64x1xf32> to vector<64x256xf32>
    %mul3A_31 = arith.mulf %mul3A, %slice3A : vector<64x256xf32>
    %dot_general3A_32 = arith.constant dense<0.000000e+00> : vector<64x256xf32>
    %dot_general3A_33 = tpu.matmul %dot_general3A_30, %mul3A_31, %dot_general3A_32 {dimension_numbers = #tpu.dot_dimension_numbers<[1], [0], [0], [1], [0, 0, 1, 1], [], []>, precision = #tpu.contract_precision<fp32>, transpose_lhs_hint = false} : vector<64x64xf32>, vector<64x256xf32>, vector<64x256xf32> -> vector<64x256xf32>
    %mul3A_34 = vector.broadcast %rsqrt3A : vector<64x1xf32> to vector<64x256xf32>
    %mul3A_35 = arith.mulf %mul3A_34, %dot_general3A_33 : vector<64x256xf32>
    %div3A = arith.constant 1.000000e+00 : f32
    %div3A_36 = vector.broadcast %div3A : f32 to vector<64x1xf32>
    %div3A_37 = arith.divf %div3A_36, %add3A_28 : vector<64x1xf32>
    %mul3A_38 = vector.broadcast %div3A_37 : vector<64x1xf32> to vector<64x256xf32>
    %mul3A_39 = arith.mulf %slice3A, %mul3A_38 : vector<64x256xf32>
    %add3A_40 = arith.addf %mul3A_35, %mul3A_39 : vector<64x256xf32>
    %add3A_41 = vector.broadcast %get3A_19 : vector<1x256xf32> to vector<64x256xf32>
    %add3A_42 = arith.addf %add3A_40, %add3A_41 : vector<64x256xf32>
    %max3A = arith.constant 0.000000e+00 : f32
    %max3A_43 = vector.broadcast %max3A : f32 to vector<64x256xf32>
    %max3A_44 = arith.maximumf %add3A_42, %max3A_43 : vector<64x256xf32>
    %slice3A_45 = vector.extract_strided_slice %dot_general3A_6 {offsets = [64, 0], sizes = [64, 256], strides = [1, 1]} : vector<1024x256xf32> to vector<64x256xf32>
    %get3A_46 = arith.constant 1 : index
    %get3A_47 = arith.constant 0 : index
    %get3A_48 = arith.constant 0 : index
    %get3A_49 = vector.load %arg2[%get3A_46, %get3A_47, %get3A_48] : memref<16x1x512xi32, #tpu.memory_space<vmem>>, vector<1x1x512xi32>
    %get3A_50 = vector.shape_cast %get3A_49 : vector<1x1x512xi32> to vector<1x512xi32>
    %get3A_51 = arith.constant 1 : index
    %get3A_52 = arith.constant 0 : index
    %get3A_53 = arith.constant 0 : index
    %get3A_54 = vector.load %arg3[%get3A_51, %get3A_52, %get3A_53] : memref<16x1x512xi32, #tpu.memory_space<vmem>>, vector<1x1x512xi32>
    %get3A_55 = vector.shape_cast %get3A_54 : vector<1x1x512xi32> to vector<1x512xi32>
    %get3A_56 = arith.constant 0 : index
    %get3A_57 = arith.constant 0 : index
    %get3A_58 = vector.load %arg5[%get3A_56, %get3A_57] : memref<1x256xf32, #tpu.memory_space<vmem>>, vector<1x256xf32>
    %iota3A_59 = tpu.iota {dimensions = array<i32: 0>} : vector<64x512xi32>
    %eq3A_60 = vector.broadcast %get3A_50 : vector<1x512xi32> to vector<64x512xi32>
    %eq3A_61 = arith.cmpi eq, %iota3A_59, %eq3A_60 : vector<64x512xi32>
    %convert_element_type3A_62 = arith.extui %eq3A_61 : vector<64x512xi1> to vector<64x512xi32>
    %convert_element_type3A_63 = arith.sitofp %convert_element_type3A_62 : vector<64x512xi32> to vector<64x512xf32>
    %eq3A_64 = vector.broadcast %get3A_55 : vector<1x512xi32> to vector<64x512xi32>
    %eq3A_65 = arith.cmpi eq, %iota3A_59, %eq3A_64 : vector<64x512xi32>
    %convert_element_type3A_66 = arith.extui %eq3A_65 : vector<64x512xi1> to vector<64x512xi32>
    %convert_element_type3A_67 = arith.sitofp %convert_element_type3A_66 : vector<64x512xi32> to vector<64x512xf32>
    %reduce_sum3A_68 = arith.constant dense<0.000000e+00> : vector<64xf32>
    %reduce_sum3A_69 = vector.multi_reduction <add>, %convert_element_type3A_67, %reduce_sum3A_68 [1] : vector<64x512xf32> to vector<64xf32>
    %broadcast_in_dim3A_70 = vector.shape_cast %reduce_sum3A_69 : vector<64xf32> to vector<64x1xf32>
    %add3A_71 = arith.constant 1.000000e+00 : f32
    %add3A_72 = vector.broadcast %add3A_71 : f32 to vector<64x1xf32>
    %add3A_73 = arith.addf %broadcast_in_dim3A_70, %add3A_72 : vector<64x1xf32>
    %rsqrt3A_74 = math.rsqrt %add3A_73 : vector<64x1xf32>
    %dot_general3A_75 = arith.constant dense<0.000000e+00> : vector<64x64xf32>
    %dot_general3A_76 = tpu.matmul %convert_element_type3A_67, %convert_element_type3A_63, %dot_general3A_75 {dimension_numbers = #tpu.dot_dimension_numbers<[1], [1], [0], [0], [0, 0, 1, 0], [], []>, transpose_lhs_hint = false} : vector<64x512xf32>, vector<64x512xf32>, vector<64x64xf32> -> vector<64x64xf32>
    %mul3A_77 = vector.broadcast %rsqrt3A_74 : vector<64x1xf32> to vector<64x256xf32>
    %mul3A_78 = arith.mulf %mul3A_77, %slice3A_45 : vector<64x256xf32>
    %dot_general3A_79 = arith.constant dense<0.000000e+00> : vector<64x256xf32>
    %dot_general3A_80 = tpu.matmul %dot_general3A_76, %mul3A_78, %dot_general3A_79 {dimension_numbers = #tpu.dot_dimension_numbers<[1], [0], [0], [1], [0, 0, 1, 1], [], []>, precision = #tpu.contract_precision<fp32>, transpose_lhs_hint = false} : vector<64x64xf32>, vector<64x256xf32>, vector<64x256xf32> -> vector<64x256xf32>
    %mul3A_81 = vector.broadcast %rsqrt3A_74 : vector<64x1xf32> to vector<64x256xf32>
    %mul3A_82 = arith.mulf %mul3A_81, %dot_general3A_80 : vector<64x256xf32>
    %div3A_83 = arith.constant 1.000000e+00 : f32
    %div3A_84 = vector.broadcast %div3A_83 : f32 to vector<64x1xf32>
    %div3A_85 = arith.divf %div3A_84, %add3A_73 : vector<64x1xf32>
    %mul3A_86 = vector.broadcast %div3A_85 : vector<64x1xf32> to vector<64x256xf32>
    %mul3A_87 = arith.mulf %slice3A_45, %mul3A_86 : vector<64x256xf32>
    %add3A_88 = arith.addf %mul3A_82, %mul3A_87 : vector<64x256xf32>
    %add3A_89 = vector.broadcast %get3A_58 : vector<1x256xf32> to vector<64x256xf32>
    %add3A_90 = arith.addf %add3A_88, %add3A_89 : vector<64x256xf32>
    %max3A_91 = arith.constant 0.000000e+00 : f32
    %max3A_92 = vector.broadcast %max3A_91 : f32 to vector<64x256xf32>
    %max3A_93 = arith.maximumf %add3A_90, %max3A_92 : vector<64x256xf32>
    %slice3A_94 = vector.extract_strided_slice %dot_general3A_6 {offsets = [128, 0], sizes = [64, 256], strides = [1, 1]} : vector<1024x256xf32> to vector<64x256xf32>
    %get3A_95 = arith.constant 2 : index
    %get3A_96 = arith.constant 0 : index
    %get3A_97 = arith.constant 0 : index
    %get3A_98 = vector.load %arg2[%get3A_95, %get3A_96, %get3A_97] : memref<16x1x512xi32, #tpu.memory_space<vmem>>, vector<1x1x512xi32>
    %get3A_99 = vector.shape_cast %get3A_98 : vector<1x1x512xi32> to vector<1x512xi32>
    %get3A_100 = arith.constant 2 : index
    %get3A_101 = arith.constant 0 : index
    %get3A_102 = arith.constant 0 : index
    %get3A_103 = vector.load %arg3[%get3A_100, %get3A_101, %get3A_102] : memref<16x1x512xi32, #tpu.memory_space<vmem>>, vector<1x1x512xi32>
    %get3A_104 = vector.shape_cast %get3A_103 : vector<1x1x512xi32> to vector<1x512xi32>
    %get3A_105 = arith.constant 0 : index
    %get3A_106 = arith.constant 0 : index
    %get3A_107 = vector.load %arg5[%get3A_105, %get3A_106] : memref<1x256xf32, #tpu.memory_space<vmem>>, vector<1x256xf32>
    %iota3A_108 = tpu.iota {dimensions = array<i32: 0>} : vector<64x512xi32>
    %eq3A_109 = vector.broadcast %get3A_99 : vector<1x512xi32> to vector<64x512xi32>
    %eq3A_110 = arith.cmpi eq, %iota3A_108, %eq3A_109 : vector<64x512xi32>
    %convert_element_type3A_111 = arith.extui %eq3A_110 : vector<64x512xi1> to vector<64x512xi32>
    %convert_element_type3A_112 = arith.sitofp %convert_element_type3A_111 : vector<64x512xi32> to vector<64x512xf32>
    %eq3A_113 = vector.broadcast %get3A_104 : vector<1x512xi32> to vector<64x512xi32>
    %eq3A_114 = arith.cmpi eq, %iota3A_108, %eq3A_113 : vector<64x512xi32>
    %convert_element_type3A_115 = arith.extui %eq3A_114 : vector<64x512xi1> to vector<64x512xi32>
    %convert_element_type3A_116 = arith.sitofp %convert_element_type3A_115 : vector<64x512xi32> to vector<64x512xf32>
    %reduce_sum3A_117 = arith.constant dense<0.000000e+00> : vector<64xf32>
    %reduce_sum3A_118 = vector.multi_reduction <add>, %convert_element_type3A_116, %reduce_sum3A_117 [1] : vector<64x512xf32> to vector<64xf32>
    %broadcast_in_dim3A_119 = vector.shape_cast %reduce_sum3A_118 : vector<64xf32> to vector<64x1xf32>
    %add3A_120 = arith.constant 1.000000e+00 : f32
    %add3A_121 = vector.broadcast %add3A_120 : f32 to vector<64x1xf32>
    %add3A_122 = arith.addf %broadcast_in_dim3A_119, %add3A_121 : vector<64x1xf32>
    %rsqrt3A_123 = math.rsqrt %add3A_122 : vector<64x1xf32>
    %dot_general3A_124 = arith.constant dense<0.000000e+00> : vector<64x64xf32>
    %dot_general3A_125 = tpu.matmul %convert_element_type3A_116, %convert_element_type3A_112, %dot_general3A_124 {dimension_numbers = #tpu.dot_dimension_numbers<[1], [1], [0], [0], [0, 0, 1, 0], [], []>, transpose_lhs_hint = false} : vector<64x512xf32>, vector<64x512xf32>, vector<64x64xf32> -> vector<64x64xf32>
    %mul3A_126 = vector.broadcast %rsqrt3A_123 : vector<64x1xf32> to vector<64x256xf32>
    %mul3A_127 = arith.mulf %mul3A_126, %slice3A_94 : vector<64x256xf32>
    %dot_general3A_128 = arith.constant dense<0.000000e+00> : vector<64x256xf32>
    %dot_general3A_129 = tpu.matmul %dot_general3A_125, %mul3A_127, %dot_general3A_128 {dimension_numbers = #tpu.dot_dimension_numbers<[1], [0], [0], [1], [0, 0, 1, 1], [], []>, precision = #tpu.contract_precision<fp32>, transpose_lhs_hint = false} : vector<64x64xf32>, vector<64x256xf32>, vector<64x256xf32> -> vector<64x256xf32>
    %mul3A_130 = vector.broadcast %rsqrt3A_123 : vector<64x1xf32> to vector<64x256xf32>
    %mul3A_131 = arith.mulf %mul3A_130, %dot_general3A_129 : vector<64x256xf32>
    %div3A_132 = arith.constant 1.000000e+00 : f32
    %div3A_133 = vector.broadcast %div3A_132 : f32 to vector<64x1xf32>
    %div3A_134 = arith.divf %div3A_133, %add3A_122 : vector<64x1xf32>
    %mul3A_135 = vector.broadcast %div3A_134 : vector<64x1xf32> to vector<64x256xf32>
    %mul3A_136 = arith.mulf %slice3A_94, %mul3A_135 : vector<64x256xf32>
    %add3A_137 = arith.addf %mul3A_131, %mul3A_136 : vector<64x256xf32>
    %add3A_138 = vector.broadcast %get3A_107 : vector<1x256xf32> to vector<64x256xf32>
    %add3A_139 = arith.addf %add3A_137, %add3A_138 : vector<64x256xf32>
    %max3A_140 = arith.constant 0.000000e+00 : f32
    %max3A_141 = vector.broadcast %max3A_140 : f32 to vector<64x256xf32>
    %max3A_142 = arith.maximumf %add3A_139, %max3A_141 : vector<64x256xf32>
    %slice3A_143 = vector.extract_strided_slice %dot_general3A_6 {offsets = [192, 0], sizes = [64, 256], strides = [1, 1]} : vector<1024x256xf32> to vector<64x256xf32>
    %get3A_144 = arith.constant 3 : index
    %get3A_145 = arith.constant 0 : index
    %get3A_146 = arith.constant 0 : index
    %get3A_147 = vector.load %arg2[%get3A_144, %get3A_145, %get3A_146] : memref<16x1x512xi32, #tpu.memory_space<vmem>>, vector<1x1x512xi32>
    %get3A_148 = vector.shape_cast %get3A_147 : vector<1x1x512xi32> to vector<1x512xi32>
    %get3A_149 = arith.constant 3 : index
    %get3A_150 = arith.constant 0 : index
    %get3A_151 = arith.constant 0 : index
    %get3A_152 = vector.load %arg3[%get3A_149, %get3A_150, %get3A_151] : memref<16x1x512xi32, #tpu.memory_space<vmem>>, vector<1x1x512xi32>
    %get3A_153 = vector.shape_cast %get3A_152 : vector<1x1x512xi32> to vector<1x512xi32>
    %get3A_154 = arith.constant 0 : index
    %get3A_155 = arith.constant 0 : index
    %get3A_156 = vector.load %arg5[%get3A_154, %get3A_155] : memref<1x256xf32, #tpu.memory_space<vmem>>, vector<1x256xf32>
    %iota3A_157 = tpu.iota {dimensions = array<i32: 0>} : vector<64x512xi32>
    %eq3A_158 = vector.broadcast %get3A_148 : vector<1x512xi32> to vector<64x512xi32>
    %eq3A_159 = arith.cmpi eq, %iota3A_157, %eq3A_158 : vector<64x512xi32>
    %convert_element_type3A_160 = arith.extui %eq3A_159 : vector<64x512xi1> to vector<64x512xi32>
    %convert_element_type3A_161 = arith.sitofp %convert_element_type3A_160 : vector<64x512xi32> to vector<64x512xf32>
    %eq3A_162 = vector.broadcast %get3A_153 : vector<1x512xi32> to vector<64x512xi32>
    %eq3A_163 = arith.cmpi eq, %iota3A_157, %eq3A_162 : vector<64x512xi32>
    %convert_element_type3A_164 = arith.extui %eq3A_163 : vector<64x512xi1> to vector<64x512xi32>
    %convert_element_type3A_165 = arith.sitofp %convert_element_type3A_164 : vector<64x512xi32> to vector<64x512xf32>
    %reduce_sum3A_166 = arith.constant dense<0.000000e+00> : vector<64xf32>
    %reduce_sum3A_167 = vector.multi_reduction <add>, %convert_element_type3A_165, %reduce_sum3A_166 [1] : vector<64x512xf32> to vector<64xf32>
    %broadcast_in_dim3A_168 = vector.shape_cast %reduce_sum3A_167 : vector<64xf32> to vector<64x1xf32>
    %add3A_169 = arith.constant 1.000000e+00 : f32
    %add3A_170 = vector.broadcast %add3A_169 : f32 to vector<64x1xf32>
    %add3A_171 = arith.addf %broadcast_in_dim3A_168, %add3A_170 : vector<64x1xf32>
    %rsqrt3A_172 = math.rsqrt %add3A_171 : vector<64x1xf32>
    %dot_general3A_173 = arith.constant dense<0.000000e+00> : vector<64x64xf32>
    %dot_general3A_174 = tpu.matmul %convert_element_type3A_165, %convert_element_type3A_161, %dot_general3A_173 {dimension_numbers = #tpu.dot_dimension_numbers<[1], [1], [0], [0], [0, 0, 1, 0], [], []>, transpose_lhs_hint = false} : vector<64x512xf32>, vector<64x512xf32>, vector<64x64xf32> -> vector<64x64xf32>
    %mul3A_175 = vector.broadcast %rsqrt3A_172 : vector<64x1xf32> to vector<64x256xf32>
    %mul3A_176 = arith.mulf %mul3A_175, %slice3A_143 : vector<64x256xf32>
    %dot_general3A_177 = arith.constant dense<0.000000e+00> : vector<64x256xf32>
    %dot_general3A_178 = tpu.matmul %dot_general3A_174, %mul3A_176, %dot_general3A_177 {dimension_numbers = #tpu.dot_dimension_numbers<[1], [0], [0], [1], [0, 0, 1, 1], [], []>, precision = #tpu.contract_precision<fp32>, transpose_lhs_hint = false} : vector<64x64xf32>, vector<64x256xf32>, vector<64x256xf32> -> vector<64x256xf32>
    %mul3A_179 = vector.broadcast %rsqrt3A_172 : vector<64x1xf32> to vector<64x256xf32>
    %mul3A_180 = arith.mulf %mul3A_179, %dot_general3A_178 : vector<64x256xf32>
    %div3A_181 = arith.constant 1.000000e+00 : f32
    %div3A_182 = vector.broadcast %div3A_181 : f32 to vector<64x1xf32>
    %div3A_183 = arith.divf %div3A_182, %add3A_171 : vector<64x1xf32>
    %mul3A_184 = vector.broadcast %div3A_183 : vector<64x1xf32> to vector<64x256xf32>
    %mul3A_185 = arith.mulf %slice3A_143, %mul3A_184 : vector<64x256xf32>
    %add3A_186 = arith.addf %mul3A_180, %mul3A_185 : vector<64x256xf32>
    %add3A_187 = vector.broadcast %get3A_156 : vector<1x256xf32> to vector<64x256xf32>
    %add3A_188 = arith.addf %add3A_186, %add3A_187 : vector<64x256xf32>
    %max3A_189 = arith.constant 0.000000e+00 : f32
    %max3A_190 = vector.broadcast %max3A_189 : f32 to vector<64x256xf32>
    %max3A_191 = arith.maximumf %add3A_188, %max3A_190 : vector<64x256xf32>
    %slice3A_192 = vector.extract_strided_slice %dot_general3A_6 {offsets = [256, 0], sizes = [64, 256], strides = [1, 1]} : vector<1024x256xf32> to vector<64x256xf32>
    %get3A_193 = arith.constant 4 : index
    %get3A_194 = arith.constant 0 : index
    %get3A_195 = arith.constant 0 : index
    %get3A_196 = vector.load %arg2[%get3A_193, %get3A_194, %get3A_195] : memref<16x1x512xi32, #tpu.memory_space<vmem>>, vector<1x1x512xi32>
    %get3A_197 = vector.shape_cast %get3A_196 : vector<1x1x512xi32> to vector<1x512xi32>
    %get3A_198 = arith.constant 4 : index
    %get3A_199 = arith.constant 0 : index
    %get3A_200 = arith.constant 0 : index
    %get3A_201 = vector.load %arg3[%get3A_198, %get3A_199, %get3A_200] : memref<16x1x512xi32, #tpu.memory_space<vmem>>, vector<1x1x512xi32>
    %get3A_202 = vector.shape_cast %get3A_201 : vector<1x1x512xi32> to vector<1x512xi32>
    %get3A_203 = arith.constant 0 : index
    %get3A_204 = arith.constant 0 : index
    %get3A_205 = vector.load %arg5[%get3A_203, %get3A_204] : memref<1x256xf32, #tpu.memory_space<vmem>>, vector<1x256xf32>
    %iota3A_206 = tpu.iota {dimensions = array<i32: 0>} : vector<64x512xi32>
    %eq3A_207 = vector.broadcast %get3A_197 : vector<1x512xi32> to vector<64x512xi32>
    %eq3A_208 = arith.cmpi eq, %iota3A_206, %eq3A_207 : vector<64x512xi32>
    %convert_element_type3A_209 = arith.extui %eq3A_208 : vector<64x512xi1> to vector<64x512xi32>
    %convert_element_type3A_210 = arith.sitofp %convert_element_type3A_209 : vector<64x512xi32> to vector<64x512xf32>
    %eq3A_211 = vector.broadcast %get3A_202 : vector<1x512xi32> to vector<64x512xi32>
    %eq3A_212 = arith.cmpi eq, %iota3A_206, %eq3A_211 : vector<64x512xi32>
    %convert_element_type3A_213 = arith.extui %eq3A_212 : vector<64x512xi1> to vector<64x512xi32>
    %convert_element_type3A_214 = arith.sitofp %convert_element_type3A_213 : vector<64x512xi32> to vector<64x512xf32>
    %reduce_sum3A_215 = arith.constant dense<0.000000e+00> : vector<64xf32>
    %reduce_sum3A_216 = vector.multi_reduction <add>, %convert_element_type3A_214, %reduce_sum3A_215 [1] : vector<64x512xf32> to vector<64xf32>
    %broadcast_in_dim3A_217 = vector.shape_cast %reduce_sum3A_216 : vector<64xf32> to vector<64x1xf32>
    %add3A_218 = arith.constant 1.000000e+00 : f32
    %add3A_219 = vector.broadcast %add3A_218 : f32 to vector<64x1xf32>
    %add3A_220 = arith.addf %broadcast_in_dim3A_217, %add3A_219 : vector<64x1xf32>
    %rsqrt3A_221 = math.rsqrt %add3A_220 : vector<64x1xf32>
    %dot_general3A_222 = arith.constant dense<0.000000e+00> : vector<64x64xf32>
    %dot_general3A_223 = tpu.matmul %convert_element_type3A_214, %convert_element_type3A_210, %dot_general3A_222 {dimension_numbers = #tpu.dot_dimension_numbers<[1], [1], [0], [0], [0, 0, 1, 0], [], []>, transpose_lhs_hint = false} : vector<64x512xf32>, vector<64x512xf32>, vector<64x64xf32> -> vector<64x64xf32>
    %mul3A_224 = vector.broadcast %rsqrt3A_221 : vector<64x1xf32> to vector<64x256xf32>
    %mul3A_225 = arith.mulf %mul3A_224, %slice3A_192 : vector<64x256xf32>
    %dot_general3A_226 = arith.constant dense<0.000000e+00> : vector<64x256xf32>
    %dot_general3A_227 = tpu.matmul %dot_general3A_223, %mul3A_225, %dot_general3A_226 {dimension_numbers = #tpu.dot_dimension_numbers<[1], [0], [0], [1], [0, 0, 1, 1], [], []>, precision = #tpu.contract_precision<fp32>, transpose_lhs_hint = false} : vector<64x64xf32>, vector<64x256xf32>, vector<64x256xf32> -> vector<64x256xf32>
    %mul3A_228 = vector.broadcast %rsqrt3A_221 : vector<64x1xf32> to vector<64x256xf32>
    %mul3A_229 = arith.mulf %mul3A_228, %dot_general3A_227 : vector<64x256xf32>
    %div3A_230 = arith.constant 1.000000e+00 : f32
    %div3A_231 = vector.broadcast %div3A_230 : f32 to vector<64x1xf32>
    %div3A_232 = arith.divf %div3A_231, %add3A_220 : vector<64x1xf32>
    %mul3A_233 = vector.broadcast %div3A_232 : vector<64x1xf32> to vector<64x256xf32>
    %mul3A_234 = arith.mulf %slice3A_192, %mul3A_233 : vector<64x256xf32>
    %add3A_235 = arith.addf %mul3A_229, %mul3A_234 : vector<64x256xf32>
    %add3A_236 = vector.broadcast %get3A_205 : vector<1x256xf32> to vector<64x256xf32>
    %add3A_237 = arith.addf %add3A_235, %add3A_236 : vector<64x256xf32>
    %max3A_238 = arith.constant 0.000000e+00 : f32
    %max3A_239 = vector.broadcast %max3A_238 : f32 to vector<64x256xf32>
    %max3A_240 = arith.maximumf %add3A_237, %max3A_239 : vector<64x256xf32>
    %slice3A_241 = vector.extract_strided_slice %dot_general3A_6 {offsets = [320, 0], sizes = [64, 256], strides = [1, 1]} : vector<1024x256xf32> to vector<64x256xf32>
    %get3A_242 = arith.constant 5 : index
    %get3A_243 = arith.constant 0 : index
    %get3A_244 = arith.constant 0 : index
    %get3A_245 = vector.load %arg2[%get3A_242, %get3A_243, %get3A_244] : memref<16x1x512xi32, #tpu.memory_space<vmem>>, vector<1x1x512xi32>
    %get3A_246 = vector.shape_cast %get3A_245 : vector<1x1x512xi32> to vector<1x512xi32>
    %get3A_247 = arith.constant 5 : index
    %get3A_248 = arith.constant 0 : index
    %get3A_249 = arith.constant 0 : index
    %get3A_250 = vector.load %arg3[%get3A_247, %get3A_248, %get3A_249] : memref<16x1x512xi32, #tpu.memory_space<vmem>>, vector<1x1x512xi32>
    %get3A_251 = vector.shape_cast %get3A_250 : vector<1x1x512xi32> to vector<1x512xi32>
    %get3A_252 = arith.constant 0 : index
    %get3A_253 = arith.constant 0 : index
    %get3A_254 = vector.load %arg5[%get3A_252, %get3A_253] : memref<1x256xf32, #tpu.memory_space<vmem>>, vector<1x256xf32>
    %iota3A_255 = tpu.iota {dimensions = array<i32: 0>} : vector<64x512xi32>
    %eq3A_256 = vector.broadcast %get3A_246 : vector<1x512xi32> to vector<64x512xi32>
    %eq3A_257 = arith.cmpi eq, %iota3A_255, %eq3A_256 : vector<64x512xi32>
    %convert_element_type3A_258 = arith.extui %eq3A_257 : vector<64x512xi1> to vector<64x512xi32>
    %convert_element_type3A_259 = arith.sitofp %convert_element_type3A_258 : vector<64x512xi32> to vector<64x512xf32>
    %eq3A_260 = vector.broadcast %get3A_251 : vector<1x512xi32> to vector<64x512xi32>
    %eq3A_261 = arith.cmpi eq, %iota3A_255, %eq3A_260 : vector<64x512xi32>
    %convert_element_type3A_262 = arith.extui %eq3A_261 : vector<64x512xi1> to vector<64x512xi32>
    %convert_element_type3A_263 = arith.sitofp %convert_element_type3A_262 : vector<64x512xi32> to vector<64x512xf32>
    %reduce_sum3A_264 = arith.constant dense<0.000000e+00> : vector<64xf32>
    %reduce_sum3A_265 = vector.multi_reduction <add>, %convert_element_type3A_263, %reduce_sum3A_264 [1] : vector<64x512xf32> to vector<64xf32>
    %broadcast_in_dim3A_266 = vector.shape_cast %reduce_sum3A_265 : vector<64xf32> to vector<64x1xf32>
    %add3A_267 = arith.constant 1.000000e+00 : f32
    %add3A_268 = vector.broadcast %add3A_267 : f32 to vector<64x1xf32>
    %add3A_269 = arith.addf %broadcast_in_dim3A_266, %add3A_268 : vector<64x1xf32>
    %rsqrt3A_270 = math.rsqrt %add3A_269 : vector<64x1xf32>
    %dot_general3A_271 = arith.constant dense<0.000000e+00> : vector<64x64xf32>
    %dot_general3A_272 = tpu.matmul %convert_element_type3A_263, %convert_element_type3A_259, %dot_general3A_271 {dimension_numbers = #tpu.dot_dimension_numbers<[1], [1], [0], [0], [0, 0, 1, 0], [], []>, transpose_lhs_hint = false} : vector<64x512xf32>, vector<64x512xf32>, vector<64x64xf32> -> vector<64x64xf32>
    %mul3A_273 = vector.broadcast %rsqrt3A_270 : vector<64x1xf32> to vector<64x256xf32>
    %mul3A_274 = arith.mulf %mul3A_273, %slice3A_241 : vector<64x256xf32>
    %dot_general3A_275 = arith.constant dense<0.000000e+00> : vector<64x256xf32>
    %dot_general3A_276 = tpu.matmul %dot_general3A_272, %mul3A_274, %dot_general3A_275 {dimension_numbers = #tpu.dot_dimension_numbers<[1], [0], [0], [1], [0, 0, 1, 1], [], []>, precision = #tpu.contract_precision<fp32>, transpose_lhs_hint = false} : vector<64x64xf32>, vector<64x256xf32>, vector<64x256xf32> -> vector<64x256xf32>
    %mul3A_277 = vector.broadcast %rsqrt3A_270 : vector<64x1xf32> to vector<64x256xf32>
    %mul3A_278 = arith.mulf %mul3A_277, %dot_general3A_276 : vector<64x256xf32>
    %div3A_279 = arith.constant 1.000000e+00 : f32
    %div3A_280 = vector.broadcast %div3A_279 : f32 to vector<64x1xf32>
    %div3A_281 = arith.divf %div3A_280, %add3A_269 : vector<64x1xf32>
    %mul3A_282 = vector.broadcast %div3A_281 : vector<64x1xf32> to vector<64x256xf32>
    %mul3A_283 = arith.mulf %slice3A_241, %mul3A_282 : vector<64x256xf32>
    %add3A_284 = arith.addf %mul3A_278, %mul3A_283 : vector<64x256xf32>
    %add3A_285 = vector.broadcast %get3A_254 : vector<1x256xf32> to vector<64x256xf32>
    %add3A_286 = arith.addf %add3A_284, %add3A_285 : vector<64x256xf32>
    %max3A_287 = arith.constant 0.000000e+00 : f32
    %max3A_288 = vector.broadcast %max3A_287 : f32 to vector<64x256xf32>
    %max3A_289 = arith.maximumf %add3A_286, %max3A_288 : vector<64x256xf32>
    %slice3A_290 = vector.extract_strided_slice %dot_general3A_6 {offsets = [384, 0], sizes = [64, 256], strides = [1, 1]} : vector<1024x256xf32> to vector<64x256xf32>
    %get3A_291 = arith.constant 6 : index
    %get3A_292 = arith.constant 0 : index
    %get3A_293 = arith.constant 0 : index
    %get3A_294 = vector.load %arg2[%get3A_291, %get3A_292, %get3A_293] : memref<16x1x512xi32, #tpu.memory_space<vmem>>, vector<1x1x512xi32>
    %get3A_295 = vector.shape_cast %get3A_294 : vector<1x1x512xi32> to vector<1x512xi32>
    %get3A_296 = arith.constant 6 : index
    %get3A_297 = arith.constant 0 : index
    %get3A_298 = arith.constant 0 : index
    %get3A_299 = vector.load %arg3[%get3A_296, %get3A_297, %get3A_298] : memref<16x1x512xi32, #tpu.memory_space<vmem>>, vector<1x1x512xi32>
    %get3A_300 = vector.shape_cast %get3A_299 : vector<1x1x512xi32> to vector<1x512xi32>
    %get3A_301 = arith.constant 0 : index
    %get3A_302 = arith.constant 0 : index
    %get3A_303 = vector.load %arg5[%get3A_301, %get3A_302] : memref<1x256xf32, #tpu.memory_space<vmem>>, vector<1x256xf32>
    %iota3A_304 = tpu.iota {dimensions = array<i32: 0>} : vector<64x512xi32>
    %eq3A_305 = vector.broadcast %get3A_295 : vector<1x512xi32> to vector<64x512xi32>
    %eq3A_306 = arith.cmpi eq, %iota3A_304, %eq3A_305 : vector<64x512xi32>
    %convert_element_type3A_307 = arith.extui %eq3A_306 : vector<64x512xi1> to vector<64x512xi32>
    %convert_element_type3A_308 = arith.sitofp %convert_element_type3A_307 : vector<64x512xi32> to vector<64x512xf32>
    %eq3A_309 = vector.broadcast %get3A_300 : vector<1x512xi32> to vector<64x512xi32>
    %eq3A_310 = arith.cmpi eq, %iota3A_304, %eq3A_309 : vector<64x512xi32>
    %convert_element_type3A_311 = arith.extui %eq3A_310 : vector<64x512xi1> to vector<64x512xi32>
    %convert_element_type3A_312 = arith.sitofp %convert_element_type3A_311 : vector<64x512xi32> to vector<64x512xf32>
    %reduce_sum3A_313 = arith.constant dense<0.000000e+00> : vector<64xf32>
    %reduce_sum3A_314 = vector.multi_reduction <add>, %convert_element_type3A_312, %reduce_sum3A_313 [1] : vector<64x512xf32> to vector<64xf32>
    %broadcast_in_dim3A_315 = vector.shape_cast %reduce_sum3A_314 : vector<64xf32> to vector<64x1xf32>
    %add3A_316 = arith.constant 1.000000e+00 : f32
    %add3A_317 = vector.broadcast %add3A_316 : f32 to vector<64x1xf32>
    %add3A_318 = arith.addf %broadcast_in_dim3A_315, %add3A_317 : vector<64x1xf32>
    %rsqrt3A_319 = math.rsqrt %add3A_318 : vector<64x1xf32>
    %dot_general3A_320 = arith.constant dense<0.000000e+00> : vector<64x64xf32>
    %dot_general3A_321 = tpu.matmul %convert_element_type3A_312, %convert_element_type3A_308, %dot_general3A_320 {dimension_numbers = #tpu.dot_dimension_numbers<[1], [1], [0], [0], [0, 0, 1, 0], [], []>, transpose_lhs_hint = false} : vector<64x512xf32>, vector<64x512xf32>, vector<64x64xf32> -> vector<64x64xf32>
    %mul3A_322 = vector.broadcast %rsqrt3A_319 : vector<64x1xf32> to vector<64x256xf32>
    %mul3A_323 = arith.mulf %mul3A_322, %slice3A_290 : vector<64x256xf32>
    %dot_general3A_324 = arith.constant dense<0.000000e+00> : vector<64x256xf32>
    %dot_general3A_325 = tpu.matmul %dot_general3A_321, %mul3A_323, %dot_general3A_324 {dimension_numbers = #tpu.dot_dimension_numbers<[1], [0], [0], [1], [0, 0, 1, 1], [], []>, precision = #tpu.contract_precision<fp32>, transpose_lhs_hint = false} : vector<64x64xf32>, vector<64x256xf32>, vector<64x256xf32> -> vector<64x256xf32>
    %mul3A_326 = vector.broadcast %rsqrt3A_319 : vector<64x1xf32> to vector<64x256xf32>
    %mul3A_327 = arith.mulf %mul3A_326, %dot_general3A_325 : vector<64x256xf32>
    %div3A_328 = arith.constant 1.000000e+00 : f32
    %div3A_329 = vector.broadcast %div3A_328 : f32 to vector<64x1xf32>
    %div3A_330 = arith.divf %div3A_329, %add3A_318 : vector<64x1xf32>
    %mul3A_331 = vector.broadcast %div3A_330 : vector<64x1xf32> to vector<64x256xf32>
    %mul3A_332 = arith.mulf %slice3A_290, %mul3A_331 : vector<64x256xf32>
    %add3A_333 = arith.addf %mul3A_327, %mul3A_332 : vector<64x256xf32>
    %add3A_334 = vector.broadcast %get3A_303 : vector<1x256xf32> to vector<64x256xf32>
    %add3A_335 = arith.addf %add3A_333, %add3A_334 : vector<64x256xf32>
    %max3A_336 = arith.constant 0.000000e+00 : f32
    %max3A_337 = vector.broadcast %max3A_336 : f32 to vector<64x256xf32>
    %max3A_338 = arith.maximumf %add3A_335, %max3A_337 : vector<64x256xf32>
    %slice3A_339 = vector.extract_strided_slice %dot_general3A_6 {offsets = [448, 0], sizes = [64, 256], strides = [1, 1]} : vector<1024x256xf32> to vector<64x256xf32>
    %get3A_340 = arith.constant 7 : index
    %get3A_341 = arith.constant 0 : index
    %get3A_342 = arith.constant 0 : index
    %get3A_343 = vector.load %arg2[%get3A_340, %get3A_341, %get3A_342] : memref<16x1x512xi32, #tpu.memory_space<vmem>>, vector<1x1x512xi32>
    %get3A_344 = vector.shape_cast %get3A_343 : vector<1x1x512xi32> to vector<1x512xi32>
    %get3A_345 = arith.constant 7 : index
    %get3A_346 = arith.constant 0 : index
    %get3A_347 = arith.constant 0 : index
    %get3A_348 = vector.load %arg3[%get3A_345, %get3A_346, %get3A_347] : memref<16x1x512xi32, #tpu.memory_space<vmem>>, vector<1x1x512xi32>
    %get3A_349 = vector.shape_cast %get3A_348 : vector<1x1x512xi32> to vector<1x512xi32>
    %get3A_350 = arith.constant 0 : index
    %get3A_351 = arith.constant 0 : index
    %get3A_352 = vector.load %arg5[%get3A_350, %get3A_351] : memref<1x256xf32, #tpu.memory_space<vmem>>, vector<1x256xf32>
    %iota3A_353 = tpu.iota {dimensions = array<i32: 0>} : vector<64x512xi32>
    %eq3A_354 = vector.broadcast %get3A_344 : vector<1x512xi32> to vector<64x512xi32>
    %eq3A_355 = arith.cmpi eq, %iota3A_353, %eq3A_354 : vector<64x512xi32>
    %convert_element_type3A_356 = arith.extui %eq3A_355 : vector<64x512xi1> to vector<64x512xi32>
    %convert_element_type3A_357 = arith.sitofp %convert_element_type3A_356 : vector<64x512xi32> to vector<64x512xf32>
    %eq3A_358 = vector.broadcast %get3A_349 : vector<1x512xi32> to vector<64x512xi32>
    %eq3A_359 = arith.cmpi eq, %iota3A_353, %eq3A_358 : vector<64x512xi32>
    %convert_element_type3A_360 = arith.extui %eq3A_359 : vector<64x512xi1> to vector<64x512xi32>
    %convert_element_type3A_361 = arith.sitofp %convert_element_type3A_360 : vector<64x512xi32> to vector<64x512xf32>
    %reduce_sum3A_362 = arith.constant dense<0.000000e+00> : vector<64xf32>
    %reduce_sum3A_363 = vector.multi_reduction <add>, %convert_element_type3A_361, %reduce_sum3A_362 [1] : vector<64x512xf32> to vector<64xf32>
    %broadcast_in_dim3A_364 = vector.shape_cast %reduce_sum3A_363 : vector<64xf32> to vector<64x1xf32>
    %add3A_365 = arith.constant 1.000000e+00 : f32
    %add3A_366 = vector.broadcast %add3A_365 : f32 to vector<64x1xf32>
    %add3A_367 = arith.addf %broadcast_in_dim3A_364, %add3A_366 : vector<64x1xf32>
    %rsqrt3A_368 = math.rsqrt %add3A_367 : vector<64x1xf32>
    %dot_general3A_369 = arith.constant dense<0.000000e+00> : vector<64x64xf32>
    %dot_general3A_370 = tpu.matmul %convert_element_type3A_361, %convert_element_type3A_357, %dot_general3A_369 {dimension_numbers = #tpu.dot_dimension_numbers<[1], [1], [0], [0], [0, 0, 1, 0], [], []>, transpose_lhs_hint = false} : vector<64x512xf32>, vector<64x512xf32>, vector<64x64xf32> -> vector<64x64xf32>
    %mul3A_371 = vector.broadcast %rsqrt3A_368 : vector<64x1xf32> to vector<64x256xf32>
    %mul3A_372 = arith.mulf %mul3A_371, %slice3A_339 : vector<64x256xf32>
    %dot_general3A_373 = arith.constant dense<0.000000e+00> : vector<64x256xf32>
    %dot_general3A_374 = tpu.matmul %dot_general3A_370, %mul3A_372, %dot_general3A_373 {dimension_numbers = #tpu.dot_dimension_numbers<[1], [0], [0], [1], [0, 0, 1, 1], [], []>, precision = #tpu.contract_precision<fp32>, transpose_lhs_hint = false} : vector<64x64xf32>, vector<64x256xf32>, vector<64x256xf32> -> vector<64x256xf32>
    %mul3A_375 = vector.broadcast %rsqrt3A_368 : vector<64x1xf32> to vector<64x256xf32>
    %mul3A_376 = arith.mulf %mul3A_375, %dot_general3A_374 : vector<64x256xf32>
    %div3A_377 = arith.constant 1.000000e+00 : f32
    %div3A_378 = vector.broadcast %div3A_377 : f32 to vector<64x1xf32>
    %div3A_379 = arith.divf %div3A_378, %add3A_367 : vector<64x1xf32>
    %mul3A_380 = vector.broadcast %div3A_379 : vector<64x1xf32> to vector<64x256xf32>
    %mul3A_381 = arith.mulf %slice3A_339, %mul3A_380 : vector<64x256xf32>
    %add3A_382 = arith.addf %mul3A_376, %mul3A_381 : vector<64x256xf32>
    %add3A_383 = vector.broadcast %get3A_352 : vector<1x256xf32> to vector<64x256xf32>
    %add3A_384 = arith.addf %add3A_382, %add3A_383 : vector<64x256xf32>
    %max3A_385 = arith.constant 0.000000e+00 : f32
    %max3A_386 = vector.broadcast %max3A_385 : f32 to vector<64x256xf32>
    %max3A_387 = arith.maximumf %add3A_384, %max3A_386 : vector<64x256xf32>
    %slice3A_388 = vector.extract_strided_slice %dot_general3A_6 {offsets = [512, 0], sizes = [64, 256], strides = [1, 1]} : vector<1024x256xf32> to vector<64x256xf32>
    %get3A_389 = arith.constant 8 : index
    %get3A_390 = arith.constant 0 : index
    %get3A_391 = arith.constant 0 : index
    %get3A_392 = vector.load %arg2[%get3A_389, %get3A_390, %get3A_391] : memref<16x1x512xi32, #tpu.memory_space<vmem>>, vector<1x1x512xi32>
    %get3A_393 = vector.shape_cast %get3A_392 : vector<1x1x512xi32> to vector<1x512xi32>
    %get3A_394 = arith.constant 8 : index
    %get3A_395 = arith.constant 0 : index
    %get3A_396 = arith.constant 0 : index
    %get3A_397 = vector.load %arg3[%get3A_394, %get3A_395, %get3A_396] : memref<16x1x512xi32, #tpu.memory_space<vmem>>, vector<1x1x512xi32>
    %get3A_398 = vector.shape_cast %get3A_397 : vector<1x1x512xi32> to vector<1x512xi32>
    %get3A_399 = arith.constant 0 : index
    %get3A_400 = arith.constant 0 : index
    %get3A_401 = vector.load %arg5[%get3A_399, %get3A_400] : memref<1x256xf32, #tpu.memory_space<vmem>>, vector<1x256xf32>
    %iota3A_402 = tpu.iota {dimensions = array<i32: 0>} : vector<64x512xi32>
    %eq3A_403 = vector.broadcast %get3A_393 : vector<1x512xi32> to vector<64x512xi32>
    %eq3A_404 = arith.cmpi eq, %iota3A_402, %eq3A_403 : vector<64x512xi32>
    %convert_element_type3A_405 = arith.extui %eq3A_404 : vector<64x512xi1> to vector<64x512xi32>
    %convert_element_type3A_406 = arith.sitofp %convert_element_type3A_405 : vector<64x512xi32> to vector<64x512xf32>
    %eq3A_407 = vector.broadcast %get3A_398 : vector<1x512xi32> to vector<64x512xi32>
    %eq3A_408 = arith.cmpi eq, %iota3A_402, %eq3A_407 : vector<64x512xi32>
    %convert_element_type3A_409 = arith.extui %eq3A_408 : vector<64x512xi1> to vector<64x512xi32>
    %convert_element_type3A_410 = arith.sitofp %convert_element_type3A_409 : vector<64x512xi32> to vector<64x512xf32>
    %reduce_sum3A_411 = arith.constant dense<0.000000e+00> : vector<64xf32>
    %reduce_sum3A_412 = vector.multi_reduction <add>, %convert_element_type3A_410, %reduce_sum3A_411 [1] : vector<64x512xf32> to vector<64xf32>
    %broadcast_in_dim3A_413 = vector.shape_cast %reduce_sum3A_412 : vector<64xf32> to vector<64x1xf32>
    %add3A_414 = arith.constant 1.000000e+00 : f32
    %add3A_415 = vector.broadcast %add3A_414 : f32 to vector<64x1xf32>
    %add3A_416 = arith.addf %broadcast_in_dim3A_413, %add3A_415 : vector<64x1xf32>
    %rsqrt3A_417 = math.rsqrt %add3A_416 : vector<64x1xf32>
    %dot_general3A_418 = arith.constant dense<0.000000e+00> : vector<64x64xf32>
    %dot_general3A_419 = tpu.matmul %convert_element_type3A_410, %convert_element_type3A_406, %dot_general3A_418 {dimension_numbers = #tpu.dot_dimension_numbers<[1], [1], [0], [0], [0, 0, 1, 0], [], []>, transpose_lhs_hint = false} : vector<64x512xf32>, vector<64x512xf32>, vector<64x64xf32> -> vector<64x64xf32>
    %mul3A_420 = vector.broadcast %rsqrt3A_417 : vector<64x1xf32> to vector<64x256xf32>
    %mul3A_421 = arith.mulf %mul3A_420, %slice3A_388 : vector<64x256xf32>
    %dot_general3A_422 = arith.constant dense<0.000000e+00> : vector<64x256xf32>
    %dot_general3A_423 = tpu.matmul %dot_general3A_419, %mul3A_421, %dot_general3A_422 {dimension_numbers = #tpu.dot_dimension_numbers<[1], [0], [0], [1], [0, 0, 1, 1], [], []>, precision = #tpu.contract_precision<fp32>, transpose_lhs_hint = false} : vector<64x64xf32>, vector<64x256xf32>, vector<64x256xf32> -> vector<64x256xf32>
    %mul3A_424 = vector.broadcast %rsqrt3A_417 : vector<64x1xf32> to vector<64x256xf32>
    %mul3A_425 = arith.mulf %mul3A_424, %dot_general3A_423 : vector<64x256xf32>
    %div3A_426 = arith.constant 1.000000e+00 : f32
    %div3A_427 = vector.broadcast %div3A_426 : f32 to vector<64x1xf32>
    %div3A_428 = arith.divf %div3A_427, %add3A_416 : vector<64x1xf32>
    %mul3A_429 = vector.broadcast %div3A_428 : vector<64x1xf32> to vector<64x256xf32>
    %mul3A_430 = arith.mulf %slice3A_388, %mul3A_429 : vector<64x256xf32>
    %add3A_431 = arith.addf %mul3A_425, %mul3A_430 : vector<64x256xf32>
    %add3A_432 = vector.broadcast %get3A_401 : vector<1x256xf32> to vector<64x256xf32>
    %add3A_433 = arith.addf %add3A_431, %add3A_432 : vector<64x256xf32>
    %max3A_434 = arith.constant 0.000000e+00 : f32
    %max3A_435 = vector.broadcast %max3A_434 : f32 to vector<64x256xf32>
    %max3A_436 = arith.maximumf %add3A_433, %max3A_435 : vector<64x256xf32>
    %slice3A_437 = vector.extract_strided_slice %dot_general3A_6 {offsets = [576, 0], sizes = [64, 256], strides = [1, 1]} : vector<1024x256xf32> to vector<64x256xf32>
    %get3A_438 = arith.constant 9 : index
    %get3A_439 = arith.constant 0 : index
    %get3A_440 = arith.constant 0 : index
    %get3A_441 = vector.load %arg2[%get3A_438, %get3A_439, %get3A_440] : memref<16x1x512xi32, #tpu.memory_space<vmem>>, vector<1x1x512xi32>
    %get3A_442 = vector.shape_cast %get3A_441 : vector<1x1x512xi32> to vector<1x512xi32>
    %get3A_443 = arith.constant 9 : index
    %get3A_444 = arith.constant 0 : index
    %get3A_445 = arith.constant 0 : index
    %get3A_446 = vector.load %arg3[%get3A_443, %get3A_444, %get3A_445] : memref<16x1x512xi32, #tpu.memory_space<vmem>>, vector<1x1x512xi32>
    %get3A_447 = vector.shape_cast %get3A_446 : vector<1x1x512xi32> to vector<1x512xi32>
    %get3A_448 = arith.constant 0 : index
    %get3A_449 = arith.constant 0 : index
    %get3A_450 = vector.load %arg5[%get3A_448, %get3A_449] : memref<1x256xf32, #tpu.memory_space<vmem>>, vector<1x256xf32>
    %iota3A_451 = tpu.iota {dimensions = array<i32: 0>} : vector<64x512xi32>
    %eq3A_452 = vector.broadcast %get3A_442 : vector<1x512xi32> to vector<64x512xi32>
    %eq3A_453 = arith.cmpi eq, %iota3A_451, %eq3A_452 : vector<64x512xi32>
    %convert_element_type3A_454 = arith.extui %eq3A_453 : vector<64x512xi1> to vector<64x512xi32>
    %convert_element_type3A_455 = arith.sitofp %convert_element_type3A_454 : vector<64x512xi32> to vector<64x512xf32>
    %eq3A_456 = vector.broadcast %get3A_447 : vector<1x512xi32> to vector<64x512xi32>
    %eq3A_457 = arith.cmpi eq, %iota3A_451, %eq3A_456 : vector<64x512xi32>
    %convert_element_type3A_458 = arith.extui %eq3A_457 : vector<64x512xi1> to vector<64x512xi32>
    %convert_element_type3A_459 = arith.sitofp %convert_element_type3A_458 : vector<64x512xi32> to vector<64x512xf32>
    %reduce_sum3A_460 = arith.constant dense<0.000000e+00> : vector<64xf32>
    %reduce_sum3A_461 = vector.multi_reduction <add>, %convert_element_type3A_459, %reduce_sum3A_460 [1] : vector<64x512xf32> to vector<64xf32>
    %broadcast_in_dim3A_462 = vector.shape_cast %reduce_sum3A_461 : vector<64xf32> to vector<64x1xf32>
    %add3A_463 = arith.constant 1.000000e+00 : f32
    %add3A_464 = vector.broadcast %add3A_463 : f32 to vector<64x1xf32>
    %add3A_465 = arith.addf %broadcast_in_dim3A_462, %add3A_464 : vector<64x1xf32>
    %rsqrt3A_466 = math.rsqrt %add3A_465 : vector<64x1xf32>
    %dot_general3A_467 = arith.constant dense<0.000000e+00> : vector<64x64xf32>
    %dot_general3A_468 = tpu.matmul %convert_element_type3A_459, %convert_element_type3A_455, %dot_general3A_467 {dimension_numbers = #tpu.dot_dimension_numbers<[1], [1], [0], [0], [0, 0, 1, 0], [], []>, transpose_lhs_hint = false} : vector<64x512xf32>, vector<64x512xf32>, vector<64x64xf32> -> vector<64x64xf32>
    %mul3A_469 = vector.broadcast %rsqrt3A_466 : vector<64x1xf32> to vector<64x256xf32>
    %mul3A_470 = arith.mulf %mul3A_469, %slice3A_437 : vector<64x256xf32>
    %dot_general3A_471 = arith.constant dense<0.000000e+00> : vector<64x256xf32>
    %dot_general3A_472 = tpu.matmul %dot_general3A_468, %mul3A_470, %dot_general3A_471 {dimension_numbers = #tpu.dot_dimension_numbers<[1], [0], [0], [1], [0, 0, 1, 1], [], []>, precision = #tpu.contract_precision<fp32>, transpose_lhs_hint = false} : vector<64x64xf32>, vector<64x256xf32>, vector<64x256xf32> -> vector<64x256xf32>
    %mul3A_473 = vector.broadcast %rsqrt3A_466 : vector<64x1xf32> to vector<64x256xf32>
    %mul3A_474 = arith.mulf %mul3A_473, %dot_general3A_472 : vector<64x256xf32>
    %div3A_475 = arith.constant 1.000000e+00 : f32
    %div3A_476 = vector.broadcast %div3A_475 : f32 to vector<64x1xf32>
    %div3A_477 = arith.divf %div3A_476, %add3A_465 : vector<64x1xf32>
    %mul3A_478 = vector.broadcast %div3A_477 : vector<64x1xf32> to vector<64x256xf32>
    %mul3A_479 = arith.mulf %slice3A_437, %mul3A_478 : vector<64x256xf32>
    %add3A_480 = arith.addf %mul3A_474, %mul3A_479 : vector<64x256xf32>
    %add3A_481 = vector.broadcast %get3A_450 : vector<1x256xf32> to vector<64x256xf32>
    %add3A_482 = arith.addf %add3A_480, %add3A_481 : vector<64x256xf32>
    %max3A_483 = arith.constant 0.000000e+00 : f32
    %max3A_484 = vector.broadcast %max3A_483 : f32 to vector<64x256xf32>
    %max3A_485 = arith.maximumf %add3A_482, %max3A_484 : vector<64x256xf32>
    %slice3A_486 = vector.extract_strided_slice %dot_general3A_6 {offsets = [640, 0], sizes = [64, 256], strides = [1, 1]} : vector<1024x256xf32> to vector<64x256xf32>
    %get3A_487 = arith.constant 10 : index
    %get3A_488 = arith.constant 0 : index
    %get3A_489 = arith.constant 0 : index
    %get3A_490 = vector.load %arg2[%get3A_487, %get3A_488, %get3A_489] : memref<16x1x512xi32, #tpu.memory_space<vmem>>, vector<1x1x512xi32>
    %get3A_491 = vector.shape_cast %get3A_490 : vector<1x1x512xi32> to vector<1x512xi32>
    %get3A_492 = arith.constant 10 : index
    %get3A_493 = arith.constant 0 : index
    %get3A_494 = arith.constant 0 : index
    %get3A_495 = vector.load %arg3[%get3A_492, %get3A_493, %get3A_494] : memref<16x1x512xi32, #tpu.memory_space<vmem>>, vector<1x1x512xi32>
    %get3A_496 = vector.shape_cast %get3A_495 : vector<1x1x512xi32> to vector<1x512xi32>
    %get3A_497 = arith.constant 0 : index
    %get3A_498 = arith.constant 0 : index
    %get3A_499 = vector.load %arg5[%get3A_497, %get3A_498] : memref<1x256xf32, #tpu.memory_space<vmem>>, vector<1x256xf32>
    %iota3A_500 = tpu.iota {dimensions = array<i32: 0>} : vector<64x512xi32>
    %eq3A_501 = vector.broadcast %get3A_491 : vector<1x512xi32> to vector<64x512xi32>
    %eq3A_502 = arith.cmpi eq, %iota3A_500, %eq3A_501 : vector<64x512xi32>
    %convert_element_type3A_503 = arith.extui %eq3A_502 : vector<64x512xi1> to vector<64x512xi32>
    %convert_element_type3A_504 = arith.sitofp %convert_element_type3A_503 : vector<64x512xi32> to vector<64x512xf32>
    %eq3A_505 = vector.broadcast %get3A_496 : vector<1x512xi32> to vector<64x512xi32>
    %eq3A_506 = arith.cmpi eq, %iota3A_500, %eq3A_505 : vector<64x512xi32>
    %convert_element_type3A_507 = arith.extui %eq3A_506 : vector<64x512xi1> to vector<64x512xi32>
    %convert_element_type3A_508 = arith.sitofp %convert_element_type3A_507 : vector<64x512xi32> to vector<64x512xf32>
    %reduce_sum3A_509 = arith.constant dense<0.000000e+00> : vector<64xf32>
    %reduce_sum3A_510 = vector.multi_reduction <add>, %convert_element_type3A_508, %reduce_sum3A_509 [1] : vector<64x512xf32> to vector<64xf32>
    %broadcast_in_dim3A_511 = vector.shape_cast %reduce_sum3A_510 : vector<64xf32> to vector<64x1xf32>
    %add3A_512 = arith.constant 1.000000e+00 : f32
    %add3A_513 = vector.broadcast %add3A_512 : f32 to vector<64x1xf32>
    %add3A_514 = arith.addf %broadcast_in_dim3A_511, %add3A_513 : vector<64x1xf32>
    %rsqrt3A_515 = math.rsqrt %add3A_514 : vector<64x1xf32>
    %dot_general3A_516 = arith.constant dense<0.000000e+00> : vector<64x64xf32>
    %dot_general3A_517 = tpu.matmul %convert_element_type3A_508, %convert_element_type3A_504, %dot_general3A_516 {dimension_numbers = #tpu.dot_dimension_numbers<[1], [1], [0], [0], [0, 0, 1, 0], [], []>, transpose_lhs_hint = false} : vector<64x512xf32>, vector<64x512xf32>, vector<64x64xf32> -> vector<64x64xf32>
    %mul3A_518 = vector.broadcast %rsqrt3A_515 : vector<64x1xf32> to vector<64x256xf32>
    %mul3A_519 = arith.mulf %mul3A_518, %slice3A_486 : vector<64x256xf32>
    %dot_general3A_520 = arith.constant dense<0.000000e+00> : vector<64x256xf32>
    %dot_general3A_521 = tpu.matmul %dot_general3A_517, %mul3A_519, %dot_general3A_520 {dimension_numbers = #tpu.dot_dimension_numbers<[1], [0], [0], [1], [0, 0, 1, 1], [], []>, precision = #tpu.contract_precision<fp32>, transpose_lhs_hint = false} : vector<64x64xf32>, vector<64x256xf32>, vector<64x256xf32> -> vector<64x256xf32>
    %mul3A_522 = vector.broadcast %rsqrt3A_515 : vector<64x1xf32> to vector<64x256xf32>
    %mul3A_523 = arith.mulf %mul3A_522, %dot_general3A_521 : vector<64x256xf32>
    %div3A_524 = arith.constant 1.000000e+00 : f32
    %div3A_525 = vector.broadcast %div3A_524 : f32 to vector<64x1xf32>
    %div3A_526 = arith.divf %div3A_525, %add3A_514 : vector<64x1xf32>
    %mul3A_527 = vector.broadcast %div3A_526 : vector<64x1xf32> to vector<64x256xf32>
    %mul3A_528 = arith.mulf %slice3A_486, %mul3A_527 : vector<64x256xf32>
    %add3A_529 = arith.addf %mul3A_523, %mul3A_528 : vector<64x256xf32>
    %add3A_530 = vector.broadcast %get3A_499 : vector<1x256xf32> to vector<64x256xf32>
    %add3A_531 = arith.addf %add3A_529, %add3A_530 : vector<64x256xf32>
    %max3A_532 = arith.constant 0.000000e+00 : f32
    %max3A_533 = vector.broadcast %max3A_532 : f32 to vector<64x256xf32>
    %max3A_534 = arith.maximumf %add3A_531, %max3A_533 : vector<64x256xf32>
    %slice3A_535 = vector.extract_strided_slice %dot_general3A_6 {offsets = [704, 0], sizes = [64, 256], strides = [1, 1]} : vector<1024x256xf32> to vector<64x256xf32>
    %get3A_536 = arith.constant 11 : index
    %get3A_537 = arith.constant 0 : index
    %get3A_538 = arith.constant 0 : index
    %get3A_539 = vector.load %arg2[%get3A_536, %get3A_537, %get3A_538] : memref<16x1x512xi32, #tpu.memory_space<vmem>>, vector<1x1x512xi32>
    %get3A_540 = vector.shape_cast %get3A_539 : vector<1x1x512xi32> to vector<1x512xi32>
    %get3A_541 = arith.constant 11 : index
    %get3A_542 = arith.constant 0 : index
    %get3A_543 = arith.constant 0 : index
    %get3A_544 = vector.load %arg3[%get3A_541, %get3A_542, %get3A_543] : memref<16x1x512xi32, #tpu.memory_space<vmem>>, vector<1x1x512xi32>
    %get3A_545 = vector.shape_cast %get3A_544 : vector<1x1x512xi32> to vector<1x512xi32>
    %get3A_546 = arith.constant 0 : index
    %get3A_547 = arith.constant 0 : index
    %get3A_548 = vector.load %arg5[%get3A_546, %get3A_547] : memref<1x256xf32, #tpu.memory_space<vmem>>, vector<1x256xf32>
    %iota3A_549 = tpu.iota {dimensions = array<i32: 0>} : vector<64x512xi32>
    %eq3A_550 = vector.broadcast %get3A_540 : vector<1x512xi32> to vector<64x512xi32>
    %eq3A_551 = arith.cmpi eq, %iota3A_549, %eq3A_550 : vector<64x512xi32>
    %convert_element_type3A_552 = arith.extui %eq3A_551 : vector<64x512xi1> to vector<64x512xi32>
    %convert_element_type3A_553 = arith.sitofp %convert_element_type3A_552 : vector<64x512xi32> to vector<64x512xf32>
    %eq3A_554 = vector.broadcast %get3A_545 : vector<1x512xi32> to vector<64x512xi32>
    %eq3A_555 = arith.cmpi eq, %iota3A_549, %eq3A_554 : vector<64x512xi32>
    %convert_element_type3A_556 = arith.extui %eq3A_555 : vector<64x512xi1> to vector<64x512xi32>
    %convert_element_type3A_557 = arith.sitofp %convert_element_type3A_556 : vector<64x512xi32> to vector<64x512xf32>
    %reduce_sum3A_558 = arith.constant dense<0.000000e+00> : vector<64xf32>
    %reduce_sum3A_559 = vector.multi_reduction <add>, %convert_element_type3A_557, %reduce_sum3A_558 [1] : vector<64x512xf32> to vector<64xf32>
    %broadcast_in_dim3A_560 = vector.shape_cast %reduce_sum3A_559 : vector<64xf32> to vector<64x1xf32>
    %add3A_561 = arith.constant 1.000000e+00 : f32
    %add3A_562 = vector.broadcast %add3A_561 : f32 to vector<64x1xf32>
    %add3A_563 = arith.addf %broadcast_in_dim3A_560, %add3A_562 : vector<64x1xf32>
    %rsqrt3A_564 = math.rsqrt %add3A_563 : vector<64x1xf32>
    %dot_general3A_565 = arith.constant dense<0.000000e+00> : vector<64x64xf32>
    %dot_general3A_566 = tpu.matmul %convert_element_type3A_557, %convert_element_type3A_553, %dot_general3A_565 {dimension_numbers = #tpu.dot_dimension_numbers<[1], [1], [0], [0], [0, 0, 1, 0], [], []>, transpose_lhs_hint = false} : vector<64x512xf32>, vector<64x512xf32>, vector<64x64xf32> -> vector<64x64xf32>
    %mul3A_567 = vector.broadcast %rsqrt3A_564 : vector<64x1xf32> to vector<64x256xf32>
    %mul3A_568 = arith.mulf %mul3A_567, %slice3A_535 : vector<64x256xf32>
    %dot_general3A_569 = arith.constant dense<0.000000e+00> : vector<64x256xf32>
    %dot_general3A_570 = tpu.matmul %dot_general3A_566, %mul3A_568, %dot_general3A_569 {dimension_numbers = #tpu.dot_dimension_numbers<[1], [0], [0], [1], [0, 0, 1, 1], [], []>, precision = #tpu.contract_precision<fp32>, transpose_lhs_hint = false} : vector<64x64xf32>, vector<64x256xf32>, vector<64x256xf32> -> vector<64x256xf32>
    %mul3A_571 = vector.broadcast %rsqrt3A_564 : vector<64x1xf32> to vector<64x256xf32>
    %mul3A_572 = arith.mulf %mul3A_571, %dot_general3A_570 : vector<64x256xf32>
    %div3A_573 = arith.constant 1.000000e+00 : f32
    %div3A_574 = vector.broadcast %div3A_573 : f32 to vector<64x1xf32>
    %div3A_575 = arith.divf %div3A_574, %add3A_563 : vector<64x1xf32>
    %mul3A_576 = vector.broadcast %div3A_575 : vector<64x1xf32> to vector<64x256xf32>
    %mul3A_577 = arith.mulf %slice3A_535, %mul3A_576 : vector<64x256xf32>
    %add3A_578 = arith.addf %mul3A_572, %mul3A_577 : vector<64x256xf32>
    %add3A_579 = vector.broadcast %get3A_548 : vector<1x256xf32> to vector<64x256xf32>
    %add3A_580 = arith.addf %add3A_578, %add3A_579 : vector<64x256xf32>
    %max3A_581 = arith.constant 0.000000e+00 : f32
    %max3A_582 = vector.broadcast %max3A_581 : f32 to vector<64x256xf32>
    %max3A_583 = arith.maximumf %add3A_580, %max3A_582 : vector<64x256xf32>
    %slice3A_584 = vector.extract_strided_slice %dot_general3A_6 {offsets = [768, 0], sizes = [64, 256], strides = [1, 1]} : vector<1024x256xf32> to vector<64x256xf32>
    %get3A_585 = arith.constant 12 : index
    %get3A_586 = arith.constant 0 : index
    %get3A_587 = arith.constant 0 : index
    %get3A_588 = vector.load %arg2[%get3A_585, %get3A_586, %get3A_587] : memref<16x1x512xi32, #tpu.memory_space<vmem>>, vector<1x1x512xi32>
    %get3A_589 = vector.shape_cast %get3A_588 : vector<1x1x512xi32> to vector<1x512xi32>
    %get3A_590 = arith.constant 12 : index
    %get3A_591 = arith.constant 0 : index
    %get3A_592 = arith.constant 0 : index
    %get3A_593 = vector.load %arg3[%get3A_590, %get3A_591, %get3A_592] : memref<16x1x512xi32, #tpu.memory_space<vmem>>, vector<1x1x512xi32>
    %get3A_594 = vector.shape_cast %get3A_593 : vector<1x1x512xi32> to vector<1x512xi32>
    %get3A_595 = arith.constant 0 : index
    %get3A_596 = arith.constant 0 : index
    %get3A_597 = vector.load %arg5[%get3A_595, %get3A_596] : memref<1x256xf32, #tpu.memory_space<vmem>>, vector<1x256xf32>
    %iota3A_598 = tpu.iota {dimensions = array<i32: 0>} : vector<64x512xi32>
    %eq3A_599 = vector.broadcast %get3A_589 : vector<1x512xi32> to vector<64x512xi32>
    %eq3A_600 = arith.cmpi eq, %iota3A_598, %eq3A_599 : vector<64x512xi32>
    %convert_element_type3A_601 = arith.extui %eq3A_600 : vector<64x512xi1> to vector<64x512xi32>
    %convert_element_type3A_602 = arith.sitofp %convert_element_type3A_601 : vector<64x512xi32> to vector<64x512xf32>
    %eq3A_603 = vector.broadcast %get3A_594 : vector<1x512xi32> to vector<64x512xi32>
    %eq3A_604 = arith.cmpi eq, %iota3A_598, %eq3A_603 : vector<64x512xi32>
    %convert_element_type3A_605 = arith.extui %eq3A_604 : vector<64x512xi1> to vector<64x512xi32>
    %convert_element_type3A_606 = arith.sitofp %convert_element_type3A_605 : vector<64x512xi32> to vector<64x512xf32>
    %reduce_sum3A_607 = arith.constant dense<0.000000e+00> : vector<64xf32>
    %reduce_sum3A_608 = vector.multi_reduction <add>, %convert_element_type3A_606, %reduce_sum3A_607 [1] : vector<64x512xf32> to vector<64xf32>
    %broadcast_in_dim3A_609 = vector.shape_cast %reduce_sum3A_608 : vector<64xf32> to vector<64x1xf32>
    %add3A_610 = arith.constant 1.000000e+00 : f32
    %add3A_611 = vector.broadcast %add3A_610 : f32 to vector<64x1xf32>
    %add3A_612 = arith.addf %broadcast_in_dim3A_609, %add3A_611 : vector<64x1xf32>
    %rsqrt3A_613 = math.rsqrt %add3A_612 : vector<64x1xf32>
    %dot_general3A_614 = arith.constant dense<0.000000e+00> : vector<64x64xf32>
    %dot_general3A_615 = tpu.matmul %convert_element_type3A_606, %convert_element_type3A_602, %dot_general3A_614 {dimension_numbers = #tpu.dot_dimension_numbers<[1], [1], [0], [0], [0, 0, 1, 0], [], []>, transpose_lhs_hint = false} : vector<64x512xf32>, vector<64x512xf32>, vector<64x64xf32> -> vector<64x64xf32>
    %mul3A_616 = vector.broadcast %rsqrt3A_613 : vector<64x1xf32> to vector<64x256xf32>
    %mul3A_617 = arith.mulf %mul3A_616, %slice3A_584 : vector<64x256xf32>
    %dot_general3A_618 = arith.constant dense<0.000000e+00> : vector<64x256xf32>
    %dot_general3A_619 = tpu.matmul %dot_general3A_615, %mul3A_617, %dot_general3A_618 {dimension_numbers = #tpu.dot_dimension_numbers<[1], [0], [0], [1], [0, 0, 1, 1], [], []>, precision = #tpu.contract_precision<fp32>, transpose_lhs_hint = false} : vector<64x64xf32>, vector<64x256xf32>, vector<64x256xf32> -> vector<64x256xf32>
    %mul3A_620 = vector.broadcast %rsqrt3A_613 : vector<64x1xf32> to vector<64x256xf32>
    %mul3A_621 = arith.mulf %mul3A_620, %dot_general3A_619 : vector<64x256xf32>
    %div3A_622 = arith.constant 1.000000e+00 : f32
    %div3A_623 = vector.broadcast %div3A_622 : f32 to vector<64x1xf32>
    %div3A_624 = arith.divf %div3A_623, %add3A_612 : vector<64x1xf32>
    %mul3A_625 = vector.broadcast %div3A_624 : vector<64x1xf32> to vector<64x256xf32>
    %mul3A_626 = arith.mulf %slice3A_584, %mul3A_625 : vector<64x256xf32>
    %add3A_627 = arith.addf %mul3A_621, %mul3A_626 : vector<64x256xf32>
    %add3A_628 = vector.broadcast %get3A_597 : vector<1x256xf32> to vector<64x256xf32>
    %add3A_629 = arith.addf %add3A_627, %add3A_628 : vector<64x256xf32>
    %max3A_630 = arith.constant 0.000000e+00 : f32
    %max3A_631 = vector.broadcast %max3A_630 : f32 to vector<64x256xf32>
    %max3A_632 = arith.maximumf %add3A_629, %max3A_631 : vector<64x256xf32>
    %slice3A_633 = vector.extract_strided_slice %dot_general3A_6 {offsets = [832, 0], sizes = [64, 256], strides = [1, 1]} : vector<1024x256xf32> to vector<64x256xf32>
    %get3A_634 = arith.constant 13 : index
    %get3A_635 = arith.constant 0 : index
    %get3A_636 = arith.constant 0 : index
    %get3A_637 = vector.load %arg2[%get3A_634, %get3A_635, %get3A_636] : memref<16x1x512xi32, #tpu.memory_space<vmem>>, vector<1x1x512xi32>
    %get3A_638 = vector.shape_cast %get3A_637 : vector<1x1x512xi32> to vector<1x512xi32>
    %get3A_639 = arith.constant 13 : index
    %get3A_640 = arith.constant 0 : index
    %get3A_641 = arith.constant 0 : index
    %get3A_642 = vector.load %arg3[%get3A_639, %get3A_640, %get3A_641] : memref<16x1x512xi32, #tpu.memory_space<vmem>>, vector<1x1x512xi32>
    %get3A_643 = vector.shape_cast %get3A_642 : vector<1x1x512xi32> to vector<1x512xi32>
    %get3A_644 = arith.constant 0 : index
    %get3A_645 = arith.constant 0 : index
    %get3A_646 = vector.load %arg5[%get3A_644, %get3A_645] : memref<1x256xf32, #tpu.memory_space<vmem>>, vector<1x256xf32>
    %iota3A_647 = tpu.iota {dimensions = array<i32: 0>} : vector<64x512xi32>
    %eq3A_648 = vector.broadcast %get3A_638 : vector<1x512xi32> to vector<64x512xi32>
    %eq3A_649 = arith.cmpi eq, %iota3A_647, %eq3A_648 : vector<64x512xi32>
    %convert_element_type3A_650 = arith.extui %eq3A_649 : vector<64x512xi1> to vector<64x512xi32>
    %convert_element_type3A_651 = arith.sitofp %convert_element_type3A_650 : vector<64x512xi32> to vector<64x512xf32>
    %eq3A_652 = vector.broadcast %get3A_643 : vector<1x512xi32> to vector<64x512xi32>
    %eq3A_653 = arith.cmpi eq, %iota3A_647, %eq3A_652 : vector<64x512xi32>
    %convert_element_type3A_654 = arith.extui %eq3A_653 : vector<64x512xi1> to vector<64x512xi32>
    %convert_element_type3A_655 = arith.sitofp %convert_element_type3A_654 : vector<64x512xi32> to vector<64x512xf32>
    %reduce_sum3A_656 = arith.constant dense<0.000000e+00> : vector<64xf32>
    %reduce_sum3A_657 = vector.multi_reduction <add>, %convert_element_type3A_655, %reduce_sum3A_656 [1] : vector<64x512xf32> to vector<64xf32>
    %broadcast_in_dim3A_658 = vector.shape_cast %reduce_sum3A_657 : vector<64xf32> to vector<64x1xf32>
    %add3A_659 = arith.constant 1.000000e+00 : f32
    %add3A_660 = vector.broadcast %add3A_659 : f32 to vector<64x1xf32>
    %add3A_661 = arith.addf %broadcast_in_dim3A_658, %add3A_660 : vector<64x1xf32>
    %rsqrt3A_662 = math.rsqrt %add3A_661 : vector<64x1xf32>
    %dot_general3A_663 = arith.constant dense<0.000000e+00> : vector<64x64xf32>
    %dot_general3A_664 = tpu.matmul %convert_element_type3A_655, %convert_element_type3A_651, %dot_general3A_663 {dimension_numbers = #tpu.dot_dimension_numbers<[1], [1], [0], [0], [0, 0, 1, 0], [], []>, transpose_lhs_hint = false} : vector<64x512xf32>, vector<64x512xf32>, vector<64x64xf32> -> vector<64x64xf32>
    %mul3A_665 = vector.broadcast %rsqrt3A_662 : vector<64x1xf32> to vector<64x256xf32>
    %mul3A_666 = arith.mulf %mul3A_665, %slice3A_633 : vector<64x256xf32>
    %dot_general3A_667 = arith.constant dense<0.000000e+00> : vector<64x256xf32>
    %dot_general3A_668 = tpu.matmul %dot_general3A_664, %mul3A_666, %dot_general3A_667 {dimension_numbers = #tpu.dot_dimension_numbers<[1], [0], [0], [1], [0, 0, 1, 1], [], []>, precision = #tpu.contract_precision<fp32>, transpose_lhs_hint = false} : vector<64x64xf32>, vector<64x256xf32>, vector<64x256xf32> -> vector<64x256xf32>
    %mul3A_669 = vector.broadcast %rsqrt3A_662 : vector<64x1xf32> to vector<64x256xf32>
    %mul3A_670 = arith.mulf %mul3A_669, %dot_general3A_668 : vector<64x256xf32>
    %div3A_671 = arith.constant 1.000000e+00 : f32
    %div3A_672 = vector.broadcast %div3A_671 : f32 to vector<64x1xf32>
    %div3A_673 = arith.divf %div3A_672, %add3A_661 : vector<64x1xf32>
    %mul3A_674 = vector.broadcast %div3A_673 : vector<64x1xf32> to vector<64x256xf32>
    %mul3A_675 = arith.mulf %slice3A_633, %mul3A_674 : vector<64x256xf32>
    %add3A_676 = arith.addf %mul3A_670, %mul3A_675 : vector<64x256xf32>
    %add3A_677 = vector.broadcast %get3A_646 : vector<1x256xf32> to vector<64x256xf32>
    %add3A_678 = arith.addf %add3A_676, %add3A_677 : vector<64x256xf32>
    %max3A_679 = arith.constant 0.000000e+00 : f32
    %max3A_680 = vector.broadcast %max3A_679 : f32 to vector<64x256xf32>
    %max3A_681 = arith.maximumf %add3A_678, %max3A_680 : vector<64x256xf32>
    %slice3A_682 = vector.extract_strided_slice %dot_general3A_6 {offsets = [896, 0], sizes = [64, 256], strides = [1, 1]} : vector<1024x256xf32> to vector<64x256xf32>
    %get3A_683 = arith.constant 14 : index
    %get3A_684 = arith.constant 0 : index
    %get3A_685 = arith.constant 0 : index
    %get3A_686 = vector.load %arg2[%get3A_683, %get3A_684, %get3A_685] : memref<16x1x512xi32, #tpu.memory_space<vmem>>, vector<1x1x512xi32>
    %get3A_687 = vector.shape_cast %get3A_686 : vector<1x1x512xi32> to vector<1x512xi32>
    %get3A_688 = arith.constant 14 : index
    %get3A_689 = arith.constant 0 : index
    %get3A_690 = arith.constant 0 : index
    %get3A_691 = vector.load %arg3[%get3A_688, %get3A_689, %get3A_690] : memref<16x1x512xi32, #tpu.memory_space<vmem>>, vector<1x1x512xi32>
    %get3A_692 = vector.shape_cast %get3A_691 : vector<1x1x512xi32> to vector<1x512xi32>
    %get3A_693 = arith.constant 0 : index
    %get3A_694 = arith.constant 0 : index
    %get3A_695 = vector.load %arg5[%get3A_693, %get3A_694] : memref<1x256xf32, #tpu.memory_space<vmem>>, vector<1x256xf32>
    %iota3A_696 = tpu.iota {dimensions = array<i32: 0>} : vector<64x512xi32>
    %eq3A_697 = vector.broadcast %get3A_687 : vector<1x512xi32> to vector<64x512xi32>
    %eq3A_698 = arith.cmpi eq, %iota3A_696, %eq3A_697 : vector<64x512xi32>
    %convert_element_type3A_699 = arith.extui %eq3A_698 : vector<64x512xi1> to vector<64x512xi32>
    %convert_element_type3A_700 = arith.sitofp %convert_element_type3A_699 : vector<64x512xi32> to vector<64x512xf32>
    %eq3A_701 = vector.broadcast %get3A_692 : vector<1x512xi32> to vector<64x512xi32>
    %eq3A_702 = arith.cmpi eq, %iota3A_696, %eq3A_701 : vector<64x512xi32>
    %convert_element_type3A_703 = arith.extui %eq3A_702 : vector<64x512xi1> to vector<64x512xi32>
    %convert_element_type3A_704 = arith.sitofp %convert_element_type3A_703 : vector<64x512xi32> to vector<64x512xf32>
    %reduce_sum3A_705 = arith.constant dense<0.000000e+00> : vector<64xf32>
    %reduce_sum3A_706 = vector.multi_reduction <add>, %convert_element_type3A_704, %reduce_sum3A_705 [1] : vector<64x512xf32> to vector<64xf32>
    %broadcast_in_dim3A_707 = vector.shape_cast %reduce_sum3A_706 : vector<64xf32> to vector<64x1xf32>
    %add3A_708 = arith.constant 1.000000e+00 : f32
    %add3A_709 = vector.broadcast %add3A_708 : f32 to vector<64x1xf32>
    %add3A_710 = arith.addf %broadcast_in_dim3A_707, %add3A_709 : vector<64x1xf32>
    %rsqrt3A_711 = math.rsqrt %add3A_710 : vector<64x1xf32>
    %dot_general3A_712 = arith.constant dense<0.000000e+00> : vector<64x64xf32>
    %dot_general3A_713 = tpu.matmul %convert_element_type3A_704, %convert_element_type3A_700, %dot_general3A_712 {dimension_numbers = #tpu.dot_dimension_numbers<[1], [1], [0], [0], [0, 0, 1, 0], [], []>, transpose_lhs_hint = false} : vector<64x512xf32>, vector<64x512xf32>, vector<64x64xf32> -> vector<64x64xf32>
    %mul3A_714 = vector.broadcast %rsqrt3A_711 : vector<64x1xf32> to vector<64x256xf32>
    %mul3A_715 = arith.mulf %mul3A_714, %slice3A_682 : vector<64x256xf32>
    %dot_general3A_716 = arith.constant dense<0.000000e+00> : vector<64x256xf32>
    %dot_general3A_717 = tpu.matmul %dot_general3A_713, %mul3A_715, %dot_general3A_716 {dimension_numbers = #tpu.dot_dimension_numbers<[1], [0], [0], [1], [0, 0, 1, 1], [], []>, precision = #tpu.contract_precision<fp32>, transpose_lhs_hint = false} : vector<64x64xf32>, vector<64x256xf32>, vector<64x256xf32> -> vector<64x256xf32>
    %mul3A_718 = vector.broadcast %rsqrt3A_711 : vector<64x1xf32> to vector<64x256xf32>
    %mul3A_719 = arith.mulf %mul3A_718, %dot_general3A_717 : vector<64x256xf32>
    %div3A_720 = arith.constant 1.000000e+00 : f32
    %div3A_721 = vector.broadcast %div3A_720 : f32 to vector<64x1xf32>
    %div3A_722 = arith.divf %div3A_721, %add3A_710 : vector<64x1xf32>
    %mul3A_723 = vector.broadcast %div3A_722 : vector<64x1xf32> to vector<64x256xf32>
    %mul3A_724 = arith.mulf %slice3A_682, %mul3A_723 : vector<64x256xf32>
    %add3A_725 = arith.addf %mul3A_719, %mul3A_724 : vector<64x256xf32>
    %add3A_726 = vector.broadcast %get3A_695 : vector<1x256xf32> to vector<64x256xf32>
    %add3A_727 = arith.addf %add3A_725, %add3A_726 : vector<64x256xf32>
    %max3A_728 = arith.constant 0.000000e+00 : f32
    %max3A_729 = vector.broadcast %max3A_728 : f32 to vector<64x256xf32>
    %max3A_730 = arith.maximumf %add3A_727, %max3A_729 : vector<64x256xf32>
    %slice3A_731 = vector.extract_strided_slice %dot_general3A_6 {offsets = [960, 0], sizes = [64, 256], strides = [1, 1]} : vector<1024x256xf32> to vector<64x256xf32>
    %get3A_732 = arith.constant 15 : index
    %get3A_733 = arith.constant 0 : index
    %get3A_734 = arith.constant 0 : index
    %get3A_735 = vector.load %arg2[%get3A_732, %get3A_733, %get3A_734] : memref<16x1x512xi32, #tpu.memory_space<vmem>>, vector<1x1x512xi32>
    %get3A_736 = vector.shape_cast %get3A_735 : vector<1x1x512xi32> to vector<1x512xi32>
    %get3A_737 = arith.constant 15 : index
    %get3A_738 = arith.constant 0 : index
    %get3A_739 = arith.constant 0 : index
    %get3A_740 = vector.load %arg3[%get3A_737, %get3A_738, %get3A_739] : memref<16x1x512xi32, #tpu.memory_space<vmem>>, vector<1x1x512xi32>
    %get3A_741 = vector.shape_cast %get3A_740 : vector<1x1x512xi32> to vector<1x512xi32>
    %get3A_742 = arith.constant 0 : index
    %get3A_743 = arith.constant 0 : index
    %get3A_744 = vector.load %arg5[%get3A_742, %get3A_743] : memref<1x256xf32, #tpu.memory_space<vmem>>, vector<1x256xf32>
    %iota3A_745 = tpu.iota {dimensions = array<i32: 0>} : vector<64x512xi32>
    %eq3A_746 = vector.broadcast %get3A_736 : vector<1x512xi32> to vector<64x512xi32>
    %eq3A_747 = arith.cmpi eq, %iota3A_745, %eq3A_746 : vector<64x512xi32>
    %convert_element_type3A_748 = arith.extui %eq3A_747 : vector<64x512xi1> to vector<64x512xi32>
    %convert_element_type3A_749 = arith.sitofp %convert_element_type3A_748 : vector<64x512xi32> to vector<64x512xf32>
    %eq3A_750 = vector.broadcast %get3A_741 : vector<1x512xi32> to vector<64x512xi32>
    %eq3A_751 = arith.cmpi eq, %iota3A_745, %eq3A_750 : vector<64x512xi32>
    %convert_element_type3A_752 = arith.extui %eq3A_751 : vector<64x512xi1> to vector<64x512xi32>
    %convert_element_type3A_753 = arith.sitofp %convert_element_type3A_752 : vector<64x512xi32> to vector<64x512xf32>
    %reduce_sum3A_754 = arith.constant dense<0.000000e+00> : vector<64xf32>
    %reduce_sum3A_755 = vector.multi_reduction <add>, %convert_element_type3A_753, %reduce_sum3A_754 [1] : vector<64x512xf32> to vector<64xf32>
    %broadcast_in_dim3A_756 = vector.shape_cast %reduce_sum3A_755 : vector<64xf32> to vector<64x1xf32>
    %add3A_757 = arith.constant 1.000000e+00 : f32
    %add3A_758 = vector.broadcast %add3A_757 : f32 to vector<64x1xf32>
    %add3A_759 = arith.addf %broadcast_in_dim3A_756, %add3A_758 : vector<64x1xf32>
    %rsqrt3A_760 = math.rsqrt %add3A_759 : vector<64x1xf32>
    %dot_general3A_761 = arith.constant dense<0.000000e+00> : vector<64x64xf32>
    %dot_general3A_762 = tpu.matmul %convert_element_type3A_753, %convert_element_type3A_749, %dot_general3A_761 {dimension_numbers = #tpu.dot_dimension_numbers<[1], [1], [0], [0], [0, 0, 1, 0], [], []>, transpose_lhs_hint = false} : vector<64x512xf32>, vector<64x512xf32>, vector<64x64xf32> -> vector<64x64xf32>
    %mul3A_763 = vector.broadcast %rsqrt3A_760 : vector<64x1xf32> to vector<64x256xf32>
    %mul3A_764 = arith.mulf %mul3A_763, %slice3A_731 : vector<64x256xf32>
    %dot_general3A_765 = arith.constant dense<0.000000e+00> : vector<64x256xf32>
    %dot_general3A_766 = tpu.matmul %dot_general3A_762, %mul3A_764, %dot_general3A_765 {dimension_numbers = #tpu.dot_dimension_numbers<[1], [0], [0], [1], [0, 0, 1, 1], [], []>, precision = #tpu.contract_precision<fp32>, transpose_lhs_hint = false} : vector<64x64xf32>, vector<64x256xf32>, vector<64x256xf32> -> vector<64x256xf32>
    %mul3A_767 = vector.broadcast %rsqrt3A_760 : vector<64x1xf32> to vector<64x256xf32>
    %mul3A_768 = arith.mulf %mul3A_767, %dot_general3A_766 : vector<64x256xf32>
    %div3A_769 = arith.constant 1.000000e+00 : f32
    %div3A_770 = vector.broadcast %div3A_769 : f32 to vector<64x1xf32>
    %div3A_771 = arith.divf %div3A_770, %add3A_759 : vector<64x1xf32>
    %mul3A_772 = vector.broadcast %div3A_771 : vector<64x1xf32> to vector<64x256xf32>
    %mul3A_773 = arith.mulf %slice3A_731, %mul3A_772 : vector<64x256xf32>
    %add3A_774 = arith.addf %mul3A_768, %mul3A_773 : vector<64x256xf32>
    %add3A_775 = vector.broadcast %get3A_744 : vector<1x256xf32> to vector<64x256xf32>
    %add3A_776 = arith.addf %add3A_774, %add3A_775 : vector<64x256xf32>
    %max3A_777 = arith.constant 0.000000e+00 : f32
    %max3A_778 = vector.broadcast %max3A_777 : f32 to vector<64x256xf32>
    %max3A_779 = arith.maximumf %add3A_776, %max3A_778 : vector<64x256xf32>
    %concatenate3A = tpu.concatenate %max3A_44, %max3A_93, %max3A_142, %max3A_191, %max3A_240, %max3A_289, %max3A_338, %max3A_387, %max3A_436, %max3A_485, %max3A_534, %max3A_583, %max3A_632, %max3A_681, %max3A_730, %max3A_779 in 0 : vector<64x256xf32>, vector<64x256xf32>, vector<64x256xf32>, vector<64x256xf32>, vector<64x256xf32>, vector<64x256xf32>, vector<64x256xf32>, vector<64x256xf32>, vector<64x256xf32>, vector<64x256xf32>, vector<64x256xf32>, vector<64x256xf32>, vector<64x256xf32>, vector<64x256xf32>, vector<64x256xf32>, vector<64x256xf32> -> vector<1024x256xf32>
    %get3A_780 = arith.constant 0 : index
    %get3A_781 = arith.constant 0 : index
    %get3A_782 = vector.load %arg6[%get3A_780, %get3A_781] : memref<256x128xf32, #tpu.memory_space<vmem>>, vector<256x128xf32>
    %dot_general3A_783 = arith.constant dense<0.000000e+00> : vector<1024x128xf32>
    %dot_general3A_784 = tpu.matmul %concatenate3A, %get3A_782, %dot_general3A_783 {dimension_numbers = #tpu.dot_dimension_numbers<[1], [0], [0], [1], [0, 0, 1, 1], [], []>, transpose_lhs_hint = false} : vector<1024x256xf32>, vector<256x128xf32>, vector<1024x128xf32> -> vector<1024x128xf32>
    %slice3A_785 = vector.extract_strided_slice %dot_general3A_784 {offsets = [0, 0], sizes = [1024, 1], strides = [1, 1]} : vector<1024x128xf32> to vector<1024x1xf32>
    %slice3A_786 = vector.extract_strided_slice %slice3A_785 {offsets = [0, 0], sizes = [64, 1], strides = [1, 1]} : vector<1024x1xf32> to vector<64x1xf32>
    %logistic3A = arith.negf %slice3A_786 : vector<64x1xf32>
    %logistic3A_787 = math.exp %logistic3A : vector<64x1xf32>
    %logistic3A_788 = arith.constant 1.000000e+00 : f32
    %logistic3A_789 = vector.broadcast %logistic3A_788 : f32 to vector<64x1xf32>
    %logistic3A_790 = arith.addf %logistic3A_789, %logistic3A_787 : vector<64x1xf32>
    %logistic3A_791 = arith.divf %logistic3A_789, %logistic3A_790 : vector<64x1xf32>
    %iota3A_792 = tpu.iota {dimensions = array<i32: 0>} : vector<64x64xi32>
    %iota3A_793 = tpu.iota {dimensions = array<i32: 1>} : vector<64x64xi32>
    %eq3A_794 = arith.cmpi eq, %iota3A_792, %iota3A_793 : vector<64x64xi32>
    %convert_element_type3A_795 = arith.extui %eq3A_794 : vector<64x64xi1> to vector<64x64xi32>
    %convert_element_type3A_796 = arith.sitofp %convert_element_type3A_795 : vector<64x64xi32> to vector<64x64xf32>
    %mul3A_797 = vector.broadcast %logistic3A_791 : vector<64x1xf32> to vector<64x64xf32>
    %mul3A_798 = arith.mulf %mul3A_797, %convert_element_type3A_796 : vector<64x64xf32>
    %reduce_sum3A_799 = arith.constant dense<0.000000e+00> : vector<64xf32>
    %reduce_sum3A_800 = vector.multi_reduction <add>, %mul3A_798, %reduce_sum3A_799 [0] : vector<64x64xf32> to vector<64xf32>
    %broadcast_in_dim3A_801 = vector.shape_cast %reduce_sum3A_800 : vector<64xf32> to vector<1x64xf32>
    %gt3A = vector.broadcast %logistic3A_791 : vector<64x1xf32> to vector<64x64xf32>
    %gt3A_802 = vector.broadcast %broadcast_in_dim3A_801 : vector<1x64xf32> to vector<64x64xf32>
    %gt3A_803 = arith.cmpf ogt, %gt3A, %gt3A_802 : vector<64x64xf32>
    %eq3A_804 = vector.broadcast %logistic3A_791 : vector<64x1xf32> to vector<64x64xf32>
    %eq3A_805 = vector.broadcast %broadcast_in_dim3A_801 : vector<1x64xf32> to vector<64x64xf32>
    %eq3A_806 = arith.cmpf oeq, %eq3A_804, %eq3A_805 : vector<64x64xf32>
    %lt3A = arith.cmpi slt, %iota3A_792, %iota3A_793 : vector<64x64xi32>
    %and3A = arith.andi %eq3A_806, %lt3A : vector<64x64xi1>
    %or3A = arith.ori %gt3A_803, %and3A : vector<64x64xi1>
    %convert_element_type3A_807 = arith.extui %or3A : vector<64x64xi1> to vector<64x64xi32>
    %convert_element_type3A_808 = arith.sitofp %convert_element_type3A_807 : vector<64x64xi32> to vector<64x64xf32>
    %reduce_sum3A_809 = arith.constant dense<0.000000e+00> : vector<64xf32>
    %reduce_sum3A_810 = vector.multi_reduction <add>, %convert_element_type3A_808, %reduce_sum3A_809 [0] : vector<64x64xf32> to vector<64xf32>
    %broadcast_in_dim3A_811 = vector.shape_cast %reduce_sum3A_810 : vector<64xf32> to vector<1x64xf32>
    %iota3A_812 = tpu.iota {dimensions = array<i32: 0>} : vector<32x64xi32>
    %convert_element_type3A_813 = arith.sitofp %iota3A_812 : vector<32x64xi32> to vector<32x64xf32>
    %eq3A_814 = vector.broadcast %broadcast_in_dim3A_811 : vector<1x64xf32> to vector<32x64xf32>
    %eq3A_815 = arith.cmpf oeq, %convert_element_type3A_813, %eq3A_814 : vector<32x64xf32>
    %convert_element_type3A_816 = arith.extui %eq3A_815 : vector<32x64xi1> to vector<32x64xi32>
    %convert_element_type3A_817 = arith.sitofp %convert_element_type3A_816 : vector<32x64xi32> to vector<32x64xf32>
    %mul3A_818 = vector.broadcast %logistic3A_791 : vector<64x1xf32> to vector<64x256xf32>
    %mul3A_819 = arith.mulf %max3A_44, %mul3A_818 : vector<64x256xf32>
    %dot_general3A_820 = arith.constant dense<0.000000e+00> : vector<32x256xf32>
    %dot_general3A_821 = tpu.matmul %convert_element_type3A_817, %mul3A_819, %dot_general3A_820 {dimension_numbers = #tpu.dot_dimension_numbers<[1], [0], [0], [1], [0, 0, 1, 1], [], []>, precision = #tpu.contract_precision<fp32>, transpose_lhs_hint = false} : vector<32x64xf32>, vector<64x256xf32>, vector<32x256xf32> -> vector<32x256xf32>
    %swap3A = arith.constant 0 : index
    %swap3A_822 = arith.constant 0 : index
    %swap3A_823 = arith.constant 0 : index
    %swap3A_824 = vector.load %arg7[%swap3A, %swap3A_822, %swap3A_823] : memref<16x32x256xf32, #tpu.memory_space<vmem>>, vector<1x32x256xf32>
    %swap3A_825 = vector.shape_cast %swap3A_824 : vector<1x32x256xf32> to vector<32x256xf32>
    %swap3A_826 = vector.shape_cast %dot_general3A_821 : vector<32x256xf32> to vector<1x32x256xf32>
    tpu.vector_store %arg7[%swap3A, %swap3A_822, %swap3A_823], %swap3A_826 {strides = array<i32>} : memref<16x32x256xf32, #tpu.memory_space<vmem>>, vector<1x32x256xf32>,
    %convert_element_type3A_827 = arith.fptosi %broadcast_in_dim3A_811 : vector<1x64xf32> to vector<1x64xi32>
    %swap3A_828 = arith.constant 0 : index
    %swap3A_829 = arith.constant 0 : index
    %swap3A_830 = arith.constant 0 : index
    %swap3A_831 = vector.load %arg8[%swap3A_828, %swap3A_829, %swap3A_830] : memref<16x1x64xi32, #tpu.memory_space<vmem>>, vector<1x1x64xi32>
    %swap3A_832 = vector.shape_cast %swap3A_831 : vector<1x1x64xi32> to vector<1x64xi32>
    %swap3A_833 = vector.shape_cast %convert_element_type3A_827 : vector<1x64xi32> to vector<1x1x64xi32>
    tpu.vector_store %arg8[%swap3A_828, %swap3A_829, %swap3A_830], %swap3A_833 {strides = array<i32>} : memref<16x1x64xi32, #tpu.memory_space<vmem>>, vector<1x1x64xi32>,
    %slice3A_834 = vector.extract_strided_slice %slice3A_785 {offsets = [64, 0], sizes = [64, 1], strides = [1, 1]} : vector<1024x1xf32> to vector<64x1xf32>
    %logistic3A_835 = arith.negf %slice3A_834 : vector<64x1xf32>
    %logistic3A_836 = math.exp %logistic3A_835 : vector<64x1xf32>
    %logistic3A_837 = arith.constant 1.000000e+00 : f32
    %logistic3A_838 = vector.broadcast %logistic3A_837 : f32 to vector<64x1xf32>
    %logistic3A_839 = arith.addf %logistic3A_838, %logistic3A_836 : vector<64x1xf32>
    %logistic3A_840 = arith.divf %logistic3A_838, %logistic3A_839 : vector<64x1xf32>
    %iota3A_841 = tpu.iota {dimensions = array<i32: 0>} : vector<64x64xi32>
    %iota3A_842 = tpu.iota {dimensions = array<i32: 1>} : vector<64x64xi32>
    %eq3A_843 = arith.cmpi eq, %iota3A_841, %iota3A_842 : vector<64x64xi32>
    %convert_element_type3A_844 = arith.extui %eq3A_843 : vector<64x64xi1> to vector<64x64xi32>
    %convert_element_type3A_845 = arith.sitofp %convert_element_type3A_844 : vector<64x64xi32> to vector<64x64xf32>
    %mul3A_846 = vector.broadcast %logistic3A_840 : vector<64x1xf32> to vector<64x64xf32>
    %mul3A_847 = arith.mulf %mul3A_846, %convert_element_type3A_845 : vector<64x64xf32>
    %reduce_sum3A_848 = arith.constant dense<0.000000e+00> : vector<64xf32>
    %reduce_sum3A_849 = vector.multi_reduction <add>, %mul3A_847, %reduce_sum3A_848 [0] : vector<64x64xf32> to vector<64xf32>
    %broadcast_in_dim3A_850 = vector.shape_cast %reduce_sum3A_849 : vector<64xf32> to vector<1x64xf32>
    %gt3A_851 = vector.broadcast %logistic3A_840 : vector<64x1xf32> to vector<64x64xf32>
    %gt3A_852 = vector.broadcast %broadcast_in_dim3A_850 : vector<1x64xf32> to vector<64x64xf32>
    %gt3A_853 = arith.cmpf ogt, %gt3A_851, %gt3A_852 : vector<64x64xf32>
    %eq3A_854 = vector.broadcast %logistic3A_840 : vector<64x1xf32> to vector<64x64xf32>
    %eq3A_855 = vector.broadcast %broadcast_in_dim3A_850 : vector<1x64xf32> to vector<64x64xf32>
    %eq3A_856 = arith.cmpf oeq, %eq3A_854, %eq3A_855 : vector<64x64xf32>
    %lt3A_857 = arith.cmpi slt, %iota3A_841, %iota3A_842 : vector<64x64xi32>
    %and3A_858 = arith.andi %eq3A_856, %lt3A_857 : vector<64x64xi1>
    %or3A_859 = arith.ori %gt3A_853, %and3A_858 : vector<64x64xi1>
    %convert_element_type3A_860 = arith.extui %or3A_859 : vector<64x64xi1> to vector<64x64xi32>
    %convert_element_type3A_861 = arith.sitofp %convert_element_type3A_860 : vector<64x64xi32> to vector<64x64xf32>
    %reduce_sum3A_862 = arith.constant dense<0.000000e+00> : vector<64xf32>
    %reduce_sum3A_863 = vector.multi_reduction <add>, %convert_element_type3A_861, %reduce_sum3A_862 [0] : vector<64x64xf32> to vector<64xf32>
    %broadcast_in_dim3A_864 = vector.shape_cast %reduce_sum3A_863 : vector<64xf32> to vector<1x64xf32>
    %iota3A_865 = tpu.iota {dimensions = array<i32: 0>} : vector<32x64xi32>
    %convert_element_type3A_866 = arith.sitofp %iota3A_865 : vector<32x64xi32> to vector<32x64xf32>
    %eq3A_867 = vector.broadcast %broadcast_in_dim3A_864 : vector<1x64xf32> to vector<32x64xf32>
    %eq3A_868 = arith.cmpf oeq, %convert_element_type3A_866, %eq3A_867 : vector<32x64xf32>
    %convert_element_type3A_869 = arith.extui %eq3A_868 : vector<32x64xi1> to vector<32x64xi32>
    %convert_element_type3A_870 = arith.sitofp %convert_element_type3A_869 : vector<32x64xi32> to vector<32x64xf32>
    %mul3A_871 = vector.broadcast %logistic3A_840 : vector<64x1xf32> to vector<64x256xf32>
    %mul3A_872 = arith.mulf %max3A_93, %mul3A_871 : vector<64x256xf32>
    %dot_general3A_873 = arith.constant dense<0.000000e+00> : vector<32x256xf32>
    %dot_general3A_874 = tpu.matmul %convert_element_type3A_870, %mul3A_872, %dot_general3A_873 {dimension_numbers = #tpu.dot_dimension_numbers<[1], [0], [0], [1], [0, 0, 1, 1], [], []>, precision = #tpu.contract_precision<fp32>, transpose_lhs_hint = false} : vector<32x64xf32>, vector<64x256xf32>, vector<32x256xf32> -> vector<32x256xf32>
    %swap3A_875 = arith.constant 1 : index
    %swap3A_876 = arith.constant 0 : index
    %swap3A_877 = arith.constant 0 : index
    %swap3A_878 = vector.load %arg7[%swap3A_875, %swap3A_876, %swap3A_877] : memref<16x32x256xf32, #tpu.memory_space<vmem>>, vector<1x32x256xf32>
    %swap3A_879 = vector.shape_cast %swap3A_878 : vector<1x32x256xf32> to vector<32x256xf32>
    %swap3A_880 = vector.shape_cast %dot_general3A_874 : vector<32x256xf32> to vector<1x32x256xf32>
    tpu.vector_store %arg7[%swap3A_875, %swap3A_876, %swap3A_877], %swap3A_880 {strides = array<i32>} : memref<16x32x256xf32, #tpu.memory_space<vmem>>, vector<1x32x256xf32>,
    %convert_element_type3A_881 = arith.fptosi %broadcast_in_dim3A_864 : vector<1x64xf32> to vector<1x64xi32>
    %swap3A_882 = arith.constant 1 : index
    %swap3A_883 = arith.constant 0 : index
    %swap3A_884 = arith.constant 0 : index
    %swap3A_885 = vector.load %arg8[%swap3A_882, %swap3A_883, %swap3A_884] : memref<16x1x64xi32, #tpu.memory_space<vmem>>, vector<1x1x64xi32>
    %swap3A_886 = vector.shape_cast %swap3A_885 : vector<1x1x64xi32> to vector<1x64xi32>
    %swap3A_887 = vector.shape_cast %convert_element_type3A_881 : vector<1x64xi32> to vector<1x1x64xi32>
    tpu.vector_store %arg8[%swap3A_882, %swap3A_883, %swap3A_884], %swap3A_887 {strides = array<i32>} : memref<16x1x64xi32, #tpu.memory_space<vmem>>, vector<1x1x64xi32>,
    %slice3A_888 = vector.extract_strided_slice %slice3A_785 {offsets = [128, 0], sizes = [64, 1], strides = [1, 1]} : vector<1024x1xf32> to vector<64x1xf32>
    %logistic3A_889 = arith.negf %slice3A_888 : vector<64x1xf32>
    %logistic3A_890 = math.exp %logistic3A_889 : vector<64x1xf32>
    %logistic3A_891 = arith.constant 1.000000e+00 : f32
    %logistic3A_892 = vector.broadcast %logistic3A_891 : f32 to vector<64x1xf32>
    %logistic3A_893 = arith.addf %logistic3A_892, %logistic3A_890 : vector<64x1xf32>
    %logistic3A_894 = arith.divf %logistic3A_892, %logistic3A_893 : vector<64x1xf32>
    %iota3A_895 = tpu.iota {dimensions = array<i32: 0>} : vector<64x64xi32>
    %iota3A_896 = tpu.iota {dimensions = array<i32: 1>} : vector<64x64xi32>
    %eq3A_897 = arith.cmpi eq, %iota3A_895, %iota3A_896 : vector<64x64xi32>
    %convert_element_type3A_898 = arith.extui %eq3A_897 : vector<64x64xi1> to vector<64x64xi32>
    %convert_element_type3A_899 = arith.sitofp %convert_element_type3A_898 : vector<64x64xi32> to vector<64x64xf32>
    %mul3A_900 = vector.broadcast %logistic3A_894 : vector<64x1xf32> to vector<64x64xf32>
    %mul3A_901 = arith.mulf %mul3A_900, %convert_element_type3A_899 : vector<64x64xf32>
    %reduce_sum3A_902 = arith.constant dense<0.000000e+00> : vector<64xf32>
    %reduce_sum3A_903 = vector.multi_reduction <add>, %mul3A_901, %reduce_sum3A_902 [0] : vector<64x64xf32> to vector<64xf32>
    %broadcast_in_dim3A_904 = vector.shape_cast %reduce_sum3A_903 : vector<64xf32> to vector<1x64xf32>
    %gt3A_905 = vector.broadcast %logistic3A_894 : vector<64x1xf32> to vector<64x64xf32>
    %gt3A_906 = vector.broadcast %broadcast_in_dim3A_904 : vector<1x64xf32> to vector<64x64xf32>
    %gt3A_907 = arith.cmpf ogt, %gt3A_905, %gt3A_906 : vector<64x64xf32>
    %eq3A_908 = vector.broadcast %logistic3A_894 : vector<64x1xf32> to vector<64x64xf32>
    %eq3A_909 = vector.broadcast %broadcast_in_dim3A_904 : vector<1x64xf32> to vector<64x64xf32>
    %eq3A_910 = arith.cmpf oeq, %eq3A_908, %eq3A_909 : vector<64x64xf32>
    %lt3A_911 = arith.cmpi slt, %iota3A_895, %iota3A_896 : vector<64x64xi32>
    %and3A_912 = arith.andi %eq3A_910, %lt3A_911 : vector<64x64xi1>
    %or3A_913 = arith.ori %gt3A_907, %and3A_912 : vector<64x64xi1>
    %convert_element_type3A_914 = arith.extui %or3A_913 : vector<64x64xi1> to vector<64x64xi32>
    %convert_element_type3A_915 = arith.sitofp %convert_element_type3A_914 : vector<64x64xi32> to vector<64x64xf32>
    %reduce_sum3A_916 = arith.constant dense<0.000000e+00> : vector<64xf32>
    %reduce_sum3A_917 = vector.multi_reduction <add>, %convert_element_type3A_915, %reduce_sum3A_916 [0] : vector<64x64xf32> to vector<64xf32>
    %broadcast_in_dim3A_918 = vector.shape_cast %reduce_sum3A_917 : vector<64xf32> to vector<1x64xf32>
    %iota3A_919 = tpu.iota {dimensions = array<i32: 0>} : vector<32x64xi32>
    %convert_element_type3A_920 = arith.sitofp %iota3A_919 : vector<32x64xi32> to vector<32x64xf32>
    %eq3A_921 = vector.broadcast %broadcast_in_dim3A_918 : vector<1x64xf32> to vector<32x64xf32>
    %eq3A_922 = arith.cmpf oeq, %convert_element_type3A_920, %eq3A_921 : vector<32x64xf32>
    %convert_element_type3A_923 = arith.extui %eq3A_922 : vector<32x64xi1> to vector<32x64xi32>
    %convert_element_type3A_924 = arith.sitofp %convert_element_type3A_923 : vector<32x64xi32> to vector<32x64xf32>
    %mul3A_925 = vector.broadcast %logistic3A_894 : vector<64x1xf32> to vector<64x256xf32>
    %mul3A_926 = arith.mulf %max3A_142, %mul3A_925 : vector<64x256xf32>
    %dot_general3A_927 = arith.constant dense<0.000000e+00> : vector<32x256xf32>
    %dot_general3A_928 = tpu.matmul %convert_element_type3A_924, %mul3A_926, %dot_general3A_927 {dimension_numbers = #tpu.dot_dimension_numbers<[1], [0], [0], [1], [0, 0, 1, 1], [], []>, precision = #tpu.contract_precision<fp32>, transpose_lhs_hint = false} : vector<32x64xf32>, vector<64x256xf32>, vector<32x256xf32> -> vector<32x256xf32>
    %swap3A_929 = arith.constant 2 : index
    %swap3A_930 = arith.constant 0 : index
    %swap3A_931 = arith.constant 0 : index
    %swap3A_932 = vector.load %arg7[%swap3A_929, %swap3A_930, %swap3A_931] : memref<16x32x256xf32, #tpu.memory_space<vmem>>, vector<1x32x256xf32>
    %swap3A_933 = vector.shape_cast %swap3A_932 : vector<1x32x256xf32> to vector<32x256xf32>
    %swap3A_934 = vector.shape_cast %dot_general3A_928 : vector<32x256xf32> to vector<1x32x256xf32>
    tpu.vector_store %arg7[%swap3A_929, %swap3A_930, %swap3A_931], %swap3A_934 {strides = array<i32>} : memref<16x32x256xf32, #tpu.memory_space<vmem>>, vector<1x32x256xf32>,
    %convert_element_type3A_935 = arith.fptosi %broadcast_in_dim3A_918 : vector<1x64xf32> to vector<1x64xi32>
    %swap3A_936 = arith.constant 2 : index
    %swap3A_937 = arith.constant 0 : index
    %swap3A_938 = arith.constant 0 : index
    %swap3A_939 = vector.load %arg8[%swap3A_936, %swap3A_937, %swap3A_938] : memref<16x1x64xi32, #tpu.memory_space<vmem>>, vector<1x1x64xi32>
    %swap3A_940 = vector.shape_cast %swap3A_939 : vector<1x1x64xi32> to vector<1x64xi32>
    %swap3A_941 = vector.shape_cast %convert_element_type3A_935 : vector<1x64xi32> to vector<1x1x64xi32>
    tpu.vector_store %arg8[%swap3A_936, %swap3A_937, %swap3A_938], %swap3A_941 {strides = array<i32>} : memref<16x1x64xi32, #tpu.memory_space<vmem>>, vector<1x1x64xi32>,
    %slice3A_942 = vector.extract_strided_slice %slice3A_785 {offsets = [192, 0], sizes = [64, 1], strides = [1, 1]} : vector<1024x1xf32> to vector<64x1xf32>
    %logistic3A_943 = arith.negf %slice3A_942 : vector<64x1xf32>
    %logistic3A_944 = math.exp %logistic3A_943 : vector<64x1xf32>
    %logistic3A_945 = arith.constant 1.000000e+00 : f32
    %logistic3A_946 = vector.broadcast %logistic3A_945 : f32 to vector<64x1xf32>
    %logistic3A_947 = arith.addf %logistic3A_946, %logistic3A_944 : vector<64x1xf32>
    %logistic3A_948 = arith.divf %logistic3A_946, %logistic3A_947 : vector<64x1xf32>
    %iota3A_949 = tpu.iota {dimensions = array<i32: 0>} : vector<64x64xi32>
    %iota3A_950 = tpu.iota {dimensions = array<i32: 1>} : vector<64x64xi32>
    %eq3A_951 = arith.cmpi eq, %iota3A_949, %iota3A_950 : vector<64x64xi32>
    %convert_element_type3A_952 = arith.extui %eq3A_951 : vector<64x64xi1> to vector<64x64xi32>
    %convert_element_type3A_953 = arith.sitofp %convert_element_type3A_952 : vector<64x64xi32> to vector<64x64xf32>
    %mul3A_954 = vector.broadcast %logistic3A_948 : vector<64x1xf32> to vector<64x64xf32>
    %mul3A_955 = arith.mulf %mul3A_954, %convert_element_type3A_953 : vector<64x64xf32>
    %reduce_sum3A_956 = arith.constant dense<0.000000e+00> : vector<64xf32>
    %reduce_sum3A_957 = vector.multi_reduction <add>, %mul3A_955, %reduce_sum3A_956 [0] : vector<64x64xf32> to vector<64xf32>
    %broadcast_in_dim3A_958 = vector.shape_cast %reduce_sum3A_957 : vector<64xf32> to vector<1x64xf32>
    %gt3A_959 = vector.broadcast %logistic3A_948 : vector<64x1xf32> to vector<64x64xf32>
    %gt3A_960 = vector.broadcast %broadcast_in_dim3A_958 : vector<1x64xf32> to vector<64x64xf32>
    %gt3A_961 = arith.cmpf ogt, %gt3A_959, %gt3A_960 : vector<64x64xf32>
    %eq3A_962 = vector.broadcast %logistic3A_948 : vector<64x1xf32> to vector<64x64xf32>
    %eq3A_963 = vector.broadcast %broadcast_in_dim3A_958 : vector<1x64xf32> to vector<64x64xf32>
    %eq3A_964 = arith.cmpf oeq, %eq3A_962, %eq3A_963 : vector<64x64xf32>
    %lt3A_965 = arith.cmpi slt, %iota3A_949, %iota3A_950 : vector<64x64xi32>
    %and3A_966 = arith.andi %eq3A_964, %lt3A_965 : vector<64x64xi1>
    %or3A_967 = arith.ori %gt3A_961, %and3A_966 : vector<64x64xi1>
    %convert_element_type3A_968 = arith.extui %or3A_967 : vector<64x64xi1> to vector<64x64xi32>
    %convert_element_type3A_969 = arith.sitofp %convert_element_type3A_968 : vector<64x64xi32> to vector<64x64xf32>
    %reduce_sum3A_970 = arith.constant dense<0.000000e+00> : vector<64xf32>
    %reduce_sum3A_971 = vector.multi_reduction <add>, %convert_element_type3A_969, %reduce_sum3A_970 [0] : vector<64x64xf32> to vector<64xf32>
    %broadcast_in_dim3A_972 = vector.shape_cast %reduce_sum3A_971 : vector<64xf32> to vector<1x64xf32>
    %iota3A_973 = tpu.iota {dimensions = array<i32: 0>} : vector<32x64xi32>
    %convert_element_type3A_974 = arith.sitofp %iota3A_973 : vector<32x64xi32> to vector<32x64xf32>
    %eq3A_975 = vector.broadcast %broadcast_in_dim3A_972 : vector<1x64xf32> to vector<32x64xf32>
    %eq3A_976 = arith.cmpf oeq, %convert_element_type3A_974, %eq3A_975 : vector<32x64xf32>
    %convert_element_type3A_977 = arith.extui %eq3A_976 : vector<32x64xi1> to vector<32x64xi32>
    %convert_element_type3A_978 = arith.sitofp %convert_element_type3A_977 : vector<32x64xi32> to vector<32x64xf32>
    %mul3A_979 = vector.broadcast %logistic3A_948 : vector<64x1xf32> to vector<64x256xf32>
    %mul3A_980 = arith.mulf %max3A_191, %mul3A_979 : vector<64x256xf32>
    %dot_general3A_981 = arith.constant dense<0.000000e+00> : vector<32x256xf32>
    %dot_general3A_982 = tpu.matmul %convert_element_type3A_978, %mul3A_980, %dot_general3A_981 {dimension_numbers = #tpu.dot_dimension_numbers<[1], [0], [0], [1], [0, 0, 1, 1], [], []>, precision = #tpu.contract_precision<fp32>, transpose_lhs_hint = false} : vector<32x64xf32>, vector<64x256xf32>, vector<32x256xf32> -> vector<32x256xf32>
    %swap3A_983 = arith.constant 3 : index
    %swap3A_984 = arith.constant 0 : index
    %swap3A_985 = arith.constant 0 : index
    %swap3A_986 = vector.load %arg7[%swap3A_983, %swap3A_984, %swap3A_985] : memref<16x32x256xf32, #tpu.memory_space<vmem>>, vector<1x32x256xf32>
    %swap3A_987 = vector.shape_cast %swap3A_986 : vector<1x32x256xf32> to vector<32x256xf32>
    %swap3A_988 = vector.shape_cast %dot_general3A_982 : vector<32x256xf32> to vector<1x32x256xf32>
    tpu.vector_store %arg7[%swap3A_983, %swap3A_984, %swap3A_985], %swap3A_988 {strides = array<i32>} : memref<16x32x256xf32, #tpu.memory_space<vmem>>, vector<1x32x256xf32>,
    %convert_element_type3A_989 = arith.fptosi %broadcast_in_dim3A_972 : vector<1x64xf32> to vector<1x64xi32>
    %swap3A_990 = arith.constant 3 : index
    %swap3A_991 = arith.constant 0 : index
    %swap3A_992 = arith.constant 0 : index
    %swap3A_993 = vector.load %arg8[%swap3A_990, %swap3A_991, %swap3A_992] : memref<16x1x64xi32, #tpu.memory_space<vmem>>, vector<1x1x64xi32>
    %swap3A_994 = vector.shape_cast %swap3A_993 : vector<1x1x64xi32> to vector<1x64xi32>
    %swap3A_995 = vector.shape_cast %convert_element_type3A_989 : vector<1x64xi32> to vector<1x1x64xi32>
    tpu.vector_store %arg8[%swap3A_990, %swap3A_991, %swap3A_992], %swap3A_995 {strides = array<i32>} : memref<16x1x64xi32, #tpu.memory_space<vmem>>, vector<1x1x64xi32>,
    %slice3A_996 = vector.extract_strided_slice %slice3A_785 {offsets = [256, 0], sizes = [64, 1], strides = [1, 1]} : vector<1024x1xf32> to vector<64x1xf32>
    %logistic3A_997 = arith.negf %slice3A_996 : vector<64x1xf32>
    %logistic3A_998 = math.exp %logistic3A_997 : vector<64x1xf32>
    %logistic3A_999 = arith.constant 1.000000e+00 : f32
    %logistic3A_1000 = vector.broadcast %logistic3A_999 : f32 to vector<64x1xf32>
    %logistic3A_1001 = arith.addf %logistic3A_1000, %logistic3A_998 : vector<64x1xf32>
    %logistic3A_1002 = arith.divf %logistic3A_1000, %logistic3A_1001 : vector<64x1xf32>
    %iota3A_1003 = tpu.iota {dimensions = array<i32: 0>} : vector<64x64xi32>
    %iota3A_1004 = tpu.iota {dimensions = array<i32: 1>} : vector<64x64xi32>
    %eq3A_1005 = arith.cmpi eq, %iota3A_1003, %iota3A_1004 : vector<64x64xi32>
    %convert_element_type3A_1006 = arith.extui %eq3A_1005 : vector<64x64xi1> to vector<64x64xi32>
    %convert_element_type3A_1007 = arith.sitofp %convert_element_type3A_1006 : vector<64x64xi32> to vector<64x64xf32>
    %mul3A_1008 = vector.broadcast %logistic3A_1002 : vector<64x1xf32> to vector<64x64xf32>
    %mul3A_1009 = arith.mulf %mul3A_1008, %convert_element_type3A_1007 : vector<64x64xf32>
    %reduce_sum3A_1010 = arith.constant dense<0.000000e+00> : vector<64xf32>
    %reduce_sum3A_1011 = vector.multi_reduction <add>, %mul3A_1009, %reduce_sum3A_1010 [0] : vector<64x64xf32> to vector<64xf32>
    %broadcast_in_dim3A_1012 = vector.shape_cast %reduce_sum3A_1011 : vector<64xf32> to vector<1x64xf32>
    %gt3A_1013 = vector.broadcast %logistic3A_1002 : vector<64x1xf32> to vector<64x64xf32>
    %gt3A_1014 = vector.broadcast %broadcast_in_dim3A_1012 : vector<1x64xf32> to vector<64x64xf32>
    %gt3A_1015 = arith.cmpf ogt, %gt3A_1013, %gt3A_1014 : vector<64x64xf32>
    %eq3A_1016 = vector.broadcast %logistic3A_1002 : vector<64x1xf32> to vector<64x64xf32>
    %eq3A_1017 = vector.broadcast %broadcast_in_dim3A_1012 : vector<1x64xf32> to vector<64x64xf32>
    %eq3A_1018 = arith.cmpf oeq, %eq3A_1016, %eq3A_1017 : vector<64x64xf32>
    %lt3A_1019 = arith.cmpi slt, %iota3A_1003, %iota3A_1004 : vector<64x64xi32>
    %and3A_1020 = arith.andi %eq3A_1018, %lt3A_1019 : vector<64x64xi1>
    %or3A_1021 = arith.ori %gt3A_1015, %and3A_1020 : vector<64x64xi1>
    %convert_element_type3A_1022 = arith.extui %or3A_1021 : vector<64x64xi1> to vector<64x64xi32>
    %convert_element_type3A_1023 = arith.sitofp %convert_element_type3A_1022 : vector<64x64xi32> to vector<64x64xf32>
    %reduce_sum3A_1024 = arith.constant dense<0.000000e+00> : vector<64xf32>
    %reduce_sum3A_1025 = vector.multi_reduction <add>, %convert_element_type3A_1023, %reduce_sum3A_1024 [0] : vector<64x64xf32> to vector<64xf32>
    %broadcast_in_dim3A_1026 = vector.shape_cast %reduce_sum3A_1025 : vector<64xf32> to vector<1x64xf32>
    %iota3A_1027 = tpu.iota {dimensions = array<i32: 0>} : vector<32x64xi32>
    %convert_element_type3A_1028 = arith.sitofp %iota3A_1027 : vector<32x64xi32> to vector<32x64xf32>
    %eq3A_1029 = vector.broadcast %broadcast_in_dim3A_1026 : vector<1x64xf32> to vector<32x64xf32>
    %eq3A_1030 = arith.cmpf oeq, %convert_element_type3A_1028, %eq3A_1029 : vector<32x64xf32>
    %convert_element_type3A_1031 = arith.extui %eq3A_1030 : vector<32x64xi1> to vector<32x64xi32>
    %convert_element_type3A_1032 = arith.sitofp %convert_element_type3A_1031 : vector<32x64xi32> to vector<32x64xf32>
    %mul3A_1033 = vector.broadcast %logistic3A_1002 : vector<64x1xf32> to vector<64x256xf32>
    %mul3A_1034 = arith.mulf %max3A_240, %mul3A_1033 : vector<64x256xf32>
    %dot_general3A_1035 = arith.constant dense<0.000000e+00> : vector<32x256xf32>
    %dot_general3A_1036 = tpu.matmul %convert_element_type3A_1032, %mul3A_1034, %dot_general3A_1035 {dimension_numbers = #tpu.dot_dimension_numbers<[1], [0], [0], [1], [0, 0, 1, 1], [], []>, precision = #tpu.contract_precision<fp32>, transpose_lhs_hint = false} : vector<32x64xf32>, vector<64x256xf32>, vector<32x256xf32> -> vector<32x256xf32>
    %swap3A_1037 = arith.constant 4 : index
    %swap3A_1038 = arith.constant 0 : index
    %swap3A_1039 = arith.constant 0 : index
    %swap3A_1040 = vector.load %arg7[%swap3A_1037, %swap3A_1038, %swap3A_1039] : memref<16x32x256xf32, #tpu.memory_space<vmem>>, vector<1x32x256xf32>
    %swap3A_1041 = vector.shape_cast %swap3A_1040 : vector<1x32x256xf32> to vector<32x256xf32>
    %swap3A_1042 = vector.shape_cast %dot_general3A_1036 : vector<32x256xf32> to vector<1x32x256xf32>
    tpu.vector_store %arg7[%swap3A_1037, %swap3A_1038, %swap3A_1039], %swap3A_1042 {strides = array<i32>} : memref<16x32x256xf32, #tpu.memory_space<vmem>>, vector<1x32x256xf32>,
    %convert_element_type3A_1043 = arith.fptosi %broadcast_in_dim3A_1026 : vector<1x64xf32> to vector<1x64xi32>
    %swap3A_1044 = arith.constant 4 : index
    %swap3A_1045 = arith.constant 0 : index
    %swap3A_1046 = arith.constant 0 : index
    %swap3A_1047 = vector.load %arg8[%swap3A_1044, %swap3A_1045, %swap3A_1046] : memref<16x1x64xi32, #tpu.memory_space<vmem>>, vector<1x1x64xi32>
    %swap3A_1048 = vector.shape_cast %swap3A_1047 : vector<1x1x64xi32> to vector<1x64xi32>
    %swap3A_1049 = vector.shape_cast %convert_element_type3A_1043 : vector<1x64xi32> to vector<1x1x64xi32>
    tpu.vector_store %arg8[%swap3A_1044, %swap3A_1045, %swap3A_1046], %swap3A_1049 {strides = array<i32>} : memref<16x1x64xi32, #tpu.memory_space<vmem>>, vector<1x1x64xi32>,
    %slice3A_1050 = vector.extract_strided_slice %slice3A_785 {offsets = [320, 0], sizes = [64, 1], strides = [1, 1]} : vector<1024x1xf32> to vector<64x1xf32>
    %logistic3A_1051 = arith.negf %slice3A_1050 : vector<64x1xf32>
    %logistic3A_1052 = math.exp %logistic3A_1051 : vector<64x1xf32>
    %logistic3A_1053 = arith.constant 1.000000e+00 : f32
    %logistic3A_1054 = vector.broadcast %logistic3A_1053 : f32 to vector<64x1xf32>
    %logistic3A_1055 = arith.addf %logistic3A_1054, %logistic3A_1052 : vector<64x1xf32>
    %logistic3A_1056 = arith.divf %logistic3A_1054, %logistic3A_1055 : vector<64x1xf32>
    %iota3A_1057 = tpu.iota {dimensions = array<i32: 0>} : vector<64x64xi32>
    %iota3A_1058 = tpu.iota {dimensions = array<i32: 1>} : vector<64x64xi32>
    %eq3A_1059 = arith.cmpi eq, %iota3A_1057, %iota3A_1058 : vector<64x64xi32>
    %convert_element_type3A_1060 = arith.extui %eq3A_1059 : vector<64x64xi1> to vector<64x64xi32>
    %convert_element_type3A_1061 = arith.sitofp %convert_element_type3A_1060 : vector<64x64xi32> to vector<64x64xf32>
    %mul3A_1062 = vector.broadcast %logistic3A_1056 : vector<64x1xf32> to vector<64x64xf32>
    %mul3A_1063 = arith.mulf %mul3A_1062, %convert_element_type3A_1061 : vector<64x64xf32>
    %reduce_sum3A_1064 = arith.constant dense<0.000000e+00> : vector<64xf32>
    %reduce_sum3A_1065 = vector.multi_reduction <add>, %mul3A_1063, %reduce_sum3A_1064 [0] : vector<64x64xf32> to vector<64xf32>
    %broadcast_in_dim3A_1066 = vector.shape_cast %reduce_sum3A_1065 : vector<64xf32> to vector<1x64xf32>
    %gt3A_1067 = vector.broadcast %logistic3A_1056 : vector<64x1xf32> to vector<64x64xf32>
    %gt3A_1068 = vector.broadcast %broadcast_in_dim3A_1066 : vector<1x64xf32> to vector<64x64xf32>
    %gt3A_1069 = arith.cmpf ogt, %gt3A_1067, %gt3A_1068 : vector<64x64xf32>
    %eq3A_1070 = vector.broadcast %logistic3A_1056 : vector<64x1xf32> to vector<64x64xf32>
    %eq3A_1071 = vector.broadcast %broadcast_in_dim3A_1066 : vector<1x64xf32> to vector<64x64xf32>
    %eq3A_1072 = arith.cmpf oeq, %eq3A_1070, %eq3A_1071 : vector<64x64xf32>
    %lt3A_1073 = arith.cmpi slt, %iota3A_1057, %iota3A_1058 : vector<64x64xi32>
    %and3A_1074 = arith.andi %eq3A_1072, %lt3A_1073 : vector<64x64xi1>
    %or3A_1075 = arith.ori %gt3A_1069, %and3A_1074 : vector<64x64xi1>
    %convert_element_type3A_1076 = arith.extui %or3A_1075 : vector<64x64xi1> to vector<64x64xi32>
    %convert_element_type3A_1077 = arith.sitofp %convert_element_type3A_1076 : vector<64x64xi32> to vector<64x64xf32>
    %reduce_sum3A_1078 = arith.constant dense<0.000000e+00> : vector<64xf32>
    %reduce_sum3A_1079 = vector.multi_reduction <add>, %convert_element_type3A_1077, %reduce_sum3A_1078 [0] : vector<64x64xf32> to vector<64xf32>
    %broadcast_in_dim3A_1080 = vector.shape_cast %reduce_sum3A_1079 : vector<64xf32> to vector<1x64xf32>
    %iota3A_1081 = tpu.iota {dimensions = array<i32: 0>} : vector<32x64xi32>
    %convert_element_type3A_1082 = arith.sitofp %iota3A_1081 : vector<32x64xi32> to vector<32x64xf32>
    %eq3A_1083 = vector.broadcast %broadcast_in_dim3A_1080 : vector<1x64xf32> to vector<32x64xf32>
    %eq3A_1084 = arith.cmpf oeq, %convert_element_type3A_1082, %eq3A_1083 : vector<32x64xf32>
    %convert_element_type3A_1085 = arith.extui %eq3A_1084 : vector<32x64xi1> to vector<32x64xi32>
    %convert_element_type3A_1086 = arith.sitofp %convert_element_type3A_1085 : vector<32x64xi32> to vector<32x64xf32>
    %mul3A_1087 = vector.broadcast %logistic3A_1056 : vector<64x1xf32> to vector<64x256xf32>
    %mul3A_1088 = arith.mulf %max3A_289, %mul3A_1087 : vector<64x256xf32>
    %dot_general3A_1089 = arith.constant dense<0.000000e+00> : vector<32x256xf32>
    %dot_general3A_1090 = tpu.matmul %convert_element_type3A_1086, %mul3A_1088, %dot_general3A_1089 {dimension_numbers = #tpu.dot_dimension_numbers<[1], [0], [0], [1], [0, 0, 1, 1], [], []>, precision = #tpu.contract_precision<fp32>, transpose_lhs_hint = false} : vector<32x64xf32>, vector<64x256xf32>, vector<32x256xf32> -> vector<32x256xf32>
    %swap3A_1091 = arith.constant 5 : index
    %swap3A_1092 = arith.constant 0 : index
    %swap3A_1093 = arith.constant 0 : index
    %swap3A_1094 = vector.load %arg7[%swap3A_1091, %swap3A_1092, %swap3A_1093] : memref<16x32x256xf32, #tpu.memory_space<vmem>>, vector<1x32x256xf32>
    %swap3A_1095 = vector.shape_cast %swap3A_1094 : vector<1x32x256xf32> to vector<32x256xf32>
    %swap3A_1096 = vector.shape_cast %dot_general3A_1090 : vector<32x256xf32> to vector<1x32x256xf32>
    tpu.vector_store %arg7[%swap3A_1091, %swap3A_1092, %swap3A_1093], %swap3A_1096 {strides = array<i32>} : memref<16x32x256xf32, #tpu.memory_space<vmem>>, vector<1x32x256xf32>,
    %convert_element_type3A_1097 = arith.fptosi %broadcast_in_dim3A_1080 : vector<1x64xf32> to vector<1x64xi32>
    %swap3A_1098 = arith.constant 5 : index
    %swap3A_1099 = arith.constant 0 : index
    %swap3A_1100 = arith.constant 0 : index
    %swap3A_1101 = vector.load %arg8[%swap3A_1098, %swap3A_1099, %swap3A_1100] : memref<16x1x64xi32, #tpu.memory_space<vmem>>, vector<1x1x64xi32>
    %swap3A_1102 = vector.shape_cast %swap3A_1101 : vector<1x1x64xi32> to vector<1x64xi32>
    %swap3A_1103 = vector.shape_cast %convert_element_type3A_1097 : vector<1x64xi32> to vector<1x1x64xi32>
    tpu.vector_store %arg8[%swap3A_1098, %swap3A_1099, %swap3A_1100], %swap3A_1103 {strides = array<i32>} : memref<16x1x64xi32, #tpu.memory_space<vmem>>, vector<1x1x64xi32>,
    %slice3A_1104 = vector.extract_strided_slice %slice3A_785 {offsets = [384, 0], sizes = [64, 1], strides = [1, 1]} : vector<1024x1xf32> to vector<64x1xf32>
    %logistic3A_1105 = arith.negf %slice3A_1104 : vector<64x1xf32>
    %logistic3A_1106 = math.exp %logistic3A_1105 : vector<64x1xf32>
    %logistic3A_1107 = arith.constant 1.000000e+00 : f32
    %logistic3A_1108 = vector.broadcast %logistic3A_1107 : f32 to vector<64x1xf32>
    %logistic3A_1109 = arith.addf %logistic3A_1108, %logistic3A_1106 : vector<64x1xf32>
    %logistic3A_1110 = arith.divf %logistic3A_1108, %logistic3A_1109 : vector<64x1xf32>
    %iota3A_1111 = tpu.iota {dimensions = array<i32: 0>} : vector<64x64xi32>
    %iota3A_1112 = tpu.iota {dimensions = array<i32: 1>} : vector<64x64xi32>
    %eq3A_1113 = arith.cmpi eq, %iota3A_1111, %iota3A_1112 : vector<64x64xi32>
    %convert_element_type3A_1114 = arith.extui %eq3A_1113 : vector<64x64xi1> to vector<64x64xi32>
    %convert_element_type3A_1115 = arith.sitofp %convert_element_type3A_1114 : vector<64x64xi32> to vector<64x64xf32>
    %mul3A_1116 = vector.broadcast %logistic3A_1110 : vector<64x1xf32> to vector<64x64xf32>
    %mul3A_1117 = arith.mulf %mul3A_1116, %convert_element_type3A_1115 : vector<64x64xf32>
    %reduce_sum3A_1118 = arith.constant dense<0.000000e+00> : vector<64xf32>
    %reduce_sum3A_1119 = vector.multi_reduction <add>, %mul3A_1117, %reduce_sum3A_1118 [0] : vector<64x64xf32> to vector<64xf32>
    %broadcast_in_dim3A_1120 = vector.shape_cast %reduce_sum3A_1119 : vector<64xf32> to vector<1x64xf32>
    %gt3A_1121 = vector.broadcast %logistic3A_1110 : vector<64x1xf32> to vector<64x64xf32>
    %gt3A_1122 = vector.broadcast %broadcast_in_dim3A_1120 : vector<1x64xf32> to vector<64x64xf32>
    %gt3A_1123 = arith.cmpf ogt, %gt3A_1121, %gt3A_1122 : vector<64x64xf32>
    %eq3A_1124 = vector.broadcast %logistic3A_1110 : vector<64x1xf32> to vector<64x64xf32>
    %eq3A_1125 = vector.broadcast %broadcast_in_dim3A_1120 : vector<1x64xf32> to vector<64x64xf32>
    %eq3A_1126 = arith.cmpf oeq, %eq3A_1124, %eq3A_1125 : vector<64x64xf32>
    %lt3A_1127 = arith.cmpi slt, %iota3A_1111, %iota3A_1112 : vector<64x64xi32>
    %and3A_1128 = arith.andi %eq3A_1126, %lt3A_1127 : vector<64x64xi1>
    %or3A_1129 = arith.ori %gt3A_1123, %and3A_1128 : vector<64x64xi1>
    %convert_element_type3A_1130 = arith.extui %or3A_1129 : vector<64x64xi1> to vector<64x64xi32>
    %convert_element_type3A_1131 = arith.sitofp %convert_element_type3A_1130 : vector<64x64xi32> to vector<64x64xf32>
    %reduce_sum3A_1132 = arith.constant dense<0.000000e+00> : vector<64xf32>
    %reduce_sum3A_1133 = vector.multi_reduction <add>, %convert_element_type3A_1131, %reduce_sum3A_1132 [0] : vector<64x64xf32> to vector<64xf32>
    %broadcast_in_dim3A_1134 = vector.shape_cast %reduce_sum3A_1133 : vector<64xf32> to vector<1x64xf32>
    %iota3A_1135 = tpu.iota {dimensions = array<i32: 0>} : vector<32x64xi32>
    %convert_element_type3A_1136 = arith.sitofp %iota3A_1135 : vector<32x64xi32> to vector<32x64xf32>
    %eq3A_1137 = vector.broadcast %broadcast_in_dim3A_1134 : vector<1x64xf32> to vector<32x64xf32>
    %eq3A_1138 = arith.cmpf oeq, %convert_element_type3A_1136, %eq3A_1137 : vector<32x64xf32>
    %convert_element_type3A_1139 = arith.extui %eq3A_1138 : vector<32x64xi1> to vector<32x64xi32>
    %convert_element_type3A_1140 = arith.sitofp %convert_element_type3A_1139 : vector<32x64xi32> to vector<32x64xf32>
    %mul3A_1141 = vector.broadcast %logistic3A_1110 : vector<64x1xf32> to vector<64x256xf32>
    %mul3A_1142 = arith.mulf %max3A_338, %mul3A_1141 : vector<64x256xf32>
    %dot_general3A_1143 = arith.constant dense<0.000000e+00> : vector<32x256xf32>
    %dot_general3A_1144 = tpu.matmul %convert_element_type3A_1140, %mul3A_1142, %dot_general3A_1143 {dimension_numbers = #tpu.dot_dimension_numbers<[1], [0], [0], [1], [0, 0, 1, 1], [], []>, precision = #tpu.contract_precision<fp32>, transpose_lhs_hint = false} : vector<32x64xf32>, vector<64x256xf32>, vector<32x256xf32> -> vector<32x256xf32>
    %swap3A_1145 = arith.constant 6 : index
    %swap3A_1146 = arith.constant 0 : index
    %swap3A_1147 = arith.constant 0 : index
    %swap3A_1148 = vector.load %arg7[%swap3A_1145, %swap3A_1146, %swap3A_1147] : memref<16x32x256xf32, #tpu.memory_space<vmem>>, vector<1x32x256xf32>
    %swap3A_1149 = vector.shape_cast %swap3A_1148 : vector<1x32x256xf32> to vector<32x256xf32>
    %swap3A_1150 = vector.shape_cast %dot_general3A_1144 : vector<32x256xf32> to vector<1x32x256xf32>
    tpu.vector_store %arg7[%swap3A_1145, %swap3A_1146, %swap3A_1147], %swap3A_1150 {strides = array<i32>} : memref<16x32x256xf32, #tpu.memory_space<vmem>>, vector<1x32x256xf32>,
    %convert_element_type3A_1151 = arith.fptosi %broadcast_in_dim3A_1134 : vector<1x64xf32> to vector<1x64xi32>
    %swap3A_1152 = arith.constant 6 : index
    %swap3A_1153 = arith.constant 0 : index
    %swap3A_1154 = arith.constant 0 : index
    %swap3A_1155 = vector.load %arg8[%swap3A_1152, %swap3A_1153, %swap3A_1154] : memref<16x1x64xi32, #tpu.memory_space<vmem>>, vector<1x1x64xi32>
    %swap3A_1156 = vector.shape_cast %swap3A_1155 : vector<1x1x64xi32> to vector<1x64xi32>
    %swap3A_1157 = vector.shape_cast %convert_element_type3A_1151 : vector<1x64xi32> to vector<1x1x64xi32>
    tpu.vector_store %arg8[%swap3A_1152, %swap3A_1153, %swap3A_1154], %swap3A_1157 {strides = array<i32>} : memref<16x1x64xi32, #tpu.memory_space<vmem>>, vector<1x1x64xi32>,
    %slice3A_1158 = vector.extract_strided_slice %slice3A_785 {offsets = [448, 0], sizes = [64, 1], strides = [1, 1]} : vector<1024x1xf32> to vector<64x1xf32>
    %logistic3A_1159 = arith.negf %slice3A_1158 : vector<64x1xf32>
    %logistic3A_1160 = math.exp %logistic3A_1159 : vector<64x1xf32>
    %logistic3A_1161 = arith.constant 1.000000e+00 : f32
    %logistic3A_1162 = vector.broadcast %logistic3A_1161 : f32 to vector<64x1xf32>
    %logistic3A_1163 = arith.addf %logistic3A_1162, %logistic3A_1160 : vector<64x1xf32>
    %logistic3A_1164 = arith.divf %logistic3A_1162, %logistic3A_1163 : vector<64x1xf32>
    %iota3A_1165 = tpu.iota {dimensions = array<i32: 0>} : vector<64x64xi32>
    %iota3A_1166 = tpu.iota {dimensions = array<i32: 1>} : vector<64x64xi32>
    %eq3A_1167 = arith.cmpi eq, %iota3A_1165, %iota3A_1166 : vector<64x64xi32>
    %convert_element_type3A_1168 = arith.extui %eq3A_1167 : vector<64x64xi1> to vector<64x64xi32>
    %convert_element_type3A_1169 = arith.sitofp %convert_element_type3A_1168 : vector<64x64xi32> to vector<64x64xf32>
    %mul3A_1170 = vector.broadcast %logistic3A_1164 : vector<64x1xf32> to vector<64x64xf32>
    %mul3A_1171 = arith.mulf %mul3A_1170, %convert_element_type3A_1169 : vector<64x64xf32>
    %reduce_sum3A_1172 = arith.constant dense<0.000000e+00> : vector<64xf32>
    %reduce_sum3A_1173 = vector.multi_reduction <add>, %mul3A_1171, %reduce_sum3A_1172 [0] : vector<64x64xf32> to vector<64xf32>
    %broadcast_in_dim3A_1174 = vector.shape_cast %reduce_sum3A_1173 : vector<64xf32> to vector<1x64xf32>
    %gt3A_1175 = vector.broadcast %logistic3A_1164 : vector<64x1xf32> to vector<64x64xf32>
    %gt3A_1176 = vector.broadcast %broadcast_in_dim3A_1174 : vector<1x64xf32> to vector<64x64xf32>
    %gt3A_1177 = arith.cmpf ogt, %gt3A_1175, %gt3A_1176 : vector<64x64xf32>
    %eq3A_1178 = vector.broadcast %logistic3A_1164 : vector<64x1xf32> to vector<64x64xf32>
    %eq3A_1179 = vector.broadcast %broadcast_in_dim3A_1174 : vector<1x64xf32> to vector<64x64xf32>
    %eq3A_1180 = arith.cmpf oeq, %eq3A_1178, %eq3A_1179 : vector<64x64xf32>
    %lt3A_1181 = arith.cmpi slt, %iota3A_1165, %iota3A_1166 : vector<64x64xi32>
    %and3A_1182 = arith.andi %eq3A_1180, %lt3A_1181 : vector<64x64xi1>
    %or3A_1183 = arith.ori %gt3A_1177, %and3A_1182 : vector<64x64xi1>
    %convert_element_type3A_1184 = arith.extui %or3A_1183 : vector<64x64xi1> to vector<64x64xi32>
    %convert_element_type3A_1185 = arith.sitofp %convert_element_type3A_1184 : vector<64x64xi32> to vector<64x64xf32>
    %reduce_sum3A_1186 = arith.constant dense<0.000000e+00> : vector<64xf32>
    %reduce_sum3A_1187 = vector.multi_reduction <add>, %convert_element_type3A_1185, %reduce_sum3A_1186 [0] : vector<64x64xf32> to vector<64xf32>
    %broadcast_in_dim3A_1188 = vector.shape_cast %reduce_sum3A_1187 : vector<64xf32> to vector<1x64xf32>
    %iota3A_1189 = tpu.iota {dimensions = array<i32: 0>} : vector<32x64xi32>
    %convert_element_type3A_1190 = arith.sitofp %iota3A_1189 : vector<32x64xi32> to vector<32x64xf32>
    %eq3A_1191 = vector.broadcast %broadcast_in_dim3A_1188 : vector<1x64xf32> to vector<32x64xf32>
    %eq3A_1192 = arith.cmpf oeq, %convert_element_type3A_1190, %eq3A_1191 : vector<32x64xf32>
    %convert_element_type3A_1193 = arith.extui %eq3A_1192 : vector<32x64xi1> to vector<32x64xi32>
    %convert_element_type3A_1194 = arith.sitofp %convert_element_type3A_1193 : vector<32x64xi32> to vector<32x64xf32>
    %mul3A_1195 = vector.broadcast %logistic3A_1164 : vector<64x1xf32> to vector<64x256xf32>
    %mul3A_1196 = arith.mulf %max3A_387, %mul3A_1195 : vector<64x256xf32>
    %dot_general3A_1197 = arith.constant dense<0.000000e+00> : vector<32x256xf32>
    %dot_general3A_1198 = tpu.matmul %convert_element_type3A_1194, %mul3A_1196, %dot_general3A_1197 {dimension_numbers = #tpu.dot_dimension_numbers<[1], [0], [0], [1], [0, 0, 1, 1], [], []>, precision = #tpu.contract_precision<fp32>, transpose_lhs_hint = false} : vector<32x64xf32>, vector<64x256xf32>, vector<32x256xf32> -> vector<32x256xf32>
    %swap3A_1199 = arith.constant 7 : index
    %swap3A_1200 = arith.constant 0 : index
    %swap3A_1201 = arith.constant 0 : index
    %swap3A_1202 = vector.load %arg7[%swap3A_1199, %swap3A_1200, %swap3A_1201] : memref<16x32x256xf32, #tpu.memory_space<vmem>>, vector<1x32x256xf32>
    %swap3A_1203 = vector.shape_cast %swap3A_1202 : vector<1x32x256xf32> to vector<32x256xf32>
    %swap3A_1204 = vector.shape_cast %dot_general3A_1198 : vector<32x256xf32> to vector<1x32x256xf32>
    tpu.vector_store %arg7[%swap3A_1199, %swap3A_1200, %swap3A_1201], %swap3A_1204 {strides = array<i32>} : memref<16x32x256xf32, #tpu.memory_space<vmem>>, vector<1x32x256xf32>,
    %convert_element_type3A_1205 = arith.fptosi %broadcast_in_dim3A_1188 : vector<1x64xf32> to vector<1x64xi32>
    %swap3A_1206 = arith.constant 7 : index
    %swap3A_1207 = arith.constant 0 : index
    %swap3A_1208 = arith.constant 0 : index
    %swap3A_1209 = vector.load %arg8[%swap3A_1206, %swap3A_1207, %swap3A_1208] : memref<16x1x64xi32, #tpu.memory_space<vmem>>, vector<1x1x64xi32>
    %swap3A_1210 = vector.shape_cast %swap3A_1209 : vector<1x1x64xi32> to vector<1x64xi32>
    %swap3A_1211 = vector.shape_cast %convert_element_type3A_1205 : vector<1x64xi32> to vector<1x1x64xi32>
    tpu.vector_store %arg8[%swap3A_1206, %swap3A_1207, %swap3A_1208], %swap3A_1211 {strides = array<i32>} : memref<16x1x64xi32, #tpu.memory_space<vmem>>, vector<1x1x64xi32>,
    %slice3A_1212 = vector.extract_strided_slice %slice3A_785 {offsets = [512, 0], sizes = [64, 1], strides = [1, 1]} : vector<1024x1xf32> to vector<64x1xf32>
    %logistic3A_1213 = arith.negf %slice3A_1212 : vector<64x1xf32>
    %logistic3A_1214 = math.exp %logistic3A_1213 : vector<64x1xf32>
    %logistic3A_1215 = arith.constant 1.000000e+00 : f32
    %logistic3A_1216 = vector.broadcast %logistic3A_1215 : f32 to vector<64x1xf32>
    %logistic3A_1217 = arith.addf %logistic3A_1216, %logistic3A_1214 : vector<64x1xf32>
    %logistic3A_1218 = arith.divf %logistic3A_1216, %logistic3A_1217 : vector<64x1xf32>
    %iota3A_1219 = tpu.iota {dimensions = array<i32: 0>} : vector<64x64xi32>
    %iota3A_1220 = tpu.iota {dimensions = array<i32: 1>} : vector<64x64xi32>
    %eq3A_1221 = arith.cmpi eq, %iota3A_1219, %iota3A_1220 : vector<64x64xi32>
    %convert_element_type3A_1222 = arith.extui %eq3A_1221 : vector<64x64xi1> to vector<64x64xi32>
    %convert_element_type3A_1223 = arith.sitofp %convert_element_type3A_1222 : vector<64x64xi32> to vector<64x64xf32>
    %mul3A_1224 = vector.broadcast %logistic3A_1218 : vector<64x1xf32> to vector<64x64xf32>
    %mul3A_1225 = arith.mulf %mul3A_1224, %convert_element_type3A_1223 : vector<64x64xf32>
    %reduce_sum3A_1226 = arith.constant dense<0.000000e+00> : vector<64xf32>
    %reduce_sum3A_1227 = vector.multi_reduction <add>, %mul3A_1225, %reduce_sum3A_1226 [0] : vector<64x64xf32> to vector<64xf32>
    %broadcast_in_dim3A_1228 = vector.shape_cast %reduce_sum3A_1227 : vector<64xf32> to vector<1x64xf32>
    %gt3A_1229 = vector.broadcast %logistic3A_1218 : vector<64x1xf32> to vector<64x64xf32>
    %gt3A_1230 = vector.broadcast %broadcast_in_dim3A_1228 : vector<1x64xf32> to vector<64x64xf32>
    %gt3A_1231 = arith.cmpf ogt, %gt3A_1229, %gt3A_1230 : vector<64x64xf32>
    %eq3A_1232 = vector.broadcast %logistic3A_1218 : vector<64x1xf32> to vector<64x64xf32>
    %eq3A_1233 = vector.broadcast %broadcast_in_dim3A_1228 : vector<1x64xf32> to vector<64x64xf32>
    %eq3A_1234 = arith.cmpf oeq, %eq3A_1232, %eq3A_1233 : vector<64x64xf32>
    %lt3A_1235 = arith.cmpi slt, %iota3A_1219, %iota3A_1220 : vector<64x64xi32>
    %and3A_1236 = arith.andi %eq3A_1234, %lt3A_1235 : vector<64x64xi1>
    %or3A_1237 = arith.ori %gt3A_1231, %and3A_1236 : vector<64x64xi1>
    %convert_element_type3A_1238 = arith.extui %or3A_1237 : vector<64x64xi1> to vector<64x64xi32>
    %convert_element_type3A_1239 = arith.sitofp %convert_element_type3A_1238 : vector<64x64xi32> to vector<64x64xf32>
    %reduce_sum3A_1240 = arith.constant dense<0.000000e+00> : vector<64xf32>
    %reduce_sum3A_1241 = vector.multi_reduction <add>, %convert_element_type3A_1239, %reduce_sum3A_1240 [0] : vector<64x64xf32> to vector<64xf32>
    %broadcast_in_dim3A_1242 = vector.shape_cast %reduce_sum3A_1241 : vector<64xf32> to vector<1x64xf32>
    %iota3A_1243 = tpu.iota {dimensions = array<i32: 0>} : vector<32x64xi32>
    %convert_element_type3A_1244 = arith.sitofp %iota3A_1243 : vector<32x64xi32> to vector<32x64xf32>
    %eq3A_1245 = vector.broadcast %broadcast_in_dim3A_1242 : vector<1x64xf32> to vector<32x64xf32>
    %eq3A_1246 = arith.cmpf oeq, %convert_element_type3A_1244, %eq3A_1245 : vector<32x64xf32>
    %convert_element_type3A_1247 = arith.extui %eq3A_1246 : vector<32x64xi1> to vector<32x64xi32>
    %convert_element_type3A_1248 = arith.sitofp %convert_element_type3A_1247 : vector<32x64xi32> to vector<32x64xf32>
    %mul3A_1249 = vector.broadcast %logistic3A_1218 : vector<64x1xf32> to vector<64x256xf32>
    %mul3A_1250 = arith.mulf %max3A_436, %mul3A_1249 : vector<64x256xf32>
    %dot_general3A_1251 = arith.constant dense<0.000000e+00> : vector<32x256xf32>
    %dot_general3A_1252 = tpu.matmul %convert_element_type3A_1248, %mul3A_1250, %dot_general3A_1251 {dimension_numbers = #tpu.dot_dimension_numbers<[1], [0], [0], [1], [0, 0, 1, 1], [], []>, precision = #tpu.contract_precision<fp32>, transpose_lhs_hint = false} : vector<32x64xf32>, vector<64x256xf32>, vector<32x256xf32> -> vector<32x256xf32>
    %swap3A_1253 = arith.constant 8 : index
    %swap3A_1254 = arith.constant 0 : index
    %swap3A_1255 = arith.constant 0 : index
    %swap3A_1256 = vector.load %arg7[%swap3A_1253, %swap3A_1254, %swap3A_1255] : memref<16x32x256xf32, #tpu.memory_space<vmem>>, vector<1x32x256xf32>
    %swap3A_1257 = vector.shape_cast %swap3A_1256 : vector<1x32x256xf32> to vector<32x256xf32>
    %swap3A_1258 = vector.shape_cast %dot_general3A_1252 : vector<32x256xf32> to vector<1x32x256xf32>
    tpu.vector_store %arg7[%swap3A_1253, %swap3A_1254, %swap3A_1255], %swap3A_1258 {strides = array<i32>} : memref<16x32x256xf32, #tpu.memory_space<vmem>>, vector<1x32x256xf32>,
    %convert_element_type3A_1259 = arith.fptosi %broadcast_in_dim3A_1242 : vector<1x64xf32> to vector<1x64xi32>
    %swap3A_1260 = arith.constant 8 : index
    %swap3A_1261 = arith.constant 0 : index
    %swap3A_1262 = arith.constant 0 : index
    %swap3A_1263 = vector.load %arg8[%swap3A_1260, %swap3A_1261, %swap3A_1262] : memref<16x1x64xi32, #tpu.memory_space<vmem>>, vector<1x1x64xi32>
    %swap3A_1264 = vector.shape_cast %swap3A_1263 : vector<1x1x64xi32> to vector<1x64xi32>
    %swap3A_1265 = vector.shape_cast %convert_element_type3A_1259 : vector<1x64xi32> to vector<1x1x64xi32>
    tpu.vector_store %arg8[%swap3A_1260, %swap3A_1261, %swap3A_1262], %swap3A_1265 {strides = array<i32>} : memref<16x1x64xi32, #tpu.memory_space<vmem>>, vector<1x1x64xi32>,
    %slice3A_1266 = vector.extract_strided_slice %slice3A_785 {offsets = [576, 0], sizes = [64, 1], strides = [1, 1]} : vector<1024x1xf32> to vector<64x1xf32>
    %logistic3A_1267 = arith.negf %slice3A_1266 : vector<64x1xf32>
    %logistic3A_1268 = math.exp %logistic3A_1267 : vector<64x1xf32>
    %logistic3A_1269 = arith.constant 1.000000e+00 : f32
    %logistic3A_1270 = vector.broadcast %logistic3A_1269 : f32 to vector<64x1xf32>
    %logistic3A_1271 = arith.addf %logistic3A_1270, %logistic3A_1268 : vector<64x1xf32>
    %logistic3A_1272 = arith.divf %logistic3A_1270, %logistic3A_1271 : vector<64x1xf32>
    %iota3A_1273 = tpu.iota {dimensions = array<i32: 0>} : vector<64x64xi32>
    %iota3A_1274 = tpu.iota {dimensions = array<i32: 1>} : vector<64x64xi32>
    %eq3A_1275 = arith.cmpi eq, %iota3A_1273, %iota3A_1274 : vector<64x64xi32>
    %convert_element_type3A_1276 = arith.extui %eq3A_1275 : vector<64x64xi1> to vector<64x64xi32>
    %convert_element_type3A_1277 = arith.sitofp %convert_element_type3A_1276 : vector<64x64xi32> to vector<64x64xf32>
    %mul3A_1278 = vector.broadcast %logistic3A_1272 : vector<64x1xf32> to vector<64x64xf32>
    %mul3A_1279 = arith.mulf %mul3A_1278, %convert_element_type3A_1277 : vector<64x64xf32>
    %reduce_sum3A_1280 = arith.constant dense<0.000000e+00> : vector<64xf32>
    %reduce_sum3A_1281 = vector.multi_reduction <add>, %mul3A_1279, %reduce_sum3A_1280 [0] : vector<64x64xf32> to vector<64xf32>
    %broadcast_in_dim3A_1282 = vector.shape_cast %reduce_sum3A_1281 : vector<64xf32> to vector<1x64xf32>
    %gt3A_1283 = vector.broadcast %logistic3A_1272 : vector<64x1xf32> to vector<64x64xf32>
    %gt3A_1284 = vector.broadcast %broadcast_in_dim3A_1282 : vector<1x64xf32> to vector<64x64xf32>
    %gt3A_1285 = arith.cmpf ogt, %gt3A_1283, %gt3A_1284 : vector<64x64xf32>
    %eq3A_1286 = vector.broadcast %logistic3A_1272 : vector<64x1xf32> to vector<64x64xf32>
    %eq3A_1287 = vector.broadcast %broadcast_in_dim3A_1282 : vector<1x64xf32> to vector<64x64xf32>
    %eq3A_1288 = arith.cmpf oeq, %eq3A_1286, %eq3A_1287 : vector<64x64xf32>
    %lt3A_1289 = arith.cmpi slt, %iota3A_1273, %iota3A_1274 : vector<64x64xi32>
    %and3A_1290 = arith.andi %eq3A_1288, %lt3A_1289 : vector<64x64xi1>
    %or3A_1291 = arith.ori %gt3A_1285, %and3A_1290 : vector<64x64xi1>
    %convert_element_type3A_1292 = arith.extui %or3A_1291 : vector<64x64xi1> to vector<64x64xi32>
    %convert_element_type3A_1293 = arith.sitofp %convert_element_type3A_1292 : vector<64x64xi32> to vector<64x64xf32>
    %reduce_sum3A_1294 = arith.constant dense<0.000000e+00> : vector<64xf32>
    %reduce_sum3A_1295 = vector.multi_reduction <add>, %convert_element_type3A_1293, %reduce_sum3A_1294 [0] : vector<64x64xf32> to vector<64xf32>
    %broadcast_in_dim3A_1296 = vector.shape_cast %reduce_sum3A_1295 : vector<64xf32> to vector<1x64xf32>
    %iota3A_1297 = tpu.iota {dimensions = array<i32: 0>} : vector<32x64xi32>
    %convert_element_type3A_1298 = arith.sitofp %iota3A_1297 : vector<32x64xi32> to vector<32x64xf32>
    %eq3A_1299 = vector.broadcast %broadcast_in_dim3A_1296 : vector<1x64xf32> to vector<32x64xf32>
    %eq3A_1300 = arith.cmpf oeq, %convert_element_type3A_1298, %eq3A_1299 : vector<32x64xf32>
    %convert_element_type3A_1301 = arith.extui %eq3A_1300 : vector<32x64xi1> to vector<32x64xi32>
    %convert_element_type3A_1302 = arith.sitofp %convert_element_type3A_1301 : vector<32x64xi32> to vector<32x64xf32>
    %mul3A_1303 = vector.broadcast %logistic3A_1272 : vector<64x1xf32> to vector<64x256xf32>
    %mul3A_1304 = arith.mulf %max3A_485, %mul3A_1303 : vector<64x256xf32>
    %dot_general3A_1305 = arith.constant dense<0.000000e+00> : vector<32x256xf32>
    %dot_general3A_1306 = tpu.matmul %convert_element_type3A_1302, %mul3A_1304, %dot_general3A_1305 {dimension_numbers = #tpu.dot_dimension_numbers<[1], [0], [0], [1], [0, 0, 1, 1], [], []>, precision = #tpu.contract_precision<fp32>, transpose_lhs_hint = false} : vector<32x64xf32>, vector<64x256xf32>, vector<32x256xf32> -> vector<32x256xf32>
    %swap3A_1307 = arith.constant 9 : index
    %swap3A_1308 = arith.constant 0 : index
    %swap3A_1309 = arith.constant 0 : index
    %swap3A_1310 = vector.load %arg7[%swap3A_1307, %swap3A_1308, %swap3A_1309] : memref<16x32x256xf32, #tpu.memory_space<vmem>>, vector<1x32x256xf32>
    %swap3A_1311 = vector.shape_cast %swap3A_1310 : vector<1x32x256xf32> to vector<32x256xf32>
    %swap3A_1312 = vector.shape_cast %dot_general3A_1306 : vector<32x256xf32> to vector<1x32x256xf32>
    tpu.vector_store %arg7[%swap3A_1307, %swap3A_1308, %swap3A_1309], %swap3A_1312 {strides = array<i32>} : memref<16x32x256xf32, #tpu.memory_space<vmem>>, vector<1x32x256xf32>,
    %convert_element_type3A_1313 = arith.fptosi %broadcast_in_dim3A_1296 : vector<1x64xf32> to vector<1x64xi32>
    %swap3A_1314 = arith.constant 9 : index
    %swap3A_1315 = arith.constant 0 : index
    %swap3A_1316 = arith.constant 0 : index
    %swap3A_1317 = vector.load %arg8[%swap3A_1314, %swap3A_1315, %swap3A_1316] : memref<16x1x64xi32, #tpu.memory_space<vmem>>, vector<1x1x64xi32>
    %swap3A_1318 = vector.shape_cast %swap3A_1317 : vector<1x1x64xi32> to vector<1x64xi32>
    %swap3A_1319 = vector.shape_cast %convert_element_type3A_1313 : vector<1x64xi32> to vector<1x1x64xi32>
    tpu.vector_store %arg8[%swap3A_1314, %swap3A_1315, %swap3A_1316], %swap3A_1319 {strides = array<i32>} : memref<16x1x64xi32, #tpu.memory_space<vmem>>, vector<1x1x64xi32>,
    %slice3A_1320 = vector.extract_strided_slice %slice3A_785 {offsets = [640, 0], sizes = [64, 1], strides = [1, 1]} : vector<1024x1xf32> to vector<64x1xf32>
    %logistic3A_1321 = arith.negf %slice3A_1320 : vector<64x1xf32>
    %logistic3A_1322 = math.exp %logistic3A_1321 : vector<64x1xf32>
    %logistic3A_1323 = arith.constant 1.000000e+00 : f32
    %logistic3A_1324 = vector.broadcast %logistic3A_1323 : f32 to vector<64x1xf32>
    %logistic3A_1325 = arith.addf %logistic3A_1324, %logistic3A_1322 : vector<64x1xf32>
    %logistic3A_1326 = arith.divf %logistic3A_1324, %logistic3A_1325 : vector<64x1xf32>
    %iota3A_1327 = tpu.iota {dimensions = array<i32: 0>} : vector<64x64xi32>
    %iota3A_1328 = tpu.iota {dimensions = array<i32: 1>} : vector<64x64xi32>
    %eq3A_1329 = arith.cmpi eq, %iota3A_1327, %iota3A_1328 : vector<64x64xi32>
    %convert_element_type3A_1330 = arith.extui %eq3A_1329 : vector<64x64xi1> to vector<64x64xi32>
    %convert_element_type3A_1331 = arith.sitofp %convert_element_type3A_1330 : vector<64x64xi32> to vector<64x64xf32>
    %mul3A_1332 = vector.broadcast %logistic3A_1326 : vector<64x1xf32> to vector<64x64xf32>
    %mul3A_1333 = arith.mulf %mul3A_1332, %convert_element_type3A_1331 : vector<64x64xf32>
    %reduce_sum3A_1334 = arith.constant dense<0.000000e+00> : vector<64xf32>
    %reduce_sum3A_1335 = vector.multi_reduction <add>, %mul3A_1333, %reduce_sum3A_1334 [0] : vector<64x64xf32> to vector<64xf32>
    %broadcast_in_dim3A_1336 = vector.shape_cast %reduce_sum3A_1335 : vector<64xf32> to vector<1x64xf32>
    %gt3A_1337 = vector.broadcast %logistic3A_1326 : vector<64x1xf32> to vector<64x64xf32>
    %gt3A_1338 = vector.broadcast %broadcast_in_dim3A_1336 : vector<1x64xf32> to vector<64x64xf32>
    %gt3A_1339 = arith.cmpf ogt, %gt3A_1337, %gt3A_1338 : vector<64x64xf32>
    %eq3A_1340 = vector.broadcast %logistic3A_1326 : vector<64x1xf32> to vector<64x64xf32>
    %eq3A_1341 = vector.broadcast %broadcast_in_dim3A_1336 : vector<1x64xf32> to vector<64x64xf32>
    %eq3A_1342 = arith.cmpf oeq, %eq3A_1340, %eq3A_1341 : vector<64x64xf32>
    %lt3A_1343 = arith.cmpi slt, %iota3A_1327, %iota3A_1328 : vector<64x64xi32>
    %and3A_1344 = arith.andi %eq3A_1342, %lt3A_1343 : vector<64x64xi1>
    %or3A_1345 = arith.ori %gt3A_1339, %and3A_1344 : vector<64x64xi1>
    %convert_element_type3A_1346 = arith.extui %or3A_1345 : vector<64x64xi1> to vector<64x64xi32>
    %convert_element_type3A_1347 = arith.sitofp %convert_element_type3A_1346 : vector<64x64xi32> to vector<64x64xf32>
    %reduce_sum3A_1348 = arith.constant dense<0.000000e+00> : vector<64xf32>
    %reduce_sum3A_1349 = vector.multi_reduction <add>, %convert_element_type3A_1347, %reduce_sum3A_1348 [0] : vector<64x64xf32> to vector<64xf32>
    %broadcast_in_dim3A_1350 = vector.shape_cast %reduce_sum3A_1349 : vector<64xf32> to vector<1x64xf32>
    %iota3A_1351 = tpu.iota {dimensions = array<i32: 0>} : vector<32x64xi32>
    %convert_element_type3A_1352 = arith.sitofp %iota3A_1351 : vector<32x64xi32> to vector<32x64xf32>
    %eq3A_1353 = vector.broadcast %broadcast_in_dim3A_1350 : vector<1x64xf32> to vector<32x64xf32>
    %eq3A_1354 = arith.cmpf oeq, %convert_element_type3A_1352, %eq3A_1353 : vector<32x64xf32>
    %convert_element_type3A_1355 = arith.extui %eq3A_1354 : vector<32x64xi1> to vector<32x64xi32>
    %convert_element_type3A_1356 = arith.sitofp %convert_element_type3A_1355 : vector<32x64xi32> to vector<32x64xf32>
    %mul3A_1357 = vector.broadcast %logistic3A_1326 : vector<64x1xf32> to vector<64x256xf32>
    %mul3A_1358 = arith.mulf %max3A_534, %mul3A_1357 : vector<64x256xf32>
    %dot_general3A_1359 = arith.constant dense<0.000000e+00> : vector<32x256xf32>
    %dot_general3A_1360 = tpu.matmul %convert_element_type3A_1356, %mul3A_1358, %dot_general3A_1359 {dimension_numbers = #tpu.dot_dimension_numbers<[1], [0], [0], [1], [0, 0, 1, 1], [], []>, precision = #tpu.contract_precision<fp32>, transpose_lhs_hint = false} : vector<32x64xf32>, vector<64x256xf32>, vector<32x256xf32> -> vector<32x256xf32>
    %swap3A_1361 = arith.constant 10 : index
    %swap3A_1362 = arith.constant 0 : index
    %swap3A_1363 = arith.constant 0 : index
    %swap3A_1364 = vector.load %arg7[%swap3A_1361, %swap3A_1362, %swap3A_1363] : memref<16x32x256xf32, #tpu.memory_space<vmem>>, vector<1x32x256xf32>
    %swap3A_1365 = vector.shape_cast %swap3A_1364 : vector<1x32x256xf32> to vector<32x256xf32>
    %swap3A_1366 = vector.shape_cast %dot_general3A_1360 : vector<32x256xf32> to vector<1x32x256xf32>
    tpu.vector_store %arg7[%swap3A_1361, %swap3A_1362, %swap3A_1363], %swap3A_1366 {strides = array<i32>} : memref<16x32x256xf32, #tpu.memory_space<vmem>>, vector<1x32x256xf32>,
    %convert_element_type3A_1367 = arith.fptosi %broadcast_in_dim3A_1350 : vector<1x64xf32> to vector<1x64xi32>
    %swap3A_1368 = arith.constant 10 : index
    %swap3A_1369 = arith.constant 0 : index
    %swap3A_1370 = arith.constant 0 : index
    %swap3A_1371 = vector.load %arg8[%swap3A_1368, %swap3A_1369, %swap3A_1370] : memref<16x1x64xi32, #tpu.memory_space<vmem>>, vector<1x1x64xi32>
    %swap3A_1372 = vector.shape_cast %swap3A_1371 : vector<1x1x64xi32> to vector<1x64xi32>
    %swap3A_1373 = vector.shape_cast %convert_element_type3A_1367 : vector<1x64xi32> to vector<1x1x64xi32>
    tpu.vector_store %arg8[%swap3A_1368, %swap3A_1369, %swap3A_1370], %swap3A_1373 {strides = array<i32>} : memref<16x1x64xi32, #tpu.memory_space<vmem>>, vector<1x1x64xi32>,
    %slice3A_1374 = vector.extract_strided_slice %slice3A_785 {offsets = [704, 0], sizes = [64, 1], strides = [1, 1]} : vector<1024x1xf32> to vector<64x1xf32>
    %logistic3A_1375 = arith.negf %slice3A_1374 : vector<64x1xf32>
    %logistic3A_1376 = math.exp %logistic3A_1375 : vector<64x1xf32>
    %logistic3A_1377 = arith.constant 1.000000e+00 : f32
    %logistic3A_1378 = vector.broadcast %logistic3A_1377 : f32 to vector<64x1xf32>
    %logistic3A_1379 = arith.addf %logistic3A_1378, %logistic3A_1376 : vector<64x1xf32>
    %logistic3A_1380 = arith.divf %logistic3A_1378, %logistic3A_1379 : vector<64x1xf32>
    %iota3A_1381 = tpu.iota {dimensions = array<i32: 0>} : vector<64x64xi32>
    %iota3A_1382 = tpu.iota {dimensions = array<i32: 1>} : vector<64x64xi32>
    %eq3A_1383 = arith.cmpi eq, %iota3A_1381, %iota3A_1382 : vector<64x64xi32>
    %convert_element_type3A_1384 = arith.extui %eq3A_1383 : vector<64x64xi1> to vector<64x64xi32>
    %convert_element_type3A_1385 = arith.sitofp %convert_element_type3A_1384 : vector<64x64xi32> to vector<64x64xf32>
    %mul3A_1386 = vector.broadcast %logistic3A_1380 : vector<64x1xf32> to vector<64x64xf32>
    %mul3A_1387 = arith.mulf %mul3A_1386, %convert_element_type3A_1385 : vector<64x64xf32>
    %reduce_sum3A_1388 = arith.constant dense<0.000000e+00> : vector<64xf32>
    %reduce_sum3A_1389 = vector.multi_reduction <add>, %mul3A_1387, %reduce_sum3A_1388 [0] : vector<64x64xf32> to vector<64xf32>
    %broadcast_in_dim3A_1390 = vector.shape_cast %reduce_sum3A_1389 : vector<64xf32> to vector<1x64xf32>
    %gt3A_1391 = vector.broadcast %logistic3A_1380 : vector<64x1xf32> to vector<64x64xf32>
    %gt3A_1392 = vector.broadcast %broadcast_in_dim3A_1390 : vector<1x64xf32> to vector<64x64xf32>
    %gt3A_1393 = arith.cmpf ogt, %gt3A_1391, %gt3A_1392 : vector<64x64xf32>
    %eq3A_1394 = vector.broadcast %logistic3A_1380 : vector<64x1xf32> to vector<64x64xf32>
    %eq3A_1395 = vector.broadcast %broadcast_in_dim3A_1390 : vector<1x64xf32> to vector<64x64xf32>
    %eq3A_1396 = arith.cmpf oeq, %eq3A_1394, %eq3A_1395 : vector<64x64xf32>
    %lt3A_1397 = arith.cmpi slt, %iota3A_1381, %iota3A_1382 : vector<64x64xi32>
    %and3A_1398 = arith.andi %eq3A_1396, %lt3A_1397 : vector<64x64xi1>
    %or3A_1399 = arith.ori %gt3A_1393, %and3A_1398 : vector<64x64xi1>
    %convert_element_type3A_1400 = arith.extui %or3A_1399 : vector<64x64xi1> to vector<64x64xi32>
    %convert_element_type3A_1401 = arith.sitofp %convert_element_type3A_1400 : vector<64x64xi32> to vector<64x64xf32>
    %reduce_sum3A_1402 = arith.constant dense<0.000000e+00> : vector<64xf32>
    %reduce_sum3A_1403 = vector.multi_reduction <add>, %convert_element_type3A_1401, %reduce_sum3A_1402 [0] : vector<64x64xf32> to vector<64xf32>
    %broadcast_in_dim3A_1404 = vector.shape_cast %reduce_sum3A_1403 : vector<64xf32> to vector<1x64xf32>
    %iota3A_1405 = tpu.iota {dimensions = array<i32: 0>} : vector<32x64xi32>
    %convert_element_type3A_1406 = arith.sitofp %iota3A_1405 : vector<32x64xi32> to vector<32x64xf32>
    %eq3A_1407 = vector.broadcast %broadcast_in_dim3A_1404 : vector<1x64xf32> to vector<32x64xf32>
    %eq3A_1408 = arith.cmpf oeq, %convert_element_type3A_1406, %eq3A_1407 : vector<32x64xf32>
    %convert_element_type3A_1409 = arith.extui %eq3A_1408 : vector<32x64xi1> to vector<32x64xi32>
    %convert_element_type3A_1410 = arith.sitofp %convert_element_type3A_1409 : vector<32x64xi32> to vector<32x64xf32>
    %mul3A_1411 = vector.broadcast %logistic3A_1380 : vector<64x1xf32> to vector<64x256xf32>
    %mul3A_1412 = arith.mulf %max3A_583, %mul3A_1411 : vector<64x256xf32>
    %dot_general3A_1413 = arith.constant dense<0.000000e+00> : vector<32x256xf32>
    %dot_general3A_1414 = tpu.matmul %convert_element_type3A_1410, %mul3A_1412, %dot_general3A_1413 {dimension_numbers = #tpu.dot_dimension_numbers<[1], [0], [0], [1], [0, 0, 1, 1], [], []>, precision = #tpu.contract_precision<fp32>, transpose_lhs_hint = false} : vector<32x64xf32>, vector<64x256xf32>, vector<32x256xf32> -> vector<32x256xf32>
    %swap3A_1415 = arith.constant 11 : index
    %swap3A_1416 = arith.constant 0 : index
    %swap3A_1417 = arith.constant 0 : index
    %swap3A_1418 = vector.load %arg7[%swap3A_1415, %swap3A_1416, %swap3A_1417] : memref<16x32x256xf32, #tpu.memory_space<vmem>>, vector<1x32x256xf32>
    %swap3A_1419 = vector.shape_cast %swap3A_1418 : vector<1x32x256xf32> to vector<32x256xf32>
    %swap3A_1420 = vector.shape_cast %dot_general3A_1414 : vector<32x256xf32> to vector<1x32x256xf32>
    tpu.vector_store %arg7[%swap3A_1415, %swap3A_1416, %swap3A_1417], %swap3A_1420 {strides = array<i32>} : memref<16x32x256xf32, #tpu.memory_space<vmem>>, vector<1x32x256xf32>,
    %convert_element_type3A_1421 = arith.fptosi %broadcast_in_dim3A_1404 : vector<1x64xf32> to vector<1x64xi32>
    %swap3A_1422 = arith.constant 11 : index
    %swap3A_1423 = arith.constant 0 : index
    %swap3A_1424 = arith.constant 0 : index
    %swap3A_1425 = vector.load %arg8[%swap3A_1422, %swap3A_1423, %swap3A_1424] : memref<16x1x64xi32, #tpu.memory_space<vmem>>, vector<1x1x64xi32>
    %swap3A_1426 = vector.shape_cast %swap3A_1425 : vector<1x1x64xi32> to vector<1x64xi32>
    %swap3A_1427 = vector.shape_cast %convert_element_type3A_1421 : vector<1x64xi32> to vector<1x1x64xi32>
    tpu.vector_store %arg8[%swap3A_1422, %swap3A_1423, %swap3A_1424], %swap3A_1427 {strides = array<i32>} : memref<16x1x64xi32, #tpu.memory_space<vmem>>, vector<1x1x64xi32>,
    %slice3A_1428 = vector.extract_strided_slice %slice3A_785 {offsets = [768, 0], sizes = [64, 1], strides = [1, 1]} : vector<1024x1xf32> to vector<64x1xf32>
    %logistic3A_1429 = arith.negf %slice3A_1428 : vector<64x1xf32>
    %logistic3A_1430 = math.exp %logistic3A_1429 : vector<64x1xf32>
    %logistic3A_1431 = arith.constant 1.000000e+00 : f32
    %logistic3A_1432 = vector.broadcast %logistic3A_1431 : f32 to vector<64x1xf32>
    %logistic3A_1433 = arith.addf %logistic3A_1432, %logistic3A_1430 : vector<64x1xf32>
    %logistic3A_1434 = arith.divf %logistic3A_1432, %logistic3A_1433 : vector<64x1xf32>
    %iota3A_1435 = tpu.iota {dimensions = array<i32: 0>} : vector<64x64xi32>
    %iota3A_1436 = tpu.iota {dimensions = array<i32: 1>} : vector<64x64xi32>
    %eq3A_1437 = arith.cmpi eq, %iota3A_1435, %iota3A_1436 : vector<64x64xi32>
    %convert_element_type3A_1438 = arith.extui %eq3A_1437 : vector<64x64xi1> to vector<64x64xi32>
    %convert_element_type3A_1439 = arith.sitofp %convert_element_type3A_1438 : vector<64x64xi32> to vector<64x64xf32>
    %mul3A_1440 = vector.broadcast %logistic3A_1434 : vector<64x1xf32> to vector<64x64xf32>
    %mul3A_1441 = arith.mulf %mul3A_1440, %convert_element_type3A_1439 : vector<64x64xf32>
    %reduce_sum3A_1442 = arith.constant dense<0.000000e+00> : vector<64xf32>
    %reduce_sum3A_1443 = vector.multi_reduction <add>, %mul3A_1441, %reduce_sum3A_1442 [0] : vector<64x64xf32> to vector<64xf32>
    %broadcast_in_dim3A_1444 = vector.shape_cast %reduce_sum3A_1443 : vector<64xf32> to vector<1x64xf32>
    %gt3A_1445 = vector.broadcast %logistic3A_1434 : vector<64x1xf32> to vector<64x64xf32>
    %gt3A_1446 = vector.broadcast %broadcast_in_dim3A_1444 : vector<1x64xf32> to vector<64x64xf32>
    %gt3A_1447 = arith.cmpf ogt, %gt3A_1445, %gt3A_1446 : vector<64x64xf32>
    %eq3A_1448 = vector.broadcast %logistic3A_1434 : vector<64x1xf32> to vector<64x64xf32>
    %eq3A_1449 = vector.broadcast %broadcast_in_dim3A_1444 : vector<1x64xf32> to vector<64x64xf32>
    %eq3A_1450 = arith.cmpf oeq, %eq3A_1448, %eq3A_1449 : vector<64x64xf32>
    %lt3A_1451 = arith.cmpi slt, %iota3A_1435, %iota3A_1436 : vector<64x64xi32>
    %and3A_1452 = arith.andi %eq3A_1450, %lt3A_1451 : vector<64x64xi1>
    %or3A_1453 = arith.ori %gt3A_1447, %and3A_1452 : vector<64x64xi1>
    %convert_element_type3A_1454 = arith.extui %or3A_1453 : vector<64x64xi1> to vector<64x64xi32>
    %convert_element_type3A_1455 = arith.sitofp %convert_element_type3A_1454 : vector<64x64xi32> to vector<64x64xf32>
    %reduce_sum3A_1456 = arith.constant dense<0.000000e+00> : vector<64xf32>
    %reduce_sum3A_1457 = vector.multi_reduction <add>, %convert_element_type3A_1455, %reduce_sum3A_1456 [0] : vector<64x64xf32> to vector<64xf32>
    %broadcast_in_dim3A_1458 = vector.shape_cast %reduce_sum3A_1457 : vector<64xf32> to vector<1x64xf32>
    %iota3A_1459 = tpu.iota {dimensions = array<i32: 0>} : vector<32x64xi32>
    %convert_element_type3A_1460 = arith.sitofp %iota3A_1459 : vector<32x64xi32> to vector<32x64xf32>
    %eq3A_1461 = vector.broadcast %broadcast_in_dim3A_1458 : vector<1x64xf32> to vector<32x64xf32>
    %eq3A_1462 = arith.cmpf oeq, %convert_element_type3A_1460, %eq3A_1461 : vector<32x64xf32>
    %convert_element_type3A_1463 = arith.extui %eq3A_1462 : vector<32x64xi1> to vector<32x64xi32>
    %convert_element_type3A_1464 = arith.sitofp %convert_element_type3A_1463 : vector<32x64xi32> to vector<32x64xf32>
    %mul3A_1465 = vector.broadcast %logistic3A_1434 : vector<64x1xf32> to vector<64x256xf32>
    %mul3A_1466 = arith.mulf %max3A_632, %mul3A_1465 : vector<64x256xf32>
    %dot_general3A_1467 = arith.constant dense<0.000000e+00> : vector<32x256xf32>
    %dot_general3A_1468 = tpu.matmul %convert_element_type3A_1464, %mul3A_1466, %dot_general3A_1467 {dimension_numbers = #tpu.dot_dimension_numbers<[1], [0], [0], [1], [0, 0, 1, 1], [], []>, precision = #tpu.contract_precision<fp32>, transpose_lhs_hint = false} : vector<32x64xf32>, vector<64x256xf32>, vector<32x256xf32> -> vector<32x256xf32>
    %swap3A_1469 = arith.constant 12 : index
    %swap3A_1470 = arith.constant 0 : index
    %swap3A_1471 = arith.constant 0 : index
    %swap3A_1472 = vector.load %arg7[%swap3A_1469, %swap3A_1470, %swap3A_1471] : memref<16x32x256xf32, #tpu.memory_space<vmem>>, vector<1x32x256xf32>
    %swap3A_1473 = vector.shape_cast %swap3A_1472 : vector<1x32x256xf32> to vector<32x256xf32>
    %swap3A_1474 = vector.shape_cast %dot_general3A_1468 : vector<32x256xf32> to vector<1x32x256xf32>
    tpu.vector_store %arg7[%swap3A_1469, %swap3A_1470, %swap3A_1471], %swap3A_1474 {strides = array<i32>} : memref<16x32x256xf32, #tpu.memory_space<vmem>>, vector<1x32x256xf32>,
    %convert_element_type3A_1475 = arith.fptosi %broadcast_in_dim3A_1458 : vector<1x64xf32> to vector<1x64xi32>
    %swap3A_1476 = arith.constant 12 : index
    %swap3A_1477 = arith.constant 0 : index
    %swap3A_1478 = arith.constant 0 : index
    %swap3A_1479 = vector.load %arg8[%swap3A_1476, %swap3A_1477, %swap3A_1478] : memref<16x1x64xi32, #tpu.memory_space<vmem>>, vector<1x1x64xi32>
    %swap3A_1480 = vector.shape_cast %swap3A_1479 : vector<1x1x64xi32> to vector<1x64xi32>
    %swap3A_1481 = vector.shape_cast %convert_element_type3A_1475 : vector<1x64xi32> to vector<1x1x64xi32>
    tpu.vector_store %arg8[%swap3A_1476, %swap3A_1477, %swap3A_1478], %swap3A_1481 {strides = array<i32>} : memref<16x1x64xi32, #tpu.memory_space<vmem>>, vector<1x1x64xi32>,
    %slice3A_1482 = vector.extract_strided_slice %slice3A_785 {offsets = [832, 0], sizes = [64, 1], strides = [1, 1]} : vector<1024x1xf32> to vector<64x1xf32>
    %logistic3A_1483 = arith.negf %slice3A_1482 : vector<64x1xf32>
    %logistic3A_1484 = math.exp %logistic3A_1483 : vector<64x1xf32>
    %logistic3A_1485 = arith.constant 1.000000e+00 : f32
    %logistic3A_1486 = vector.broadcast %logistic3A_1485 : f32 to vector<64x1xf32>
    %logistic3A_1487 = arith.addf %logistic3A_1486, %logistic3A_1484 : vector<64x1xf32>
    %logistic3A_1488 = arith.divf %logistic3A_1486, %logistic3A_1487 : vector<64x1xf32>
    %iota3A_1489 = tpu.iota {dimensions = array<i32: 0>} : vector<64x64xi32>
    %iota3A_1490 = tpu.iota {dimensions = array<i32: 1>} : vector<64x64xi32>
    %eq3A_1491 = arith.cmpi eq, %iota3A_1489, %iota3A_1490 : vector<64x64xi32>
    %convert_element_type3A_1492 = arith.extui %eq3A_1491 : vector<64x64xi1> to vector<64x64xi32>
    %convert_element_type3A_1493 = arith.sitofp %convert_element_type3A_1492 : vector<64x64xi32> to vector<64x64xf32>
    %mul3A_1494 = vector.broadcast %logistic3A_1488 : vector<64x1xf32> to vector<64x64xf32>
    %mul3A_1495 = arith.mulf %mul3A_1494, %convert_element_type3A_1493 : vector<64x64xf32>
    %reduce_sum3A_1496 = arith.constant dense<0.000000e+00> : vector<64xf32>
    %reduce_sum3A_1497 = vector.multi_reduction <add>, %mul3A_1495, %reduce_sum3A_1496 [0] : vector<64x64xf32> to vector<64xf32>
    %broadcast_in_dim3A_1498 = vector.shape_cast %reduce_sum3A_1497 : vector<64xf32> to vector<1x64xf32>
    %gt3A_1499 = vector.broadcast %logistic3A_1488 : vector<64x1xf32> to vector<64x64xf32>
    %gt3A_1500 = vector.broadcast %broadcast_in_dim3A_1498 : vector<1x64xf32> to vector<64x64xf32>
    %gt3A_1501 = arith.cmpf ogt, %gt3A_1499, %gt3A_1500 : vector<64x64xf32>
    %eq3A_1502 = vector.broadcast %logistic3A_1488 : vector<64x1xf32> to vector<64x64xf32>
    %eq3A_1503 = vector.broadcast %broadcast_in_dim3A_1498 : vector<1x64xf32> to vector<64x64xf32>
    %eq3A_1504 = arith.cmpf oeq, %eq3A_1502, %eq3A_1503 : vector<64x64xf32>
    %lt3A_1505 = arith.cmpi slt, %iota3A_1489, %iota3A_1490 : vector<64x64xi32>
    %and3A_1506 = arith.andi %eq3A_1504, %lt3A_1505 : vector<64x64xi1>
    %or3A_1507 = arith.ori %gt3A_1501, %and3A_1506 : vector<64x64xi1>
    %convert_element_type3A_1508 = arith.extui %or3A_1507 : vector<64x64xi1> to vector<64x64xi32>
    %convert_element_type3A_1509 = arith.sitofp %convert_element_type3A_1508 : vector<64x64xi32> to vector<64x64xf32>
    %reduce_sum3A_1510 = arith.constant dense<0.000000e+00> : vector<64xf32>
    %reduce_sum3A_1511 = vector.multi_reduction <add>, %convert_element_type3A_1509, %reduce_sum3A_1510 [0] : vector<64x64xf32> to vector<64xf32>
    %broadcast_in_dim3A_1512 = vector.shape_cast %reduce_sum3A_1511 : vector<64xf32> to vector<1x64xf32>
    %iota3A_1513 = tpu.iota {dimensions = array<i32: 0>} : vector<32x64xi32>
    %convert_element_type3A_1514 = arith.sitofp %iota3A_1513 : vector<32x64xi32> to vector<32x64xf32>
    %eq3A_1515 = vector.broadcast %broadcast_in_dim3A_1512 : vector<1x64xf32> to vector<32x64xf32>
    %eq3A_1516 = arith.cmpf oeq, %convert_element_type3A_1514, %eq3A_1515 : vector<32x64xf32>
    %convert_element_type3A_1517 = arith.extui %eq3A_1516 : vector<32x64xi1> to vector<32x64xi32>
    %convert_element_type3A_1518 = arith.sitofp %convert_element_type3A_1517 : vector<32x64xi32> to vector<32x64xf32>
    %mul3A_1519 = vector.broadcast %logistic3A_1488 : vector<64x1xf32> to vector<64x256xf32>
    %mul3A_1520 = arith.mulf %max3A_681, %mul3A_1519 : vector<64x256xf32>
    %dot_general3A_1521 = arith.constant dense<0.000000e+00> : vector<32x256xf32>
    %dot_general3A_1522 = tpu.matmul %convert_element_type3A_1518, %mul3A_1520, %dot_general3A_1521 {dimension_numbers = #tpu.dot_dimension_numbers<[1], [0], [0], [1], [0, 0, 1, 1], [], []>, precision = #tpu.contract_precision<fp32>, transpose_lhs_hint = false} : vector<32x64xf32>, vector<64x256xf32>, vector<32x256xf32> -> vector<32x256xf32>
    %swap3A_1523 = arith.constant 13 : index
    %swap3A_1524 = arith.constant 0 : index
    %swap3A_1525 = arith.constant 0 : index
    %swap3A_1526 = vector.load %arg7[%swap3A_1523, %swap3A_1524, %swap3A_1525] : memref<16x32x256xf32, #tpu.memory_space<vmem>>, vector<1x32x256xf32>
    %swap3A_1527 = vector.shape_cast %swap3A_1526 : vector<1x32x256xf32> to vector<32x256xf32>
    %swap3A_1528 = vector.shape_cast %dot_general3A_1522 : vector<32x256xf32> to vector<1x32x256xf32>
    tpu.vector_store %arg7[%swap3A_1523, %swap3A_1524, %swap3A_1525], %swap3A_1528 {strides = array<i32>} : memref<16x32x256xf32, #tpu.memory_space<vmem>>, vector<1x32x256xf32>,
    %convert_element_type3A_1529 = arith.fptosi %broadcast_in_dim3A_1512 : vector<1x64xf32> to vector<1x64xi32>
    %swap3A_1530 = arith.constant 13 : index
    %swap3A_1531 = arith.constant 0 : index
    %swap3A_1532 = arith.constant 0 : index
    %swap3A_1533 = vector.load %arg8[%swap3A_1530, %swap3A_1531, %swap3A_1532] : memref<16x1x64xi32, #tpu.memory_space<vmem>>, vector<1x1x64xi32>
    %swap3A_1534 = vector.shape_cast %swap3A_1533 : vector<1x1x64xi32> to vector<1x64xi32>
    %swap3A_1535 = vector.shape_cast %convert_element_type3A_1529 : vector<1x64xi32> to vector<1x1x64xi32>
    tpu.vector_store %arg8[%swap3A_1530, %swap3A_1531, %swap3A_1532], %swap3A_1535 {strides = array<i32>} : memref<16x1x64xi32, #tpu.memory_space<vmem>>, vector<1x1x64xi32>,
    %slice3A_1536 = vector.extract_strided_slice %slice3A_785 {offsets = [896, 0], sizes = [64, 1], strides = [1, 1]} : vector<1024x1xf32> to vector<64x1xf32>
    %logistic3A_1537 = arith.negf %slice3A_1536 : vector<64x1xf32>
    %logistic3A_1538 = math.exp %logistic3A_1537 : vector<64x1xf32>
    %logistic3A_1539 = arith.constant 1.000000e+00 : f32
    %logistic3A_1540 = vector.broadcast %logistic3A_1539 : f32 to vector<64x1xf32>
    %logistic3A_1541 = arith.addf %logistic3A_1540, %logistic3A_1538 : vector<64x1xf32>
    %logistic3A_1542 = arith.divf %logistic3A_1540, %logistic3A_1541 : vector<64x1xf32>
    %iota3A_1543 = tpu.iota {dimensions = array<i32: 0>} : vector<64x64xi32>
    %iota3A_1544 = tpu.iota {dimensions = array<i32: 1>} : vector<64x64xi32>
    %eq3A_1545 = arith.cmpi eq, %iota3A_1543, %iota3A_1544 : vector<64x64xi32>
    %convert_element_type3A_1546 = arith.extui %eq3A_1545 : vector<64x64xi1> to vector<64x64xi32>
    %convert_element_type3A_1547 = arith.sitofp %convert_element_type3A_1546 : vector<64x64xi32> to vector<64x64xf32>
    %mul3A_1548 = vector.broadcast %logistic3A_1542 : vector<64x1xf32> to vector<64x64xf32>
    %mul3A_1549 = arith.mulf %mul3A_1548, %convert_element_type3A_1547 : vector<64x64xf32>
    %reduce_sum3A_1550 = arith.constant dense<0.000000e+00> : vector<64xf32>
    %reduce_sum3A_1551 = vector.multi_reduction <add>, %mul3A_1549, %reduce_sum3A_1550 [0] : vector<64x64xf32> to vector<64xf32>
    %broadcast_in_dim3A_1552 = vector.shape_cast %reduce_sum3A_1551 : vector<64xf32> to vector<1x64xf32>
    %gt3A_1553 = vector.broadcast %logistic3A_1542 : vector<64x1xf32> to vector<64x64xf32>
    %gt3A_1554 = vector.broadcast %broadcast_in_dim3A_1552 : vector<1x64xf32> to vector<64x64xf32>
    %gt3A_1555 = arith.cmpf ogt, %gt3A_1553, %gt3A_1554 : vector<64x64xf32>
    %eq3A_1556 = vector.broadcast %logistic3A_1542 : vector<64x1xf32> to vector<64x64xf32>
    %eq3A_1557 = vector.broadcast %broadcast_in_dim3A_1552 : vector<1x64xf32> to vector<64x64xf32>
    %eq3A_1558 = arith.cmpf oeq, %eq3A_1556, %eq3A_1557 : vector<64x64xf32>
    %lt3A_1559 = arith.cmpi slt, %iota3A_1543, %iota3A_1544 : vector<64x64xi32>
    %and3A_1560 = arith.andi %eq3A_1558, %lt3A_1559 : vector<64x64xi1>
    %or3A_1561 = arith.ori %gt3A_1555, %and3A_1560 : vector<64x64xi1>
    %convert_element_type3A_1562 = arith.extui %or3A_1561 : vector<64x64xi1> to vector<64x64xi32>
    %convert_element_type3A_1563 = arith.sitofp %convert_element_type3A_1562 : vector<64x64xi32> to vector<64x64xf32>
    %reduce_sum3A_1564 = arith.constant dense<0.000000e+00> : vector<64xf32>
    %reduce_sum3A_1565 = vector.multi_reduction <add>, %convert_element_type3A_1563, %reduce_sum3A_1564 [0] : vector<64x64xf32> to vector<64xf32>
    %broadcast_in_dim3A_1566 = vector.shape_cast %reduce_sum3A_1565 : vector<64xf32> to vector<1x64xf32>
    %iota3A_1567 = tpu.iota {dimensions = array<i32: 0>} : vector<32x64xi32>
    %convert_element_type3A_1568 = arith.sitofp %iota3A_1567 : vector<32x64xi32> to vector<32x64xf32>
    %eq3A_1569 = vector.broadcast %broadcast_in_dim3A_1566 : vector<1x64xf32> to vector<32x64xf32>
    %eq3A_1570 = arith.cmpf oeq, %convert_element_type3A_1568, %eq3A_1569 : vector<32x64xf32>
    %convert_element_type3A_1571 = arith.extui %eq3A_1570 : vector<32x64xi1> to vector<32x64xi32>
    %convert_element_type3A_1572 = arith.sitofp %convert_element_type3A_1571 : vector<32x64xi32> to vector<32x64xf32>
    %mul3A_1573 = vector.broadcast %logistic3A_1542 : vector<64x1xf32> to vector<64x256xf32>
    %mul3A_1574 = arith.mulf %max3A_730, %mul3A_1573 : vector<64x256xf32>
    %dot_general3A_1575 = arith.constant dense<0.000000e+00> : vector<32x256xf32>
    %dot_general3A_1576 = tpu.matmul %convert_element_type3A_1572, %mul3A_1574, %dot_general3A_1575 {dimension_numbers = #tpu.dot_dimension_numbers<[1], [0], [0], [1], [0, 0, 1, 1], [], []>, precision = #tpu.contract_precision<fp32>, transpose_lhs_hint = false} : vector<32x64xf32>, vector<64x256xf32>, vector<32x256xf32> -> vector<32x256xf32>
    %swap3A_1577 = arith.constant 14 : index
    %swap3A_1578 = arith.constant 0 : index
    %swap3A_1579 = arith.constant 0 : index
    %swap3A_1580 = vector.load %arg7[%swap3A_1577, %swap3A_1578, %swap3A_1579] : memref<16x32x256xf32, #tpu.memory_space<vmem>>, vector<1x32x256xf32>
    %swap3A_1581 = vector.shape_cast %swap3A_1580 : vector<1x32x256xf32> to vector<32x256xf32>
    %swap3A_1582 = vector.shape_cast %dot_general3A_1576 : vector<32x256xf32> to vector<1x32x256xf32>
    tpu.vector_store %arg7[%swap3A_1577, %swap3A_1578, %swap3A_1579], %swap3A_1582 {strides = array<i32>} : memref<16x32x256xf32, #tpu.memory_space<vmem>>, vector<1x32x256xf32>,
    %convert_element_type3A_1583 = arith.fptosi %broadcast_in_dim3A_1566 : vector<1x64xf32> to vector<1x64xi32>
    %swap3A_1584 = arith.constant 14 : index
    %swap3A_1585 = arith.constant 0 : index
    %swap3A_1586 = arith.constant 0 : index
    %swap3A_1587 = vector.load %arg8[%swap3A_1584, %swap3A_1585, %swap3A_1586] : memref<16x1x64xi32, #tpu.memory_space<vmem>>, vector<1x1x64xi32>
    %swap3A_1588 = vector.shape_cast %swap3A_1587 : vector<1x1x64xi32> to vector<1x64xi32>
    %swap3A_1589 = vector.shape_cast %convert_element_type3A_1583 : vector<1x64xi32> to vector<1x1x64xi32>
    tpu.vector_store %arg8[%swap3A_1584, %swap3A_1585, %swap3A_1586], %swap3A_1589 {strides = array<i32>} : memref<16x1x64xi32, #tpu.memory_space<vmem>>, vector<1x1x64xi32>,
    %slice3A_1590 = vector.extract_strided_slice %slice3A_785 {offsets = [960, 0], sizes = [64, 1], strides = [1, 1]} : vector<1024x1xf32> to vector<64x1xf32>
    %logistic3A_1591 = arith.negf %slice3A_1590 : vector<64x1xf32>
    %logistic3A_1592 = math.exp %logistic3A_1591 : vector<64x1xf32>
    %logistic3A_1593 = arith.constant 1.000000e+00 : f32
    %logistic3A_1594 = vector.broadcast %logistic3A_1593 : f32 to vector<64x1xf32>
    %logistic3A_1595 = arith.addf %logistic3A_1594, %logistic3A_1592 : vector<64x1xf32>
    %logistic3A_1596 = arith.divf %logistic3A_1594, %logistic3A_1595 : vector<64x1xf32>
    %iota3A_1597 = tpu.iota {dimensions = array<i32: 0>} : vector<64x64xi32>
    %iota3A_1598 = tpu.iota {dimensions = array<i32: 1>} : vector<64x64xi32>
    %eq3A_1599 = arith.cmpi eq, %iota3A_1597, %iota3A_1598 : vector<64x64xi32>
    %convert_element_type3A_1600 = arith.extui %eq3A_1599 : vector<64x64xi1> to vector<64x64xi32>
    %convert_element_type3A_1601 = arith.sitofp %convert_element_type3A_1600 : vector<64x64xi32> to vector<64x64xf32>
    %mul3A_1602 = vector.broadcast %logistic3A_1596 : vector<64x1xf32> to vector<64x64xf32>
    %mul3A_1603 = arith.mulf %mul3A_1602, %convert_element_type3A_1601 : vector<64x64xf32>
    %reduce_sum3A_1604 = arith.constant dense<0.000000e+00> : vector<64xf32>
    %reduce_sum3A_1605 = vector.multi_reduction <add>, %mul3A_1603, %reduce_sum3A_1604 [0] : vector<64x64xf32> to vector<64xf32>
    %broadcast_in_dim3A_1606 = vector.shape_cast %reduce_sum3A_1605 : vector<64xf32> to vector<1x64xf32>
    %gt3A_1607 = vector.broadcast %logistic3A_1596 : vector<64x1xf32> to vector<64x64xf32>
    %gt3A_1608 = vector.broadcast %broadcast_in_dim3A_1606 : vector<1x64xf32> to vector<64x64xf32>
    %gt3A_1609 = arith.cmpf ogt, %gt3A_1607, %gt3A_1608 : vector<64x64xf32>
    %eq3A_1610 = vector.broadcast %logistic3A_1596 : vector<64x1xf32> to vector<64x64xf32>
    %eq3A_1611 = vector.broadcast %broadcast_in_dim3A_1606 : vector<1x64xf32> to vector<64x64xf32>
    %eq3A_1612 = arith.cmpf oeq, %eq3A_1610, %eq3A_1611 : vector<64x64xf32>
    %lt3A_1613 = arith.cmpi slt, %iota3A_1597, %iota3A_1598 : vector<64x64xi32>
    %and3A_1614 = arith.andi %eq3A_1612, %lt3A_1613 : vector<64x64xi1>
    %or3A_1615 = arith.ori %gt3A_1609, %and3A_1614 : vector<64x64xi1>
    %convert_element_type3A_1616 = arith.extui %or3A_1615 : vector<64x64xi1> to vector<64x64xi32>
    %convert_element_type3A_1617 = arith.sitofp %convert_element_type3A_1616 : vector<64x64xi32> to vector<64x64xf32>
    %reduce_sum3A_1618 = arith.constant dense<0.000000e+00> : vector<64xf32>
    %reduce_sum3A_1619 = vector.multi_reduction <add>, %convert_element_type3A_1617, %reduce_sum3A_1618 [0] : vector<64x64xf32> to vector<64xf32>
    %broadcast_in_dim3A_1620 = vector.shape_cast %reduce_sum3A_1619 : vector<64xf32> to vector<1x64xf32>
    %iota3A_1621 = tpu.iota {dimensions = array<i32: 0>} : vector<32x64xi32>
    %convert_element_type3A_1622 = arith.sitofp %iota3A_1621 : vector<32x64xi32> to vector<32x64xf32>
    %eq3A_1623 = vector.broadcast %broadcast_in_dim3A_1620 : vector<1x64xf32> to vector<32x64xf32>
    %eq3A_1624 = arith.cmpf oeq, %convert_element_type3A_1622, %eq3A_1623 : vector<32x64xf32>
    %convert_element_type3A_1625 = arith.extui %eq3A_1624 : vector<32x64xi1> to vector<32x64xi32>
    %convert_element_type3A_1626 = arith.sitofp %convert_element_type3A_1625 : vector<32x64xi32> to vector<32x64xf32>
    %mul3A_1627 = vector.broadcast %logistic3A_1596 : vector<64x1xf32> to vector<64x256xf32>
    %mul3A_1628 = arith.mulf %max3A_779, %mul3A_1627 : vector<64x256xf32>
    %dot_general3A_1629 = arith.constant dense<0.000000e+00> : vector<32x256xf32>
    %dot_general3A_1630 = tpu.matmul %convert_element_type3A_1626, %mul3A_1628, %dot_general3A_1629 {dimension_numbers = #tpu.dot_dimension_numbers<[1], [0], [0], [1], [0, 0, 1, 1], [], []>, precision = #tpu.contract_precision<fp32>, transpose_lhs_hint = false} : vector<32x64xf32>, vector<64x256xf32>, vector<32x256xf32> -> vector<32x256xf32>
    %swap3A_1631 = arith.constant 15 : index
    %swap3A_1632 = arith.constant 0 : index
    %swap3A_1633 = arith.constant 0 : index
    %swap3A_1634 = vector.load %arg7[%swap3A_1631, %swap3A_1632, %swap3A_1633] : memref<16x32x256xf32, #tpu.memory_space<vmem>>, vector<1x32x256xf32>
    %swap3A_1635 = vector.shape_cast %swap3A_1634 : vector<1x32x256xf32> to vector<32x256xf32>
    %swap3A_1636 = vector.shape_cast %dot_general3A_1630 : vector<32x256xf32> to vector<1x32x256xf32>
    tpu.vector_store %arg7[%swap3A_1631, %swap3A_1632, %swap3A_1633], %swap3A_1636 {strides = array<i32>} : memref<16x32x256xf32, #tpu.memory_space<vmem>>, vector<1x32x256xf32>,
    %convert_element_type3A_1637 = arith.fptosi %broadcast_in_dim3A_1620 : vector<1x64xf32> to vector<1x64xi32>
    %swap3A_1638 = arith.constant 15 : index
    %swap3A_1639 = arith.constant 0 : index
    %swap3A_1640 = arith.constant 0 : index
    %swap3A_1641 = vector.load %arg8[%swap3A_1638, %swap3A_1639, %swap3A_1640] : memref<16x1x64xi32, #tpu.memory_space<vmem>>, vector<1x1x64xi32>
    %swap3A_1642 = vector.shape_cast %swap3A_1641 : vector<1x1x64xi32> to vector<1x64xi32>
    %swap3A_1643 = vector.shape_cast %convert_element_type3A_1637 : vector<1x64xi32> to vector<1x1x64xi32>
    tpu.vector_store %arg8[%swap3A_1638, %swap3A_1639, %swap3A_1640], %swap3A_1643 {strides = array<i32>} : memref<16x1x64xi32, #tpu.memory_space<vmem>>, vector<1x1x64xi32>,
    return
  }
  func.func @transform_0(%arg0: i32) -> (i32, i32, i32) {
    %c0_i32 = arith.constant 0 : i32
    %c0_i32_0 = arith.constant 0 : i32
    %c0_i32_1 = arith.constant 0 : i32
    return %arg0, %c0_i32, %c0_i32_0 : i32, i32, i32
  }
  func.func @transform_1(%arg0: i32) -> (i32, i32, i32) {
    %c0_i32 = arith.constant 0 : i32
    %c0_i32_0 = arith.constant 0 : i32
    %c0_i32_1 = arith.constant 0 : i32
    return %arg0, %c0_i32, %c0_i32_0 : i32, i32, i32
  }
  func.func @transform_2(%arg0: i32) -> (i32, i32, i32) {
    %c0_i32 = arith.constant 0 : i32
    %c0_i32_0 = arith.constant 0 : i32
    %c0_i32_1 = arith.constant 0 : i32
    return %arg0, %c0_i32, %c0_i32_0 : i32, i32, i32
  }
  func.func @transform_3(%arg0: i32) -> (i32, i32) {
    %c0_i32 = arith.constant 0 : i32
    %c0_i32_0 = arith.constant 0 : i32
    %c0_i32_1 = arith.constant 0 : i32
    return %c0_i32, %c0_i32_0 : i32, i32
  }
  func.func @transform_4(%arg0: i32) -> (i32, i32) {
    %c0_i32 = arith.constant 0 : i32
    %c0_i32_0 = arith.constant 0 : i32
    %c0_i32_1 = arith.constant 0 : i32
    return %c0_i32, %c0_i32_0 : i32, i32
  }
  func.func @transform_5(%arg0: i32) -> (i32, i32) {
    %c0_i32 = arith.constant 0 : i32
    %c0_i32_0 = arith.constant 0 : i32
    %c0_i32_1 = arith.constant 0 : i32
    return %c0_i32, %c0_i32_0 : i32, i32
  }
  func.func @transform_6(%arg0: i32) -> (i32, i32, i32) {
    %c0_i32 = arith.constant 0 : i32
    %c0_i32_0 = arith.constant 0 : i32
    %c0_i32_1 = arith.constant 0 : i32
    return %arg0, %c0_i32, %c0_i32_0 : i32, i32, i32
  }
  func.func @transform_7(%arg0: i32) -> (i32, i32, i32) {
    %c0_i32 = arith.constant 0 : i32
    %c0_i32_0 = arith.constant 0 : i32
    %c0_i32_1 = arith.constant 0 : i32
    return %arg0, %c0_i32, %c0_i32_0 : i32, i32, i32
  }
}

module attributes {stable_mosaic.version = 14 : i64} {
  func.func @_k2_body(%arg0: i32, %arg1: memref<16x32x256xf32, #tpu.memory_space<vmem>>, %arg2: memref<16x1x512xi32, #tpu.memory_space<vmem>>, %arg3: memref<16x1x512xi32, #tpu.memory_space<vmem>>, %arg4: memref<256x256xf32, #tpu.memory_space<vmem>>, %arg5: memref<1x256xf32, #tpu.memory_space<vmem>>, %arg6: memref<256x128xf32, #tpu.memory_space<vmem>>, %arg7: memref<16x1x256xf32, #tpu.memory_space<vmem>>, %arg8: memref<1xf32, #tpu.memory_space<smem>>) attributes {dimension_semantics = [#tpu.dimension_semantics<arbitrary>], iteration_bounds = array<i64: 16>, scalar_prefetch = 0 : i64, scratch_operands = 1 : i64, tpu.core_type = #tpu.core_type<tc>, window_params = [{transform_indices = @transform_0, window_bounds = array<i64: 16, 32, 256>}, {transform_indices = @transform_1, window_bounds = array<i64: 16, 1, 512>}, {transform_indices = @transform_2, window_bounds = array<i64: 16, 1, 512>}, {pipeline_mode = #tpu.pipeline_mode<synchronous>, transform_indices = @transform_3, window_bounds = array<i64: 256, 256>}, {pipeline_mode = #tpu.pipeline_mode<synchronous>, transform_indices = @transform_4, window_bounds = array<i64: 1, 256>}, {pipeline_mode = #tpu.pipeline_mode<synchronous>, transform_indices = @transform_5, window_bounds = array<i64: 256, 128>}, {transform_indices = @transform_6, window_bounds = array<i64: 16, 1, 256>}]} {
    %get3A = arith.constant 0 : index
    %get3A_0 = arith.constant 0 : index
    %get3A_1 = arith.constant 0 : index
    %get3A_2 = vector.load %arg1[%get3A, %get3A_0, %get3A_1] : memref<16x32x256xf32, #tpu.memory_space<vmem>>, vector<16x32x256xf32>
    %reshape3A = vector.shape_cast %get3A_2 : vector<16x32x256xf32> to vector<512x256xf32>
    %get3A_3 = arith.constant 0 : index
    %get3A_4 = arith.constant 0 : index
    %get3A_5 = vector.load %arg4[%get3A_3, %get3A_4] : memref<256x256xf32, #tpu.memory_space<vmem>>, vector<256x256xf32>
    %dot_general3A = arith.constant dense<0.000000e+00> : vector<512x256xf32>
    %dot_general3A_6 = tpu.matmul %reshape3A, %get3A_5, %dot_general3A {dimension_numbers = #tpu.dot_dimension_numbers<[1], [0], [0], [1], [0, 0, 1, 1], [], []>, transpose_lhs_hint = false} : vector<512x256xf32>, vector<256x256xf32>, vector<512x256xf32> -> vector<512x256xf32>
    %iota3A = tpu.iota {dimensions = array<i32: 0>} : vector<32x1xi32>
    %eq3A = arith.constant 0 : i32
    %eq3A_7 = vector.broadcast %eq3A : i32 to vector<32x1xi32>
    %eq3A_8 = arith.cmpi eq, %iota3A, %eq3A_7 : vector<32x1xi32>
    %convert_element_type3A = arith.extui %eq3A_8 : vector<32x1xi1> to vector<32x1xi32>
    %convert_element_type3A_9 = arith.sitofp %convert_element_type3A : vector<32x1xi32> to vector<32x1xf32>
    %get3A_10 = arith.constant 0 : index
    %get3A_11 = arith.constant 0 : index
    %get3A_12 = arith.constant 0 : index
    %get3A_13 = vector.load %arg2[%get3A_10, %get3A_11, %get3A_12] : memref<16x1x512xi32, #tpu.memory_space<vmem>>, vector<16x1x512xi32>
    %lt3A = arith.constant 0 : i32
    %lt3A_14 = vector.broadcast %lt3A : i32 to vector<16x1x512xi32>
    %lt3A_15 = arith.cmpi slt, %get3A_13, %lt3A_14 : vector<16x1x512xi32>
    %convert_element_type3A_16 = arith.extui %lt3A_15 : vector<16x1x512xi1> to vector<16x1x512xi32>
    %convert_element_type3A_17 = arith.sitofp %convert_element_type3A_16 : vector<16x1x512xi32> to vector<16x1x512xf32>
    %reduce_sum3A = vector.shape_cast %convert_element_type3A_17 : vector<16x1x512xf32> to vector<1x16x1x512xf32>
    %reduce_sum3A_18 = arith.constant dense<0.000000e+00> : vector<1xf32>
    %reduce_sum3A_19 = vector.multi_reduction <add>, %reduce_sum3A, %reduce_sum3A_18 [1, 2, 3] : vector<1x16x1x512xf32> to vector<1xf32>
    %reduce_sum3A_20 = vector.shape_cast %reduce_sum3A_19 : vector<1xf32> to vector<1x1x1x1xf32>
    %reduce_sum3A_21 = vector.extract %reduce_sum3A_20[0, 0, 0, 0] : f32 from vector<1x1x1x1xf32>
    %eq3A_22 = arith.constant 0 : i32
    %eq3A_23 = arith.cmpi eq, %arg0, %eq3A_22 : i32
    %get3A_24 = arith.constant 0 : index
    %get3A_25 = memref.load %arg8[%get3A_24] : memref<1xf32, #tpu.memory_space<smem>>
    %jit3A = arith.constant 0.000000e+00 : f32
    %select_n3A = arith.select %eq3A_23, %jit3A, %get3A_25 : f32
    %add3A = arith.addf %select_n3A, %reduce_sum3A_21 : f32
    %swap3A = arith.constant 0 : index
    %swap3A_26 = memref.load %arg8[%swap3A] : memref<1xf32, #tpu.memory_space<smem>>
    memref.store %add3A, %arg8[%swap3A] : memref<1xf32, #tpu.memory_space<smem>>
    %eq3A_27 = arith.constant 15 : i32
    %eq3A_28 = arith.cmpi eq, %arg0, %eq3A_27 : i32
    %convert_element_type3A_29 = arith.extui %eq3A_28 : i1 to i32
    %convert_element_type3A_30 = arith.sitofp %convert_element_type3A_29 : i32 to f32
    %mul3A = arith.mulf %add3A, %convert_element_type3A_30 : f32
    %slice3A = vector.extract_strided_slice %dot_general3A_6 {offsets = [0, 0], sizes = [32, 256], strides = [1, 1]} : vector<512x256xf32> to vector<32x256xf32>
    %mul3A_31 = vector.broadcast %mul3A : f32 to vector<32x1xf32>
    %mul3A_32 = arith.mulf %convert_element_type3A_9, %mul3A_31 : vector<32x1xf32>
    %get3A_33 = arith.constant 0 : index
    %get3A_34 = arith.constant 0 : index
    %get3A_35 = arith.constant 0 : index
    %get3A_36 = vector.load %arg2[%get3A_33, %get3A_34, %get3A_35] : memref<16x1x512xi32, #tpu.memory_space<vmem>>, vector<1x1x512xi32>
    %get3A_37 = vector.shape_cast %get3A_36 : vector<1x1x512xi32> to vector<1x512xi32>
    %get3A_38 = arith.constant 0 : index
    %get3A_39 = arith.constant 0 : index
    %get3A_40 = arith.constant 0 : index
    %get3A_41 = vector.load %arg3[%get3A_38, %get3A_39, %get3A_40] : memref<16x1x512xi32, #tpu.memory_space<vmem>>, vector<1x1x512xi32>
    %get3A_42 = vector.shape_cast %get3A_41 : vector<1x1x512xi32> to vector<1x512xi32>
    %get3A_43 = arith.constant 0 : index
    %get3A_44 = arith.constant 0 : index
    %get3A_45 = vector.load %arg5[%get3A_43, %get3A_44] : memref<1x256xf32, #tpu.memory_space<vmem>>, vector<1x256xf32>
    %iota3A_46 = tpu.iota {dimensions = array<i32: 0>} : vector<32x512xi32>
    %eq3A_47 = vector.broadcast %get3A_37 : vector<1x512xi32> to vector<32x512xi32>
    %eq3A_48 = arith.cmpi eq, %iota3A_46, %eq3A_47 : vector<32x512xi32>
    %convert_element_type3A_49 = arith.extui %eq3A_48 : vector<32x512xi1> to vector<32x512xi32>
    %convert_element_type3A_50 = arith.sitofp %convert_element_type3A_49 : vector<32x512xi32> to vector<32x512xf32>
    %eq3A_51 = vector.broadcast %get3A_42 : vector<1x512xi32> to vector<32x512xi32>
    %eq3A_52 = arith.cmpi eq, %iota3A_46, %eq3A_51 : vector<32x512xi32>
    %convert_element_type3A_53 = arith.extui %eq3A_52 : vector<32x512xi1> to vector<32x512xi32>
    %convert_element_type3A_54 = arith.sitofp %convert_element_type3A_53 : vector<32x512xi32> to vector<32x512xf32>
    %reduce_sum3A_55 = arith.constant dense<0.000000e+00> : vector<32xf32>
    %reduce_sum3A_56 = vector.multi_reduction <add>, %convert_element_type3A_54, %reduce_sum3A_55 [1] : vector<32x512xf32> to vector<32xf32>
    %broadcast_in_dim3A = vector.shape_cast %reduce_sum3A_56 : vector<32xf32> to vector<32x1xf32>
    %add3A_57 = arith.constant 1.000000e+00 : f32
    %add3A_58 = vector.broadcast %add3A_57 : f32 to vector<32x1xf32>
    %add3A_59 = arith.addf %broadcast_in_dim3A, %add3A_58 : vector<32x1xf32>
    %add3A_60 = arith.addf %add3A_59, %mul3A_32 : vector<32x1xf32>
    %rsqrt3A = math.rsqrt %add3A_60 : vector<32x1xf32>
    %dot_general3A_61 = arith.constant dense<0.000000e+00> : vector<32x32xf32>
    %dot_general3A_62 = tpu.matmul %convert_element_type3A_54, %convert_element_type3A_50, %dot_general3A_61 {dimension_numbers = #tpu.dot_dimension_numbers<[1], [1], [0], [0], [0, 0, 1, 0], [], []>, transpose_lhs_hint = false} : vector<32x512xf32>, vector<32x512xf32>, vector<32x32xf32> -> vector<32x32xf32>
    %mul3A_63 = vector.broadcast %rsqrt3A : vector<32x1xf32> to vector<32x256xf32>
    %mul3A_64 = arith.mulf %mul3A_63, %slice3A : vector<32x256xf32>
    %dot_general3A_65 = arith.constant dense<0.000000e+00> : vector<32x256xf32>
    %dot_general3A_66 = tpu.matmul %dot_general3A_62, %mul3A_64, %dot_general3A_65 {dimension_numbers = #tpu.dot_dimension_numbers<[1], [0], [0], [1], [0, 0, 1, 1], [], []>, precision = #tpu.contract_precision<fp32>, transpose_lhs_hint = false} : vector<32x32xf32>, vector<32x256xf32>, vector<32x256xf32> -> vector<32x256xf32>
    %mul3A_67 = vector.broadcast %rsqrt3A : vector<32x1xf32> to vector<32x256xf32>
    %mul3A_68 = arith.mulf %mul3A_67, %dot_general3A_66 : vector<32x256xf32>
    %div3A = arith.divf %mul3A_32, %add3A_60 : vector<32x1xf32>
    %slice3A_69 = vector.extract_strided_slice %slice3A {offsets = [0, 0], sizes = [1, 256], strides = [1, 1]} : vector<32x256xf32> to vector<1x256xf32>
    %mul3A_70 = vector.broadcast %div3A : vector<32x1xf32> to vector<32x256xf32>
    %mul3A_71 = vector.broadcast %slice3A_69 : vector<1x256xf32> to vector<32x256xf32>
    %mul3A_72 = arith.mulf %mul3A_70, %mul3A_71 : vector<32x256xf32>
    %add3A_73 = arith.addf %mul3A_68, %mul3A_72 : vector<32x256xf32>
    %div3A_74 = arith.constant 1.000000e+00 : f32
    %div3A_75 = vector.broadcast %div3A_74 : f32 to vector<32x1xf32>
    %div3A_76 = arith.divf %div3A_75, %add3A_60 : vector<32x1xf32>
    %mul3A_77 = vector.broadcast %div3A_76 : vector<32x1xf32> to vector<32x256xf32>
    %mul3A_78 = arith.mulf %slice3A, %mul3A_77 : vector<32x256xf32>
    %add3A_79 = arith.addf %add3A_73, %mul3A_78 : vector<32x256xf32>
    %add3A_80 = vector.broadcast %get3A_45 : vector<1x256xf32> to vector<32x256xf32>
    %add3A_81 = arith.addf %add3A_79, %add3A_80 : vector<32x256xf32>
    %max3A = arith.constant 0.000000e+00 : f32
    %max3A_82 = vector.broadcast %max3A : f32 to vector<32x256xf32>
    %max3A_83 = arith.maximumf %add3A_81, %max3A_82 : vector<32x256xf32>
    %slice3A_84 = vector.extract_strided_slice %dot_general3A_6 {offsets = [32, 0], sizes = [32, 256], strides = [1, 1]} : vector<512x256xf32> to vector<32x256xf32>
    %get3A_85 = arith.constant 1 : index
    %get3A_86 = arith.constant 0 : index
    %get3A_87 = arith.constant 0 : index
    %get3A_88 = vector.load %arg2[%get3A_85, %get3A_86, %get3A_87] : memref<16x1x512xi32, #tpu.memory_space<vmem>>, vector<1x1x512xi32>
    %get3A_89 = vector.shape_cast %get3A_88 : vector<1x1x512xi32> to vector<1x512xi32>
    %get3A_90 = arith.constant 1 : index
    %get3A_91 = arith.constant 0 : index
    %get3A_92 = arith.constant 0 : index
    %get3A_93 = vector.load %arg3[%get3A_90, %get3A_91, %get3A_92] : memref<16x1x512xi32, #tpu.memory_space<vmem>>, vector<1x1x512xi32>
    %get3A_94 = vector.shape_cast %get3A_93 : vector<1x1x512xi32> to vector<1x512xi32>
    %get3A_95 = arith.constant 0 : index
    %get3A_96 = arith.constant 0 : index
    %get3A_97 = vector.load %arg5[%get3A_95, %get3A_96] : memref<1x256xf32, #tpu.memory_space<vmem>>, vector<1x256xf32>
    %iota3A_98 = tpu.iota {dimensions = array<i32: 0>} : vector<32x512xi32>
    %eq3A_99 = vector.broadcast %get3A_89 : vector<1x512xi32> to vector<32x512xi32>
    %eq3A_100 = arith.cmpi eq, %iota3A_98, %eq3A_99 : vector<32x512xi32>
    %convert_element_type3A_101 = arith.extui %eq3A_100 : vector<32x512xi1> to vector<32x512xi32>
    %convert_element_type3A_102 = arith.sitofp %convert_element_type3A_101 : vector<32x512xi32> to vector<32x512xf32>
    %eq3A_103 = vector.broadcast %get3A_94 : vector<1x512xi32> to vector<32x512xi32>
    %eq3A_104 = arith.cmpi eq, %iota3A_98, %eq3A_103 : vector<32x512xi32>
    %convert_element_type3A_105 = arith.extui %eq3A_104 : vector<32x512xi1> to vector<32x512xi32>
    %convert_element_type3A_106 = arith.sitofp %convert_element_type3A_105 : vector<32x512xi32> to vector<32x512xf32>
    %reduce_sum3A_107 = arith.constant dense<0.000000e+00> : vector<32xf32>
    %reduce_sum3A_108 = vector.multi_reduction <add>, %convert_element_type3A_106, %reduce_sum3A_107 [1] : vector<32x512xf32> to vector<32xf32>
    %broadcast_in_dim3A_109 = vector.shape_cast %reduce_sum3A_108 : vector<32xf32> to vector<32x1xf32>
    %add3A_110 = arith.constant 1.000000e+00 : f32
    %add3A_111 = vector.broadcast %add3A_110 : f32 to vector<32x1xf32>
    %add3A_112 = arith.addf %broadcast_in_dim3A_109, %add3A_111 : vector<32x1xf32>
    %rsqrt3A_113 = math.rsqrt %add3A_112 : vector<32x1xf32>
    %dot_general3A_114 = arith.constant dense<0.000000e+00> : vector<32x32xf32>
    %dot_general3A_115 = tpu.matmul %convert_element_type3A_106, %convert_element_type3A_102, %dot_general3A_114 {dimension_numbers = #tpu.dot_dimension_numbers<[1], [1], [0], [0], [0, 0, 1, 0], [], []>, transpose_lhs_hint = false} : vector<32x512xf32>, vector<32x512xf32>, vector<32x32xf32> -> vector<32x32xf32>
    %mul3A_116 = vector.broadcast %rsqrt3A_113 : vector<32x1xf32> to vector<32x256xf32>
    %mul3A_117 = arith.mulf %mul3A_116, %slice3A_84 : vector<32x256xf32>
    %dot_general3A_118 = arith.constant dense<0.000000e+00> : vector<32x256xf32>
    %dot_general3A_119 = tpu.matmul %dot_general3A_115, %mul3A_117, %dot_general3A_118 {dimension_numbers = #tpu.dot_dimension_numbers<[1], [0], [0], [1], [0, 0, 1, 1], [], []>, precision = #tpu.contract_precision<fp32>, transpose_lhs_hint = false} : vector<32x32xf32>, vector<32x256xf32>, vector<32x256xf32> -> vector<32x256xf32>
    %mul3A_120 = vector.broadcast %rsqrt3A_113 : vector<32x1xf32> to vector<32x256xf32>
    %mul3A_121 = arith.mulf %mul3A_120, %dot_general3A_119 : vector<32x256xf32>
    %div3A_122 = arith.constant 1.000000e+00 : f32
    %div3A_123 = vector.broadcast %div3A_122 : f32 to vector<32x1xf32>
    %div3A_124 = arith.divf %div3A_123, %add3A_112 : vector<32x1xf32>
    %mul3A_125 = vector.broadcast %div3A_124 : vector<32x1xf32> to vector<32x256xf32>
    %mul3A_126 = arith.mulf %slice3A_84, %mul3A_125 : vector<32x256xf32>
    %add3A_127 = arith.addf %mul3A_121, %mul3A_126 : vector<32x256xf32>
    %add3A_128 = vector.broadcast %get3A_97 : vector<1x256xf32> to vector<32x256xf32>
    %add3A_129 = arith.addf %add3A_127, %add3A_128 : vector<32x256xf32>
    %max3A_130 = arith.constant 0.000000e+00 : f32
    %max3A_131 = vector.broadcast %max3A_130 : f32 to vector<32x256xf32>
    %max3A_132 = arith.maximumf %add3A_129, %max3A_131 : vector<32x256xf32>
    %slice3A_133 = vector.extract_strided_slice %dot_general3A_6 {offsets = [64, 0], sizes = [32, 256], strides = [1, 1]} : vector<512x256xf32> to vector<32x256xf32>
    %get3A_134 = arith.constant 2 : index
    %get3A_135 = arith.constant 0 : index
    %get3A_136 = arith.constant 0 : index
    %get3A_137 = vector.load %arg2[%get3A_134, %get3A_135, %get3A_136] : memref<16x1x512xi32, #tpu.memory_space<vmem>>, vector<1x1x512xi32>
    %get3A_138 = vector.shape_cast %get3A_137 : vector<1x1x512xi32> to vector<1x512xi32>
    %get3A_139 = arith.constant 2 : index
    %get3A_140 = arith.constant 0 : index
    %get3A_141 = arith.constant 0 : index
    %get3A_142 = vector.load %arg3[%get3A_139, %get3A_140, %get3A_141] : memref<16x1x512xi32, #tpu.memory_space<vmem>>, vector<1x1x512xi32>
    %get3A_143 = vector.shape_cast %get3A_142 : vector<1x1x512xi32> to vector<1x512xi32>
    %get3A_144 = arith.constant 0 : index
    %get3A_145 = arith.constant 0 : index
    %get3A_146 = vector.load %arg5[%get3A_144, %get3A_145] : memref<1x256xf32, #tpu.memory_space<vmem>>, vector<1x256xf32>
    %iota3A_147 = tpu.iota {dimensions = array<i32: 0>} : vector<32x512xi32>
    %eq3A_148 = vector.broadcast %get3A_138 : vector<1x512xi32> to vector<32x512xi32>
    %eq3A_149 = arith.cmpi eq, %iota3A_147, %eq3A_148 : vector<32x512xi32>
    %convert_element_type3A_150 = arith.extui %eq3A_149 : vector<32x512xi1> to vector<32x512xi32>
    %convert_element_type3A_151 = arith.sitofp %convert_element_type3A_150 : vector<32x512xi32> to vector<32x512xf32>
    %eq3A_152 = vector.broadcast %get3A_143 : vector<1x512xi32> to vector<32x512xi32>
    %eq3A_153 = arith.cmpi eq, %iota3A_147, %eq3A_152 : vector<32x512xi32>
    %convert_element_type3A_154 = arith.extui %eq3A_153 : vector<32x512xi1> to vector<32x512xi32>
    %convert_element_type3A_155 = arith.sitofp %convert_element_type3A_154 : vector<32x512xi32> to vector<32x512xf32>
    %reduce_sum3A_156 = arith.constant dense<0.000000e+00> : vector<32xf32>
    %reduce_sum3A_157 = vector.multi_reduction <add>, %convert_element_type3A_155, %reduce_sum3A_156 [1] : vector<32x512xf32> to vector<32xf32>
    %broadcast_in_dim3A_158 = vector.shape_cast %reduce_sum3A_157 : vector<32xf32> to vector<32x1xf32>
    %add3A_159 = arith.constant 1.000000e+00 : f32
    %add3A_160 = vector.broadcast %add3A_159 : f32 to vector<32x1xf32>
    %add3A_161 = arith.addf %broadcast_in_dim3A_158, %add3A_160 : vector<32x1xf32>
    %rsqrt3A_162 = math.rsqrt %add3A_161 : vector<32x1xf32>
    %dot_general3A_163 = arith.constant dense<0.000000e+00> : vector<32x32xf32>
    %dot_general3A_164 = tpu.matmul %convert_element_type3A_155, %convert_element_type3A_151, %dot_general3A_163 {dimension_numbers = #tpu.dot_dimension_numbers<[1], [1], [0], [0], [0, 0, 1, 0], [], []>, transpose_lhs_hint = false} : vector<32x512xf32>, vector<32x512xf32>, vector<32x32xf32> -> vector<32x32xf32>
    %mul3A_165 = vector.broadcast %rsqrt3A_162 : vector<32x1xf32> to vector<32x256xf32>
    %mul3A_166 = arith.mulf %mul3A_165, %slice3A_133 : vector<32x256xf32>
    %dot_general3A_167 = arith.constant dense<0.000000e+00> : vector<32x256xf32>
    %dot_general3A_168 = tpu.matmul %dot_general3A_164, %mul3A_166, %dot_general3A_167 {dimension_numbers = #tpu.dot_dimension_numbers<[1], [0], [0], [1], [0, 0, 1, 1], [], []>, precision = #tpu.contract_precision<fp32>, transpose_lhs_hint = false} : vector<32x32xf32>, vector<32x256xf32>, vector<32x256xf32> -> vector<32x256xf32>
    %mul3A_169 = vector.broadcast %rsqrt3A_162 : vector<32x1xf32> to vector<32x256xf32>
    %mul3A_170 = arith.mulf %mul3A_169, %dot_general3A_168 : vector<32x256xf32>
    %div3A_171 = arith.constant 1.000000e+00 : f32
    %div3A_172 = vector.broadcast %div3A_171 : f32 to vector<32x1xf32>
    %div3A_173 = arith.divf %div3A_172, %add3A_161 : vector<32x1xf32>
    %mul3A_174 = vector.broadcast %div3A_173 : vector<32x1xf32> to vector<32x256xf32>
    %mul3A_175 = arith.mulf %slice3A_133, %mul3A_174 : vector<32x256xf32>
    %add3A_176 = arith.addf %mul3A_170, %mul3A_175 : vector<32x256xf32>
    %add3A_177 = vector.broadcast %get3A_146 : vector<1x256xf32> to vector<32x256xf32>
    %add3A_178 = arith.addf %add3A_176, %add3A_177 : vector<32x256xf32>
    %max3A_179 = arith.constant 0.000000e+00 : f32
    %max3A_180 = vector.broadcast %max3A_179 : f32 to vector<32x256xf32>
    %max3A_181 = arith.maximumf %add3A_178, %max3A_180 : vector<32x256xf32>
    %slice3A_182 = vector.extract_strided_slice %dot_general3A_6 {offsets = [96, 0], sizes = [32, 256], strides = [1, 1]} : vector<512x256xf32> to vector<32x256xf32>
    %get3A_183 = arith.constant 3 : index
    %get3A_184 = arith.constant 0 : index
    %get3A_185 = arith.constant 0 : index
    %get3A_186 = vector.load %arg2[%get3A_183, %get3A_184, %get3A_185] : memref<16x1x512xi32, #tpu.memory_space<vmem>>, vector<1x1x512xi32>
    %get3A_187 = vector.shape_cast %get3A_186 : vector<1x1x512xi32> to vector<1x512xi32>
    %get3A_188 = arith.constant 3 : index
    %get3A_189 = arith.constant 0 : index
    %get3A_190 = arith.constant 0 : index
    %get3A_191 = vector.load %arg3[%get3A_188, %get3A_189, %get3A_190] : memref<16x1x512xi32, #tpu.memory_space<vmem>>, vector<1x1x512xi32>
    %get3A_192 = vector.shape_cast %get3A_191 : vector<1x1x512xi32> to vector<1x512xi32>
    %get3A_193 = arith.constant 0 : index
    %get3A_194 = arith.constant 0 : index
    %get3A_195 = vector.load %arg5[%get3A_193, %get3A_194] : memref<1x256xf32, #tpu.memory_space<vmem>>, vector<1x256xf32>
    %iota3A_196 = tpu.iota {dimensions = array<i32: 0>} : vector<32x512xi32>
    %eq3A_197 = vector.broadcast %get3A_187 : vector<1x512xi32> to vector<32x512xi32>
    %eq3A_198 = arith.cmpi eq, %iota3A_196, %eq3A_197 : vector<32x512xi32>
    %convert_element_type3A_199 = arith.extui %eq3A_198 : vector<32x512xi1> to vector<32x512xi32>
    %convert_element_type3A_200 = arith.sitofp %convert_element_type3A_199 : vector<32x512xi32> to vector<32x512xf32>
    %eq3A_201 = vector.broadcast %get3A_192 : vector<1x512xi32> to vector<32x512xi32>
    %eq3A_202 = arith.cmpi eq, %iota3A_196, %eq3A_201 : vector<32x512xi32>
    %convert_element_type3A_203 = arith.extui %eq3A_202 : vector<32x512xi1> to vector<32x512xi32>
    %convert_element_type3A_204 = arith.sitofp %convert_element_type3A_203 : vector<32x512xi32> to vector<32x512xf32>
    %reduce_sum3A_205 = arith.constant dense<0.000000e+00> : vector<32xf32>
    %reduce_sum3A_206 = vector.multi_reduction <add>, %convert_element_type3A_204, %reduce_sum3A_205 [1] : vector<32x512xf32> to vector<32xf32>
    %broadcast_in_dim3A_207 = vector.shape_cast %reduce_sum3A_206 : vector<32xf32> to vector<32x1xf32>
    %add3A_208 = arith.constant 1.000000e+00 : f32
    %add3A_209 = vector.broadcast %add3A_208 : f32 to vector<32x1xf32>
    %add3A_210 = arith.addf %broadcast_in_dim3A_207, %add3A_209 : vector<32x1xf32>
    %rsqrt3A_211 = math.rsqrt %add3A_210 : vector<32x1xf32>
    %dot_general3A_212 = arith.constant dense<0.000000e+00> : vector<32x32xf32>
    %dot_general3A_213 = tpu.matmul %convert_element_type3A_204, %convert_element_type3A_200, %dot_general3A_212 {dimension_numbers = #tpu.dot_dimension_numbers<[1], [1], [0], [0], [0, 0, 1, 0], [], []>, transpose_lhs_hint = false} : vector<32x512xf32>, vector<32x512xf32>, vector<32x32xf32> -> vector<32x32xf32>
    %mul3A_214 = vector.broadcast %rsqrt3A_211 : vector<32x1xf32> to vector<32x256xf32>
    %mul3A_215 = arith.mulf %mul3A_214, %slice3A_182 : vector<32x256xf32>
    %dot_general3A_216 = arith.constant dense<0.000000e+00> : vector<32x256xf32>
    %dot_general3A_217 = tpu.matmul %dot_general3A_213, %mul3A_215, %dot_general3A_216 {dimension_numbers = #tpu.dot_dimension_numbers<[1], [0], [0], [1], [0, 0, 1, 1], [], []>, precision = #tpu.contract_precision<fp32>, transpose_lhs_hint = false} : vector<32x32xf32>, vector<32x256xf32>, vector<32x256xf32> -> vector<32x256xf32>
    %mul3A_218 = vector.broadcast %rsqrt3A_211 : vector<32x1xf32> to vector<32x256xf32>
    %mul3A_219 = arith.mulf %mul3A_218, %dot_general3A_217 : vector<32x256xf32>
    %div3A_220 = arith.constant 1.000000e+00 : f32
    %div3A_221 = vector.broadcast %div3A_220 : f32 to vector<32x1xf32>
    %div3A_222 = arith.divf %div3A_221, %add3A_210 : vector<32x1xf32>
    %mul3A_223 = vector.broadcast %div3A_222 : vector<32x1xf32> to vector<32x256xf32>
    %mul3A_224 = arith.mulf %slice3A_182, %mul3A_223 : vector<32x256xf32>
    %add3A_225 = arith.addf %mul3A_219, %mul3A_224 : vector<32x256xf32>
    %add3A_226 = vector.broadcast %get3A_195 : vector<1x256xf32> to vector<32x256xf32>
    %add3A_227 = arith.addf %add3A_225, %add3A_226 : vector<32x256xf32>
    %max3A_228 = arith.constant 0.000000e+00 : f32
    %max3A_229 = vector.broadcast %max3A_228 : f32 to vector<32x256xf32>
    %max3A_230 = arith.maximumf %add3A_227, %max3A_229 : vector<32x256xf32>
    %slice3A_231 = vector.extract_strided_slice %dot_general3A_6 {offsets = [128, 0], sizes = [32, 256], strides = [1, 1]} : vector<512x256xf32> to vector<32x256xf32>
    %get3A_232 = arith.constant 4 : index
    %get3A_233 = arith.constant 0 : index
    %get3A_234 = arith.constant 0 : index
    %get3A_235 = vector.load %arg2[%get3A_232, %get3A_233, %get3A_234] : memref<16x1x512xi32, #tpu.memory_space<vmem>>, vector<1x1x512xi32>
    %get3A_236 = vector.shape_cast %get3A_235 : vector<1x1x512xi32> to vector<1x512xi32>
    %get3A_237 = arith.constant 4 : index
    %get3A_238 = arith.constant 0 : index
    %get3A_239 = arith.constant 0 : index
    %get3A_240 = vector.load %arg3[%get3A_237, %get3A_238, %get3A_239] : memref<16x1x512xi32, #tpu.memory_space<vmem>>, vector<1x1x512xi32>
    %get3A_241 = vector.shape_cast %get3A_240 : vector<1x1x512xi32> to vector<1x512xi32>
    %get3A_242 = arith.constant 0 : index
    %get3A_243 = arith.constant 0 : index
    %get3A_244 = vector.load %arg5[%get3A_242, %get3A_243] : memref<1x256xf32, #tpu.memory_space<vmem>>, vector<1x256xf32>
    %iota3A_245 = tpu.iota {dimensions = array<i32: 0>} : vector<32x512xi32>
    %eq3A_246 = vector.broadcast %get3A_236 : vector<1x512xi32> to vector<32x512xi32>
    %eq3A_247 = arith.cmpi eq, %iota3A_245, %eq3A_246 : vector<32x512xi32>
    %convert_element_type3A_248 = arith.extui %eq3A_247 : vector<32x512xi1> to vector<32x512xi32>
    %convert_element_type3A_249 = arith.sitofp %convert_element_type3A_248 : vector<32x512xi32> to vector<32x512xf32>
    %eq3A_250 = vector.broadcast %get3A_241 : vector<1x512xi32> to vector<32x512xi32>
    %eq3A_251 = arith.cmpi eq, %iota3A_245, %eq3A_250 : vector<32x512xi32>
    %convert_element_type3A_252 = arith.extui %eq3A_251 : vector<32x512xi1> to vector<32x512xi32>
    %convert_element_type3A_253 = arith.sitofp %convert_element_type3A_252 : vector<32x512xi32> to vector<32x512xf32>
    %reduce_sum3A_254 = arith.constant dense<0.000000e+00> : vector<32xf32>
    %reduce_sum3A_255 = vector.multi_reduction <add>, %convert_element_type3A_253, %reduce_sum3A_254 [1] : vector<32x512xf32> to vector<32xf32>
    %broadcast_in_dim3A_256 = vector.shape_cast %reduce_sum3A_255 : vector<32xf32> to vector<32x1xf32>
    %add3A_257 = arith.constant 1.000000e+00 : f32
    %add3A_258 = vector.broadcast %add3A_257 : f32 to vector<32x1xf32>
    %add3A_259 = arith.addf %broadcast_in_dim3A_256, %add3A_258 : vector<32x1xf32>
    %rsqrt3A_260 = math.rsqrt %add3A_259 : vector<32x1xf32>
    %dot_general3A_261 = arith.constant dense<0.000000e+00> : vector<32x32xf32>
    %dot_general3A_262 = tpu.matmul %convert_element_type3A_253, %convert_element_type3A_249, %dot_general3A_261 {dimension_numbers = #tpu.dot_dimension_numbers<[1], [1], [0], [0], [0, 0, 1, 0], [], []>, transpose_lhs_hint = false} : vector<32x512xf32>, vector<32x512xf32>, vector<32x32xf32> -> vector<32x32xf32>
    %mul3A_263 = vector.broadcast %rsqrt3A_260 : vector<32x1xf32> to vector<32x256xf32>
    %mul3A_264 = arith.mulf %mul3A_263, %slice3A_231 : vector<32x256xf32>
    %dot_general3A_265 = arith.constant dense<0.000000e+00> : vector<32x256xf32>
    %dot_general3A_266 = tpu.matmul %dot_general3A_262, %mul3A_264, %dot_general3A_265 {dimension_numbers = #tpu.dot_dimension_numbers<[1], [0], [0], [1], [0, 0, 1, 1], [], []>, precision = #tpu.contract_precision<fp32>, transpose_lhs_hint = false} : vector<32x32xf32>, vector<32x256xf32>, vector<32x256xf32> -> vector<32x256xf32>
    %mul3A_267 = vector.broadcast %rsqrt3A_260 : vector<32x1xf32> to vector<32x256xf32>
    %mul3A_268 = arith.mulf %mul3A_267, %dot_general3A_266 : vector<32x256xf32>
    %div3A_269 = arith.constant 1.000000e+00 : f32
    %div3A_270 = vector.broadcast %div3A_269 : f32 to vector<32x1xf32>
    %div3A_271 = arith.divf %div3A_270, %add3A_259 : vector<32x1xf32>
    %mul3A_272 = vector.broadcast %div3A_271 : vector<32x1xf32> to vector<32x256xf32>
    %mul3A_273 = arith.mulf %slice3A_231, %mul3A_272 : vector<32x256xf32>
    %add3A_274 = arith.addf %mul3A_268, %mul3A_273 : vector<32x256xf32>
    %add3A_275 = vector.broadcast %get3A_244 : vector<1x256xf32> to vector<32x256xf32>
    %add3A_276 = arith.addf %add3A_274, %add3A_275 : vector<32x256xf32>
    %max3A_277 = arith.constant 0.000000e+00 : f32
    %max3A_278 = vector.broadcast %max3A_277 : f32 to vector<32x256xf32>
    %max3A_279 = arith.maximumf %add3A_276, %max3A_278 : vector<32x256xf32>
    %slice3A_280 = vector.extract_strided_slice %dot_general3A_6 {offsets = [160, 0], sizes = [32, 256], strides = [1, 1]} : vector<512x256xf32> to vector<32x256xf32>
    %get3A_281 = arith.constant 5 : index
    %get3A_282 = arith.constant 0 : index
    %get3A_283 = arith.constant 0 : index
    %get3A_284 = vector.load %arg2[%get3A_281, %get3A_282, %get3A_283] : memref<16x1x512xi32, #tpu.memory_space<vmem>>, vector<1x1x512xi32>
    %get3A_285 = vector.shape_cast %get3A_284 : vector<1x1x512xi32> to vector<1x512xi32>
    %get3A_286 = arith.constant 5 : index
    %get3A_287 = arith.constant 0 : index
    %get3A_288 = arith.constant 0 : index
    %get3A_289 = vector.load %arg3[%get3A_286, %get3A_287, %get3A_288] : memref<16x1x512xi32, #tpu.memory_space<vmem>>, vector<1x1x512xi32>
    %get3A_290 = vector.shape_cast %get3A_289 : vector<1x1x512xi32> to vector<1x512xi32>
    %get3A_291 = arith.constant 0 : index
    %get3A_292 = arith.constant 0 : index
    %get3A_293 = vector.load %arg5[%get3A_291, %get3A_292] : memref<1x256xf32, #tpu.memory_space<vmem>>, vector<1x256xf32>
    %iota3A_294 = tpu.iota {dimensions = array<i32: 0>} : vector<32x512xi32>
    %eq3A_295 = vector.broadcast %get3A_285 : vector<1x512xi32> to vector<32x512xi32>
    %eq3A_296 = arith.cmpi eq, %iota3A_294, %eq3A_295 : vector<32x512xi32>
    %convert_element_type3A_297 = arith.extui %eq3A_296 : vector<32x512xi1> to vector<32x512xi32>
    %convert_element_type3A_298 = arith.sitofp %convert_element_type3A_297 : vector<32x512xi32> to vector<32x512xf32>
    %eq3A_299 = vector.broadcast %get3A_290 : vector<1x512xi32> to vector<32x512xi32>
    %eq3A_300 = arith.cmpi eq, %iota3A_294, %eq3A_299 : vector<32x512xi32>
    %convert_element_type3A_301 = arith.extui %eq3A_300 : vector<32x512xi1> to vector<32x512xi32>
    %convert_element_type3A_302 = arith.sitofp %convert_element_type3A_301 : vector<32x512xi32> to vector<32x512xf32>
    %reduce_sum3A_303 = arith.constant dense<0.000000e+00> : vector<32xf32>
    %reduce_sum3A_304 = vector.multi_reduction <add>, %convert_element_type3A_302, %reduce_sum3A_303 [1] : vector<32x512xf32> to vector<32xf32>
    %broadcast_in_dim3A_305 = vector.shape_cast %reduce_sum3A_304 : vector<32xf32> to vector<32x1xf32>
    %add3A_306 = arith.constant 1.000000e+00 : f32
    %add3A_307 = vector.broadcast %add3A_306 : f32 to vector<32x1xf32>
    %add3A_308 = arith.addf %broadcast_in_dim3A_305, %add3A_307 : vector<32x1xf32>
    %rsqrt3A_309 = math.rsqrt %add3A_308 : vector<32x1xf32>
    %dot_general3A_310 = arith.constant dense<0.000000e+00> : vector<32x32xf32>
    %dot_general3A_311 = tpu.matmul %convert_element_type3A_302, %convert_element_type3A_298, %dot_general3A_310 {dimension_numbers = #tpu.dot_dimension_numbers<[1], [1], [0], [0], [0, 0, 1, 0], [], []>, transpose_lhs_hint = false} : vector<32x512xf32>, vector<32x512xf32>, vector<32x32xf32> -> vector<32x32xf32>
    %mul3A_312 = vector.broadcast %rsqrt3A_309 : vector<32x1xf32> to vector<32x256xf32>
    %mul3A_313 = arith.mulf %mul3A_312, %slice3A_280 : vector<32x256xf32>
    %dot_general3A_314 = arith.constant dense<0.000000e+00> : vector<32x256xf32>
    %dot_general3A_315 = tpu.matmul %dot_general3A_311, %mul3A_313, %dot_general3A_314 {dimension_numbers = #tpu.dot_dimension_numbers<[1], [0], [0], [1], [0, 0, 1, 1], [], []>, precision = #tpu.contract_precision<fp32>, transpose_lhs_hint = false} : vector<32x32xf32>, vector<32x256xf32>, vector<32x256xf32> -> vector<32x256xf32>
    %mul3A_316 = vector.broadcast %rsqrt3A_309 : vector<32x1xf32> to vector<32x256xf32>
    %mul3A_317 = arith.mulf %mul3A_316, %dot_general3A_315 : vector<32x256xf32>
    %div3A_318 = arith.constant 1.000000e+00 : f32
    %div3A_319 = vector.broadcast %div3A_318 : f32 to vector<32x1xf32>
    %div3A_320 = arith.divf %div3A_319, %add3A_308 : vector<32x1xf32>
    %mul3A_321 = vector.broadcast %div3A_320 : vector<32x1xf32> to vector<32x256xf32>
    %mul3A_322 = arith.mulf %slice3A_280, %mul3A_321 : vector<32x256xf32>
    %add3A_323 = arith.addf %mul3A_317, %mul3A_322 : vector<32x256xf32>
    %add3A_324 = vector.broadcast %get3A_293 : vector<1x256xf32> to vector<32x256xf32>
    %add3A_325 = arith.addf %add3A_323, %add3A_324 : vector<32x256xf32>
    %max3A_326 = arith.constant 0.000000e+00 : f32
    %max3A_327 = vector.broadcast %max3A_326 : f32 to vector<32x256xf32>
    %max3A_328 = arith.maximumf %add3A_325, %max3A_327 : vector<32x256xf32>
    %slice3A_329 = vector.extract_strided_slice %dot_general3A_6 {offsets = [192, 0], sizes = [32, 256], strides = [1, 1]} : vector<512x256xf32> to vector<32x256xf32>
    %get3A_330 = arith.constant 6 : index
    %get3A_331 = arith.constant 0 : index
    %get3A_332 = arith.constant 0 : index
    %get3A_333 = vector.load %arg2[%get3A_330, %get3A_331, %get3A_332] : memref<16x1x512xi32, #tpu.memory_space<vmem>>, vector<1x1x512xi32>
    %get3A_334 = vector.shape_cast %get3A_333 : vector<1x1x512xi32> to vector<1x512xi32>
    %get3A_335 = arith.constant 6 : index
    %get3A_336 = arith.constant 0 : index
    %get3A_337 = arith.constant 0 : index
    %get3A_338 = vector.load %arg3[%get3A_335, %get3A_336, %get3A_337] : memref<16x1x512xi32, #tpu.memory_space<vmem>>, vector<1x1x512xi32>
    %get3A_339 = vector.shape_cast %get3A_338 : vector<1x1x512xi32> to vector<1x512xi32>
    %get3A_340 = arith.constant 0 : index
    %get3A_341 = arith.constant 0 : index
    %get3A_342 = vector.load %arg5[%get3A_340, %get3A_341] : memref<1x256xf32, #tpu.memory_space<vmem>>, vector<1x256xf32>
    %iota3A_343 = tpu.iota {dimensions = array<i32: 0>} : vector<32x512xi32>
    %eq3A_344 = vector.broadcast %get3A_334 : vector<1x512xi32> to vector<32x512xi32>
    %eq3A_345 = arith.cmpi eq, %iota3A_343, %eq3A_344 : vector<32x512xi32>
    %convert_element_type3A_346 = arith.extui %eq3A_345 : vector<32x512xi1> to vector<32x512xi32>
    %convert_element_type3A_347 = arith.sitofp %convert_element_type3A_346 : vector<32x512xi32> to vector<32x512xf32>
    %eq3A_348 = vector.broadcast %get3A_339 : vector<1x512xi32> to vector<32x512xi32>
    %eq3A_349 = arith.cmpi eq, %iota3A_343, %eq3A_348 : vector<32x512xi32>
    %convert_element_type3A_350 = arith.extui %eq3A_349 : vector<32x512xi1> to vector<32x512xi32>
    %convert_element_type3A_351 = arith.sitofp %convert_element_type3A_350 : vector<32x512xi32> to vector<32x512xf32>
    %reduce_sum3A_352 = arith.constant dense<0.000000e+00> : vector<32xf32>
    %reduce_sum3A_353 = vector.multi_reduction <add>, %convert_element_type3A_351, %reduce_sum3A_352 [1] : vector<32x512xf32> to vector<32xf32>
    %broadcast_in_dim3A_354 = vector.shape_cast %reduce_sum3A_353 : vector<32xf32> to vector<32x1xf32>
    %add3A_355 = arith.constant 1.000000e+00 : f32
    %add3A_356 = vector.broadcast %add3A_355 : f32 to vector<32x1xf32>
    %add3A_357 = arith.addf %broadcast_in_dim3A_354, %add3A_356 : vector<32x1xf32>
    %rsqrt3A_358 = math.rsqrt %add3A_357 : vector<32x1xf32>
    %dot_general3A_359 = arith.constant dense<0.000000e+00> : vector<32x32xf32>
    %dot_general3A_360 = tpu.matmul %convert_element_type3A_351, %convert_element_type3A_347, %dot_general3A_359 {dimension_numbers = #tpu.dot_dimension_numbers<[1], [1], [0], [0], [0, 0, 1, 0], [], []>, transpose_lhs_hint = false} : vector<32x512xf32>, vector<32x512xf32>, vector<32x32xf32> -> vector<32x32xf32>
    %mul3A_361 = vector.broadcast %rsqrt3A_358 : vector<32x1xf32> to vector<32x256xf32>
    %mul3A_362 = arith.mulf %mul3A_361, %slice3A_329 : vector<32x256xf32>
    %dot_general3A_363 = arith.constant dense<0.000000e+00> : vector<32x256xf32>
    %dot_general3A_364 = tpu.matmul %dot_general3A_360, %mul3A_362, %dot_general3A_363 {dimension_numbers = #tpu.dot_dimension_numbers<[1], [0], [0], [1], [0, 0, 1, 1], [], []>, precision = #tpu.contract_precision<fp32>, transpose_lhs_hint = false} : vector<32x32xf32>, vector<32x256xf32>, vector<32x256xf32> -> vector<32x256xf32>
    %mul3A_365 = vector.broadcast %rsqrt3A_358 : vector<32x1xf32> to vector<32x256xf32>
    %mul3A_366 = arith.mulf %mul3A_365, %dot_general3A_364 : vector<32x256xf32>
    %div3A_367 = arith.constant 1.000000e+00 : f32
    %div3A_368 = vector.broadcast %div3A_367 : f32 to vector<32x1xf32>
    %div3A_369 = arith.divf %div3A_368, %add3A_357 : vector<32x1xf32>
    %mul3A_370 = vector.broadcast %div3A_369 : vector<32x1xf32> to vector<32x256xf32>
    %mul3A_371 = arith.mulf %slice3A_329, %mul3A_370 : vector<32x256xf32>
    %add3A_372 = arith.addf %mul3A_366, %mul3A_371 : vector<32x256xf32>
    %add3A_373 = vector.broadcast %get3A_342 : vector<1x256xf32> to vector<32x256xf32>
    %add3A_374 = arith.addf %add3A_372, %add3A_373 : vector<32x256xf32>
    %max3A_375 = arith.constant 0.000000e+00 : f32
    %max3A_376 = vector.broadcast %max3A_375 : f32 to vector<32x256xf32>
    %max3A_377 = arith.maximumf %add3A_374, %max3A_376 : vector<32x256xf32>
    %slice3A_378 = vector.extract_strided_slice %dot_general3A_6 {offsets = [224, 0], sizes = [32, 256], strides = [1, 1]} : vector<512x256xf32> to vector<32x256xf32>
    %get3A_379 = arith.constant 7 : index
    %get3A_380 = arith.constant 0 : index
    %get3A_381 = arith.constant 0 : index
    %get3A_382 = vector.load %arg2[%get3A_379, %get3A_380, %get3A_381] : memref<16x1x512xi32, #tpu.memory_space<vmem>>, vector<1x1x512xi32>
    %get3A_383 = vector.shape_cast %get3A_382 : vector<1x1x512xi32> to vector<1x512xi32>
    %get3A_384 = arith.constant 7 : index
    %get3A_385 = arith.constant 0 : index
    %get3A_386 = arith.constant 0 : index
    %get3A_387 = vector.load %arg3[%get3A_384, %get3A_385, %get3A_386] : memref<16x1x512xi32, #tpu.memory_space<vmem>>, vector<1x1x512xi32>
    %get3A_388 = vector.shape_cast %get3A_387 : vector<1x1x512xi32> to vector<1x512xi32>
    %get3A_389 = arith.constant 0 : index
    %get3A_390 = arith.constant 0 : index
    %get3A_391 = vector.load %arg5[%get3A_389, %get3A_390] : memref<1x256xf32, #tpu.memory_space<vmem>>, vector<1x256xf32>
    %iota3A_392 = tpu.iota {dimensions = array<i32: 0>} : vector<32x512xi32>
    %eq3A_393 = vector.broadcast %get3A_383 : vector<1x512xi32> to vector<32x512xi32>
    %eq3A_394 = arith.cmpi eq, %iota3A_392, %eq3A_393 : vector<32x512xi32>
    %convert_element_type3A_395 = arith.extui %eq3A_394 : vector<32x512xi1> to vector<32x512xi32>
    %convert_element_type3A_396 = arith.sitofp %convert_element_type3A_395 : vector<32x512xi32> to vector<32x512xf32>
    %eq3A_397 = vector.broadcast %get3A_388 : vector<1x512xi32> to vector<32x512xi32>
    %eq3A_398 = arith.cmpi eq, %iota3A_392, %eq3A_397 : vector<32x512xi32>
    %convert_element_type3A_399 = arith.extui %eq3A_398 : vector<32x512xi1> to vector<32x512xi32>
    %convert_element_type3A_400 = arith.sitofp %convert_element_type3A_399 : vector<32x512xi32> to vector<32x512xf32>
    %reduce_sum3A_401 = arith.constant dense<0.000000e+00> : vector<32xf32>
    %reduce_sum3A_402 = vector.multi_reduction <add>, %convert_element_type3A_400, %reduce_sum3A_401 [1] : vector<32x512xf32> to vector<32xf32>
    %broadcast_in_dim3A_403 = vector.shape_cast %reduce_sum3A_402 : vector<32xf32> to vector<32x1xf32>
    %add3A_404 = arith.constant 1.000000e+00 : f32
    %add3A_405 = vector.broadcast %add3A_404 : f32 to vector<32x1xf32>
    %add3A_406 = arith.addf %broadcast_in_dim3A_403, %add3A_405 : vector<32x1xf32>
    %rsqrt3A_407 = math.rsqrt %add3A_406 : vector<32x1xf32>
    %dot_general3A_408 = arith.constant dense<0.000000e+00> : vector<32x32xf32>
    %dot_general3A_409 = tpu.matmul %convert_element_type3A_400, %convert_element_type3A_396, %dot_general3A_408 {dimension_numbers = #tpu.dot_dimension_numbers<[1], [1], [0], [0], [0, 0, 1, 0], [], []>, transpose_lhs_hint = false} : vector<32x512xf32>, vector<32x512xf32>, vector<32x32xf32> -> vector<32x32xf32>
    %mul3A_410 = vector.broadcast %rsqrt3A_407 : vector<32x1xf32> to vector<32x256xf32>
    %mul3A_411 = arith.mulf %mul3A_410, %slice3A_378 : vector<32x256xf32>
    %dot_general3A_412 = arith.constant dense<0.000000e+00> : vector<32x256xf32>
    %dot_general3A_413 = tpu.matmul %dot_general3A_409, %mul3A_411, %dot_general3A_412 {dimension_numbers = #tpu.dot_dimension_numbers<[1], [0], [0], [1], [0, 0, 1, 1], [], []>, precision = #tpu.contract_precision<fp32>, transpose_lhs_hint = false} : vector<32x32xf32>, vector<32x256xf32>, vector<32x256xf32> -> vector<32x256xf32>
    %mul3A_414 = vector.broadcast %rsqrt3A_407 : vector<32x1xf32> to vector<32x256xf32>
    %mul3A_415 = arith.mulf %mul3A_414, %dot_general3A_413 : vector<32x256xf32>
    %div3A_416 = arith.constant 1.000000e+00 : f32
    %div3A_417 = vector.broadcast %div3A_416 : f32 to vector<32x1xf32>
    %div3A_418 = arith.divf %div3A_417, %add3A_406 : vector<32x1xf32>
    %mul3A_419 = vector.broadcast %div3A_418 : vector<32x1xf32> to vector<32x256xf32>
    %mul3A_420 = arith.mulf %slice3A_378, %mul3A_419 : vector<32x256xf32>
    %add3A_421 = arith.addf %mul3A_415, %mul3A_420 : vector<32x256xf32>
    %add3A_422 = vector.broadcast %get3A_391 : vector<1x256xf32> to vector<32x256xf32>
    %add3A_423 = arith.addf %add3A_421, %add3A_422 : vector<32x256xf32>
    %max3A_424 = arith.constant 0.000000e+00 : f32
    %max3A_425 = vector.broadcast %max3A_424 : f32 to vector<32x256xf32>
    %max3A_426 = arith.maximumf %add3A_423, %max3A_425 : vector<32x256xf32>
    %slice3A_427 = vector.extract_strided_slice %dot_general3A_6 {offsets = [256, 0], sizes = [32, 256], strides = [1, 1]} : vector<512x256xf32> to vector<32x256xf32>
    %get3A_428 = arith.constant 8 : index
    %get3A_429 = arith.constant 0 : index
    %get3A_430 = arith.constant 0 : index
    %get3A_431 = vector.load %arg2[%get3A_428, %get3A_429, %get3A_430] : memref<16x1x512xi32, #tpu.memory_space<vmem>>, vector<1x1x512xi32>
    %get3A_432 = vector.shape_cast %get3A_431 : vector<1x1x512xi32> to vector<1x512xi32>
    %get3A_433 = arith.constant 8 : index
    %get3A_434 = arith.constant 0 : index
    %get3A_435 = arith.constant 0 : index
    %get3A_436 = vector.load %arg3[%get3A_433, %get3A_434, %get3A_435] : memref<16x1x512xi32, #tpu.memory_space<vmem>>, vector<1x1x512xi32>
    %get3A_437 = vector.shape_cast %get3A_436 : vector<1x1x512xi32> to vector<1x512xi32>
    %get3A_438 = arith.constant 0 : index
    %get3A_439 = arith.constant 0 : index
    %get3A_440 = vector.load %arg5[%get3A_438, %get3A_439] : memref<1x256xf32, #tpu.memory_space<vmem>>, vector<1x256xf32>
    %iota3A_441 = tpu.iota {dimensions = array<i32: 0>} : vector<32x512xi32>
    %eq3A_442 = vector.broadcast %get3A_432 : vector<1x512xi32> to vector<32x512xi32>
    %eq3A_443 = arith.cmpi eq, %iota3A_441, %eq3A_442 : vector<32x512xi32>
    %convert_element_type3A_444 = arith.extui %eq3A_443 : vector<32x512xi1> to vector<32x512xi32>
    %convert_element_type3A_445 = arith.sitofp %convert_element_type3A_444 : vector<32x512xi32> to vector<32x512xf32>
    %eq3A_446 = vector.broadcast %get3A_437 : vector<1x512xi32> to vector<32x512xi32>
    %eq3A_447 = arith.cmpi eq, %iota3A_441, %eq3A_446 : vector<32x512xi32>
    %convert_element_type3A_448 = arith.extui %eq3A_447 : vector<32x512xi1> to vector<32x512xi32>
    %convert_element_type3A_449 = arith.sitofp %convert_element_type3A_448 : vector<32x512xi32> to vector<32x512xf32>
    %reduce_sum3A_450 = arith.constant dense<0.000000e+00> : vector<32xf32>
    %reduce_sum3A_451 = vector.multi_reduction <add>, %convert_element_type3A_449, %reduce_sum3A_450 [1] : vector<32x512xf32> to vector<32xf32>
    %broadcast_in_dim3A_452 = vector.shape_cast %reduce_sum3A_451 : vector<32xf32> to vector<32x1xf32>
    %add3A_453 = arith.constant 1.000000e+00 : f32
    %add3A_454 = vector.broadcast %add3A_453 : f32 to vector<32x1xf32>
    %add3A_455 = arith.addf %broadcast_in_dim3A_452, %add3A_454 : vector<32x1xf32>
    %rsqrt3A_456 = math.rsqrt %add3A_455 : vector<32x1xf32>
    %dot_general3A_457 = arith.constant dense<0.000000e+00> : vector<32x32xf32>
    %dot_general3A_458 = tpu.matmul %convert_element_type3A_449, %convert_element_type3A_445, %dot_general3A_457 {dimension_numbers = #tpu.dot_dimension_numbers<[1], [1], [0], [0], [0, 0, 1, 0], [], []>, transpose_lhs_hint = false} : vector<32x512xf32>, vector<32x512xf32>, vector<32x32xf32> -> vector<32x32xf32>
    %mul3A_459 = vector.broadcast %rsqrt3A_456 : vector<32x1xf32> to vector<32x256xf32>
    %mul3A_460 = arith.mulf %mul3A_459, %slice3A_427 : vector<32x256xf32>
    %dot_general3A_461 = arith.constant dense<0.000000e+00> : vector<32x256xf32>
    %dot_general3A_462 = tpu.matmul %dot_general3A_458, %mul3A_460, %dot_general3A_461 {dimension_numbers = #tpu.dot_dimension_numbers<[1], [0], [0], [1], [0, 0, 1, 1], [], []>, precision = #tpu.contract_precision<fp32>, transpose_lhs_hint = false} : vector<32x32xf32>, vector<32x256xf32>, vector<32x256xf32> -> vector<32x256xf32>
    %mul3A_463 = vector.broadcast %rsqrt3A_456 : vector<32x1xf32> to vector<32x256xf32>
    %mul3A_464 = arith.mulf %mul3A_463, %dot_general3A_462 : vector<32x256xf32>
    %div3A_465 = arith.constant 1.000000e+00 : f32
    %div3A_466 = vector.broadcast %div3A_465 : f32 to vector<32x1xf32>
    %div3A_467 = arith.divf %div3A_466, %add3A_455 : vector<32x1xf32>
    %mul3A_468 = vector.broadcast %div3A_467 : vector<32x1xf32> to vector<32x256xf32>
    %mul3A_469 = arith.mulf %slice3A_427, %mul3A_468 : vector<32x256xf32>
    %add3A_470 = arith.addf %mul3A_464, %mul3A_469 : vector<32x256xf32>
    %add3A_471 = vector.broadcast %get3A_440 : vector<1x256xf32> to vector<32x256xf32>
    %add3A_472 = arith.addf %add3A_470, %add3A_471 : vector<32x256xf32>
    %max3A_473 = arith.constant 0.000000e+00 : f32
    %max3A_474 = vector.broadcast %max3A_473 : f32 to vector<32x256xf32>
    %max3A_475 = arith.maximumf %add3A_472, %max3A_474 : vector<32x256xf32>
    %slice3A_476 = vector.extract_strided_slice %dot_general3A_6 {offsets = [288, 0], sizes = [32, 256], strides = [1, 1]} : vector<512x256xf32> to vector<32x256xf32>
    %get3A_477 = arith.constant 9 : index
    %get3A_478 = arith.constant 0 : index
    %get3A_479 = arith.constant 0 : index
    %get3A_480 = vector.load %arg2[%get3A_477, %get3A_478, %get3A_479] : memref<16x1x512xi32, #tpu.memory_space<vmem>>, vector<1x1x512xi32>
    %get3A_481 = vector.shape_cast %get3A_480 : vector<1x1x512xi32> to vector<1x512xi32>
    %get3A_482 = arith.constant 9 : index
    %get3A_483 = arith.constant 0 : index
    %get3A_484 = arith.constant 0 : index
    %get3A_485 = vector.load %arg3[%get3A_482, %get3A_483, %get3A_484] : memref<16x1x512xi32, #tpu.memory_space<vmem>>, vector<1x1x512xi32>
    %get3A_486 = vector.shape_cast %get3A_485 : vector<1x1x512xi32> to vector<1x512xi32>
    %get3A_487 = arith.constant 0 : index
    %get3A_488 = arith.constant 0 : index
    %get3A_489 = vector.load %arg5[%get3A_487, %get3A_488] : memref<1x256xf32, #tpu.memory_space<vmem>>, vector<1x256xf32>
    %iota3A_490 = tpu.iota {dimensions = array<i32: 0>} : vector<32x512xi32>
    %eq3A_491 = vector.broadcast %get3A_481 : vector<1x512xi32> to vector<32x512xi32>
    %eq3A_492 = arith.cmpi eq, %iota3A_490, %eq3A_491 : vector<32x512xi32>
    %convert_element_type3A_493 = arith.extui %eq3A_492 : vector<32x512xi1> to vector<32x512xi32>
    %convert_element_type3A_494 = arith.sitofp %convert_element_type3A_493 : vector<32x512xi32> to vector<32x512xf32>
    %eq3A_495 = vector.broadcast %get3A_486 : vector<1x512xi32> to vector<32x512xi32>
    %eq3A_496 = arith.cmpi eq, %iota3A_490, %eq3A_495 : vector<32x512xi32>
    %convert_element_type3A_497 = arith.extui %eq3A_496 : vector<32x512xi1> to vector<32x512xi32>
    %convert_element_type3A_498 = arith.sitofp %convert_element_type3A_497 : vector<32x512xi32> to vector<32x512xf32>
    %reduce_sum3A_499 = arith.constant dense<0.000000e+00> : vector<32xf32>
    %reduce_sum3A_500 = vector.multi_reduction <add>, %convert_element_type3A_498, %reduce_sum3A_499 [1] : vector<32x512xf32> to vector<32xf32>
    %broadcast_in_dim3A_501 = vector.shape_cast %reduce_sum3A_500 : vector<32xf32> to vector<32x1xf32>
    %add3A_502 = arith.constant 1.000000e+00 : f32
    %add3A_503 = vector.broadcast %add3A_502 : f32 to vector<32x1xf32>
    %add3A_504 = arith.addf %broadcast_in_dim3A_501, %add3A_503 : vector<32x1xf32>
    %rsqrt3A_505 = math.rsqrt %add3A_504 : vector<32x1xf32>
    %dot_general3A_506 = arith.constant dense<0.000000e+00> : vector<32x32xf32>
    %dot_general3A_507 = tpu.matmul %convert_element_type3A_498, %convert_element_type3A_494, %dot_general3A_506 {dimension_numbers = #tpu.dot_dimension_numbers<[1], [1], [0], [0], [0, 0, 1, 0], [], []>, transpose_lhs_hint = false} : vector<32x512xf32>, vector<32x512xf32>, vector<32x32xf32> -> vector<32x32xf32>
    %mul3A_508 = vector.broadcast %rsqrt3A_505 : vector<32x1xf32> to vector<32x256xf32>
    %mul3A_509 = arith.mulf %mul3A_508, %slice3A_476 : vector<32x256xf32>
    %dot_general3A_510 = arith.constant dense<0.000000e+00> : vector<32x256xf32>
    %dot_general3A_511 = tpu.matmul %dot_general3A_507, %mul3A_509, %dot_general3A_510 {dimension_numbers = #tpu.dot_dimension_numbers<[1], [0], [0], [1], [0, 0, 1, 1], [], []>, precision = #tpu.contract_precision<fp32>, transpose_lhs_hint = false} : vector<32x32xf32>, vector<32x256xf32>, vector<32x256xf32> -> vector<32x256xf32>
    %mul3A_512 = vector.broadcast %rsqrt3A_505 : vector<32x1xf32> to vector<32x256xf32>
    %mul3A_513 = arith.mulf %mul3A_512, %dot_general3A_511 : vector<32x256xf32>
    %div3A_514 = arith.constant 1.000000e+00 : f32
    %div3A_515 = vector.broadcast %div3A_514 : f32 to vector<32x1xf32>
    %div3A_516 = arith.divf %div3A_515, %add3A_504 : vector<32x1xf32>
    %mul3A_517 = vector.broadcast %div3A_516 : vector<32x1xf32> to vector<32x256xf32>
    %mul3A_518 = arith.mulf %slice3A_476, %mul3A_517 : vector<32x256xf32>
    %add3A_519 = arith.addf %mul3A_513, %mul3A_518 : vector<32x256xf32>
    %add3A_520 = vector.broadcast %get3A_489 : vector<1x256xf32> to vector<32x256xf32>
    %add3A_521 = arith.addf %add3A_519, %add3A_520 : vector<32x256xf32>
    %max3A_522 = arith.constant 0.000000e+00 : f32
    %max3A_523 = vector.broadcast %max3A_522 : f32 to vector<32x256xf32>
    %max3A_524 = arith.maximumf %add3A_521, %max3A_523 : vector<32x256xf32>
    %slice3A_525 = vector.extract_strided_slice %dot_general3A_6 {offsets = [320, 0], sizes = [32, 256], strides = [1, 1]} : vector<512x256xf32> to vector<32x256xf32>
    %get3A_526 = arith.constant 10 : index
    %get3A_527 = arith.constant 0 : index
    %get3A_528 = arith.constant 0 : index
    %get3A_529 = vector.load %arg2[%get3A_526, %get3A_527, %get3A_528] : memref<16x1x512xi32, #tpu.memory_space<vmem>>, vector<1x1x512xi32>
    %get3A_530 = vector.shape_cast %get3A_529 : vector<1x1x512xi32> to vector<1x512xi32>
    %get3A_531 = arith.constant 10 : index
    %get3A_532 = arith.constant 0 : index
    %get3A_533 = arith.constant 0 : index
    %get3A_534 = vector.load %arg3[%get3A_531, %get3A_532, %get3A_533] : memref<16x1x512xi32, #tpu.memory_space<vmem>>, vector<1x1x512xi32>
    %get3A_535 = vector.shape_cast %get3A_534 : vector<1x1x512xi32> to vector<1x512xi32>
    %get3A_536 = arith.constant 0 : index
    %get3A_537 = arith.constant 0 : index
    %get3A_538 = vector.load %arg5[%get3A_536, %get3A_537] : memref<1x256xf32, #tpu.memory_space<vmem>>, vector<1x256xf32>
    %iota3A_539 = tpu.iota {dimensions = array<i32: 0>} : vector<32x512xi32>
    %eq3A_540 = vector.broadcast %get3A_530 : vector<1x512xi32> to vector<32x512xi32>
    %eq3A_541 = arith.cmpi eq, %iota3A_539, %eq3A_540 : vector<32x512xi32>
    %convert_element_type3A_542 = arith.extui %eq3A_541 : vector<32x512xi1> to vector<32x512xi32>
    %convert_element_type3A_543 = arith.sitofp %convert_element_type3A_542 : vector<32x512xi32> to vector<32x512xf32>
    %eq3A_544 = vector.broadcast %get3A_535 : vector<1x512xi32> to vector<32x512xi32>
    %eq3A_545 = arith.cmpi eq, %iota3A_539, %eq3A_544 : vector<32x512xi32>
    %convert_element_type3A_546 = arith.extui %eq3A_545 : vector<32x512xi1> to vector<32x512xi32>
    %convert_element_type3A_547 = arith.sitofp %convert_element_type3A_546 : vector<32x512xi32> to vector<32x512xf32>
    %reduce_sum3A_548 = arith.constant dense<0.000000e+00> : vector<32xf32>
    %reduce_sum3A_549 = vector.multi_reduction <add>, %convert_element_type3A_547, %reduce_sum3A_548 [1] : vector<32x512xf32> to vector<32xf32>
    %broadcast_in_dim3A_550 = vector.shape_cast %reduce_sum3A_549 : vector<32xf32> to vector<32x1xf32>
    %add3A_551 = arith.constant 1.000000e+00 : f32
    %add3A_552 = vector.broadcast %add3A_551 : f32 to vector<32x1xf32>
    %add3A_553 = arith.addf %broadcast_in_dim3A_550, %add3A_552 : vector<32x1xf32>
    %rsqrt3A_554 = math.rsqrt %add3A_553 : vector<32x1xf32>
    %dot_general3A_555 = arith.constant dense<0.000000e+00> : vector<32x32xf32>
    %dot_general3A_556 = tpu.matmul %convert_element_type3A_547, %convert_element_type3A_543, %dot_general3A_555 {dimension_numbers = #tpu.dot_dimension_numbers<[1], [1], [0], [0], [0, 0, 1, 0], [], []>, transpose_lhs_hint = false} : vector<32x512xf32>, vector<32x512xf32>, vector<32x32xf32> -> vector<32x32xf32>
    %mul3A_557 = vector.broadcast %rsqrt3A_554 : vector<32x1xf32> to vector<32x256xf32>
    %mul3A_558 = arith.mulf %mul3A_557, %slice3A_525 : vector<32x256xf32>
    %dot_general3A_559 = arith.constant dense<0.000000e+00> : vector<32x256xf32>
    %dot_general3A_560 = tpu.matmul %dot_general3A_556, %mul3A_558, %dot_general3A_559 {dimension_numbers = #tpu.dot_dimension_numbers<[1], [0], [0], [1], [0, 0, 1, 1], [], []>, precision = #tpu.contract_precision<fp32>, transpose_lhs_hint = false} : vector<32x32xf32>, vector<32x256xf32>, vector<32x256xf32> -> vector<32x256xf32>
    %mul3A_561 = vector.broadcast %rsqrt3A_554 : vector<32x1xf32> to vector<32x256xf32>
    %mul3A_562 = arith.mulf %mul3A_561, %dot_general3A_560 : vector<32x256xf32>
    %div3A_563 = arith.constant 1.000000e+00 : f32
    %div3A_564 = vector.broadcast %div3A_563 : f32 to vector<32x1xf32>
    %div3A_565 = arith.divf %div3A_564, %add3A_553 : vector<32x1xf32>
    %mul3A_566 = vector.broadcast %div3A_565 : vector<32x1xf32> to vector<32x256xf32>
    %mul3A_567 = arith.mulf %slice3A_525, %mul3A_566 : vector<32x256xf32>
    %add3A_568 = arith.addf %mul3A_562, %mul3A_567 : vector<32x256xf32>
    %add3A_569 = vector.broadcast %get3A_538 : vector<1x256xf32> to vector<32x256xf32>
    %add3A_570 = arith.addf %add3A_568, %add3A_569 : vector<32x256xf32>
    %max3A_571 = arith.constant 0.000000e+00 : f32
    %max3A_572 = vector.broadcast %max3A_571 : f32 to vector<32x256xf32>
    %max3A_573 = arith.maximumf %add3A_570, %max3A_572 : vector<32x256xf32>
    %slice3A_574 = vector.extract_strided_slice %dot_general3A_6 {offsets = [352, 0], sizes = [32, 256], strides = [1, 1]} : vector<512x256xf32> to vector<32x256xf32>
    %get3A_575 = arith.constant 11 : index
    %get3A_576 = arith.constant 0 : index
    %get3A_577 = arith.constant 0 : index
    %get3A_578 = vector.load %arg2[%get3A_575, %get3A_576, %get3A_577] : memref<16x1x512xi32, #tpu.memory_space<vmem>>, vector<1x1x512xi32>
    %get3A_579 = vector.shape_cast %get3A_578 : vector<1x1x512xi32> to vector<1x512xi32>
    %get3A_580 = arith.constant 11 : index
    %get3A_581 = arith.constant 0 : index
    %get3A_582 = arith.constant 0 : index
    %get3A_583 = vector.load %arg3[%get3A_580, %get3A_581, %get3A_582] : memref<16x1x512xi32, #tpu.memory_space<vmem>>, vector<1x1x512xi32>
    %get3A_584 = vector.shape_cast %get3A_583 : vector<1x1x512xi32> to vector<1x512xi32>
    %get3A_585 = arith.constant 0 : index
    %get3A_586 = arith.constant 0 : index
    %get3A_587 = vector.load %arg5[%get3A_585, %get3A_586] : memref<1x256xf32, #tpu.memory_space<vmem>>, vector<1x256xf32>
    %iota3A_588 = tpu.iota {dimensions = array<i32: 0>} : vector<32x512xi32>
    %eq3A_589 = vector.broadcast %get3A_579 : vector<1x512xi32> to vector<32x512xi32>
    %eq3A_590 = arith.cmpi eq, %iota3A_588, %eq3A_589 : vector<32x512xi32>
    %convert_element_type3A_591 = arith.extui %eq3A_590 : vector<32x512xi1> to vector<32x512xi32>
    %convert_element_type3A_592 = arith.sitofp %convert_element_type3A_591 : vector<32x512xi32> to vector<32x512xf32>
    %eq3A_593 = vector.broadcast %get3A_584 : vector<1x512xi32> to vector<32x512xi32>
    %eq3A_594 = arith.cmpi eq, %iota3A_588, %eq3A_593 : vector<32x512xi32>
    %convert_element_type3A_595 = arith.extui %eq3A_594 : vector<32x512xi1> to vector<32x512xi32>
    %convert_element_type3A_596 = arith.sitofp %convert_element_type3A_595 : vector<32x512xi32> to vector<32x512xf32>
    %reduce_sum3A_597 = arith.constant dense<0.000000e+00> : vector<32xf32>
    %reduce_sum3A_598 = vector.multi_reduction <add>, %convert_element_type3A_596, %reduce_sum3A_597 [1] : vector<32x512xf32> to vector<32xf32>
    %broadcast_in_dim3A_599 = vector.shape_cast %reduce_sum3A_598 : vector<32xf32> to vector<32x1xf32>
    %add3A_600 = arith.constant 1.000000e+00 : f32
    %add3A_601 = vector.broadcast %add3A_600 : f32 to vector<32x1xf32>
    %add3A_602 = arith.addf %broadcast_in_dim3A_599, %add3A_601 : vector<32x1xf32>
    %rsqrt3A_603 = math.rsqrt %add3A_602 : vector<32x1xf32>
    %dot_general3A_604 = arith.constant dense<0.000000e+00> : vector<32x32xf32>
    %dot_general3A_605 = tpu.matmul %convert_element_type3A_596, %convert_element_type3A_592, %dot_general3A_604 {dimension_numbers = #tpu.dot_dimension_numbers<[1], [1], [0], [0], [0, 0, 1, 0], [], []>, transpose_lhs_hint = false} : vector<32x512xf32>, vector<32x512xf32>, vector<32x32xf32> -> vector<32x32xf32>
    %mul3A_606 = vector.broadcast %rsqrt3A_603 : vector<32x1xf32> to vector<32x256xf32>
    %mul3A_607 = arith.mulf %mul3A_606, %slice3A_574 : vector<32x256xf32>
    %dot_general3A_608 = arith.constant dense<0.000000e+00> : vector<32x256xf32>
    %dot_general3A_609 = tpu.matmul %dot_general3A_605, %mul3A_607, %dot_general3A_608 {dimension_numbers = #tpu.dot_dimension_numbers<[1], [0], [0], [1], [0, 0, 1, 1], [], []>, precision = #tpu.contract_precision<fp32>, transpose_lhs_hint = false} : vector<32x32xf32>, vector<32x256xf32>, vector<32x256xf32> -> vector<32x256xf32>
    %mul3A_610 = vector.broadcast %rsqrt3A_603 : vector<32x1xf32> to vector<32x256xf32>
    %mul3A_611 = arith.mulf %mul3A_610, %dot_general3A_609 : vector<32x256xf32>
    %div3A_612 = arith.constant 1.000000e+00 : f32
    %div3A_613 = vector.broadcast %div3A_612 : f32 to vector<32x1xf32>
    %div3A_614 = arith.divf %div3A_613, %add3A_602 : vector<32x1xf32>
    %mul3A_615 = vector.broadcast %div3A_614 : vector<32x1xf32> to vector<32x256xf32>
    %mul3A_616 = arith.mulf %slice3A_574, %mul3A_615 : vector<32x256xf32>
    %add3A_617 = arith.addf %mul3A_611, %mul3A_616 : vector<32x256xf32>
    %add3A_618 = vector.broadcast %get3A_587 : vector<1x256xf32> to vector<32x256xf32>
    %add3A_619 = arith.addf %add3A_617, %add3A_618 : vector<32x256xf32>
    %max3A_620 = arith.constant 0.000000e+00 : f32
    %max3A_621 = vector.broadcast %max3A_620 : f32 to vector<32x256xf32>
    %max3A_622 = arith.maximumf %add3A_619, %max3A_621 : vector<32x256xf32>
    %slice3A_623 = vector.extract_strided_slice %dot_general3A_6 {offsets = [384, 0], sizes = [32, 256], strides = [1, 1]} : vector<512x256xf32> to vector<32x256xf32>
    %get3A_624 = arith.constant 12 : index
    %get3A_625 = arith.constant 0 : index
    %get3A_626 = arith.constant 0 : index
    %get3A_627 = vector.load %arg2[%get3A_624, %get3A_625, %get3A_626] : memref<16x1x512xi32, #tpu.memory_space<vmem>>, vector<1x1x512xi32>
    %get3A_628 = vector.shape_cast %get3A_627 : vector<1x1x512xi32> to vector<1x512xi32>
    %get3A_629 = arith.constant 12 : index
    %get3A_630 = arith.constant 0 : index
    %get3A_631 = arith.constant 0 : index
    %get3A_632 = vector.load %arg3[%get3A_629, %get3A_630, %get3A_631] : memref<16x1x512xi32, #tpu.memory_space<vmem>>, vector<1x1x512xi32>
    %get3A_633 = vector.shape_cast %get3A_632 : vector<1x1x512xi32> to vector<1x512xi32>
    %get3A_634 = arith.constant 0 : index
    %get3A_635 = arith.constant 0 : index
    %get3A_636 = vector.load %arg5[%get3A_634, %get3A_635] : memref<1x256xf32, #tpu.memory_space<vmem>>, vector<1x256xf32>
    %iota3A_637 = tpu.iota {dimensions = array<i32: 0>} : vector<32x512xi32>
    %eq3A_638 = vector.broadcast %get3A_628 : vector<1x512xi32> to vector<32x512xi32>
    %eq3A_639 = arith.cmpi eq, %iota3A_637, %eq3A_638 : vector<32x512xi32>
    %convert_element_type3A_640 = arith.extui %eq3A_639 : vector<32x512xi1> to vector<32x512xi32>
    %convert_element_type3A_641 = arith.sitofp %convert_element_type3A_640 : vector<32x512xi32> to vector<32x512xf32>
    %eq3A_642 = vector.broadcast %get3A_633 : vector<1x512xi32> to vector<32x512xi32>
    %eq3A_643 = arith.cmpi eq, %iota3A_637, %eq3A_642 : vector<32x512xi32>
    %convert_element_type3A_644 = arith.extui %eq3A_643 : vector<32x512xi1> to vector<32x512xi32>
    %convert_element_type3A_645 = arith.sitofp %convert_element_type3A_644 : vector<32x512xi32> to vector<32x512xf32>
    %reduce_sum3A_646 = arith.constant dense<0.000000e+00> : vector<32xf32>
    %reduce_sum3A_647 = vector.multi_reduction <add>, %convert_element_type3A_645, %reduce_sum3A_646 [1] : vector<32x512xf32> to vector<32xf32>
    %broadcast_in_dim3A_648 = vector.shape_cast %reduce_sum3A_647 : vector<32xf32> to vector<32x1xf32>
    %add3A_649 = arith.constant 1.000000e+00 : f32
    %add3A_650 = vector.broadcast %add3A_649 : f32 to vector<32x1xf32>
    %add3A_651 = arith.addf %broadcast_in_dim3A_648, %add3A_650 : vector<32x1xf32>
    %rsqrt3A_652 = math.rsqrt %add3A_651 : vector<32x1xf32>
    %dot_general3A_653 = arith.constant dense<0.000000e+00> : vector<32x32xf32>
    %dot_general3A_654 = tpu.matmul %convert_element_type3A_645, %convert_element_type3A_641, %dot_general3A_653 {dimension_numbers = #tpu.dot_dimension_numbers<[1], [1], [0], [0], [0, 0, 1, 0], [], []>, transpose_lhs_hint = false} : vector<32x512xf32>, vector<32x512xf32>, vector<32x32xf32> -> vector<32x32xf32>
    %mul3A_655 = vector.broadcast %rsqrt3A_652 : vector<32x1xf32> to vector<32x256xf32>
    %mul3A_656 = arith.mulf %mul3A_655, %slice3A_623 : vector<32x256xf32>
    %dot_general3A_657 = arith.constant dense<0.000000e+00> : vector<32x256xf32>
    %dot_general3A_658 = tpu.matmul %dot_general3A_654, %mul3A_656, %dot_general3A_657 {dimension_numbers = #tpu.dot_dimension_numbers<[1], [0], [0], [1], [0, 0, 1, 1], [], []>, precision = #tpu.contract_precision<fp32>, transpose_lhs_hint = false} : vector<32x32xf32>, vector<32x256xf32>, vector<32x256xf32> -> vector<32x256xf32>
    %mul3A_659 = vector.broadcast %rsqrt3A_652 : vector<32x1xf32> to vector<32x256xf32>
    %mul3A_660 = arith.mulf %mul3A_659, %dot_general3A_658 : vector<32x256xf32>
    %div3A_661 = arith.constant 1.000000e+00 : f32
    %div3A_662 = vector.broadcast %div3A_661 : f32 to vector<32x1xf32>
    %div3A_663 = arith.divf %div3A_662, %add3A_651 : vector<32x1xf32>
    %mul3A_664 = vector.broadcast %div3A_663 : vector<32x1xf32> to vector<32x256xf32>
    %mul3A_665 = arith.mulf %slice3A_623, %mul3A_664 : vector<32x256xf32>
    %add3A_666 = arith.addf %mul3A_660, %mul3A_665 : vector<32x256xf32>
    %add3A_667 = vector.broadcast %get3A_636 : vector<1x256xf32> to vector<32x256xf32>
    %add3A_668 = arith.addf %add3A_666, %add3A_667 : vector<32x256xf32>
    %max3A_669 = arith.constant 0.000000e+00 : f32
    %max3A_670 = vector.broadcast %max3A_669 : f32 to vector<32x256xf32>
    %max3A_671 = arith.maximumf %add3A_668, %max3A_670 : vector<32x256xf32>
    %slice3A_672 = vector.extract_strided_slice %dot_general3A_6 {offsets = [416, 0], sizes = [32, 256], strides = [1, 1]} : vector<512x256xf32> to vector<32x256xf32>
    %get3A_673 = arith.constant 13 : index
    %get3A_674 = arith.constant 0 : index
    %get3A_675 = arith.constant 0 : index
    %get3A_676 = vector.load %arg2[%get3A_673, %get3A_674, %get3A_675] : memref<16x1x512xi32, #tpu.memory_space<vmem>>, vector<1x1x512xi32>
    %get3A_677 = vector.shape_cast %get3A_676 : vector<1x1x512xi32> to vector<1x512xi32>
    %get3A_678 = arith.constant 13 : index
    %get3A_679 = arith.constant 0 : index
    %get3A_680 = arith.constant 0 : index
    %get3A_681 = vector.load %arg3[%get3A_678, %get3A_679, %get3A_680] : memref<16x1x512xi32, #tpu.memory_space<vmem>>, vector<1x1x512xi32>
    %get3A_682 = vector.shape_cast %get3A_681 : vector<1x1x512xi32> to vector<1x512xi32>
    %get3A_683 = arith.constant 0 : index
    %get3A_684 = arith.constant 0 : index
    %get3A_685 = vector.load %arg5[%get3A_683, %get3A_684] : memref<1x256xf32, #tpu.memory_space<vmem>>, vector<1x256xf32>
    %iota3A_686 = tpu.iota {dimensions = array<i32: 0>} : vector<32x512xi32>
    %eq3A_687 = vector.broadcast %get3A_677 : vector<1x512xi32> to vector<32x512xi32>
    %eq3A_688 = arith.cmpi eq, %iota3A_686, %eq3A_687 : vector<32x512xi32>
    %convert_element_type3A_689 = arith.extui %eq3A_688 : vector<32x512xi1> to vector<32x512xi32>
    %convert_element_type3A_690 = arith.sitofp %convert_element_type3A_689 : vector<32x512xi32> to vector<32x512xf32>
    %eq3A_691 = vector.broadcast %get3A_682 : vector<1x512xi32> to vector<32x512xi32>
    %eq3A_692 = arith.cmpi eq, %iota3A_686, %eq3A_691 : vector<32x512xi32>
    %convert_element_type3A_693 = arith.extui %eq3A_692 : vector<32x512xi1> to vector<32x512xi32>
    %convert_element_type3A_694 = arith.sitofp %convert_element_type3A_693 : vector<32x512xi32> to vector<32x512xf32>
    %reduce_sum3A_695 = arith.constant dense<0.000000e+00> : vector<32xf32>
    %reduce_sum3A_696 = vector.multi_reduction <add>, %convert_element_type3A_694, %reduce_sum3A_695 [1] : vector<32x512xf32> to vector<32xf32>
    %broadcast_in_dim3A_697 = vector.shape_cast %reduce_sum3A_696 : vector<32xf32> to vector<32x1xf32>
    %add3A_698 = arith.constant 1.000000e+00 : f32
    %add3A_699 = vector.broadcast %add3A_698 : f32 to vector<32x1xf32>
    %add3A_700 = arith.addf %broadcast_in_dim3A_697, %add3A_699 : vector<32x1xf32>
    %rsqrt3A_701 = math.rsqrt %add3A_700 : vector<32x1xf32>
    %dot_general3A_702 = arith.constant dense<0.000000e+00> : vector<32x32xf32>
    %dot_general3A_703 = tpu.matmul %convert_element_type3A_694, %convert_element_type3A_690, %dot_general3A_702 {dimension_numbers = #tpu.dot_dimension_numbers<[1], [1], [0], [0], [0, 0, 1, 0], [], []>, transpose_lhs_hint = false} : vector<32x512xf32>, vector<32x512xf32>, vector<32x32xf32> -> vector<32x32xf32>
    %mul3A_704 = vector.broadcast %rsqrt3A_701 : vector<32x1xf32> to vector<32x256xf32>
    %mul3A_705 = arith.mulf %mul3A_704, %slice3A_672 : vector<32x256xf32>
    %dot_general3A_706 = arith.constant dense<0.000000e+00> : vector<32x256xf32>
    %dot_general3A_707 = tpu.matmul %dot_general3A_703, %mul3A_705, %dot_general3A_706 {dimension_numbers = #tpu.dot_dimension_numbers<[1], [0], [0], [1], [0, 0, 1, 1], [], []>, precision = #tpu.contract_precision<fp32>, transpose_lhs_hint = false} : vector<32x32xf32>, vector<32x256xf32>, vector<32x256xf32> -> vector<32x256xf32>
    %mul3A_708 = vector.broadcast %rsqrt3A_701 : vector<32x1xf32> to vector<32x256xf32>
    %mul3A_709 = arith.mulf %mul3A_708, %dot_general3A_707 : vector<32x256xf32>
    %div3A_710 = arith.constant 1.000000e+00 : f32
    %div3A_711 = vector.broadcast %div3A_710 : f32 to vector<32x1xf32>
    %div3A_712 = arith.divf %div3A_711, %add3A_700 : vector<32x1xf32>
    %mul3A_713 = vector.broadcast %div3A_712 : vector<32x1xf32> to vector<32x256xf32>
    %mul3A_714 = arith.mulf %slice3A_672, %mul3A_713 : vector<32x256xf32>
    %add3A_715 = arith.addf %mul3A_709, %mul3A_714 : vector<32x256xf32>
    %add3A_716 = vector.broadcast %get3A_685 : vector<1x256xf32> to vector<32x256xf32>
    %add3A_717 = arith.addf %add3A_715, %add3A_716 : vector<32x256xf32>
    %max3A_718 = arith.constant 0.000000e+00 : f32
    %max3A_719 = vector.broadcast %max3A_718 : f32 to vector<32x256xf32>
    %max3A_720 = arith.maximumf %add3A_717, %max3A_719 : vector<32x256xf32>
    %slice3A_721 = vector.extract_strided_slice %dot_general3A_6 {offsets = [448, 0], sizes = [32, 256], strides = [1, 1]} : vector<512x256xf32> to vector<32x256xf32>
    %get3A_722 = arith.constant 14 : index
    %get3A_723 = arith.constant 0 : index
    %get3A_724 = arith.constant 0 : index
    %get3A_725 = vector.load %arg2[%get3A_722, %get3A_723, %get3A_724] : memref<16x1x512xi32, #tpu.memory_space<vmem>>, vector<1x1x512xi32>
    %get3A_726 = vector.shape_cast %get3A_725 : vector<1x1x512xi32> to vector<1x512xi32>
    %get3A_727 = arith.constant 14 : index
    %get3A_728 = arith.constant 0 : index
    %get3A_729 = arith.constant 0 : index
    %get3A_730 = vector.load %arg3[%get3A_727, %get3A_728, %get3A_729] : memref<16x1x512xi32, #tpu.memory_space<vmem>>, vector<1x1x512xi32>
    %get3A_731 = vector.shape_cast %get3A_730 : vector<1x1x512xi32> to vector<1x512xi32>
    %get3A_732 = arith.constant 0 : index
    %get3A_733 = arith.constant 0 : index
    %get3A_734 = vector.load %arg5[%get3A_732, %get3A_733] : memref<1x256xf32, #tpu.memory_space<vmem>>, vector<1x256xf32>
    %iota3A_735 = tpu.iota {dimensions = array<i32: 0>} : vector<32x512xi32>
    %eq3A_736 = vector.broadcast %get3A_726 : vector<1x512xi32> to vector<32x512xi32>
    %eq3A_737 = arith.cmpi eq, %iota3A_735, %eq3A_736 : vector<32x512xi32>
    %convert_element_type3A_738 = arith.extui %eq3A_737 : vector<32x512xi1> to vector<32x512xi32>
    %convert_element_type3A_739 = arith.sitofp %convert_element_type3A_738 : vector<32x512xi32> to vector<32x512xf32>
    %eq3A_740 = vector.broadcast %get3A_731 : vector<1x512xi32> to vector<32x512xi32>
    %eq3A_741 = arith.cmpi eq, %iota3A_735, %eq3A_740 : vector<32x512xi32>
    %convert_element_type3A_742 = arith.extui %eq3A_741 : vector<32x512xi1> to vector<32x512xi32>
    %convert_element_type3A_743 = arith.sitofp %convert_element_type3A_742 : vector<32x512xi32> to vector<32x512xf32>
    %reduce_sum3A_744 = arith.constant dense<0.000000e+00> : vector<32xf32>
    %reduce_sum3A_745 = vector.multi_reduction <add>, %convert_element_type3A_743, %reduce_sum3A_744 [1] : vector<32x512xf32> to vector<32xf32>
    %broadcast_in_dim3A_746 = vector.shape_cast %reduce_sum3A_745 : vector<32xf32> to vector<32x1xf32>
    %add3A_747 = arith.constant 1.000000e+00 : f32
    %add3A_748 = vector.broadcast %add3A_747 : f32 to vector<32x1xf32>
    %add3A_749 = arith.addf %broadcast_in_dim3A_746, %add3A_748 : vector<32x1xf32>
    %rsqrt3A_750 = math.rsqrt %add3A_749 : vector<32x1xf32>
    %dot_general3A_751 = arith.constant dense<0.000000e+00> : vector<32x32xf32>
    %dot_general3A_752 = tpu.matmul %convert_element_type3A_743, %convert_element_type3A_739, %dot_general3A_751 {dimension_numbers = #tpu.dot_dimension_numbers<[1], [1], [0], [0], [0, 0, 1, 0], [], []>, transpose_lhs_hint = false} : vector<32x512xf32>, vector<32x512xf32>, vector<32x32xf32> -> vector<32x32xf32>
    %mul3A_753 = vector.broadcast %rsqrt3A_750 : vector<32x1xf32> to vector<32x256xf32>
    %mul3A_754 = arith.mulf %mul3A_753, %slice3A_721 : vector<32x256xf32>
    %dot_general3A_755 = arith.constant dense<0.000000e+00> : vector<32x256xf32>
    %dot_general3A_756 = tpu.matmul %dot_general3A_752, %mul3A_754, %dot_general3A_755 {dimension_numbers = #tpu.dot_dimension_numbers<[1], [0], [0], [1], [0, 0, 1, 1], [], []>, precision = #tpu.contract_precision<fp32>, transpose_lhs_hint = false} : vector<32x32xf32>, vector<32x256xf32>, vector<32x256xf32> -> vector<32x256xf32>
    %mul3A_757 = vector.broadcast %rsqrt3A_750 : vector<32x1xf32> to vector<32x256xf32>
    %mul3A_758 = arith.mulf %mul3A_757, %dot_general3A_756 : vector<32x256xf32>
    %div3A_759 = arith.constant 1.000000e+00 : f32
    %div3A_760 = vector.broadcast %div3A_759 : f32 to vector<32x1xf32>
    %div3A_761 = arith.divf %div3A_760, %add3A_749 : vector<32x1xf32>
    %mul3A_762 = vector.broadcast %div3A_761 : vector<32x1xf32> to vector<32x256xf32>
    %mul3A_763 = arith.mulf %slice3A_721, %mul3A_762 : vector<32x256xf32>
    %add3A_764 = arith.addf %mul3A_758, %mul3A_763 : vector<32x256xf32>
    %add3A_765 = vector.broadcast %get3A_734 : vector<1x256xf32> to vector<32x256xf32>
    %add3A_766 = arith.addf %add3A_764, %add3A_765 : vector<32x256xf32>
    %max3A_767 = arith.constant 0.000000e+00 : f32
    %max3A_768 = vector.broadcast %max3A_767 : f32 to vector<32x256xf32>
    %max3A_769 = arith.maximumf %add3A_766, %max3A_768 : vector<32x256xf32>
    %slice3A_770 = vector.extract_strided_slice %dot_general3A_6 {offsets = [480, 0], sizes = [32, 256], strides = [1, 1]} : vector<512x256xf32> to vector<32x256xf32>
    %get3A_771 = arith.constant 15 : index
    %get3A_772 = arith.constant 0 : index
    %get3A_773 = arith.constant 0 : index
    %get3A_774 = vector.load %arg2[%get3A_771, %get3A_772, %get3A_773] : memref<16x1x512xi32, #tpu.memory_space<vmem>>, vector<1x1x512xi32>
    %get3A_775 = vector.shape_cast %get3A_774 : vector<1x1x512xi32> to vector<1x512xi32>
    %get3A_776 = arith.constant 15 : index
    %get3A_777 = arith.constant 0 : index
    %get3A_778 = arith.constant 0 : index
    %get3A_779 = vector.load %arg3[%get3A_776, %get3A_777, %get3A_778] : memref<16x1x512xi32, #tpu.memory_space<vmem>>, vector<1x1x512xi32>
    %get3A_780 = vector.shape_cast %get3A_779 : vector<1x1x512xi32> to vector<1x512xi32>
    %get3A_781 = arith.constant 0 : index
    %get3A_782 = arith.constant 0 : index
    %get3A_783 = vector.load %arg5[%get3A_781, %get3A_782] : memref<1x256xf32, #tpu.memory_space<vmem>>, vector<1x256xf32>
    %iota3A_784 = tpu.iota {dimensions = array<i32: 0>} : vector<32x512xi32>
    %eq3A_785 = vector.broadcast %get3A_775 : vector<1x512xi32> to vector<32x512xi32>
    %eq3A_786 = arith.cmpi eq, %iota3A_784, %eq3A_785 : vector<32x512xi32>
    %convert_element_type3A_787 = arith.extui %eq3A_786 : vector<32x512xi1> to vector<32x512xi32>
    %convert_element_type3A_788 = arith.sitofp %convert_element_type3A_787 : vector<32x512xi32> to vector<32x512xf32>
    %eq3A_789 = vector.broadcast %get3A_780 : vector<1x512xi32> to vector<32x512xi32>
    %eq3A_790 = arith.cmpi eq, %iota3A_784, %eq3A_789 : vector<32x512xi32>
    %convert_element_type3A_791 = arith.extui %eq3A_790 : vector<32x512xi1> to vector<32x512xi32>
    %convert_element_type3A_792 = arith.sitofp %convert_element_type3A_791 : vector<32x512xi32> to vector<32x512xf32>
    %reduce_sum3A_793 = arith.constant dense<0.000000e+00> : vector<32xf32>
    %reduce_sum3A_794 = vector.multi_reduction <add>, %convert_element_type3A_792, %reduce_sum3A_793 [1] : vector<32x512xf32> to vector<32xf32>
    %broadcast_in_dim3A_795 = vector.shape_cast %reduce_sum3A_794 : vector<32xf32> to vector<32x1xf32>
    %add3A_796 = arith.constant 1.000000e+00 : f32
    %add3A_797 = vector.broadcast %add3A_796 : f32 to vector<32x1xf32>
    %add3A_798 = arith.addf %broadcast_in_dim3A_795, %add3A_797 : vector<32x1xf32>
    %rsqrt3A_799 = math.rsqrt %add3A_798 : vector<32x1xf32>
    %dot_general3A_800 = arith.constant dense<0.000000e+00> : vector<32x32xf32>
    %dot_general3A_801 = tpu.matmul %convert_element_type3A_792, %convert_element_type3A_788, %dot_general3A_800 {dimension_numbers = #tpu.dot_dimension_numbers<[1], [1], [0], [0], [0, 0, 1, 0], [], []>, transpose_lhs_hint = false} : vector<32x512xf32>, vector<32x512xf32>, vector<32x32xf32> -> vector<32x32xf32>
    %mul3A_802 = vector.broadcast %rsqrt3A_799 : vector<32x1xf32> to vector<32x256xf32>
    %mul3A_803 = arith.mulf %mul3A_802, %slice3A_770 : vector<32x256xf32>
    %dot_general3A_804 = arith.constant dense<0.000000e+00> : vector<32x256xf32>
    %dot_general3A_805 = tpu.matmul %dot_general3A_801, %mul3A_803, %dot_general3A_804 {dimension_numbers = #tpu.dot_dimension_numbers<[1], [0], [0], [1], [0, 0, 1, 1], [], []>, precision = #tpu.contract_precision<fp32>, transpose_lhs_hint = false} : vector<32x32xf32>, vector<32x256xf32>, vector<32x256xf32> -> vector<32x256xf32>
    %mul3A_806 = vector.broadcast %rsqrt3A_799 : vector<32x1xf32> to vector<32x256xf32>
    %mul3A_807 = arith.mulf %mul3A_806, %dot_general3A_805 : vector<32x256xf32>
    %div3A_808 = arith.constant 1.000000e+00 : f32
    %div3A_809 = vector.broadcast %div3A_808 : f32 to vector<32x1xf32>
    %div3A_810 = arith.divf %div3A_809, %add3A_798 : vector<32x1xf32>
    %mul3A_811 = vector.broadcast %div3A_810 : vector<32x1xf32> to vector<32x256xf32>
    %mul3A_812 = arith.mulf %slice3A_770, %mul3A_811 : vector<32x256xf32>
    %add3A_813 = arith.addf %mul3A_807, %mul3A_812 : vector<32x256xf32>
    %add3A_814 = vector.broadcast %get3A_783 : vector<1x256xf32> to vector<32x256xf32>
    %add3A_815 = arith.addf %add3A_813, %add3A_814 : vector<32x256xf32>
    %max3A_816 = arith.constant 0.000000e+00 : f32
    %max3A_817 = vector.broadcast %max3A_816 : f32 to vector<32x256xf32>
    %max3A_818 = arith.maximumf %add3A_815, %max3A_817 : vector<32x256xf32>
    %concatenate3A = tpu.concatenate %max3A_83, %max3A_132, %max3A_181, %max3A_230, %max3A_279, %max3A_328, %max3A_377, %max3A_426, %max3A_475, %max3A_524, %max3A_573, %max3A_622, %max3A_671, %max3A_720, %max3A_769, %max3A_818 in 0 : vector<32x256xf32>, vector<32x256xf32>, vector<32x256xf32>, vector<32x256xf32>, vector<32x256xf32>, vector<32x256xf32>, vector<32x256xf32>, vector<32x256xf32>, vector<32x256xf32>, vector<32x256xf32>, vector<32x256xf32>, vector<32x256xf32>, vector<32x256xf32>, vector<32x256xf32>, vector<32x256xf32>, vector<32x256xf32> -> vector<512x256xf32>
    %get3A_819 = arith.constant 0 : index
    %get3A_820 = arith.constant 0 : index
    %get3A_821 = vector.load %arg6[%get3A_819, %get3A_820] : memref<256x128xf32, #tpu.memory_space<vmem>>, vector<256x128xf32>
    %dot_general3A_822 = arith.constant dense<0.000000e+00> : vector<512x128xf32>
    %dot_general3A_823 = tpu.matmul %concatenate3A, %get3A_821, %dot_general3A_822 {dimension_numbers = #tpu.dot_dimension_numbers<[1], [0], [0], [1], [0, 0, 1, 1], [], []>, transpose_lhs_hint = false} : vector<512x256xf32>, vector<256x128xf32>, vector<512x128xf32> -> vector<512x128xf32>
    %slice3A_824 = vector.extract_strided_slice %dot_general3A_823 {offsets = [0, 0], sizes = [512, 1], strides = [1, 1]} : vector<512x128xf32> to vector<512x1xf32>
    %slice3A_825 = vector.extract_strided_slice %slice3A_824 {offsets = [0, 0], sizes = [32, 1], strides = [1, 1]} : vector<512x1xf32> to vector<32x1xf32>
    %logistic3A = arith.negf %slice3A_825 : vector<32x1xf32>
    %logistic3A_826 = math.exp %logistic3A : vector<32x1xf32>
    %logistic3A_827 = arith.constant 1.000000e+00 : f32
    %logistic3A_828 = vector.broadcast %logistic3A_827 : f32 to vector<32x1xf32>
    %logistic3A_829 = arith.addf %logistic3A_828, %logistic3A_826 : vector<32x1xf32>
    %logistic3A_830 = arith.divf %logistic3A_828, %logistic3A_829 : vector<32x1xf32>
    %iota3A_831 = tpu.iota {dimensions = array<i32: 0>} : vector<32x32xi32>
    %iota3A_832 = tpu.iota {dimensions = array<i32: 1>} : vector<32x32xi32>
    %eq3A_833 = arith.cmpi eq, %iota3A_831, %iota3A_832 : vector<32x32xi32>
    %convert_element_type3A_834 = arith.extui %eq3A_833 : vector<32x32xi1> to vector<32x32xi32>
    %convert_element_type3A_835 = arith.sitofp %convert_element_type3A_834 : vector<32x32xi32> to vector<32x32xf32>
    %mul3A_836 = vector.broadcast %logistic3A_830 : vector<32x1xf32> to vector<32x32xf32>
    %mul3A_837 = arith.mulf %mul3A_836, %convert_element_type3A_835 : vector<32x32xf32>
    %reduce_sum3A_838 = arith.constant dense<0.000000e+00> : vector<32xf32>
    %reduce_sum3A_839 = vector.multi_reduction <add>, %mul3A_837, %reduce_sum3A_838 [0] : vector<32x32xf32> to vector<32xf32>
    %broadcast_in_dim3A_840 = vector.shape_cast %reduce_sum3A_839 : vector<32xf32> to vector<1x32xf32>
    %gt3A = vector.broadcast %logistic3A_830 : vector<32x1xf32> to vector<32x32xf32>
    %gt3A_841 = vector.broadcast %broadcast_in_dim3A_840 : vector<1x32xf32> to vector<32x32xf32>
    %gt3A_842 = arith.cmpf ogt, %gt3A, %gt3A_841 : vector<32x32xf32>
    %eq3A_843 = vector.broadcast %logistic3A_830 : vector<32x1xf32> to vector<32x32xf32>
    %eq3A_844 = vector.broadcast %broadcast_in_dim3A_840 : vector<1x32xf32> to vector<32x32xf32>
    %eq3A_845 = arith.cmpf oeq, %eq3A_843, %eq3A_844 : vector<32x32xf32>
    %lt3A_846 = arith.cmpi slt, %iota3A_831, %iota3A_832 : vector<32x32xi32>
    %and3A = arith.andi %eq3A_845, %lt3A_846 : vector<32x32xi1>
    %or3A = arith.ori %gt3A_842, %and3A : vector<32x32xi1>
    %convert_element_type3A_847 = arith.extui %or3A : vector<32x32xi1> to vector<32x32xi32>
    %convert_element_type3A_848 = arith.sitofp %convert_element_type3A_847 : vector<32x32xi32> to vector<32x32xf32>
    %reduce_sum3A_849 = arith.constant dense<0.000000e+00> : vector<32xf32>
    %reduce_sum3A_850 = vector.multi_reduction <add>, %convert_element_type3A_848, %reduce_sum3A_849 [0] : vector<32x32xf32> to vector<32xf32>
    %broadcast_in_dim3A_851 = vector.shape_cast %reduce_sum3A_850 : vector<32xf32> to vector<1x32xf32>
    %iota3A_852 = tpu.iota {dimensions = array<i32: 0>} : vector<16x32xi32>
    %convert_element_type3A_853 = arith.sitofp %iota3A_852 : vector<16x32xi32> to vector<16x32xf32>
    %eq3A_854 = vector.broadcast %broadcast_in_dim3A_851 : vector<1x32xf32> to vector<16x32xf32>
    %eq3A_855 = arith.cmpf oeq, %convert_element_type3A_853, %eq3A_854 : vector<16x32xf32>
    %convert_element_type3A_856 = arith.extui %eq3A_855 : vector<16x32xi1> to vector<16x32xi32>
    %convert_element_type3A_857 = arith.sitofp %convert_element_type3A_856 : vector<16x32xi32> to vector<16x32xf32>
    %mul3A_858 = vector.broadcast %logistic3A_830 : vector<32x1xf32> to vector<32x256xf32>
    %mul3A_859 = arith.mulf %max3A_83, %mul3A_858 : vector<32x256xf32>
    %dot_general3A_860 = arith.constant dense<0.000000e+00> : vector<16x256xf32>
    %dot_general3A_861 = tpu.matmul %convert_element_type3A_857, %mul3A_859, %dot_general3A_860 {dimension_numbers = #tpu.dot_dimension_numbers<[1], [0], [0], [1], [0, 0, 1, 1], [], []>, precision = #tpu.contract_precision<fp32>, transpose_lhs_hint = false} : vector<16x32xf32>, vector<32x256xf32>, vector<16x256xf32> -> vector<16x256xf32>
    %reduce_sum3A_862 = arith.constant dense<0.000000e+00> : vector<256xf32>
    %reduce_sum3A_863 = vector.multi_reduction <add>, %dot_general3A_861, %reduce_sum3A_862 [0] : vector<16x256xf32> to vector<256xf32>
    %broadcast_in_dim3A_864 = vector.shape_cast %reduce_sum3A_863 : vector<256xf32> to vector<1x256xf32>
    %mul3A_865 = arith.constant 6.250000e-02 : f32
    %mul3A_866 = vector.broadcast %mul3A_865 : f32 to vector<1x256xf32>
    %mul3A_867 = arith.mulf %broadcast_in_dim3A_864, %mul3A_866 : vector<1x256xf32>
    %swap3A_868 = arith.constant 0 : index
    %swap3A_869 = arith.constant 0 : index
    %swap3A_870 = arith.constant 0 : index
    %swap3A_871 = vector.load %arg7[%swap3A_868, %swap3A_869, %swap3A_870] : memref<16x1x256xf32, #tpu.memory_space<vmem>>, vector<1x1x256xf32>
    %swap3A_872 = vector.shape_cast %swap3A_871 : vector<1x1x256xf32> to vector<1x256xf32>
    %swap3A_873 = vector.shape_cast %mul3A_867 : vector<1x256xf32> to vector<1x1x256xf32>
    tpu.vector_store %arg7[%swap3A_868, %swap3A_869, %swap3A_870], %swap3A_873 {strides = array<i32>} : memref<16x1x256xf32, #tpu.memory_space<vmem>>, vector<1x1x256xf32>,
    %slice3A_874 = vector.extract_strided_slice %slice3A_824 {offsets = [32, 0], sizes = [32, 1], strides = [1, 1]} : vector<512x1xf32> to vector<32x1xf32>
    %logistic3A_875 = arith.negf %slice3A_874 : vector<32x1xf32>
    %logistic3A_876 = math.exp %logistic3A_875 : vector<32x1xf32>
    %logistic3A_877 = arith.constant 1.000000e+00 : f32
    %logistic3A_878 = vector.broadcast %logistic3A_877 : f32 to vector<32x1xf32>
    %logistic3A_879 = arith.addf %logistic3A_878, %logistic3A_876 : vector<32x1xf32>
    %logistic3A_880 = arith.divf %logistic3A_878, %logistic3A_879 : vector<32x1xf32>
    %iota3A_881 = tpu.iota {dimensions = array<i32: 0>} : vector<32x32xi32>
    %iota3A_882 = tpu.iota {dimensions = array<i32: 1>} : vector<32x32xi32>
    %eq3A_883 = arith.cmpi eq, %iota3A_881, %iota3A_882 : vector<32x32xi32>
    %convert_element_type3A_884 = arith.extui %eq3A_883 : vector<32x32xi1> to vector<32x32xi32>
    %convert_element_type3A_885 = arith.sitofp %convert_element_type3A_884 : vector<32x32xi32> to vector<32x32xf32>
    %mul3A_886 = vector.broadcast %logistic3A_880 : vector<32x1xf32> to vector<32x32xf32>
    %mul3A_887 = arith.mulf %mul3A_886, %convert_element_type3A_885 : vector<32x32xf32>
    %reduce_sum3A_888 = arith.constant dense<0.000000e+00> : vector<32xf32>
    %reduce_sum3A_889 = vector.multi_reduction <add>, %mul3A_887, %reduce_sum3A_888 [0] : vector<32x32xf32> to vector<32xf32>
    %broadcast_in_dim3A_890 = vector.shape_cast %reduce_sum3A_889 : vector<32xf32> to vector<1x32xf32>
    %gt3A_891 = vector.broadcast %logistic3A_880 : vector<32x1xf32> to vector<32x32xf32>
    %gt3A_892 = vector.broadcast %broadcast_in_dim3A_890 : vector<1x32xf32> to vector<32x32xf32>
    %gt3A_893 = arith.cmpf ogt, %gt3A_891, %gt3A_892 : vector<32x32xf32>
    %eq3A_894 = vector.broadcast %logistic3A_880 : vector<32x1xf32> to vector<32x32xf32>
    %eq3A_895 = vector.broadcast %broadcast_in_dim3A_890 : vector<1x32xf32> to vector<32x32xf32>
    %eq3A_896 = arith.cmpf oeq, %eq3A_894, %eq3A_895 : vector<32x32xf32>
    %lt3A_897 = arith.cmpi slt, %iota3A_881, %iota3A_882 : vector<32x32xi32>
    %and3A_898 = arith.andi %eq3A_896, %lt3A_897 : vector<32x32xi1>
    %or3A_899 = arith.ori %gt3A_893, %and3A_898 : vector<32x32xi1>
    %convert_element_type3A_900 = arith.extui %or3A_899 : vector<32x32xi1> to vector<32x32xi32>
    %convert_element_type3A_901 = arith.sitofp %convert_element_type3A_900 : vector<32x32xi32> to vector<32x32xf32>
    %reduce_sum3A_902 = arith.constant dense<0.000000e+00> : vector<32xf32>
    %reduce_sum3A_903 = vector.multi_reduction <add>, %convert_element_type3A_901, %reduce_sum3A_902 [0] : vector<32x32xf32> to vector<32xf32>
    %broadcast_in_dim3A_904 = vector.shape_cast %reduce_sum3A_903 : vector<32xf32> to vector<1x32xf32>
    %iota3A_905 = tpu.iota {dimensions = array<i32: 0>} : vector<16x32xi32>
    %convert_element_type3A_906 = arith.sitofp %iota3A_905 : vector<16x32xi32> to vector<16x32xf32>
    %eq3A_907 = vector.broadcast %broadcast_in_dim3A_904 : vector<1x32xf32> to vector<16x32xf32>
    %eq3A_908 = arith.cmpf oeq, %convert_element_type3A_906, %eq3A_907 : vector<16x32xf32>
    %convert_element_type3A_909 = arith.extui %eq3A_908 : vector<16x32xi1> to vector<16x32xi32>
    %convert_element_type3A_910 = arith.sitofp %convert_element_type3A_909 : vector<16x32xi32> to vector<16x32xf32>
    %mul3A_911 = vector.broadcast %logistic3A_880 : vector<32x1xf32> to vector<32x256xf32>
    %mul3A_912 = arith.mulf %max3A_132, %mul3A_911 : vector<32x256xf32>
    %dot_general3A_913 = arith.constant dense<0.000000e+00> : vector<16x256xf32>
    %dot_general3A_914 = tpu.matmul %convert_element_type3A_910, %mul3A_912, %dot_general3A_913 {dimension_numbers = #tpu.dot_dimension_numbers<[1], [0], [0], [1], [0, 0, 1, 1], [], []>, precision = #tpu.contract_precision<fp32>, transpose_lhs_hint = false} : vector<16x32xf32>, vector<32x256xf32>, vector<16x256xf32> -> vector<16x256xf32>
    %reduce_sum3A_915 = arith.constant dense<0.000000e+00> : vector<256xf32>
    %reduce_sum3A_916 = vector.multi_reduction <add>, %dot_general3A_914, %reduce_sum3A_915 [0] : vector<16x256xf32> to vector<256xf32>
    %broadcast_in_dim3A_917 = vector.shape_cast %reduce_sum3A_916 : vector<256xf32> to vector<1x256xf32>
    %mul3A_918 = arith.constant 6.250000e-02 : f32
    %mul3A_919 = vector.broadcast %mul3A_918 : f32 to vector<1x256xf32>
    %mul3A_920 = arith.mulf %broadcast_in_dim3A_917, %mul3A_919 : vector<1x256xf32>
    %swap3A_921 = arith.constant 1 : index
    %swap3A_922 = arith.constant 0 : index
    %swap3A_923 = arith.constant 0 : index
    %swap3A_924 = vector.load %arg7[%swap3A_921, %swap3A_922, %swap3A_923] : memref<16x1x256xf32, #tpu.memory_space<vmem>>, vector<1x1x256xf32>
    %swap3A_925 = vector.shape_cast %swap3A_924 : vector<1x1x256xf32> to vector<1x256xf32>
    %swap3A_926 = vector.shape_cast %mul3A_920 : vector<1x256xf32> to vector<1x1x256xf32>
    tpu.vector_store %arg7[%swap3A_921, %swap3A_922, %swap3A_923], %swap3A_926 {strides = array<i32>} : memref<16x1x256xf32, #tpu.memory_space<vmem>>, vector<1x1x256xf32>,
    %slice3A_927 = vector.extract_strided_slice %slice3A_824 {offsets = [64, 0], sizes = [32, 1], strides = [1, 1]} : vector<512x1xf32> to vector<32x1xf32>
    %logistic3A_928 = arith.negf %slice3A_927 : vector<32x1xf32>
    %logistic3A_929 = math.exp %logistic3A_928 : vector<32x1xf32>
    %logistic3A_930 = arith.constant 1.000000e+00 : f32
    %logistic3A_931 = vector.broadcast %logistic3A_930 : f32 to vector<32x1xf32>
    %logistic3A_932 = arith.addf %logistic3A_931, %logistic3A_929 : vector<32x1xf32>
    %logistic3A_933 = arith.divf %logistic3A_931, %logistic3A_932 : vector<32x1xf32>
    %iota3A_934 = tpu.iota {dimensions = array<i32: 0>} : vector<32x32xi32>
    %iota3A_935 = tpu.iota {dimensions = array<i32: 1>} : vector<32x32xi32>
    %eq3A_936 = arith.cmpi eq, %iota3A_934, %iota3A_935 : vector<32x32xi32>
    %convert_element_type3A_937 = arith.extui %eq3A_936 : vector<32x32xi1> to vector<32x32xi32>
    %convert_element_type3A_938 = arith.sitofp %convert_element_type3A_937 : vector<32x32xi32> to vector<32x32xf32>
    %mul3A_939 = vector.broadcast %logistic3A_933 : vector<32x1xf32> to vector<32x32xf32>
    %mul3A_940 = arith.mulf %mul3A_939, %convert_element_type3A_938 : vector<32x32xf32>
    %reduce_sum3A_941 = arith.constant dense<0.000000e+00> : vector<32xf32>
    %reduce_sum3A_942 = vector.multi_reduction <add>, %mul3A_940, %reduce_sum3A_941 [0] : vector<32x32xf32> to vector<32xf32>
    %broadcast_in_dim3A_943 = vector.shape_cast %reduce_sum3A_942 : vector<32xf32> to vector<1x32xf32>
    %gt3A_944 = vector.broadcast %logistic3A_933 : vector<32x1xf32> to vector<32x32xf32>
    %gt3A_945 = vector.broadcast %broadcast_in_dim3A_943 : vector<1x32xf32> to vector<32x32xf32>
    %gt3A_946 = arith.cmpf ogt, %gt3A_944, %gt3A_945 : vector<32x32xf32>
    %eq3A_947 = vector.broadcast %logistic3A_933 : vector<32x1xf32> to vector<32x32xf32>
    %eq3A_948 = vector.broadcast %broadcast_in_dim3A_943 : vector<1x32xf32> to vector<32x32xf32>
    %eq3A_949 = arith.cmpf oeq, %eq3A_947, %eq3A_948 : vector<32x32xf32>
    %lt3A_950 = arith.cmpi slt, %iota3A_934, %iota3A_935 : vector<32x32xi32>
    %and3A_951 = arith.andi %eq3A_949, %lt3A_950 : vector<32x32xi1>
    %or3A_952 = arith.ori %gt3A_946, %and3A_951 : vector<32x32xi1>
    %convert_element_type3A_953 = arith.extui %or3A_952 : vector<32x32xi1> to vector<32x32xi32>
    %convert_element_type3A_954 = arith.sitofp %convert_element_type3A_953 : vector<32x32xi32> to vector<32x32xf32>
    %reduce_sum3A_955 = arith.constant dense<0.000000e+00> : vector<32xf32>
    %reduce_sum3A_956 = vector.multi_reduction <add>, %convert_element_type3A_954, %reduce_sum3A_955 [0] : vector<32x32xf32> to vector<32xf32>
    %broadcast_in_dim3A_957 = vector.shape_cast %reduce_sum3A_956 : vector<32xf32> to vector<1x32xf32>
    %iota3A_958 = tpu.iota {dimensions = array<i32: 0>} : vector<16x32xi32>
    %convert_element_type3A_959 = arith.sitofp %iota3A_958 : vector<16x32xi32> to vector<16x32xf32>
    %eq3A_960 = vector.broadcast %broadcast_in_dim3A_957 : vector<1x32xf32> to vector<16x32xf32>
    %eq3A_961 = arith.cmpf oeq, %convert_element_type3A_959, %eq3A_960 : vector<16x32xf32>
    %convert_element_type3A_962 = arith.extui %eq3A_961 : vector<16x32xi1> to vector<16x32xi32>
    %convert_element_type3A_963 = arith.sitofp %convert_element_type3A_962 : vector<16x32xi32> to vector<16x32xf32>
    %mul3A_964 = vector.broadcast %logistic3A_933 : vector<32x1xf32> to vector<32x256xf32>
    %mul3A_965 = arith.mulf %max3A_181, %mul3A_964 : vector<32x256xf32>
    %dot_general3A_966 = arith.constant dense<0.000000e+00> : vector<16x256xf32>
    %dot_general3A_967 = tpu.matmul %convert_element_type3A_963, %mul3A_965, %dot_general3A_966 {dimension_numbers = #tpu.dot_dimension_numbers<[1], [0], [0], [1], [0, 0, 1, 1], [], []>, precision = #tpu.contract_precision<fp32>, transpose_lhs_hint = false} : vector<16x32xf32>, vector<32x256xf32>, vector<16x256xf32> -> vector<16x256xf32>
    %reduce_sum3A_968 = arith.constant dense<0.000000e+00> : vector<256xf32>
    %reduce_sum3A_969 = vector.multi_reduction <add>, %dot_general3A_967, %reduce_sum3A_968 [0] : vector<16x256xf32> to vector<256xf32>
    %broadcast_in_dim3A_970 = vector.shape_cast %reduce_sum3A_969 : vector<256xf32> to vector<1x256xf32>
    %mul3A_971 = arith.constant 6.250000e-02 : f32
    %mul3A_972 = vector.broadcast %mul3A_971 : f32 to vector<1x256xf32>
    %mul3A_973 = arith.mulf %broadcast_in_dim3A_970, %mul3A_972 : vector<1x256xf32>
    %swap3A_974 = arith.constant 2 : index
    %swap3A_975 = arith.constant 0 : index
    %swap3A_976 = arith.constant 0 : index
    %swap3A_977 = vector.load %arg7[%swap3A_974, %swap3A_975, %swap3A_976] : memref<16x1x256xf32, #tpu.memory_space<vmem>>, vector<1x1x256xf32>
    %swap3A_978 = vector.shape_cast %swap3A_977 : vector<1x1x256xf32> to vector<1x256xf32>
    %swap3A_979 = vector.shape_cast %mul3A_973 : vector<1x256xf32> to vector<1x1x256xf32>
    tpu.vector_store %arg7[%swap3A_974, %swap3A_975, %swap3A_976], %swap3A_979 {strides = array<i32>} : memref<16x1x256xf32, #tpu.memory_space<vmem>>, vector<1x1x256xf32>,
    %slice3A_980 = vector.extract_strided_slice %slice3A_824 {offsets = [96, 0], sizes = [32, 1], strides = [1, 1]} : vector<512x1xf32> to vector<32x1xf32>
    %logistic3A_981 = arith.negf %slice3A_980 : vector<32x1xf32>
    %logistic3A_982 = math.exp %logistic3A_981 : vector<32x1xf32>
    %logistic3A_983 = arith.constant 1.000000e+00 : f32
    %logistic3A_984 = vector.broadcast %logistic3A_983 : f32 to vector<32x1xf32>
    %logistic3A_985 = arith.addf %logistic3A_984, %logistic3A_982 : vector<32x1xf32>
    %logistic3A_986 = arith.divf %logistic3A_984, %logistic3A_985 : vector<32x1xf32>
    %iota3A_987 = tpu.iota {dimensions = array<i32: 0>} : vector<32x32xi32>
    %iota3A_988 = tpu.iota {dimensions = array<i32: 1>} : vector<32x32xi32>
    %eq3A_989 = arith.cmpi eq, %iota3A_987, %iota3A_988 : vector<32x32xi32>
    %convert_element_type3A_990 = arith.extui %eq3A_989 : vector<32x32xi1> to vector<32x32xi32>
    %convert_element_type3A_991 = arith.sitofp %convert_element_type3A_990 : vector<32x32xi32> to vector<32x32xf32>
    %mul3A_992 = vector.broadcast %logistic3A_986 : vector<32x1xf32> to vector<32x32xf32>
    %mul3A_993 = arith.mulf %mul3A_992, %convert_element_type3A_991 : vector<32x32xf32>
    %reduce_sum3A_994 = arith.constant dense<0.000000e+00> : vector<32xf32>
    %reduce_sum3A_995 = vector.multi_reduction <add>, %mul3A_993, %reduce_sum3A_994 [0] : vector<32x32xf32> to vector<32xf32>
    %broadcast_in_dim3A_996 = vector.shape_cast %reduce_sum3A_995 : vector<32xf32> to vector<1x32xf32>
    %gt3A_997 = vector.broadcast %logistic3A_986 : vector<32x1xf32> to vector<32x32xf32>
    %gt3A_998 = vector.broadcast %broadcast_in_dim3A_996 : vector<1x32xf32> to vector<32x32xf32>
    %gt3A_999 = arith.cmpf ogt, %gt3A_997, %gt3A_998 : vector<32x32xf32>
    %eq3A_1000 = vector.broadcast %logistic3A_986 : vector<32x1xf32> to vector<32x32xf32>
    %eq3A_1001 = vector.broadcast %broadcast_in_dim3A_996 : vector<1x32xf32> to vector<32x32xf32>
    %eq3A_1002 = arith.cmpf oeq, %eq3A_1000, %eq3A_1001 : vector<32x32xf32>
    %lt3A_1003 = arith.cmpi slt, %iota3A_987, %iota3A_988 : vector<32x32xi32>
    %and3A_1004 = arith.andi %eq3A_1002, %lt3A_1003 : vector<32x32xi1>
    %or3A_1005 = arith.ori %gt3A_999, %and3A_1004 : vector<32x32xi1>
    %convert_element_type3A_1006 = arith.extui %or3A_1005 : vector<32x32xi1> to vector<32x32xi32>
    %convert_element_type3A_1007 = arith.sitofp %convert_element_type3A_1006 : vector<32x32xi32> to vector<32x32xf32>
    %reduce_sum3A_1008 = arith.constant dense<0.000000e+00> : vector<32xf32>
    %reduce_sum3A_1009 = vector.multi_reduction <add>, %convert_element_type3A_1007, %reduce_sum3A_1008 [0] : vector<32x32xf32> to vector<32xf32>
    %broadcast_in_dim3A_1010 = vector.shape_cast %reduce_sum3A_1009 : vector<32xf32> to vector<1x32xf32>
    %iota3A_1011 = tpu.iota {dimensions = array<i32: 0>} : vector<16x32xi32>
    %convert_element_type3A_1012 = arith.sitofp %iota3A_1011 : vector<16x32xi32> to vector<16x32xf32>
    %eq3A_1013 = vector.broadcast %broadcast_in_dim3A_1010 : vector<1x32xf32> to vector<16x32xf32>
    %eq3A_1014 = arith.cmpf oeq, %convert_element_type3A_1012, %eq3A_1013 : vector<16x32xf32>
    %convert_element_type3A_1015 = arith.extui %eq3A_1014 : vector<16x32xi1> to vector<16x32xi32>
    %convert_element_type3A_1016 = arith.sitofp %convert_element_type3A_1015 : vector<16x32xi32> to vector<16x32xf32>
    %mul3A_1017 = vector.broadcast %logistic3A_986 : vector<32x1xf32> to vector<32x256xf32>
    %mul3A_1018 = arith.mulf %max3A_230, %mul3A_1017 : vector<32x256xf32>
    %dot_general3A_1019 = arith.constant dense<0.000000e+00> : vector<16x256xf32>
    %dot_general3A_1020 = tpu.matmul %convert_element_type3A_1016, %mul3A_1018, %dot_general3A_1019 {dimension_numbers = #tpu.dot_dimension_numbers<[1], [0], [0], [1], [0, 0, 1, 1], [], []>, precision = #tpu.contract_precision<fp32>, transpose_lhs_hint = false} : vector<16x32xf32>, vector<32x256xf32>, vector<16x256xf32> -> vector<16x256xf32>
    %reduce_sum3A_1021 = arith.constant dense<0.000000e+00> : vector<256xf32>
    %reduce_sum3A_1022 = vector.multi_reduction <add>, %dot_general3A_1020, %reduce_sum3A_1021 [0] : vector<16x256xf32> to vector<256xf32>
    %broadcast_in_dim3A_1023 = vector.shape_cast %reduce_sum3A_1022 : vector<256xf32> to vector<1x256xf32>
    %mul3A_1024 = arith.constant 6.250000e-02 : f32
    %mul3A_1025 = vector.broadcast %mul3A_1024 : f32 to vector<1x256xf32>
    %mul3A_1026 = arith.mulf %broadcast_in_dim3A_1023, %mul3A_1025 : vector<1x256xf32>
    %swap3A_1027 = arith.constant 3 : index
    %swap3A_1028 = arith.constant 0 : index
    %swap3A_1029 = arith.constant 0 : index
    %swap3A_1030 = vector.load %arg7[%swap3A_1027, %swap3A_1028, %swap3A_1029] : memref<16x1x256xf32, #tpu.memory_space<vmem>>, vector<1x1x256xf32>
    %swap3A_1031 = vector.shape_cast %swap3A_1030 : vector<1x1x256xf32> to vector<1x256xf32>
    %swap3A_1032 = vector.shape_cast %mul3A_1026 : vector<1x256xf32> to vector<1x1x256xf32>
    tpu.vector_store %arg7[%swap3A_1027, %swap3A_1028, %swap3A_1029], %swap3A_1032 {strides = array<i32>} : memref<16x1x256xf32, #tpu.memory_space<vmem>>, vector<1x1x256xf32>,
    %slice3A_1033 = vector.extract_strided_slice %slice3A_824 {offsets = [128, 0], sizes = [32, 1], strides = [1, 1]} : vector<512x1xf32> to vector<32x1xf32>
    %logistic3A_1034 = arith.negf %slice3A_1033 : vector<32x1xf32>
    %logistic3A_1035 = math.exp %logistic3A_1034 : vector<32x1xf32>
    %logistic3A_1036 = arith.constant 1.000000e+00 : f32
    %logistic3A_1037 = vector.broadcast %logistic3A_1036 : f32 to vector<32x1xf32>
    %logistic3A_1038 = arith.addf %logistic3A_1037, %logistic3A_1035 : vector<32x1xf32>
    %logistic3A_1039 = arith.divf %logistic3A_1037, %logistic3A_1038 : vector<32x1xf32>
    %iota3A_1040 = tpu.iota {dimensions = array<i32: 0>} : vector<32x32xi32>
    %iota3A_1041 = tpu.iota {dimensions = array<i32: 1>} : vector<32x32xi32>
    %eq3A_1042 = arith.cmpi eq, %iota3A_1040, %iota3A_1041 : vector<32x32xi32>
    %convert_element_type3A_1043 = arith.extui %eq3A_1042 : vector<32x32xi1> to vector<32x32xi32>
    %convert_element_type3A_1044 = arith.sitofp %convert_element_type3A_1043 : vector<32x32xi32> to vector<32x32xf32>
    %mul3A_1045 = vector.broadcast %logistic3A_1039 : vector<32x1xf32> to vector<32x32xf32>
    %mul3A_1046 = arith.mulf %mul3A_1045, %convert_element_type3A_1044 : vector<32x32xf32>
    %reduce_sum3A_1047 = arith.constant dense<0.000000e+00> : vector<32xf32>
    %reduce_sum3A_1048 = vector.multi_reduction <add>, %mul3A_1046, %reduce_sum3A_1047 [0] : vector<32x32xf32> to vector<32xf32>
    %broadcast_in_dim3A_1049 = vector.shape_cast %reduce_sum3A_1048 : vector<32xf32> to vector<1x32xf32>
    %gt3A_1050 = vector.broadcast %logistic3A_1039 : vector<32x1xf32> to vector<32x32xf32>
    %gt3A_1051 = vector.broadcast %broadcast_in_dim3A_1049 : vector<1x32xf32> to vector<32x32xf32>
    %gt3A_1052 = arith.cmpf ogt, %gt3A_1050, %gt3A_1051 : vector<32x32xf32>
    %eq3A_1053 = vector.broadcast %logistic3A_1039 : vector<32x1xf32> to vector<32x32xf32>
    %eq3A_1054 = vector.broadcast %broadcast_in_dim3A_1049 : vector<1x32xf32> to vector<32x32xf32>
    %eq3A_1055 = arith.cmpf oeq, %eq3A_1053, %eq3A_1054 : vector<32x32xf32>
    %lt3A_1056 = arith.cmpi slt, %iota3A_1040, %iota3A_1041 : vector<32x32xi32>
    %and3A_1057 = arith.andi %eq3A_1055, %lt3A_1056 : vector<32x32xi1>
    %or3A_1058 = arith.ori %gt3A_1052, %and3A_1057 : vector<32x32xi1>
    %convert_element_type3A_1059 = arith.extui %or3A_1058 : vector<32x32xi1> to vector<32x32xi32>
    %convert_element_type3A_1060 = arith.sitofp %convert_element_type3A_1059 : vector<32x32xi32> to vector<32x32xf32>
    %reduce_sum3A_1061 = arith.constant dense<0.000000e+00> : vector<32xf32>
    %reduce_sum3A_1062 = vector.multi_reduction <add>, %convert_element_type3A_1060, %reduce_sum3A_1061 [0] : vector<32x32xf32> to vector<32xf32>
    %broadcast_in_dim3A_1063 = vector.shape_cast %reduce_sum3A_1062 : vector<32xf32> to vector<1x32xf32>
    %iota3A_1064 = tpu.iota {dimensions = array<i32: 0>} : vector<16x32xi32>
    %convert_element_type3A_1065 = arith.sitofp %iota3A_1064 : vector<16x32xi32> to vector<16x32xf32>
    %eq3A_1066 = vector.broadcast %broadcast_in_dim3A_1063 : vector<1x32xf32> to vector<16x32xf32>
    %eq3A_1067 = arith.cmpf oeq, %convert_element_type3A_1065, %eq3A_1066 : vector<16x32xf32>
    %convert_element_type3A_1068 = arith.extui %eq3A_1067 : vector<16x32xi1> to vector<16x32xi32>
    %convert_element_type3A_1069 = arith.sitofp %convert_element_type3A_1068 : vector<16x32xi32> to vector<16x32xf32>
    %mul3A_1070 = vector.broadcast %logistic3A_1039 : vector<32x1xf32> to vector<32x256xf32>
    %mul3A_1071 = arith.mulf %max3A_279, %mul3A_1070 : vector<32x256xf32>
    %dot_general3A_1072 = arith.constant dense<0.000000e+00> : vector<16x256xf32>
    %dot_general3A_1073 = tpu.matmul %convert_element_type3A_1069, %mul3A_1071, %dot_general3A_1072 {dimension_numbers = #tpu.dot_dimension_numbers<[1], [0], [0], [1], [0, 0, 1, 1], [], []>, precision = #tpu.contract_precision<fp32>, transpose_lhs_hint = false} : vector<16x32xf32>, vector<32x256xf32>, vector<16x256xf32> -> vector<16x256xf32>
    %reduce_sum3A_1074 = arith.constant dense<0.000000e+00> : vector<256xf32>
    %reduce_sum3A_1075 = vector.multi_reduction <add>, %dot_general3A_1073, %reduce_sum3A_1074 [0] : vector<16x256xf32> to vector<256xf32>
    %broadcast_in_dim3A_1076 = vector.shape_cast %reduce_sum3A_1075 : vector<256xf32> to vector<1x256xf32>
    %mul3A_1077 = arith.constant 6.250000e-02 : f32
    %mul3A_1078 = vector.broadcast %mul3A_1077 : f32 to vector<1x256xf32>
    %mul3A_1079 = arith.mulf %broadcast_in_dim3A_1076, %mul3A_1078 : vector<1x256xf32>
    %swap3A_1080 = arith.constant 4 : index
    %swap3A_1081 = arith.constant 0 : index
    %swap3A_1082 = arith.constant 0 : index
    %swap3A_1083 = vector.load %arg7[%swap3A_1080, %swap3A_1081, %swap3A_1082] : memref<16x1x256xf32, #tpu.memory_space<vmem>>, vector<1x1x256xf32>
    %swap3A_1084 = vector.shape_cast %swap3A_1083 : vector<1x1x256xf32> to vector<1x256xf32>
    %swap3A_1085 = vector.shape_cast %mul3A_1079 : vector<1x256xf32> to vector<1x1x256xf32>
    tpu.vector_store %arg7[%swap3A_1080, %swap3A_1081, %swap3A_1082], %swap3A_1085 {strides = array<i32>} : memref<16x1x256xf32, #tpu.memory_space<vmem>>, vector<1x1x256xf32>,
    %slice3A_1086 = vector.extract_strided_slice %slice3A_824 {offsets = [160, 0], sizes = [32, 1], strides = [1, 1]} : vector<512x1xf32> to vector<32x1xf32>
    %logistic3A_1087 = arith.negf %slice3A_1086 : vector<32x1xf32>
    %logistic3A_1088 = math.exp %logistic3A_1087 : vector<32x1xf32>
    %logistic3A_1089 = arith.constant 1.000000e+00 : f32
    %logistic3A_1090 = vector.broadcast %logistic3A_1089 : f32 to vector<32x1xf32>
    %logistic3A_1091 = arith.addf %logistic3A_1090, %logistic3A_1088 : vector<32x1xf32>
    %logistic3A_1092 = arith.divf %logistic3A_1090, %logistic3A_1091 : vector<32x1xf32>
    %iota3A_1093 = tpu.iota {dimensions = array<i32: 0>} : vector<32x32xi32>
    %iota3A_1094 = tpu.iota {dimensions = array<i32: 1>} : vector<32x32xi32>
    %eq3A_1095 = arith.cmpi eq, %iota3A_1093, %iota3A_1094 : vector<32x32xi32>
    %convert_element_type3A_1096 = arith.extui %eq3A_1095 : vector<32x32xi1> to vector<32x32xi32>
    %convert_element_type3A_1097 = arith.sitofp %convert_element_type3A_1096 : vector<32x32xi32> to vector<32x32xf32>
    %mul3A_1098 = vector.broadcast %logistic3A_1092 : vector<32x1xf32> to vector<32x32xf32>
    %mul3A_1099 = arith.mulf %mul3A_1098, %convert_element_type3A_1097 : vector<32x32xf32>
    %reduce_sum3A_1100 = arith.constant dense<0.000000e+00> : vector<32xf32>
    %reduce_sum3A_1101 = vector.multi_reduction <add>, %mul3A_1099, %reduce_sum3A_1100 [0] : vector<32x32xf32> to vector<32xf32>
    %broadcast_in_dim3A_1102 = vector.shape_cast %reduce_sum3A_1101 : vector<32xf32> to vector<1x32xf32>
    %gt3A_1103 = vector.broadcast %logistic3A_1092 : vector<32x1xf32> to vector<32x32xf32>
    %gt3A_1104 = vector.broadcast %broadcast_in_dim3A_1102 : vector<1x32xf32> to vector<32x32xf32>
    %gt3A_1105 = arith.cmpf ogt, %gt3A_1103, %gt3A_1104 : vector<32x32xf32>
    %eq3A_1106 = vector.broadcast %logistic3A_1092 : vector<32x1xf32> to vector<32x32xf32>
    %eq3A_1107 = vector.broadcast %broadcast_in_dim3A_1102 : vector<1x32xf32> to vector<32x32xf32>
    %eq3A_1108 = arith.cmpf oeq, %eq3A_1106, %eq3A_1107 : vector<32x32xf32>
    %lt3A_1109 = arith.cmpi slt, %iota3A_1093, %iota3A_1094 : vector<32x32xi32>
    %and3A_1110 = arith.andi %eq3A_1108, %lt3A_1109 : vector<32x32xi1>
    %or3A_1111 = arith.ori %gt3A_1105, %and3A_1110 : vector<32x32xi1>
    %convert_element_type3A_1112 = arith.extui %or3A_1111 : vector<32x32xi1> to vector<32x32xi32>
    %convert_element_type3A_1113 = arith.sitofp %convert_element_type3A_1112 : vector<32x32xi32> to vector<32x32xf32>
    %reduce_sum3A_1114 = arith.constant dense<0.000000e+00> : vector<32xf32>
    %reduce_sum3A_1115 = vector.multi_reduction <add>, %convert_element_type3A_1113, %reduce_sum3A_1114 [0] : vector<32x32xf32> to vector<32xf32>
    %broadcast_in_dim3A_1116 = vector.shape_cast %reduce_sum3A_1115 : vector<32xf32> to vector<1x32xf32>
    %iota3A_1117 = tpu.iota {dimensions = array<i32: 0>} : vector<16x32xi32>
    %convert_element_type3A_1118 = arith.sitofp %iota3A_1117 : vector<16x32xi32> to vector<16x32xf32>
    %eq3A_1119 = vector.broadcast %broadcast_in_dim3A_1116 : vector<1x32xf32> to vector<16x32xf32>
    %eq3A_1120 = arith.cmpf oeq, %convert_element_type3A_1118, %eq3A_1119 : vector<16x32xf32>
    %convert_element_type3A_1121 = arith.extui %eq3A_1120 : vector<16x32xi1> to vector<16x32xi32>
    %convert_element_type3A_1122 = arith.sitofp %convert_element_type3A_1121 : vector<16x32xi32> to vector<16x32xf32>
    %mul3A_1123 = vector.broadcast %logistic3A_1092 : vector<32x1xf32> to vector<32x256xf32>
    %mul3A_1124 = arith.mulf %max3A_328, %mul3A_1123 : vector<32x256xf32>
    %dot_general3A_1125 = arith.constant dense<0.000000e+00> : vector<16x256xf32>
    %dot_general3A_1126 = tpu.matmul %convert_element_type3A_1122, %mul3A_1124, %dot_general3A_1125 {dimension_numbers = #tpu.dot_dimension_numbers<[1], [0], [0], [1], [0, 0, 1, 1], [], []>, precision = #tpu.contract_precision<fp32>, transpose_lhs_hint = false} : vector<16x32xf32>, vector<32x256xf32>, vector<16x256xf32> -> vector<16x256xf32>
    %reduce_sum3A_1127 = arith.constant dense<0.000000e+00> : vector<256xf32>
    %reduce_sum3A_1128 = vector.multi_reduction <add>, %dot_general3A_1126, %reduce_sum3A_1127 [0] : vector<16x256xf32> to vector<256xf32>
    %broadcast_in_dim3A_1129 = vector.shape_cast %reduce_sum3A_1128 : vector<256xf32> to vector<1x256xf32>
    %mul3A_1130 = arith.constant 6.250000e-02 : f32
    %mul3A_1131 = vector.broadcast %mul3A_1130 : f32 to vector<1x256xf32>
    %mul3A_1132 = arith.mulf %broadcast_in_dim3A_1129, %mul3A_1131 : vector<1x256xf32>
    %swap3A_1133 = arith.constant 5 : index
    %swap3A_1134 = arith.constant 0 : index
    %swap3A_1135 = arith.constant 0 : index
    %swap3A_1136 = vector.load %arg7[%swap3A_1133, %swap3A_1134, %swap3A_1135] : memref<16x1x256xf32, #tpu.memory_space<vmem>>, vector<1x1x256xf32>
    %swap3A_1137 = vector.shape_cast %swap3A_1136 : vector<1x1x256xf32> to vector<1x256xf32>
    %swap3A_1138 = vector.shape_cast %mul3A_1132 : vector<1x256xf32> to vector<1x1x256xf32>
    tpu.vector_store %arg7[%swap3A_1133, %swap3A_1134, %swap3A_1135], %swap3A_1138 {strides = array<i32>} : memref<16x1x256xf32, #tpu.memory_space<vmem>>, vector<1x1x256xf32>,
    %slice3A_1139 = vector.extract_strided_slice %slice3A_824 {offsets = [192, 0], sizes = [32, 1], strides = [1, 1]} : vector<512x1xf32> to vector<32x1xf32>
    %logistic3A_1140 = arith.negf %slice3A_1139 : vector<32x1xf32>
    %logistic3A_1141 = math.exp %logistic3A_1140 : vector<32x1xf32>
    %logistic3A_1142 = arith.constant 1.000000e+00 : f32
    %logistic3A_1143 = vector.broadcast %logistic3A_1142 : f32 to vector<32x1xf32>
    %logistic3A_1144 = arith.addf %logistic3A_1143, %logistic3A_1141 : vector<32x1xf32>
    %logistic3A_1145 = arith.divf %logistic3A_1143, %logistic3A_1144 : vector<32x1xf32>
    %iota3A_1146 = tpu.iota {dimensions = array<i32: 0>} : vector<32x32xi32>
    %iota3A_1147 = tpu.iota {dimensions = array<i32: 1>} : vector<32x32xi32>
    %eq3A_1148 = arith.cmpi eq, %iota3A_1146, %iota3A_1147 : vector<32x32xi32>
    %convert_element_type3A_1149 = arith.extui %eq3A_1148 : vector<32x32xi1> to vector<32x32xi32>
    %convert_element_type3A_1150 = arith.sitofp %convert_element_type3A_1149 : vector<32x32xi32> to vector<32x32xf32>
    %mul3A_1151 = vector.broadcast %logistic3A_1145 : vector<32x1xf32> to vector<32x32xf32>
    %mul3A_1152 = arith.mulf %mul3A_1151, %convert_element_type3A_1150 : vector<32x32xf32>
    %reduce_sum3A_1153 = arith.constant dense<0.000000e+00> : vector<32xf32>
    %reduce_sum3A_1154 = vector.multi_reduction <add>, %mul3A_1152, %reduce_sum3A_1153 [0] : vector<32x32xf32> to vector<32xf32>
    %broadcast_in_dim3A_1155 = vector.shape_cast %reduce_sum3A_1154 : vector<32xf32> to vector<1x32xf32>
    %gt3A_1156 = vector.broadcast %logistic3A_1145 : vector<32x1xf32> to vector<32x32xf32>
    %gt3A_1157 = vector.broadcast %broadcast_in_dim3A_1155 : vector<1x32xf32> to vector<32x32xf32>
    %gt3A_1158 = arith.cmpf ogt, %gt3A_1156, %gt3A_1157 : vector<32x32xf32>
    %eq3A_1159 = vector.broadcast %logistic3A_1145 : vector<32x1xf32> to vector<32x32xf32>
    %eq3A_1160 = vector.broadcast %broadcast_in_dim3A_1155 : vector<1x32xf32> to vector<32x32xf32>
    %eq3A_1161 = arith.cmpf oeq, %eq3A_1159, %eq3A_1160 : vector<32x32xf32>
    %lt3A_1162 = arith.cmpi slt, %iota3A_1146, %iota3A_1147 : vector<32x32xi32>
    %and3A_1163 = arith.andi %eq3A_1161, %lt3A_1162 : vector<32x32xi1>
    %or3A_1164 = arith.ori %gt3A_1158, %and3A_1163 : vector<32x32xi1>
    %convert_element_type3A_1165 = arith.extui %or3A_1164 : vector<32x32xi1> to vector<32x32xi32>
    %convert_element_type3A_1166 = arith.sitofp %convert_element_type3A_1165 : vector<32x32xi32> to vector<32x32xf32>
    %reduce_sum3A_1167 = arith.constant dense<0.000000e+00> : vector<32xf32>
    %reduce_sum3A_1168 = vector.multi_reduction <add>, %convert_element_type3A_1166, %reduce_sum3A_1167 [0] : vector<32x32xf32> to vector<32xf32>
    %broadcast_in_dim3A_1169 = vector.shape_cast %reduce_sum3A_1168 : vector<32xf32> to vector<1x32xf32>
    %iota3A_1170 = tpu.iota {dimensions = array<i32: 0>} : vector<16x32xi32>
    %convert_element_type3A_1171 = arith.sitofp %iota3A_1170 : vector<16x32xi32> to vector<16x32xf32>
    %eq3A_1172 = vector.broadcast %broadcast_in_dim3A_1169 : vector<1x32xf32> to vector<16x32xf32>
    %eq3A_1173 = arith.cmpf oeq, %convert_element_type3A_1171, %eq3A_1172 : vector<16x32xf32>
    %convert_element_type3A_1174 = arith.extui %eq3A_1173 : vector<16x32xi1> to vector<16x32xi32>
    %convert_element_type3A_1175 = arith.sitofp %convert_element_type3A_1174 : vector<16x32xi32> to vector<16x32xf32>
    %mul3A_1176 = vector.broadcast %logistic3A_1145 : vector<32x1xf32> to vector<32x256xf32>
    %mul3A_1177 = arith.mulf %max3A_377, %mul3A_1176 : vector<32x256xf32>
    %dot_general3A_1178 = arith.constant dense<0.000000e+00> : vector<16x256xf32>
    %dot_general3A_1179 = tpu.matmul %convert_element_type3A_1175, %mul3A_1177, %dot_general3A_1178 {dimension_numbers = #tpu.dot_dimension_numbers<[1], [0], [0], [1], [0, 0, 1, 1], [], []>, precision = #tpu.contract_precision<fp32>, transpose_lhs_hint = false} : vector<16x32xf32>, vector<32x256xf32>, vector<16x256xf32> -> vector<16x256xf32>
    %reduce_sum3A_1180 = arith.constant dense<0.000000e+00> : vector<256xf32>
    %reduce_sum3A_1181 = vector.multi_reduction <add>, %dot_general3A_1179, %reduce_sum3A_1180 [0] : vector<16x256xf32> to vector<256xf32>
    %broadcast_in_dim3A_1182 = vector.shape_cast %reduce_sum3A_1181 : vector<256xf32> to vector<1x256xf32>
    %mul3A_1183 = arith.constant 6.250000e-02 : f32
    %mul3A_1184 = vector.broadcast %mul3A_1183 : f32 to vector<1x256xf32>
    %mul3A_1185 = arith.mulf %broadcast_in_dim3A_1182, %mul3A_1184 : vector<1x256xf32>
    %swap3A_1186 = arith.constant 6 : index
    %swap3A_1187 = arith.constant 0 : index
    %swap3A_1188 = arith.constant 0 : index
    %swap3A_1189 = vector.load %arg7[%swap3A_1186, %swap3A_1187, %swap3A_1188] : memref<16x1x256xf32, #tpu.memory_space<vmem>>, vector<1x1x256xf32>
    %swap3A_1190 = vector.shape_cast %swap3A_1189 : vector<1x1x256xf32> to vector<1x256xf32>
    %swap3A_1191 = vector.shape_cast %mul3A_1185 : vector<1x256xf32> to vector<1x1x256xf32>
    tpu.vector_store %arg7[%swap3A_1186, %swap3A_1187, %swap3A_1188], %swap3A_1191 {strides = array<i32>} : memref<16x1x256xf32, #tpu.memory_space<vmem>>, vector<1x1x256xf32>,
    %slice3A_1192 = vector.extract_strided_slice %slice3A_824 {offsets = [224, 0], sizes = [32, 1], strides = [1, 1]} : vector<512x1xf32> to vector<32x1xf32>
    %logistic3A_1193 = arith.negf %slice3A_1192 : vector<32x1xf32>
    %logistic3A_1194 = math.exp %logistic3A_1193 : vector<32x1xf32>
    %logistic3A_1195 = arith.constant 1.000000e+00 : f32
    %logistic3A_1196 = vector.broadcast %logistic3A_1195 : f32 to vector<32x1xf32>
    %logistic3A_1197 = arith.addf %logistic3A_1196, %logistic3A_1194 : vector<32x1xf32>
    %logistic3A_1198 = arith.divf %logistic3A_1196, %logistic3A_1197 : vector<32x1xf32>
    %iota3A_1199 = tpu.iota {dimensions = array<i32: 0>} : vector<32x32xi32>
    %iota3A_1200 = tpu.iota {dimensions = array<i32: 1>} : vector<32x32xi32>
    %eq3A_1201 = arith.cmpi eq, %iota3A_1199, %iota3A_1200 : vector<32x32xi32>
    %convert_element_type3A_1202 = arith.extui %eq3A_1201 : vector<32x32xi1> to vector<32x32xi32>
    %convert_element_type3A_1203 = arith.sitofp %convert_element_type3A_1202 : vector<32x32xi32> to vector<32x32xf32>
    %mul3A_1204 = vector.broadcast %logistic3A_1198 : vector<32x1xf32> to vector<32x32xf32>
    %mul3A_1205 = arith.mulf %mul3A_1204, %convert_element_type3A_1203 : vector<32x32xf32>
    %reduce_sum3A_1206 = arith.constant dense<0.000000e+00> : vector<32xf32>
    %reduce_sum3A_1207 = vector.multi_reduction <add>, %mul3A_1205, %reduce_sum3A_1206 [0] : vector<32x32xf32> to vector<32xf32>
    %broadcast_in_dim3A_1208 = vector.shape_cast %reduce_sum3A_1207 : vector<32xf32> to vector<1x32xf32>
    %gt3A_1209 = vector.broadcast %logistic3A_1198 : vector<32x1xf32> to vector<32x32xf32>
    %gt3A_1210 = vector.broadcast %broadcast_in_dim3A_1208 : vector<1x32xf32> to vector<32x32xf32>
    %gt3A_1211 = arith.cmpf ogt, %gt3A_1209, %gt3A_1210 : vector<32x32xf32>
    %eq3A_1212 = vector.broadcast %logistic3A_1198 : vector<32x1xf32> to vector<32x32xf32>
    %eq3A_1213 = vector.broadcast %broadcast_in_dim3A_1208 : vector<1x32xf32> to vector<32x32xf32>
    %eq3A_1214 = arith.cmpf oeq, %eq3A_1212, %eq3A_1213 : vector<32x32xf32>
    %lt3A_1215 = arith.cmpi slt, %iota3A_1199, %iota3A_1200 : vector<32x32xi32>
    %and3A_1216 = arith.andi %eq3A_1214, %lt3A_1215 : vector<32x32xi1>
    %or3A_1217 = arith.ori %gt3A_1211, %and3A_1216 : vector<32x32xi1>
    %convert_element_type3A_1218 = arith.extui %or3A_1217 : vector<32x32xi1> to vector<32x32xi32>
    %convert_element_type3A_1219 = arith.sitofp %convert_element_type3A_1218 : vector<32x32xi32> to vector<32x32xf32>
    %reduce_sum3A_1220 = arith.constant dense<0.000000e+00> : vector<32xf32>
    %reduce_sum3A_1221 = vector.multi_reduction <add>, %convert_element_type3A_1219, %reduce_sum3A_1220 [0] : vector<32x32xf32> to vector<32xf32>
    %broadcast_in_dim3A_1222 = vector.shape_cast %reduce_sum3A_1221 : vector<32xf32> to vector<1x32xf32>
    %iota3A_1223 = tpu.iota {dimensions = array<i32: 0>} : vector<16x32xi32>
    %convert_element_type3A_1224 = arith.sitofp %iota3A_1223 : vector<16x32xi32> to vector<16x32xf32>
    %eq3A_1225 = vector.broadcast %broadcast_in_dim3A_1222 : vector<1x32xf32> to vector<16x32xf32>
    %eq3A_1226 = arith.cmpf oeq, %convert_element_type3A_1224, %eq3A_1225 : vector<16x32xf32>
    %convert_element_type3A_1227 = arith.extui %eq3A_1226 : vector<16x32xi1> to vector<16x32xi32>
    %convert_element_type3A_1228 = arith.sitofp %convert_element_type3A_1227 : vector<16x32xi32> to vector<16x32xf32>
    %mul3A_1229 = vector.broadcast %logistic3A_1198 : vector<32x1xf32> to vector<32x256xf32>
    %mul3A_1230 = arith.mulf %max3A_426, %mul3A_1229 : vector<32x256xf32>
    %dot_general3A_1231 = arith.constant dense<0.000000e+00> : vector<16x256xf32>
    %dot_general3A_1232 = tpu.matmul %convert_element_type3A_1228, %mul3A_1230, %dot_general3A_1231 {dimension_numbers = #tpu.dot_dimension_numbers<[1], [0], [0], [1], [0, 0, 1, 1], [], []>, precision = #tpu.contract_precision<fp32>, transpose_lhs_hint = false} : vector<16x32xf32>, vector<32x256xf32>, vector<16x256xf32> -> vector<16x256xf32>
    %reduce_sum3A_1233 = arith.constant dense<0.000000e+00> : vector<256xf32>
    %reduce_sum3A_1234 = vector.multi_reduction <add>, %dot_general3A_1232, %reduce_sum3A_1233 [0] : vector<16x256xf32> to vector<256xf32>
    %broadcast_in_dim3A_1235 = vector.shape_cast %reduce_sum3A_1234 : vector<256xf32> to vector<1x256xf32>
    %mul3A_1236 = arith.constant 6.250000e-02 : f32
    %mul3A_1237 = vector.broadcast %mul3A_1236 : f32 to vector<1x256xf32>
    %mul3A_1238 = arith.mulf %broadcast_in_dim3A_1235, %mul3A_1237 : vector<1x256xf32>
    %swap3A_1239 = arith.constant 7 : index
    %swap3A_1240 = arith.constant 0 : index
    %swap3A_1241 = arith.constant 0 : index
    %swap3A_1242 = vector.load %arg7[%swap3A_1239, %swap3A_1240, %swap3A_1241] : memref<16x1x256xf32, #tpu.memory_space<vmem>>, vector<1x1x256xf32>
    %swap3A_1243 = vector.shape_cast %swap3A_1242 : vector<1x1x256xf32> to vector<1x256xf32>
    %swap3A_1244 = vector.shape_cast %mul3A_1238 : vector<1x256xf32> to vector<1x1x256xf32>
    tpu.vector_store %arg7[%swap3A_1239, %swap3A_1240, %swap3A_1241], %swap3A_1244 {strides = array<i32>} : memref<16x1x256xf32, #tpu.memory_space<vmem>>, vector<1x1x256xf32>,
    %slice3A_1245 = vector.extract_strided_slice %slice3A_824 {offsets = [256, 0], sizes = [32, 1], strides = [1, 1]} : vector<512x1xf32> to vector<32x1xf32>
    %logistic3A_1246 = arith.negf %slice3A_1245 : vector<32x1xf32>
    %logistic3A_1247 = math.exp %logistic3A_1246 : vector<32x1xf32>
    %logistic3A_1248 = arith.constant 1.000000e+00 : f32
    %logistic3A_1249 = vector.broadcast %logistic3A_1248 : f32 to vector<32x1xf32>
    %logistic3A_1250 = arith.addf %logistic3A_1249, %logistic3A_1247 : vector<32x1xf32>
    %logistic3A_1251 = arith.divf %logistic3A_1249, %logistic3A_1250 : vector<32x1xf32>
    %iota3A_1252 = tpu.iota {dimensions = array<i32: 0>} : vector<32x32xi32>
    %iota3A_1253 = tpu.iota {dimensions = array<i32: 1>} : vector<32x32xi32>
    %eq3A_1254 = arith.cmpi eq, %iota3A_1252, %iota3A_1253 : vector<32x32xi32>
    %convert_element_type3A_1255 = arith.extui %eq3A_1254 : vector<32x32xi1> to vector<32x32xi32>
    %convert_element_type3A_1256 = arith.sitofp %convert_element_type3A_1255 : vector<32x32xi32> to vector<32x32xf32>
    %mul3A_1257 = vector.broadcast %logistic3A_1251 : vector<32x1xf32> to vector<32x32xf32>
    %mul3A_1258 = arith.mulf %mul3A_1257, %convert_element_type3A_1256 : vector<32x32xf32>
    %reduce_sum3A_1259 = arith.constant dense<0.000000e+00> : vector<32xf32>
    %reduce_sum3A_1260 = vector.multi_reduction <add>, %mul3A_1258, %reduce_sum3A_1259 [0] : vector<32x32xf32> to vector<32xf32>
    %broadcast_in_dim3A_1261 = vector.shape_cast %reduce_sum3A_1260 : vector<32xf32> to vector<1x32xf32>
    %gt3A_1262 = vector.broadcast %logistic3A_1251 : vector<32x1xf32> to vector<32x32xf32>
    %gt3A_1263 = vector.broadcast %broadcast_in_dim3A_1261 : vector<1x32xf32> to vector<32x32xf32>
    %gt3A_1264 = arith.cmpf ogt, %gt3A_1262, %gt3A_1263 : vector<32x32xf32>
    %eq3A_1265 = vector.broadcast %logistic3A_1251 : vector<32x1xf32> to vector<32x32xf32>
    %eq3A_1266 = vector.broadcast %broadcast_in_dim3A_1261 : vector<1x32xf32> to vector<32x32xf32>
    %eq3A_1267 = arith.cmpf oeq, %eq3A_1265, %eq3A_1266 : vector<32x32xf32>
    %lt3A_1268 = arith.cmpi slt, %iota3A_1252, %iota3A_1253 : vector<32x32xi32>
    %and3A_1269 = arith.andi %eq3A_1267, %lt3A_1268 : vector<32x32xi1>
    %or3A_1270 = arith.ori %gt3A_1264, %and3A_1269 : vector<32x32xi1>
    %convert_element_type3A_1271 = arith.extui %or3A_1270 : vector<32x32xi1> to vector<32x32xi32>
    %convert_element_type3A_1272 = arith.sitofp %convert_element_type3A_1271 : vector<32x32xi32> to vector<32x32xf32>
    %reduce_sum3A_1273 = arith.constant dense<0.000000e+00> : vector<32xf32>
    %reduce_sum3A_1274 = vector.multi_reduction <add>, %convert_element_type3A_1272, %reduce_sum3A_1273 [0] : vector<32x32xf32> to vector<32xf32>
    %broadcast_in_dim3A_1275 = vector.shape_cast %reduce_sum3A_1274 : vector<32xf32> to vector<1x32xf32>
    %iota3A_1276 = tpu.iota {dimensions = array<i32: 0>} : vector<16x32xi32>
    %convert_element_type3A_1277 = arith.sitofp %iota3A_1276 : vector<16x32xi32> to vector<16x32xf32>
    %eq3A_1278 = vector.broadcast %broadcast_in_dim3A_1275 : vector<1x32xf32> to vector<16x32xf32>
    %eq3A_1279 = arith.cmpf oeq, %convert_element_type3A_1277, %eq3A_1278 : vector<16x32xf32>
    %convert_element_type3A_1280 = arith.extui %eq3A_1279 : vector<16x32xi1> to vector<16x32xi32>
    %convert_element_type3A_1281 = arith.sitofp %convert_element_type3A_1280 : vector<16x32xi32> to vector<16x32xf32>
    %mul3A_1282 = vector.broadcast %logistic3A_1251 : vector<32x1xf32> to vector<32x256xf32>
    %mul3A_1283 = arith.mulf %max3A_475, %mul3A_1282 : vector<32x256xf32>
    %dot_general3A_1284 = arith.constant dense<0.000000e+00> : vector<16x256xf32>
    %dot_general3A_1285 = tpu.matmul %convert_element_type3A_1281, %mul3A_1283, %dot_general3A_1284 {dimension_numbers = #tpu.dot_dimension_numbers<[1], [0], [0], [1], [0, 0, 1, 1], [], []>, precision = #tpu.contract_precision<fp32>, transpose_lhs_hint = false} : vector<16x32xf32>, vector<32x256xf32>, vector<16x256xf32> -> vector<16x256xf32>
    %reduce_sum3A_1286 = arith.constant dense<0.000000e+00> : vector<256xf32>
    %reduce_sum3A_1287 = vector.multi_reduction <add>, %dot_general3A_1285, %reduce_sum3A_1286 [0] : vector<16x256xf32> to vector<256xf32>
    %broadcast_in_dim3A_1288 = vector.shape_cast %reduce_sum3A_1287 : vector<256xf32> to vector<1x256xf32>
    %mul3A_1289 = arith.constant 6.250000e-02 : f32
    %mul3A_1290 = vector.broadcast %mul3A_1289 : f32 to vector<1x256xf32>
    %mul3A_1291 = arith.mulf %broadcast_in_dim3A_1288, %mul3A_1290 : vector<1x256xf32>
    %swap3A_1292 = arith.constant 8 : index
    %swap3A_1293 = arith.constant 0 : index
    %swap3A_1294 = arith.constant 0 : index
    %swap3A_1295 = vector.load %arg7[%swap3A_1292, %swap3A_1293, %swap3A_1294] : memref<16x1x256xf32, #tpu.memory_space<vmem>>, vector<1x1x256xf32>
    %swap3A_1296 = vector.shape_cast %swap3A_1295 : vector<1x1x256xf32> to vector<1x256xf32>
    %swap3A_1297 = vector.shape_cast %mul3A_1291 : vector<1x256xf32> to vector<1x1x256xf32>
    tpu.vector_store %arg7[%swap3A_1292, %swap3A_1293, %swap3A_1294], %swap3A_1297 {strides = array<i32>} : memref<16x1x256xf32, #tpu.memory_space<vmem>>, vector<1x1x256xf32>,
    %slice3A_1298 = vector.extract_strided_slice %slice3A_824 {offsets = [288, 0], sizes = [32, 1], strides = [1, 1]} : vector<512x1xf32> to vector<32x1xf32>
    %logistic3A_1299 = arith.negf %slice3A_1298 : vector<32x1xf32>
    %logistic3A_1300 = math.exp %logistic3A_1299 : vector<32x1xf32>
    %logistic3A_1301 = arith.constant 1.000000e+00 : f32
    %logistic3A_1302 = vector.broadcast %logistic3A_1301 : f32 to vector<32x1xf32>
    %logistic3A_1303 = arith.addf %logistic3A_1302, %logistic3A_1300 : vector<32x1xf32>
    %logistic3A_1304 = arith.divf %logistic3A_1302, %logistic3A_1303 : vector<32x1xf32>
    %iota3A_1305 = tpu.iota {dimensions = array<i32: 0>} : vector<32x32xi32>
    %iota3A_1306 = tpu.iota {dimensions = array<i32: 1>} : vector<32x32xi32>
    %eq3A_1307 = arith.cmpi eq, %iota3A_1305, %iota3A_1306 : vector<32x32xi32>
    %convert_element_type3A_1308 = arith.extui %eq3A_1307 : vector<32x32xi1> to vector<32x32xi32>
    %convert_element_type3A_1309 = arith.sitofp %convert_element_type3A_1308 : vector<32x32xi32> to vector<32x32xf32>
    %mul3A_1310 = vector.broadcast %logistic3A_1304 : vector<32x1xf32> to vector<32x32xf32>
    %mul3A_1311 = arith.mulf %mul3A_1310, %convert_element_type3A_1309 : vector<32x32xf32>
    %reduce_sum3A_1312 = arith.constant dense<0.000000e+00> : vector<32xf32>
    %reduce_sum3A_1313 = vector.multi_reduction <add>, %mul3A_1311, %reduce_sum3A_1312 [0] : vector<32x32xf32> to vector<32xf32>
    %broadcast_in_dim3A_1314 = vector.shape_cast %reduce_sum3A_1313 : vector<32xf32> to vector<1x32xf32>
    %gt3A_1315 = vector.broadcast %logistic3A_1304 : vector<32x1xf32> to vector<32x32xf32>
    %gt3A_1316 = vector.broadcast %broadcast_in_dim3A_1314 : vector<1x32xf32> to vector<32x32xf32>
    %gt3A_1317 = arith.cmpf ogt, %gt3A_1315, %gt3A_1316 : vector<32x32xf32>
    %eq3A_1318 = vector.broadcast %logistic3A_1304 : vector<32x1xf32> to vector<32x32xf32>
    %eq3A_1319 = vector.broadcast %broadcast_in_dim3A_1314 : vector<1x32xf32> to vector<32x32xf32>
    %eq3A_1320 = arith.cmpf oeq, %eq3A_1318, %eq3A_1319 : vector<32x32xf32>
    %lt3A_1321 = arith.cmpi slt, %iota3A_1305, %iota3A_1306 : vector<32x32xi32>
    %and3A_1322 = arith.andi %eq3A_1320, %lt3A_1321 : vector<32x32xi1>
    %or3A_1323 = arith.ori %gt3A_1317, %and3A_1322 : vector<32x32xi1>
    %convert_element_type3A_1324 = arith.extui %or3A_1323 : vector<32x32xi1> to vector<32x32xi32>
    %convert_element_type3A_1325 = arith.sitofp %convert_element_type3A_1324 : vector<32x32xi32> to vector<32x32xf32>
    %reduce_sum3A_1326 = arith.constant dense<0.000000e+00> : vector<32xf32>
    %reduce_sum3A_1327 = vector.multi_reduction <add>, %convert_element_type3A_1325, %reduce_sum3A_1326 [0] : vector<32x32xf32> to vector<32xf32>
    %broadcast_in_dim3A_1328 = vector.shape_cast %reduce_sum3A_1327 : vector<32xf32> to vector<1x32xf32>
    %iota3A_1329 = tpu.iota {dimensions = array<i32: 0>} : vector<16x32xi32>
    %convert_element_type3A_1330 = arith.sitofp %iota3A_1329 : vector<16x32xi32> to vector<16x32xf32>
    %eq3A_1331 = vector.broadcast %broadcast_in_dim3A_1328 : vector<1x32xf32> to vector<16x32xf32>
    %eq3A_1332 = arith.cmpf oeq, %convert_element_type3A_1330, %eq3A_1331 : vector<16x32xf32>
    %convert_element_type3A_1333 = arith.extui %eq3A_1332 : vector<16x32xi1> to vector<16x32xi32>
    %convert_element_type3A_1334 = arith.sitofp %convert_element_type3A_1333 : vector<16x32xi32> to vector<16x32xf32>
    %mul3A_1335 = vector.broadcast %logistic3A_1304 : vector<32x1xf32> to vector<32x256xf32>
    %mul3A_1336 = arith.mulf %max3A_524, %mul3A_1335 : vector<32x256xf32>
    %dot_general3A_1337 = arith.constant dense<0.000000e+00> : vector<16x256xf32>
    %dot_general3A_1338 = tpu.matmul %convert_element_type3A_1334, %mul3A_1336, %dot_general3A_1337 {dimension_numbers = #tpu.dot_dimension_numbers<[1], [0], [0], [1], [0, 0, 1, 1], [], []>, precision = #tpu.contract_precision<fp32>, transpose_lhs_hint = false} : vector<16x32xf32>, vector<32x256xf32>, vector<16x256xf32> -> vector<16x256xf32>
    %reduce_sum3A_1339 = arith.constant dense<0.000000e+00> : vector<256xf32>
    %reduce_sum3A_1340 = vector.multi_reduction <add>, %dot_general3A_1338, %reduce_sum3A_1339 [0] : vector<16x256xf32> to vector<256xf32>
    %broadcast_in_dim3A_1341 = vector.shape_cast %reduce_sum3A_1340 : vector<256xf32> to vector<1x256xf32>
    %mul3A_1342 = arith.constant 6.250000e-02 : f32
    %mul3A_1343 = vector.broadcast %mul3A_1342 : f32 to vector<1x256xf32>
    %mul3A_1344 = arith.mulf %broadcast_in_dim3A_1341, %mul3A_1343 : vector<1x256xf32>
    %swap3A_1345 = arith.constant 9 : index
    %swap3A_1346 = arith.constant 0 : index
    %swap3A_1347 = arith.constant 0 : index
    %swap3A_1348 = vector.load %arg7[%swap3A_1345, %swap3A_1346, %swap3A_1347] : memref<16x1x256xf32, #tpu.memory_space<vmem>>, vector<1x1x256xf32>
    %swap3A_1349 = vector.shape_cast %swap3A_1348 : vector<1x1x256xf32> to vector<1x256xf32>
    %swap3A_1350 = vector.shape_cast %mul3A_1344 : vector<1x256xf32> to vector<1x1x256xf32>
    tpu.vector_store %arg7[%swap3A_1345, %swap3A_1346, %swap3A_1347], %swap3A_1350 {strides = array<i32>} : memref<16x1x256xf32, #tpu.memory_space<vmem>>, vector<1x1x256xf32>,
    %slice3A_1351 = vector.extract_strided_slice %slice3A_824 {offsets = [320, 0], sizes = [32, 1], strides = [1, 1]} : vector<512x1xf32> to vector<32x1xf32>
    %logistic3A_1352 = arith.negf %slice3A_1351 : vector<32x1xf32>
    %logistic3A_1353 = math.exp %logistic3A_1352 : vector<32x1xf32>
    %logistic3A_1354 = arith.constant 1.000000e+00 : f32
    %logistic3A_1355 = vector.broadcast %logistic3A_1354 : f32 to vector<32x1xf32>
    %logistic3A_1356 = arith.addf %logistic3A_1355, %logistic3A_1353 : vector<32x1xf32>
    %logistic3A_1357 = arith.divf %logistic3A_1355, %logistic3A_1356 : vector<32x1xf32>
    %iota3A_1358 = tpu.iota {dimensions = array<i32: 0>} : vector<32x32xi32>
    %iota3A_1359 = tpu.iota {dimensions = array<i32: 1>} : vector<32x32xi32>
    %eq3A_1360 = arith.cmpi eq, %iota3A_1358, %iota3A_1359 : vector<32x32xi32>
    %convert_element_type3A_1361 = arith.extui %eq3A_1360 : vector<32x32xi1> to vector<32x32xi32>
    %convert_element_type3A_1362 = arith.sitofp %convert_element_type3A_1361 : vector<32x32xi32> to vector<32x32xf32>
    %mul3A_1363 = vector.broadcast %logistic3A_1357 : vector<32x1xf32> to vector<32x32xf32>
    %mul3A_1364 = arith.mulf %mul3A_1363, %convert_element_type3A_1362 : vector<32x32xf32>
    %reduce_sum3A_1365 = arith.constant dense<0.000000e+00> : vector<32xf32>
    %reduce_sum3A_1366 = vector.multi_reduction <add>, %mul3A_1364, %reduce_sum3A_1365 [0] : vector<32x32xf32> to vector<32xf32>
    %broadcast_in_dim3A_1367 = vector.shape_cast %reduce_sum3A_1366 : vector<32xf32> to vector<1x32xf32>
    %gt3A_1368 = vector.broadcast %logistic3A_1357 : vector<32x1xf32> to vector<32x32xf32>
    %gt3A_1369 = vector.broadcast %broadcast_in_dim3A_1367 : vector<1x32xf32> to vector<32x32xf32>
    %gt3A_1370 = arith.cmpf ogt, %gt3A_1368, %gt3A_1369 : vector<32x32xf32>
    %eq3A_1371 = vector.broadcast %logistic3A_1357 : vector<32x1xf32> to vector<32x32xf32>
    %eq3A_1372 = vector.broadcast %broadcast_in_dim3A_1367 : vector<1x32xf32> to vector<32x32xf32>
    %eq3A_1373 = arith.cmpf oeq, %eq3A_1371, %eq3A_1372 : vector<32x32xf32>
    %lt3A_1374 = arith.cmpi slt, %iota3A_1358, %iota3A_1359 : vector<32x32xi32>
    %and3A_1375 = arith.andi %eq3A_1373, %lt3A_1374 : vector<32x32xi1>
    %or3A_1376 = arith.ori %gt3A_1370, %and3A_1375 : vector<32x32xi1>
    %convert_element_type3A_1377 = arith.extui %or3A_1376 : vector<32x32xi1> to vector<32x32xi32>
    %convert_element_type3A_1378 = arith.sitofp %convert_element_type3A_1377 : vector<32x32xi32> to vector<32x32xf32>
    %reduce_sum3A_1379 = arith.constant dense<0.000000e+00> : vector<32xf32>
    %reduce_sum3A_1380 = vector.multi_reduction <add>, %convert_element_type3A_1378, %reduce_sum3A_1379 [0] : vector<32x32xf32> to vector<32xf32>
    %broadcast_in_dim3A_1381 = vector.shape_cast %reduce_sum3A_1380 : vector<32xf32> to vector<1x32xf32>
    %iota3A_1382 = tpu.iota {dimensions = array<i32: 0>} : vector<16x32xi32>
    %convert_element_type3A_1383 = arith.sitofp %iota3A_1382 : vector<16x32xi32> to vector<16x32xf32>
    %eq3A_1384 = vector.broadcast %broadcast_in_dim3A_1381 : vector<1x32xf32> to vector<16x32xf32>
    %eq3A_1385 = arith.cmpf oeq, %convert_element_type3A_1383, %eq3A_1384 : vector<16x32xf32>
    %convert_element_type3A_1386 = arith.extui %eq3A_1385 : vector<16x32xi1> to vector<16x32xi32>
    %convert_element_type3A_1387 = arith.sitofp %convert_element_type3A_1386 : vector<16x32xi32> to vector<16x32xf32>
    %mul3A_1388 = vector.broadcast %logistic3A_1357 : vector<32x1xf32> to vector<32x256xf32>
    %mul3A_1389 = arith.mulf %max3A_573, %mul3A_1388 : vector<32x256xf32>
    %dot_general3A_1390 = arith.constant dense<0.000000e+00> : vector<16x256xf32>
    %dot_general3A_1391 = tpu.matmul %convert_element_type3A_1387, %mul3A_1389, %dot_general3A_1390 {dimension_numbers = #tpu.dot_dimension_numbers<[1], [0], [0], [1], [0, 0, 1, 1], [], []>, precision = #tpu.contract_precision<fp32>, transpose_lhs_hint = false} : vector<16x32xf32>, vector<32x256xf32>, vector<16x256xf32> -> vector<16x256xf32>
    %reduce_sum3A_1392 = arith.constant dense<0.000000e+00> : vector<256xf32>
    %reduce_sum3A_1393 = vector.multi_reduction <add>, %dot_general3A_1391, %reduce_sum3A_1392 [0] : vector<16x256xf32> to vector<256xf32>
    %broadcast_in_dim3A_1394 = vector.shape_cast %reduce_sum3A_1393 : vector<256xf32> to vector<1x256xf32>
    %mul3A_1395 = arith.constant 6.250000e-02 : f32
    %mul3A_1396 = vector.broadcast %mul3A_1395 : f32 to vector<1x256xf32>
    %mul3A_1397 = arith.mulf %broadcast_in_dim3A_1394, %mul3A_1396 : vector<1x256xf32>
    %swap3A_1398 = arith.constant 10 : index
    %swap3A_1399 = arith.constant 0 : index
    %swap3A_1400 = arith.constant 0 : index
    %swap3A_1401 = vector.load %arg7[%swap3A_1398, %swap3A_1399, %swap3A_1400] : memref<16x1x256xf32, #tpu.memory_space<vmem>>, vector<1x1x256xf32>
    %swap3A_1402 = vector.shape_cast %swap3A_1401 : vector<1x1x256xf32> to vector<1x256xf32>
    %swap3A_1403 = vector.shape_cast %mul3A_1397 : vector<1x256xf32> to vector<1x1x256xf32>
    tpu.vector_store %arg7[%swap3A_1398, %swap3A_1399, %swap3A_1400], %swap3A_1403 {strides = array<i32>} : memref<16x1x256xf32, #tpu.memory_space<vmem>>, vector<1x1x256xf32>,
    %slice3A_1404 = vector.extract_strided_slice %slice3A_824 {offsets = [352, 0], sizes = [32, 1], strides = [1, 1]} : vector<512x1xf32> to vector<32x1xf32>
    %logistic3A_1405 = arith.negf %slice3A_1404 : vector<32x1xf32>
    %logistic3A_1406 = math.exp %logistic3A_1405 : vector<32x1xf32>
    %logistic3A_1407 = arith.constant 1.000000e+00 : f32
    %logistic3A_1408 = vector.broadcast %logistic3A_1407 : f32 to vector<32x1xf32>
    %logistic3A_1409 = arith.addf %logistic3A_1408, %logistic3A_1406 : vector<32x1xf32>
    %logistic3A_1410 = arith.divf %logistic3A_1408, %logistic3A_1409 : vector<32x1xf32>
    %iota3A_1411 = tpu.iota {dimensions = array<i32: 0>} : vector<32x32xi32>
    %iota3A_1412 = tpu.iota {dimensions = array<i32: 1>} : vector<32x32xi32>
    %eq3A_1413 = arith.cmpi eq, %iota3A_1411, %iota3A_1412 : vector<32x32xi32>
    %convert_element_type3A_1414 = arith.extui %eq3A_1413 : vector<32x32xi1> to vector<32x32xi32>
    %convert_element_type3A_1415 = arith.sitofp %convert_element_type3A_1414 : vector<32x32xi32> to vector<32x32xf32>
    %mul3A_1416 = vector.broadcast %logistic3A_1410 : vector<32x1xf32> to vector<32x32xf32>
    %mul3A_1417 = arith.mulf %mul3A_1416, %convert_element_type3A_1415 : vector<32x32xf32>
    %reduce_sum3A_1418 = arith.constant dense<0.000000e+00> : vector<32xf32>
    %reduce_sum3A_1419 = vector.multi_reduction <add>, %mul3A_1417, %reduce_sum3A_1418 [0] : vector<32x32xf32> to vector<32xf32>
    %broadcast_in_dim3A_1420 = vector.shape_cast %reduce_sum3A_1419 : vector<32xf32> to vector<1x32xf32>
    %gt3A_1421 = vector.broadcast %logistic3A_1410 : vector<32x1xf32> to vector<32x32xf32>
    %gt3A_1422 = vector.broadcast %broadcast_in_dim3A_1420 : vector<1x32xf32> to vector<32x32xf32>
    %gt3A_1423 = arith.cmpf ogt, %gt3A_1421, %gt3A_1422 : vector<32x32xf32>
    %eq3A_1424 = vector.broadcast %logistic3A_1410 : vector<32x1xf32> to vector<32x32xf32>
    %eq3A_1425 = vector.broadcast %broadcast_in_dim3A_1420 : vector<1x32xf32> to vector<32x32xf32>
    %eq3A_1426 = arith.cmpf oeq, %eq3A_1424, %eq3A_1425 : vector<32x32xf32>
    %lt3A_1427 = arith.cmpi slt, %iota3A_1411, %iota3A_1412 : vector<32x32xi32>
    %and3A_1428 = arith.andi %eq3A_1426, %lt3A_1427 : vector<32x32xi1>
    %or3A_1429 = arith.ori %gt3A_1423, %and3A_1428 : vector<32x32xi1>
    %convert_element_type3A_1430 = arith.extui %or3A_1429 : vector<32x32xi1> to vector<32x32xi32>
    %convert_element_type3A_1431 = arith.sitofp %convert_element_type3A_1430 : vector<32x32xi32> to vector<32x32xf32>
    %reduce_sum3A_1432 = arith.constant dense<0.000000e+00> : vector<32xf32>
    %reduce_sum3A_1433 = vector.multi_reduction <add>, %convert_element_type3A_1431, %reduce_sum3A_1432 [0] : vector<32x32xf32> to vector<32xf32>
    %broadcast_in_dim3A_1434 = vector.shape_cast %reduce_sum3A_1433 : vector<32xf32> to vector<1x32xf32>
    %iota3A_1435 = tpu.iota {dimensions = array<i32: 0>} : vector<16x32xi32>
    %convert_element_type3A_1436 = arith.sitofp %iota3A_1435 : vector<16x32xi32> to vector<16x32xf32>
    %eq3A_1437 = vector.broadcast %broadcast_in_dim3A_1434 : vector<1x32xf32> to vector<16x32xf32>
    %eq3A_1438 = arith.cmpf oeq, %convert_element_type3A_1436, %eq3A_1437 : vector<16x32xf32>
    %convert_element_type3A_1439 = arith.extui %eq3A_1438 : vector<16x32xi1> to vector<16x32xi32>
    %convert_element_type3A_1440 = arith.sitofp %convert_element_type3A_1439 : vector<16x32xi32> to vector<16x32xf32>
    %mul3A_1441 = vector.broadcast %logistic3A_1410 : vector<32x1xf32> to vector<32x256xf32>
    %mul3A_1442 = arith.mulf %max3A_622, %mul3A_1441 : vector<32x256xf32>
    %dot_general3A_1443 = arith.constant dense<0.000000e+00> : vector<16x256xf32>
    %dot_general3A_1444 = tpu.matmul %convert_element_type3A_1440, %mul3A_1442, %dot_general3A_1443 {dimension_numbers = #tpu.dot_dimension_numbers<[1], [0], [0], [1], [0, 0, 1, 1], [], []>, precision = #tpu.contract_precision<fp32>, transpose_lhs_hint = false} : vector<16x32xf32>, vector<32x256xf32>, vector<16x256xf32> -> vector<16x256xf32>
    %reduce_sum3A_1445 = arith.constant dense<0.000000e+00> : vector<256xf32>
    %reduce_sum3A_1446 = vector.multi_reduction <add>, %dot_general3A_1444, %reduce_sum3A_1445 [0] : vector<16x256xf32> to vector<256xf32>
    %broadcast_in_dim3A_1447 = vector.shape_cast %reduce_sum3A_1446 : vector<256xf32> to vector<1x256xf32>
    %mul3A_1448 = arith.constant 6.250000e-02 : f32
    %mul3A_1449 = vector.broadcast %mul3A_1448 : f32 to vector<1x256xf32>
    %mul3A_1450 = arith.mulf %broadcast_in_dim3A_1447, %mul3A_1449 : vector<1x256xf32>
    %swap3A_1451 = arith.constant 11 : index
    %swap3A_1452 = arith.constant 0 : index
    %swap3A_1453 = arith.constant 0 : index
    %swap3A_1454 = vector.load %arg7[%swap3A_1451, %swap3A_1452, %swap3A_1453] : memref<16x1x256xf32, #tpu.memory_space<vmem>>, vector<1x1x256xf32>
    %swap3A_1455 = vector.shape_cast %swap3A_1454 : vector<1x1x256xf32> to vector<1x256xf32>
    %swap3A_1456 = vector.shape_cast %mul3A_1450 : vector<1x256xf32> to vector<1x1x256xf32>
    tpu.vector_store %arg7[%swap3A_1451, %swap3A_1452, %swap3A_1453], %swap3A_1456 {strides = array<i32>} : memref<16x1x256xf32, #tpu.memory_space<vmem>>, vector<1x1x256xf32>,
    %slice3A_1457 = vector.extract_strided_slice %slice3A_824 {offsets = [384, 0], sizes = [32, 1], strides = [1, 1]} : vector<512x1xf32> to vector<32x1xf32>
    %logistic3A_1458 = arith.negf %slice3A_1457 : vector<32x1xf32>
    %logistic3A_1459 = math.exp %logistic3A_1458 : vector<32x1xf32>
    %logistic3A_1460 = arith.constant 1.000000e+00 : f32
    %logistic3A_1461 = vector.broadcast %logistic3A_1460 : f32 to vector<32x1xf32>
    %logistic3A_1462 = arith.addf %logistic3A_1461, %logistic3A_1459 : vector<32x1xf32>
    %logistic3A_1463 = arith.divf %logistic3A_1461, %logistic3A_1462 : vector<32x1xf32>
    %iota3A_1464 = tpu.iota {dimensions = array<i32: 0>} : vector<32x32xi32>
    %iota3A_1465 = tpu.iota {dimensions = array<i32: 1>} : vector<32x32xi32>
    %eq3A_1466 = arith.cmpi eq, %iota3A_1464, %iota3A_1465 : vector<32x32xi32>
    %convert_element_type3A_1467 = arith.extui %eq3A_1466 : vector<32x32xi1> to vector<32x32xi32>
    %convert_element_type3A_1468 = arith.sitofp %convert_element_type3A_1467 : vector<32x32xi32> to vector<32x32xf32>
    %mul3A_1469 = vector.broadcast %logistic3A_1463 : vector<32x1xf32> to vector<32x32xf32>
    %mul3A_1470 = arith.mulf %mul3A_1469, %convert_element_type3A_1468 : vector<32x32xf32>
    %reduce_sum3A_1471 = arith.constant dense<0.000000e+00> : vector<32xf32>
    %reduce_sum3A_1472 = vector.multi_reduction <add>, %mul3A_1470, %reduce_sum3A_1471 [0] : vector<32x32xf32> to vector<32xf32>
    %broadcast_in_dim3A_1473 = vector.shape_cast %reduce_sum3A_1472 : vector<32xf32> to vector<1x32xf32>
    %gt3A_1474 = vector.broadcast %logistic3A_1463 : vector<32x1xf32> to vector<32x32xf32>
    %gt3A_1475 = vector.broadcast %broadcast_in_dim3A_1473 : vector<1x32xf32> to vector<32x32xf32>
    %gt3A_1476 = arith.cmpf ogt, %gt3A_1474, %gt3A_1475 : vector<32x32xf32>
    %eq3A_1477 = vector.broadcast %logistic3A_1463 : vector<32x1xf32> to vector<32x32xf32>
    %eq3A_1478 = vector.broadcast %broadcast_in_dim3A_1473 : vector<1x32xf32> to vector<32x32xf32>
    %eq3A_1479 = arith.cmpf oeq, %eq3A_1477, %eq3A_1478 : vector<32x32xf32>
    %lt3A_1480 = arith.cmpi slt, %iota3A_1464, %iota3A_1465 : vector<32x32xi32>
    %and3A_1481 = arith.andi %eq3A_1479, %lt3A_1480 : vector<32x32xi1>
    %or3A_1482 = arith.ori %gt3A_1476, %and3A_1481 : vector<32x32xi1>
    %convert_element_type3A_1483 = arith.extui %or3A_1482 : vector<32x32xi1> to vector<32x32xi32>
    %convert_element_type3A_1484 = arith.sitofp %convert_element_type3A_1483 : vector<32x32xi32> to vector<32x32xf32>
    %reduce_sum3A_1485 = arith.constant dense<0.000000e+00> : vector<32xf32>
    %reduce_sum3A_1486 = vector.multi_reduction <add>, %convert_element_type3A_1484, %reduce_sum3A_1485 [0] : vector<32x32xf32> to vector<32xf32>
    %broadcast_in_dim3A_1487 = vector.shape_cast %reduce_sum3A_1486 : vector<32xf32> to vector<1x32xf32>
    %iota3A_1488 = tpu.iota {dimensions = array<i32: 0>} : vector<16x32xi32>
    %convert_element_type3A_1489 = arith.sitofp %iota3A_1488 : vector<16x32xi32> to vector<16x32xf32>
    %eq3A_1490 = vector.broadcast %broadcast_in_dim3A_1487 : vector<1x32xf32> to vector<16x32xf32>
    %eq3A_1491 = arith.cmpf oeq, %convert_element_type3A_1489, %eq3A_1490 : vector<16x32xf32>
    %convert_element_type3A_1492 = arith.extui %eq3A_1491 : vector<16x32xi1> to vector<16x32xi32>
    %convert_element_type3A_1493 = arith.sitofp %convert_element_type3A_1492 : vector<16x32xi32> to vector<16x32xf32>
    %mul3A_1494 = vector.broadcast %logistic3A_1463 : vector<32x1xf32> to vector<32x256xf32>
    %mul3A_1495 = arith.mulf %max3A_671, %mul3A_1494 : vector<32x256xf32>
    %dot_general3A_1496 = arith.constant dense<0.000000e+00> : vector<16x256xf32>
    %dot_general3A_1497 = tpu.matmul %convert_element_type3A_1493, %mul3A_1495, %dot_general3A_1496 {dimension_numbers = #tpu.dot_dimension_numbers<[1], [0], [0], [1], [0, 0, 1, 1], [], []>, precision = #tpu.contract_precision<fp32>, transpose_lhs_hint = false} : vector<16x32xf32>, vector<32x256xf32>, vector<16x256xf32> -> vector<16x256xf32>
    %reduce_sum3A_1498 = arith.constant dense<0.000000e+00> : vector<256xf32>
    %reduce_sum3A_1499 = vector.multi_reduction <add>, %dot_general3A_1497, %reduce_sum3A_1498 [0] : vector<16x256xf32> to vector<256xf32>
    %broadcast_in_dim3A_1500 = vector.shape_cast %reduce_sum3A_1499 : vector<256xf32> to vector<1x256xf32>
    %mul3A_1501 = arith.constant 6.250000e-02 : f32
    %mul3A_1502 = vector.broadcast %mul3A_1501 : f32 to vector<1x256xf32>
    %mul3A_1503 = arith.mulf %broadcast_in_dim3A_1500, %mul3A_1502 : vector<1x256xf32>
    %swap3A_1504 = arith.constant 12 : index
    %swap3A_1505 = arith.constant 0 : index
    %swap3A_1506 = arith.constant 0 : index
    %swap3A_1507 = vector.load %arg7[%swap3A_1504, %swap3A_1505, %swap3A_1506] : memref<16x1x256xf32, #tpu.memory_space<vmem>>, vector<1x1x256xf32>
    %swap3A_1508 = vector.shape_cast %swap3A_1507 : vector<1x1x256xf32> to vector<1x256xf32>
    %swap3A_1509 = vector.shape_cast %mul3A_1503 : vector<1x256xf32> to vector<1x1x256xf32>
    tpu.vector_store %arg7[%swap3A_1504, %swap3A_1505, %swap3A_1506], %swap3A_1509 {strides = array<i32>} : memref<16x1x256xf32, #tpu.memory_space<vmem>>, vector<1x1x256xf32>,
    %slice3A_1510 = vector.extract_strided_slice %slice3A_824 {offsets = [416, 0], sizes = [32, 1], strides = [1, 1]} : vector<512x1xf32> to vector<32x1xf32>
    %logistic3A_1511 = arith.negf %slice3A_1510 : vector<32x1xf32>
    %logistic3A_1512 = math.exp %logistic3A_1511 : vector<32x1xf32>
    %logistic3A_1513 = arith.constant 1.000000e+00 : f32
    %logistic3A_1514 = vector.broadcast %logistic3A_1513 : f32 to vector<32x1xf32>
    %logistic3A_1515 = arith.addf %logistic3A_1514, %logistic3A_1512 : vector<32x1xf32>
    %logistic3A_1516 = arith.divf %logistic3A_1514, %logistic3A_1515 : vector<32x1xf32>
    %iota3A_1517 = tpu.iota {dimensions = array<i32: 0>} : vector<32x32xi32>
    %iota3A_1518 = tpu.iota {dimensions = array<i32: 1>} : vector<32x32xi32>
    %eq3A_1519 = arith.cmpi eq, %iota3A_1517, %iota3A_1518 : vector<32x32xi32>
    %convert_element_type3A_1520 = arith.extui %eq3A_1519 : vector<32x32xi1> to vector<32x32xi32>
    %convert_element_type3A_1521 = arith.sitofp %convert_element_type3A_1520 : vector<32x32xi32> to vector<32x32xf32>
    %mul3A_1522 = vector.broadcast %logistic3A_1516 : vector<32x1xf32> to vector<32x32xf32>
    %mul3A_1523 = arith.mulf %mul3A_1522, %convert_element_type3A_1521 : vector<32x32xf32>
    %reduce_sum3A_1524 = arith.constant dense<0.000000e+00> : vector<32xf32>
    %reduce_sum3A_1525 = vector.multi_reduction <add>, %mul3A_1523, %reduce_sum3A_1524 [0] : vector<32x32xf32> to vector<32xf32>
    %broadcast_in_dim3A_1526 = vector.shape_cast %reduce_sum3A_1525 : vector<32xf32> to vector<1x32xf32>
    %gt3A_1527 = vector.broadcast %logistic3A_1516 : vector<32x1xf32> to vector<32x32xf32>
    %gt3A_1528 = vector.broadcast %broadcast_in_dim3A_1526 : vector<1x32xf32> to vector<32x32xf32>
    %gt3A_1529 = arith.cmpf ogt, %gt3A_1527, %gt3A_1528 : vector<32x32xf32>
    %eq3A_1530 = vector.broadcast %logistic3A_1516 : vector<32x1xf32> to vector<32x32xf32>
    %eq3A_1531 = vector.broadcast %broadcast_in_dim3A_1526 : vector<1x32xf32> to vector<32x32xf32>
    %eq3A_1532 = arith.cmpf oeq, %eq3A_1530, %eq3A_1531 : vector<32x32xf32>
    %lt3A_1533 = arith.cmpi slt, %iota3A_1517, %iota3A_1518 : vector<32x32xi32>
    %and3A_1534 = arith.andi %eq3A_1532, %lt3A_1533 : vector<32x32xi1>
    %or3A_1535 = arith.ori %gt3A_1529, %and3A_1534 : vector<32x32xi1>
    %convert_element_type3A_1536 = arith.extui %or3A_1535 : vector<32x32xi1> to vector<32x32xi32>
    %convert_element_type3A_1537 = arith.sitofp %convert_element_type3A_1536 : vector<32x32xi32> to vector<32x32xf32>
    %reduce_sum3A_1538 = arith.constant dense<0.000000e+00> : vector<32xf32>
    %reduce_sum3A_1539 = vector.multi_reduction <add>, %convert_element_type3A_1537, %reduce_sum3A_1538 [0] : vector<32x32xf32> to vector<32xf32>
    %broadcast_in_dim3A_1540 = vector.shape_cast %reduce_sum3A_1539 : vector<32xf32> to vector<1x32xf32>
    %iota3A_1541 = tpu.iota {dimensions = array<i32: 0>} : vector<16x32xi32>
    %convert_element_type3A_1542 = arith.sitofp %iota3A_1541 : vector<16x32xi32> to vector<16x32xf32>
    %eq3A_1543 = vector.broadcast %broadcast_in_dim3A_1540 : vector<1x32xf32> to vector<16x32xf32>
    %eq3A_1544 = arith.cmpf oeq, %convert_element_type3A_1542, %eq3A_1543 : vector<16x32xf32>
    %convert_element_type3A_1545 = arith.extui %eq3A_1544 : vector<16x32xi1> to vector<16x32xi32>
    %convert_element_type3A_1546 = arith.sitofp %convert_element_type3A_1545 : vector<16x32xi32> to vector<16x32xf32>
    %mul3A_1547 = vector.broadcast %logistic3A_1516 : vector<32x1xf32> to vector<32x256xf32>
    %mul3A_1548 = arith.mulf %max3A_720, %mul3A_1547 : vector<32x256xf32>
    %dot_general3A_1549 = arith.constant dense<0.000000e+00> : vector<16x256xf32>
    %dot_general3A_1550 = tpu.matmul %convert_element_type3A_1546, %mul3A_1548, %dot_general3A_1549 {dimension_numbers = #tpu.dot_dimension_numbers<[1], [0], [0], [1], [0, 0, 1, 1], [], []>, precision = #tpu.contract_precision<fp32>, transpose_lhs_hint = false} : vector<16x32xf32>, vector<32x256xf32>, vector<16x256xf32> -> vector<16x256xf32>
    %reduce_sum3A_1551 = arith.constant dense<0.000000e+00> : vector<256xf32>
    %reduce_sum3A_1552 = vector.multi_reduction <add>, %dot_general3A_1550, %reduce_sum3A_1551 [0] : vector<16x256xf32> to vector<256xf32>
    %broadcast_in_dim3A_1553 = vector.shape_cast %reduce_sum3A_1552 : vector<256xf32> to vector<1x256xf32>
    %mul3A_1554 = arith.constant 6.250000e-02 : f32
    %mul3A_1555 = vector.broadcast %mul3A_1554 : f32 to vector<1x256xf32>
    %mul3A_1556 = arith.mulf %broadcast_in_dim3A_1553, %mul3A_1555 : vector<1x256xf32>
    %swap3A_1557 = arith.constant 13 : index
    %swap3A_1558 = arith.constant 0 : index
    %swap3A_1559 = arith.constant 0 : index
    %swap3A_1560 = vector.load %arg7[%swap3A_1557, %swap3A_1558, %swap3A_1559] : memref<16x1x256xf32, #tpu.memory_space<vmem>>, vector<1x1x256xf32>
    %swap3A_1561 = vector.shape_cast %swap3A_1560 : vector<1x1x256xf32> to vector<1x256xf32>
    %swap3A_1562 = vector.shape_cast %mul3A_1556 : vector<1x256xf32> to vector<1x1x256xf32>
    tpu.vector_store %arg7[%swap3A_1557, %swap3A_1558, %swap3A_1559], %swap3A_1562 {strides = array<i32>} : memref<16x1x256xf32, #tpu.memory_space<vmem>>, vector<1x1x256xf32>,
    %slice3A_1563 = vector.extract_strided_slice %slice3A_824 {offsets = [448, 0], sizes = [32, 1], strides = [1, 1]} : vector<512x1xf32> to vector<32x1xf32>
    %logistic3A_1564 = arith.negf %slice3A_1563 : vector<32x1xf32>
    %logistic3A_1565 = math.exp %logistic3A_1564 : vector<32x1xf32>
    %logistic3A_1566 = arith.constant 1.000000e+00 : f32
    %logistic3A_1567 = vector.broadcast %logistic3A_1566 : f32 to vector<32x1xf32>
    %logistic3A_1568 = arith.addf %logistic3A_1567, %logistic3A_1565 : vector<32x1xf32>
    %logistic3A_1569 = arith.divf %logistic3A_1567, %logistic3A_1568 : vector<32x1xf32>
    %iota3A_1570 = tpu.iota {dimensions = array<i32: 0>} : vector<32x32xi32>
    %iota3A_1571 = tpu.iota {dimensions = array<i32: 1>} : vector<32x32xi32>
    %eq3A_1572 = arith.cmpi eq, %iota3A_1570, %iota3A_1571 : vector<32x32xi32>
    %convert_element_type3A_1573 = arith.extui %eq3A_1572 : vector<32x32xi1> to vector<32x32xi32>
    %convert_element_type3A_1574 = arith.sitofp %convert_element_type3A_1573 : vector<32x32xi32> to vector<32x32xf32>
    %mul3A_1575 = vector.broadcast %logistic3A_1569 : vector<32x1xf32> to vector<32x32xf32>
    %mul3A_1576 = arith.mulf %mul3A_1575, %convert_element_type3A_1574 : vector<32x32xf32>
    %reduce_sum3A_1577 = arith.constant dense<0.000000e+00> : vector<32xf32>
    %reduce_sum3A_1578 = vector.multi_reduction <add>, %mul3A_1576, %reduce_sum3A_1577 [0] : vector<32x32xf32> to vector<32xf32>
    %broadcast_in_dim3A_1579 = vector.shape_cast %reduce_sum3A_1578 : vector<32xf32> to vector<1x32xf32>
    %gt3A_1580 = vector.broadcast %logistic3A_1569 : vector<32x1xf32> to vector<32x32xf32>
    %gt3A_1581 = vector.broadcast %broadcast_in_dim3A_1579 : vector<1x32xf32> to vector<32x32xf32>
    %gt3A_1582 = arith.cmpf ogt, %gt3A_1580, %gt3A_1581 : vector<32x32xf32>
    %eq3A_1583 = vector.broadcast %logistic3A_1569 : vector<32x1xf32> to vector<32x32xf32>
    %eq3A_1584 = vector.broadcast %broadcast_in_dim3A_1579 : vector<1x32xf32> to vector<32x32xf32>
    %eq3A_1585 = arith.cmpf oeq, %eq3A_1583, %eq3A_1584 : vector<32x32xf32>
    %lt3A_1586 = arith.cmpi slt, %iota3A_1570, %iota3A_1571 : vector<32x32xi32>
    %and3A_1587 = arith.andi %eq3A_1585, %lt3A_1586 : vector<32x32xi1>
    %or3A_1588 = arith.ori %gt3A_1582, %and3A_1587 : vector<32x32xi1>
    %convert_element_type3A_1589 = arith.extui %or3A_1588 : vector<32x32xi1> to vector<32x32xi32>
    %convert_element_type3A_1590 = arith.sitofp %convert_element_type3A_1589 : vector<32x32xi32> to vector<32x32xf32>
    %reduce_sum3A_1591 = arith.constant dense<0.000000e+00> : vector<32xf32>
    %reduce_sum3A_1592 = vector.multi_reduction <add>, %convert_element_type3A_1590, %reduce_sum3A_1591 [0] : vector<32x32xf32> to vector<32xf32>
    %broadcast_in_dim3A_1593 = vector.shape_cast %reduce_sum3A_1592 : vector<32xf32> to vector<1x32xf32>
    %iota3A_1594 = tpu.iota {dimensions = array<i32: 0>} : vector<16x32xi32>
    %convert_element_type3A_1595 = arith.sitofp %iota3A_1594 : vector<16x32xi32> to vector<16x32xf32>
    %eq3A_1596 = vector.broadcast %broadcast_in_dim3A_1593 : vector<1x32xf32> to vector<16x32xf32>
    %eq3A_1597 = arith.cmpf oeq, %convert_element_type3A_1595, %eq3A_1596 : vector<16x32xf32>
    %convert_element_type3A_1598 = arith.extui %eq3A_1597 : vector<16x32xi1> to vector<16x32xi32>
    %convert_element_type3A_1599 = arith.sitofp %convert_element_type3A_1598 : vector<16x32xi32> to vector<16x32xf32>
    %mul3A_1600 = vector.broadcast %logistic3A_1569 : vector<32x1xf32> to vector<32x256xf32>
    %mul3A_1601 = arith.mulf %max3A_769, %mul3A_1600 : vector<32x256xf32>
    %dot_general3A_1602 = arith.constant dense<0.000000e+00> : vector<16x256xf32>
    %dot_general3A_1603 = tpu.matmul %convert_element_type3A_1599, %mul3A_1601, %dot_general3A_1602 {dimension_numbers = #tpu.dot_dimension_numbers<[1], [0], [0], [1], [0, 0, 1, 1], [], []>, precision = #tpu.contract_precision<fp32>, transpose_lhs_hint = false} : vector<16x32xf32>, vector<32x256xf32>, vector<16x256xf32> -> vector<16x256xf32>
    %reduce_sum3A_1604 = arith.constant dense<0.000000e+00> : vector<256xf32>
    %reduce_sum3A_1605 = vector.multi_reduction <add>, %dot_general3A_1603, %reduce_sum3A_1604 [0] : vector<16x256xf32> to vector<256xf32>
    %broadcast_in_dim3A_1606 = vector.shape_cast %reduce_sum3A_1605 : vector<256xf32> to vector<1x256xf32>
    %mul3A_1607 = arith.constant 6.250000e-02 : f32
    %mul3A_1608 = vector.broadcast %mul3A_1607 : f32 to vector<1x256xf32>
    %mul3A_1609 = arith.mulf %broadcast_in_dim3A_1606, %mul3A_1608 : vector<1x256xf32>
    %swap3A_1610 = arith.constant 14 : index
    %swap3A_1611 = arith.constant 0 : index
    %swap3A_1612 = arith.constant 0 : index
    %swap3A_1613 = vector.load %arg7[%swap3A_1610, %swap3A_1611, %swap3A_1612] : memref<16x1x256xf32, #tpu.memory_space<vmem>>, vector<1x1x256xf32>
    %swap3A_1614 = vector.shape_cast %swap3A_1613 : vector<1x1x256xf32> to vector<1x256xf32>
    %swap3A_1615 = vector.shape_cast %mul3A_1609 : vector<1x256xf32> to vector<1x1x256xf32>
    tpu.vector_store %arg7[%swap3A_1610, %swap3A_1611, %swap3A_1612], %swap3A_1615 {strides = array<i32>} : memref<16x1x256xf32, #tpu.memory_space<vmem>>, vector<1x1x256xf32>,
    %slice3A_1616 = vector.extract_strided_slice %slice3A_824 {offsets = [480, 0], sizes = [32, 1], strides = [1, 1]} : vector<512x1xf32> to vector<32x1xf32>
    %logistic3A_1617 = arith.negf %slice3A_1616 : vector<32x1xf32>
    %logistic3A_1618 = math.exp %logistic3A_1617 : vector<32x1xf32>
    %logistic3A_1619 = arith.constant 1.000000e+00 : f32
    %logistic3A_1620 = vector.broadcast %logistic3A_1619 : f32 to vector<32x1xf32>
    %logistic3A_1621 = arith.addf %logistic3A_1620, %logistic3A_1618 : vector<32x1xf32>
    %logistic3A_1622 = arith.divf %logistic3A_1620, %logistic3A_1621 : vector<32x1xf32>
    %iota3A_1623 = tpu.iota {dimensions = array<i32: 0>} : vector<32x32xi32>
    %iota3A_1624 = tpu.iota {dimensions = array<i32: 1>} : vector<32x32xi32>
    %eq3A_1625 = arith.cmpi eq, %iota3A_1623, %iota3A_1624 : vector<32x32xi32>
    %convert_element_type3A_1626 = arith.extui %eq3A_1625 : vector<32x32xi1> to vector<32x32xi32>
    %convert_element_type3A_1627 = arith.sitofp %convert_element_type3A_1626 : vector<32x32xi32> to vector<32x32xf32>
    %mul3A_1628 = vector.broadcast %logistic3A_1622 : vector<32x1xf32> to vector<32x32xf32>
    %mul3A_1629 = arith.mulf %mul3A_1628, %convert_element_type3A_1627 : vector<32x32xf32>
    %reduce_sum3A_1630 = arith.constant dense<0.000000e+00> : vector<32xf32>
    %reduce_sum3A_1631 = vector.multi_reduction <add>, %mul3A_1629, %reduce_sum3A_1630 [0] : vector<32x32xf32> to vector<32xf32>
    %broadcast_in_dim3A_1632 = vector.shape_cast %reduce_sum3A_1631 : vector<32xf32> to vector<1x32xf32>
    %gt3A_1633 = vector.broadcast %logistic3A_1622 : vector<32x1xf32> to vector<32x32xf32>
    %gt3A_1634 = vector.broadcast %broadcast_in_dim3A_1632 : vector<1x32xf32> to vector<32x32xf32>
    %gt3A_1635 = arith.cmpf ogt, %gt3A_1633, %gt3A_1634 : vector<32x32xf32>
    %eq3A_1636 = vector.broadcast %logistic3A_1622 : vector<32x1xf32> to vector<32x32xf32>
    %eq3A_1637 = vector.broadcast %broadcast_in_dim3A_1632 : vector<1x32xf32> to vector<32x32xf32>
    %eq3A_1638 = arith.cmpf oeq, %eq3A_1636, %eq3A_1637 : vector<32x32xf32>
    %lt3A_1639 = arith.cmpi slt, %iota3A_1623, %iota3A_1624 : vector<32x32xi32>
    %and3A_1640 = arith.andi %eq3A_1638, %lt3A_1639 : vector<32x32xi1>
    %or3A_1641 = arith.ori %gt3A_1635, %and3A_1640 : vector<32x32xi1>
    %convert_element_type3A_1642 = arith.extui %or3A_1641 : vector<32x32xi1> to vector<32x32xi32>
    %convert_element_type3A_1643 = arith.sitofp %convert_element_type3A_1642 : vector<32x32xi32> to vector<32x32xf32>
    %reduce_sum3A_1644 = arith.constant dense<0.000000e+00> : vector<32xf32>
    %reduce_sum3A_1645 = vector.multi_reduction <add>, %convert_element_type3A_1643, %reduce_sum3A_1644 [0] : vector<32x32xf32> to vector<32xf32>
    %broadcast_in_dim3A_1646 = vector.shape_cast %reduce_sum3A_1645 : vector<32xf32> to vector<1x32xf32>
    %iota3A_1647 = tpu.iota {dimensions = array<i32: 0>} : vector<16x32xi32>
    %convert_element_type3A_1648 = arith.sitofp %iota3A_1647 : vector<16x32xi32> to vector<16x32xf32>
    %eq3A_1649 = vector.broadcast %broadcast_in_dim3A_1646 : vector<1x32xf32> to vector<16x32xf32>
    %eq3A_1650 = arith.cmpf oeq, %convert_element_type3A_1648, %eq3A_1649 : vector<16x32xf32>
    %convert_element_type3A_1651 = arith.extui %eq3A_1650 : vector<16x32xi1> to vector<16x32xi32>
    %convert_element_type3A_1652 = arith.sitofp %convert_element_type3A_1651 : vector<16x32xi32> to vector<16x32xf32>
    %mul3A_1653 = vector.broadcast %logistic3A_1622 : vector<32x1xf32> to vector<32x256xf32>
    %mul3A_1654 = arith.mulf %max3A_818, %mul3A_1653 : vector<32x256xf32>
    %dot_general3A_1655 = arith.constant dense<0.000000e+00> : vector<16x256xf32>
    %dot_general3A_1656 = tpu.matmul %convert_element_type3A_1652, %mul3A_1654, %dot_general3A_1655 {dimension_numbers = #tpu.dot_dimension_numbers<[1], [0], [0], [1], [0, 0, 1, 1], [], []>, precision = #tpu.contract_precision<fp32>, transpose_lhs_hint = false} : vector<16x32xf32>, vector<32x256xf32>, vector<16x256xf32> -> vector<16x256xf32>
    %reduce_sum3A_1657 = arith.constant dense<0.000000e+00> : vector<256xf32>
    %reduce_sum3A_1658 = vector.multi_reduction <add>, %dot_general3A_1656, %reduce_sum3A_1657 [0] : vector<16x256xf32> to vector<256xf32>
    %broadcast_in_dim3A_1659 = vector.shape_cast %reduce_sum3A_1658 : vector<256xf32> to vector<1x256xf32>
    %mul3A_1660 = arith.constant 6.250000e-02 : f32
    %mul3A_1661 = vector.broadcast %mul3A_1660 : f32 to vector<1x256xf32>
    %mul3A_1662 = arith.mulf %broadcast_in_dim3A_1659, %mul3A_1661 : vector<1x256xf32>
    %swap3A_1663 = arith.constant 15 : index
    %swap3A_1664 = arith.constant 0 : index
    %swap3A_1665 = arith.constant 0 : index
    %swap3A_1666 = vector.load %arg7[%swap3A_1663, %swap3A_1664, %swap3A_1665] : memref<16x1x256xf32, #tpu.memory_space<vmem>>, vector<1x1x256xf32>
    %swap3A_1667 = vector.shape_cast %swap3A_1666 : vector<1x1x256xf32> to vector<1x256xf32>
    %swap3A_1668 = vector.shape_cast %mul3A_1662 : vector<1x256xf32> to vector<1x1x256xf32>
    tpu.vector_store %arg7[%swap3A_1663, %swap3A_1664, %swap3A_1665], %swap3A_1668 {strides = array<i32>} : memref<16x1x256xf32, #tpu.memory_space<vmem>>, vector<1x1x256xf32>,
    return
  }
  func.func @transform_0(%arg0: i32) -> (i32, i32, i32) {
    %add3A = arith.constant 1 : i32
    %add3A_0 = arith.addi %arg0, %add3A : i32
    %jit3A = arith.constant 16 : i32
    %eq3A = arith.constant 0 : i32
    %eq3A_1 = arith.cmpi eq, %jit3A, %eq3A : i32
    %jit3A_2 = arith.constant 1 : i32
    %select_n3A = arith.select %eq3A_1, %jit3A_2, %jit3A : i32
    %rem3A = arith.remsi %add3A_0, %select_n3A : i32
    %ne3A = arith.constant 0 : i32
    %ne3A_3 = arith.cmpi ne, %rem3A, %ne3A : i32
    %lt3A = arith.constant 0 : i32
    %lt3A_4 = arith.cmpi slt, %rem3A, %lt3A : i32
    %lt3A_5 = arith.constant 0 : i32
    %lt3A_6 = arith.cmpi slt, %select_n3A, %lt3A_5 : i32
    %ne3A_7 = arith.xori %lt3A_4, %lt3A_6 : i1
    %and3A = arith.andi %ne3A_7, %ne3A_3 : i1
    %add3A_8 = arith.addi %rem3A, %select_n3A : i32
    %select_n3A_9 = arith.select %and3A, %add3A_8, %rem3A : i32
    %c0_i32 = arith.constant 0 : i32
    %c0_i32_10 = arith.constant 0 : i32
    %c0_i32_11 = arith.constant 0 : i32
    return %select_n3A_9, %c0_i32, %c0_i32_10 : i32, i32, i32
  }
  func.func @transform_1(%arg0: i32) -> (i32, i32, i32) {
    %add3A = arith.constant 1 : i32
    %add3A_0 = arith.addi %arg0, %add3A : i32
    %jit3A = arith.constant 16 : i32
    %eq3A = arith.constant 0 : i32
    %eq3A_1 = arith.cmpi eq, %jit3A, %eq3A : i32
    %jit3A_2 = arith.constant 1 : i32
    %select_n3A = arith.select %eq3A_1, %jit3A_2, %jit3A : i32
    %rem3A = arith.remsi %add3A_0, %select_n3A : i32
    %ne3A = arith.constant 0 : i32
    %ne3A_3 = arith.cmpi ne, %rem3A, %ne3A : i32
    %lt3A = arith.constant 0 : i32
    %lt3A_4 = arith.cmpi slt, %rem3A, %lt3A : i32
    %lt3A_5 = arith.constant 0 : i32
    %lt3A_6 = arith.cmpi slt, %select_n3A, %lt3A_5 : i32
    %ne3A_7 = arith.xori %lt3A_4, %lt3A_6 : i1
    %and3A = arith.andi %ne3A_7, %ne3A_3 : i1
    %add3A_8 = arith.addi %rem3A, %select_n3A : i32
    %select_n3A_9 = arith.select %and3A, %add3A_8, %rem3A : i32
    %c0_i32 = arith.constant 0 : i32
    %c0_i32_10 = arith.constant 0 : i32
    %c0_i32_11 = arith.constant 0 : i32
    return %select_n3A_9, %c0_i32, %c0_i32_10 : i32, i32, i32
  }
  func.func @transform_2(%arg0: i32) -> (i32, i32, i32) {
    %add3A = arith.constant 1 : i32
    %add3A_0 = arith.addi %arg0, %add3A : i32
    %jit3A = arith.constant 16 : i32
    %eq3A = arith.constant 0 : i32
    %eq3A_1 = arith.cmpi eq, %jit3A, %eq3A : i32
    %jit3A_2 = arith.constant 1 : i32
    %select_n3A = arith.select %eq3A_1, %jit3A_2, %jit3A : i32
    %rem3A = arith.remsi %add3A_0, %select_n3A : i32
    %ne3A = arith.constant 0 : i32
    %ne3A_3 = arith.cmpi ne, %rem3A, %ne3A : i32
    %lt3A = arith.constant 0 : i32
    %lt3A_4 = arith.cmpi slt, %rem3A, %lt3A : i32
    %lt3A_5 = arith.constant 0 : i32
    %lt3A_6 = arith.cmpi slt, %select_n3A, %lt3A_5 : i32
    %ne3A_7 = arith.xori %lt3A_4, %lt3A_6 : i1
    %and3A = arith.andi %ne3A_7, %ne3A_3 : i1
    %add3A_8 = arith.addi %rem3A, %select_n3A : i32
    %select_n3A_9 = arith.select %and3A, %add3A_8, %rem3A : i32
    %c0_i32 = arith.constant 0 : i32
    %c0_i32_10 = arith.constant 0 : i32
    %c0_i32_11 = arith.constant 0 : i32
    return %select_n3A_9, %c0_i32, %c0_i32_10 : i32, i32, i32
  }
  func.func @transform_3(%arg0: i32) -> (i32, i32) {
    %c0_i32 = arith.constant 0 : i32
    %c0_i32_0 = arith.constant 0 : i32
    %c0_i32_1 = arith.constant 0 : i32
    return %c0_i32, %c0_i32_0 : i32, i32
  }
  func.func @transform_4(%arg0: i32) -> (i32, i32) {
    %c0_i32 = arith.constant 0 : i32
    %c0_i32_0 = arith.constant 0 : i32
    %c0_i32_1 = arith.constant 0 : i32
    return %c0_i32, %c0_i32_0 : i32, i32
  }
  func.func @transform_5(%arg0: i32) -> (i32, i32) {
    %c0_i32 = arith.constant 0 : i32
    %c0_i32_0 = arith.constant 0 : i32
    %c0_i32_1 = arith.constant 0 : i32
    return %c0_i32, %c0_i32_0 : i32, i32
  }
  func.func @transform_6(%arg0: i32) -> (i32, i32, i32) {
    %add3A = arith.constant 1 : i32
    %add3A_0 = arith.addi %arg0, %add3A : i32
    %jit3A = arith.constant 16 : i32
    %eq3A = arith.constant 0 : i32
    %eq3A_1 = arith.cmpi eq, %jit3A, %eq3A : i32
    %jit3A_2 = arith.constant 1 : i32
    %select_n3A = arith.select %eq3A_1, %jit3A_2, %jit3A : i32
    %rem3A = arith.remsi %add3A_0, %select_n3A : i32
    %ne3A = arith.constant 0 : i32
    %ne3A_3 = arith.cmpi ne, %rem3A, %ne3A : i32
    %lt3A = arith.constant 0 : i32
    %lt3A_4 = arith.cmpi slt, %rem3A, %lt3A : i32
    %lt3A_5 = arith.constant 0 : i32
    %lt3A_6 = arith.cmpi slt, %select_n3A, %lt3A_5 : i32
    %ne3A_7 = arith.xori %lt3A_4, %lt3A_6 : i1
    %and3A = arith.andi %ne3A_7, %ne3A_3 : i1
    %add3A_8 = arith.addi %rem3A, %select_n3A : i32
    %select_n3A_9 = arith.select %and3A, %add3A_8, %rem3A : i32
    %c0_i32 = arith.constant 0 : i32
    %c0_i32_10 = arith.constant 0 : i32
    %c0_i32_11 = arith.constant 0 : i32
    return %select_n3A_9, %c0_i32, %c0_i32_10 : i32, i32, i32
  }
}

module attributes {stable_mosaic.version = 14 : i64} {
  func.func @_k3_body(%arg0: memref<256x256xf32, #tpu.memory_space<vmem>>, %arg1: memref<256x256xf32, #tpu.memory_space<vmem>>, %arg2: memref<1x256xi32, #tpu.memory_space<vmem>>, %arg3: memref<86x256xf32, #tpu.memory_space<vmem>>, %arg4: memref<256x256xf32, #tpu.memory_space<vmem>>, %arg5: memref<256x256xf32, #tpu.memory_space<vmem>>, %arg6: memref<256x256xf32, #tpu.memory_space<vmem>>, %arg7: memref<1x256xf32, #tpu.memory_space<vmem>>, %arg8: memref<256x128xf32, #tpu.memory_space<vmem>>, %arg9: memref<1x128xf32, #tpu.memory_space<vmem>>, %arg10: memref<256x128xf32, #tpu.memory_space<vmem>>) attributes {dimension_semantics = [], scalar_prefetch = 0 : i64, scratch_operands = 0 : i64, tpu.core_type = #tpu.core_type<tc>} {
    %iota3A = tpu.iota {dimensions = array<i32: 0>} : vector<256x256xi32>
    %iota3A_0 = tpu.iota {dimensions = array<i32: 1>} : vector<256x256xi32>
    %eq3A = arith.cmpi eq, %iota3A, %iota3A_0 : vector<256x256xi32>
    %convert_element_type3A = arith.extui %eq3A : vector<256x256xi1> to vector<256x256xi32>
    %get3A = arith.constant 0 : index
    %get3A_1 = arith.constant 0 : index
    %get3A_2 = vector.load %arg2[%get3A, %get3A_1] : memref<1x256xi32, #tpu.memory_space<vmem>>, vector<1x256xi32>
    %mul3A = vector.broadcast %get3A_2 : vector<1x256xi32> to vector<256x256xi32>
    %mul3A_3 = arith.muli %mul3A, %convert_element_type3A : vector<256x256xi32>
    %reduce_sum3A = arith.constant dense<0> : vector<256xi32>
    %reduce_sum3A_4 = vector.multi_reduction <add>, %mul3A_3, %reduce_sum3A [1] : vector<256x256xi32> to vector<256xi32>
    %broadcast_in_dim3A = vector.shape_cast %reduce_sum3A_4 : vector<256xi32> to vector<256x1xi32>
    %iota3A_5 = tpu.iota {dimensions = array<i32: 1>} : vector<256x86xi32>
    %eq3A_6 = vector.broadcast %broadcast_in_dim3A : vector<256x1xi32> to vector<256x86xi32>
    %eq3A_7 = arith.cmpi eq, %eq3A_6, %iota3A_5 : vector<256x86xi32>
    %convert_element_type3A_8 = arith.extui %eq3A_7 : vector<256x86xi1> to vector<256x86xi32>
    %convert_element_type3A_9 = arith.sitofp %convert_element_type3A_8 : vector<256x86xi32> to vector<256x86xf32>
    %get3A_10 = arith.constant 0 : index
    %get3A_11 = arith.constant 0 : index
    %get3A_12 = vector.load %arg3[%get3A_10, %get3A_11] : memref<86x256xf32, #tpu.memory_space<vmem>>, vector<86x256xf32>
    %dot_general3A = arith.constant dense<0.000000e+00> : vector<256x256xf32>
    %dot_general3A_13 = tpu.matmul %convert_element_type3A_9, %get3A_12, %dot_general3A {dimension_numbers = #tpu.dot_dimension_numbers<[1], [0], [0], [1], [0, 0, 1, 1], [], []>, precision = #tpu.contract_precision<fp32>, transpose_lhs_hint = false} : vector<256x86xf32>, vector<86x256xf32>, vector<256x256xf32> -> vector<256x256xf32>
    %get3A_14 = arith.constant 0 : index
    %get3A_15 = arith.constant 0 : index
    %get3A_16 = vector.load %arg0[%get3A_14, %get3A_15] : memref<256x256xf32, #tpu.memory_space<vmem>>, vector<256x256xf32>
    %get3A_17 = arith.constant 0 : index
    %get3A_18 = arith.constant 0 : index
    %get3A_19 = vector.load %arg4[%get3A_17, %get3A_18] : memref<256x256xf32, #tpu.memory_space<vmem>>, vector<256x256xf32>
    %dot_general3A_20 = arith.constant dense<0.000000e+00> : vector<256x256xf32>
    %dot_general3A_21 = tpu.matmul %get3A_16, %get3A_19, %dot_general3A_20 {dimension_numbers = #tpu.dot_dimension_numbers<[1], [0], [0], [1], [0, 0, 1, 1], [], []>, transpose_lhs_hint = false} : vector<256x256xf32>, vector<256x256xf32>, vector<256x256xf32> -> vector<256x256xf32>
    %get3A_22 = arith.constant 0 : index
    %get3A_23 = arith.constant 0 : index
    %get3A_24 = vector.load %arg1[%get3A_22, %get3A_23] : memref<256x256xf32, #tpu.memory_space<vmem>>, vector<256x256xf32>
    %get3A_25 = arith.constant 0 : index
    %get3A_26 = arith.constant 0 : index
    %get3A_27 = vector.load %arg5[%get3A_25, %get3A_26] : memref<256x256xf32, #tpu.memory_space<vmem>>, vector<256x256xf32>
    %dot_general3A_28 = arith.constant dense<0.000000e+00> : vector<256x256xf32>
    %dot_general3A_29 = tpu.matmul %get3A_24, %get3A_27, %dot_general3A_28 {dimension_numbers = #tpu.dot_dimension_numbers<[1], [0], [0], [1], [0, 0, 1, 1], [], []>, transpose_lhs_hint = false} : vector<256x256xf32>, vector<256x256xf32>, vector<256x256xf32> -> vector<256x256xf32>
    %add3A = arith.addf %dot_general3A_21, %dot_general3A_29 : vector<256x256xf32>
    %get3A_30 = arith.constant 0 : index
    %get3A_31 = arith.constant 0 : index
    %get3A_32 = vector.load %arg6[%get3A_30, %get3A_31] : memref<256x256xf32, #tpu.memory_space<vmem>>, vector<256x256xf32>
    %dot_general3A_33 = arith.constant dense<0.000000e+00> : vector<256x256xf32>
    %dot_general3A_34 = tpu.matmul %dot_general3A_13, %get3A_32, %dot_general3A_33 {dimension_numbers = #tpu.dot_dimension_numbers<[1], [0], [0], [1], [0, 0, 1, 1], [], []>, transpose_lhs_hint = false} : vector<256x256xf32>, vector<256x256xf32>, vector<256x256xf32> -> vector<256x256xf32>
    %add3A_35 = arith.addf %add3A, %dot_general3A_34 : vector<256x256xf32>
    %get3A_36 = arith.constant 0 : index
    %get3A_37 = arith.constant 0 : index
    %get3A_38 = vector.load %arg7[%get3A_36, %get3A_37] : memref<1x256xf32, #tpu.memory_space<vmem>>, vector<1x256xf32>
    %add3A_39 = vector.broadcast %get3A_38 : vector<1x256xf32> to vector<256x256xf32>
    %add3A_40 = arith.addf %add3A_35, %add3A_39 : vector<256x256xf32>
    %max3A = arith.constant 0.000000e+00 : f32
    %max3A_41 = vector.broadcast %max3A : f32 to vector<256x256xf32>
    %max3A_42 = arith.maximumf %add3A_40, %max3A_41 : vector<256x256xf32>
    %get3A_43 = arith.constant 0 : index
    %get3A_44 = arith.constant 0 : index
    %get3A_45 = vector.load %arg8[%get3A_43, %get3A_44] : memref<256x128xf32, #tpu.memory_space<vmem>>, vector<256x128xf32>
    %dot_general3A_46 = arith.constant dense<0.000000e+00> : vector<256x128xf32>
    %dot_general3A_47 = tpu.matmul %max3A_42, %get3A_45, %dot_general3A_46 {dimension_numbers = #tpu.dot_dimension_numbers<[1], [0], [0], [1], [0, 0, 1, 1], [], []>, transpose_lhs_hint = false} : vector<256x256xf32>, vector<256x128xf32>, vector<256x128xf32> -> vector<256x128xf32>
    %get3A_48 = arith.constant 0 : index
    %get3A_49 = arith.constant 0 : index
    %get3A_50 = vector.load %arg9[%get3A_48, %get3A_49] : memref<1x128xf32, #tpu.memory_space<vmem>>, vector<1x128xf32>
    %add3A_51 = vector.broadcast %get3A_50 : vector<1x128xf32> to vector<256x128xf32>
    %add3A_52 = arith.addf %dot_general3A_47, %add3A_51 : vector<256x128xf32>
    %swap3A = arith.constant 0 : index
    %swap3A_53 = arith.constant 0 : index
    %swap3A_54 = vector.load %arg10[%swap3A, %swap3A_53] : memref<256x128xf32, #tpu.memory_space<vmem>>, vector<256x128xf32>
    tpu.vector_store %arg10[%swap3A, %swap3A_53], %add3A_52 {strides = array<i32>} : memref<256x128xf32, #tpu.memory_space<vmem>>, vector<256x128xf32>,
    return
  }
}

</mosaic_0001>

<sc_bundles>
// kernel: kernel.12.cloned.1.call-start
scs
__scs_entry_jumppad:
0x0: {  	(pc) =	sbr.rel $0x88, $3  }
0x1: {  	(tag) =	ssettag $0x0;
	lr =	simm.s32 $0x1  }
0x2: {  	[smem:$0x3F91] =	sst lr;
	_ =	strace $0xD0000000  }
0x3: {  	_ = 	snop  }
0x4: {  	_ = 	snop  }
0x5: {  	_ = 	snop  }
0x6: {  	_ = 	snop  }
0x7: {  	_ = 	snop  }
__scs_overlays_trampoline_lowered:
0x8: {  	[smem:$0x3FA0] =	sst s0  }
0x9: {  	[smem:$0x3FA1] =	sst s1  }
0xa: {  	[smem:$0x3FA2] =	sst s2  }
0xb: {  	[smem:$0x3FA3] =	sst s3  }
0xc: {  	[smem:$0x3FA4] =	sst s4  }
0xd: {  	[smem:$0x3FA5] =	sst s5  }
0xe: {  	[smem:$0x3FA6] =	sst s6  }
0xf: {  	[smem:$0x3FA7] =	sst s7  }
0x10: {  	[smem:$0x3FA8] =	sst s8  }
0x11: {  	[smem:$0x3FA9] =	sst s9;
	s0 =	simm.s32 @!p0 $0x0  }
0x12: {  	s1 =	sld [smem:$0x3F8F];
	s0 =	simm.s32 @p0 $0x1  }
0x13: {  	[smem:$0x3FAA] =	sst s0;
	s0 =	simm.s32 @!p1 $0x0  }
0x14: {  	s2 =	sld [smem:$0x3F8E];
	s0 =	simm.s32 @p1 $0x1  }
0x15: {  	[smem:$0x3FAB] =	sst s0;
	s0 =	simm.s32 @!p2 $0x0  }
0x16: {  	s3 =	sld [smem:$0x3FDB];
	s0 =	simm.s32 @p2 $0x1  }
0x17: {  	s4 =	simm.s32 $0x1BF5;
	[smem:$0x3FAD] =	sst s0  }
0x18: {  	s0 =	sld [smem:$0x3F90];
	_ =	swait.ge [sflag:s4], $0x0  }
0x19: {  	s7 =	sld [smem:$0x3F91]  }
0x1a: {  	s8 =	sadd.s32 $0xFFFFE003, lr  }
0x1b: {  	s9 =	sadd.s32 $0xFFFFFEF7, lr;
	s5 =	simm.s32 $0xFFFFFFFF;
	p2 =	slt.u32 s8, $0xFFFFF086  }
0x1c: {  	p1 =	slt.u32 s9, $0xF7A;
	s5 =	simm.s32 @!p2 $0x0  }
0x1d: {  	s5 =	simm.s32 @p1 $0x1;
	p0 =	seq.s32 s7, s2  }
0x1e: {  	s7 =	smul.u32 @!p0 $0xF7A, s2;
	p2 =	seq.s32 @!p0 s5, $0x0  }
0x1f: {  	s9 =	smul.u32 $0xF7A, s1;
	s8 =	simm.s32 @!p0 $0x1BF5;
	p2 =	por !p2, p0  }
0x20: {  	[sflag:s8] =	ssyncset.s32 @!p0 $0xFFFFF086;
	s6 =	sadd.s32 @!p0 s3, s7;
	s7 =	simm.s32 @!p0 $0x108  }
0x21: {  	s3 =	sadd.s32 s3, s9;
	s6 =	sadd.s32 @!p0 $0x88, s6;
	s7 =	simm.s32 @p2 $0x1082  }
0x22: {  	[simem:s7], [sflag:s8] =	dma.local @!p0 [hbm:s6], $0xF7A  }
0x23: {  	s9 =	sor.u32 $0xD0000000, s2;
	s6 =	simm.s32 $0x108;
	_ =	swait.ge @!p0 [sflag:s8], $0x0  }
0x24: {  	s3 =	sadd.s32 $0x88, s3;
	s6 =	simm.s32 @!p1 $0x1082;
	[sflag:s4] =	ssyncset.s32 $0xFFFFF086  }
0x25: {  	[simem:s6], [sflag:s4] =	dma.local [hbm:s3], $0xF7A  }
0x26: {  	[smem:$0x3F91] =	sst s1;
	(tag) =	ssettag s2;
	_ =	strace s9  }
0x27: {  	s1 =	sld [smem:$0x3FA1]  }
0x28: {  	s2 =	sld [smem:$0x3FA2]  }
0x29: {  	s4 =	sld [smem:$0x3FA4]  }
0x2a: {  	p0 =	seq.s32 s5, $0x0;
	s5 =	sld [smem:$0x3FA5]  }
0x2b: {  	s6 =	sld [smem:$0x3FA6]  }
0x2c: {  	s7 =	sld [smem:$0x3FA7]  }
0x2d: {  	s3 =	simm.s32 $0x108;
	s8 =	sld [smem:$0x3FA8]  }
0x2e: {  	s3 =	simm.s32 @!p0 $0x1082;
	s9 =	sld [smem:$0x3FA9]  }
0x2f: {  	lr =	sadd.s32 s0, s3;
	s0 =	sld [smem:$0x3FA0]  }
0x30: {  	s3 =	sld [smem:$0x3FA3]  }
0x31: {  	[smem:$0x3FAC] =	sst s10  }
0x32: {  	s10 =	sld [smem:$0x3FAA];
	_ =	sdelay $0x3  }
0x33: {  	p0 =	seq.s32 s10, $0x1;
	s10 =	sld [smem:$0x3FAC];
	_ =	sdelay $0x3  }
0x34: {  	[smem:$0x3FAC] =	sst s10  }
0x35: {  	s10 =	sld [smem:$0x3FAB];
	_ =	sdelay $0x3  }
0x36: {  	p1 =	seq.s32 s10, $0x1;
	s10 =	sld [smem:$0x3FAC];
	_ =	sdelay $0x3  }
0x37: {  	[smem:$0x3FAC] =	sst s10  }
0x38: {  	s10 =	sld [smem:$0x3FAD]  }
0x39: {  	_ = 	snop;
	(pc) =	sbr.ind lr, $3  }
0x3a: {  	_ = 	snop  }
0x3b: {  	_ = 	snop  }
0x3c: {  	p2 =	seq.s32 s10, $0x1;
	s10 =	sld [smem:$0x3FAC]  }
0x3d: {  	_ =	shalt  }
0x3e: {  	_ =	shalt  }
0x3f: {  	_ =	shalt  }
0x40: {  	_ =	shalt  }
0x41: {  	_ =	shalt  }
0x42: {  	_ =	shalt  }
0x43: {  	_ =	shalt  }
0x44: {  	_ =	shalt  }
0x45: {  	_ =	shalt  }
0x46: {  	_ =	shalt  }
0x47: {  	_ =	shalt  }
0x48: {  	_ =	shalt  }
0x49: {  	_ =	shalt  }
0x4a: {  	_ =	shalt  }
0x4b: {  	_ =	shalt  }
0x4c: {  	_ =	shalt  }
0x4d: {  	_ =	shalt  }
0x4e: {  	_ =	shalt  }
0x4f: {  	_ =	shalt  }
0x50: {  	_ =	shalt  }
0x51: {  	_ =	shalt  }
0x52: {  	_ =	shalt  }
0x53: {  	_ =	shalt  }
0x54: {  	_ =	shalt  }
0x55: {  	_ =	shalt  }
0x56: {  	_ =	shalt  }
0x57: {  	_ =	shalt  }
0x58: {  	_ =	shalt  }
0x59: {  	_ =	shalt  }
0x5a: {  	_ =	shalt  }
0x5b: {  	_ =	shalt  }
0x5c: {  	_ =	shalt  }
0x5d: {  	_ =	shalt  }
0x5e: {  	_ =	shalt  }
0x5f: {  	_ =	shalt  }
0x60: {  	_ =	shalt  }
0x61: {  	_ =	shalt  }
0x62: {  	_ =	shalt  }
0x63: {  	_ =	shalt  }
0x64: {  	_ =	shalt  }
0x65: {  	_ =	shalt  }
0x66: {  	_ =	shalt  }
0x67: {  	_ =	shalt  }
0x68: {  	_ =	shalt  }
0x69: {  	_ =	shalt  }
0x6a: {  	_ =	shalt  }
0x6b: {  	_ =	shalt  }
0x6c: {  	_ =	shalt  }
0x6d: {  	_ =	shalt  }
0x6e: {  	_ =	shalt  }
0x6f: {  	_ =	shalt  }
0x70: {  	_ =	shalt  }
0x71: {  	_ =	shalt  }
0x72: {  	_ =	shalt  }
0x73: {  	_ =	shalt  }
0x74: {  	_ =	shalt  }
0x75: {  	_ =	shalt  }
0x76: {  	_ =	shalt  }
0x77: {  	_ =	shalt  }
0x78: {  	_ =	shalt  }
0x79: {  	_ =	shalt  }
0x7a: {  	_ =	shalt  }
0x7b: {  	_ =	shalt  }
0x7c: {  	_ =	shalt  }
0x7d: {  	_ =	shalt  }
0x7e: {  	_ =	shalt  }
0x7f: {  	_ =	shalt  }
0x80: {  	_ =	shalt  }
0x81: {  	_ =	shalt  }
0x82: {  	_ =	shalt  }
0x83: {  	_ =	shalt  }
0x84: {  	_ =	shalt  }
0x85: {  	_ =	shalt  }
0x86: {  	_ =	shalt  }
0x87: {  	_ =	shalt  }
.Lfunc_end0:
.L_simem_size_0:
called_computation.1_lowered:
.L_overlay_start_0:
0x88: {  	s2 =	sld [smem:$0x3FD9]  }
0x89: {  	s3 =	sld [smem:$0x3FFE];
	_ =	sdelay $0x1  }
0x8a: {  	s1 =	srdreg.scid  }
0x8b: {  	s0 =	sand.u32 $0x1, s1  }
0x8c: {  	s17 =	sshll.u32 s0, $0xA;
	s2 =	sadd.s32 s3, s2  }
0x8d: {  	s2 =	sadd.s32 s2, s17  }
0x8e: {  	[smem:$0x3FB8] =	sst s2  }
0x8f: {  	_ = 	snop  }
0x90: {  	(tm) =	ssettm $0x1  }
0x91: {  	s18 =	sld [smem:$0x3FFB];
	_ =	sdelay $0x3  }
0x92: {  	_ =	strace s18  }
0x93: {  	s2 =	sld [smem:$0x3FFC];
	_ =	sdelay $0x3  }
0x94: {  	_ =	strace s2  }
0x95: {  	s2 =	sld [smem:$0x3FFD];
	_ =	sdelay $0x3  }
0x96: {  	_ =	strace s2  }
0x97: {  	_ =	strace $0x8FFFFFFF  }
0x98: {  	s19 =	sld [smem:$0x3FDB];
	_ =	sdelay $0x1  }
0x99: {  	s20 =	simm.s32 $_scs_section_size  }
0x9a: {  	s4 =	simm.s32 $_size__tile_overlayer_lowered;
	s5 =	simm.s32 $_tile_overlayer_lowered  }
0x9b: {  	s6 =	simm.s32 $0x1BFF;
	s21 =	sshll.u32 s5, $0x1;
	s3 =	sadd.s32 s20, s19  }
0x9c: {  	s22 =	simm.s32 $0x0;
	s4 =	sshll.u32 s4, $0x1;
	s5 =	sadd.s32 s21, s3  }
0x9d: {  	[timem:s22], [sflag:s6] =	dma.local [hbm:s5], s4  }
0x9e: {  	_ =	swait.ge [sflag:s6], s4  }
0x9f: {  	s4 =	ssub.s32 $0x0, s4;
	[sflag:s6] =	ssyncset.done $0x0  }
0xa0: {  	[sflag:s6] =	ssyncadd.s32 s4;
	_ =	sdelay $0x1  }
0xa1: {  	s23 =	simm.s32 $0x1B8B  }
0xa2: {  	_ =	swait.ge [sflag:s23], $0x1  }
0xa3: {  	[sflag:s23] =	ssyncset.done $0x0  }
0xa4: {  	[sflag:s23] =	ssyncadd.s32 $0xFFFFFFFF  }
0xa5: {  	s4 =	sld [smem:$0x0]  }
0xa6: {  	s5 =	sand.u32 $0xFFFFFFFE, s1  }
0xa7: {  	p0 =	sne.s32 s1, s5  }
0xa8: {  	s5 =	sshll.u32 @p0 s5, $0xE  }
0xa9: {  	s5 =	sadd.s32 @p0 $0x11B8D, s5;
	s6 =	sshll.u32 @p0 s4, $0x11  }
0xaa: {  	s5 =	sor.u32 @p0 s6, s5  }
0xab: {  	[sflag:s5] =	ssyncadd.remote.s32 @p0 $0x1;
	_ =	sdelay $0x1  }
0xac: {  	s5 =	simm.s32 @p0 $0x1B8D  }
0xad: {  	_ =	swait.eq @p0 [sflag:s5], $0x1  }
0xae: {  	[sflag:s5] =	ssyncadd.s32 @p0 $0xFFFFFFFF  }
0xaf: {  	s6 =	sshll.u32 @!p0 s1, $0xE  }
0xb0: {  	s6 =	sor.u32 @!p0 $0x4000, s6;
	s5 =	simm.s32 @!p0 $0x1B8D  }
0xb1: {  	s4 =	sshll.u32 @!p0 s4, $0x11;
	s6 =	sadd.s32 @!p0 $0x11B8D, s6;
	_ =	swait.eq @!p0 [sflag:s5], $0x1  }
0xb2: {  	s4 =	sor.u32 @!p0 s4, s6;
	[sflag:s5] =	ssyncadd.s32 @!p0 $0xFFFFFFFF  }
0xb3: {  	s25 =	simm.s32 $0x1B8E;
	s24 =	sld [smem:$0x3FFE];
	[sflag:s4] =	ssyncadd.remote.s32 @!p0 $0x1  }
0xb4: {  	s26 =	simm.s32 $execute0_lowered;
	[smem:$0x3FD2] =	sst s25  }
0xb5: {  	s5 =	sshll.u32 s26, $0x1;
	_ =	strace $0x80000049;
	[dreg:$0x1] =	wrdreg $0xFFFFFFFF  }
0xb6: {  	s28 =	simm.s32 $_size_execute0_lowered;
	s3 =	sadd.s32 s3, s5;
	[dreg:$0x0] =	wrdreg $0x0  }
0xb7: {  	s5 =	sshll.u32 s28, $0x1;
	[dreg:$0x2] =	wrdreg s3  }
0xb8: {  	[dreg:$0x3] =	wrdreg s5  }
0xb9: {  	[dreg:$0x4] =	wrdreg $0xC0  }
0xba: {  	_ =	task [dreg:s22], $0x5FFFF  }
0xbb: {  	[dreg:$0x1] =	wrdreg $0xFFFFFFFF  }
0xbc: {  	[dreg:$0x0] =	wrdreg $0x60  }
0xbd: {  	[dreg:$0x2] =	wrdreg s24  }
0xbe: {  	[dreg:$0x3] =	wrdreg $0xA  }
0xbf: {  	_ =	task.clear_ibuf [dreg:s22], $0x4FFFF;
	_ =	strace $0x90000049  }
0xc0: {  	s29 =	simm.s32 $0xA;
	_ =	strace $0x8000004B  }
0xc1: {  	_ =	swait.ge [sflag:s29], $0x1  }
0xc2: {  	[sflag:s29] =	ssyncadd.s32 $0xFFFFFFFF  }
0xc3: {  	_ =	strace $0x9000004B  }
0xc4: {  	_ =	sfence  }
0xc5: {  	s30 =	sld [smem:$0x0];
	_ =	sdelay $0x2  }
0xc6: {  	s31 =	sshll.u32 s1, $0xD;
	s1 =	sshrl.u32 s1, $0x2  }
0xc7: {  	s4 =	sand.u32 $0x4000, s31;
	s1 =	sadd.s32 s1, s30  }
0xc8: {  	s0 =	sor.u32 s4, s0;
	s1 =	sshll.u32 s1, $0x11  }
0xc9: {  	s0 =	sor.u32 s1, s0  }
0xca: {  	s0 =	sadd.s32 $0x8F2B, s0  }
0xcb: {  	[sflag:s0] =	ssyncadd.remote.s32 $0x1  }
0xcc: {  	_ =	sfence.sel $0xFFFF  }
0xcd: {  	[dreg:$0x0] =	wrdreg $0xFFFFFFFF;
	(pc) =	sbr.abs _section_cstart, $3  }
0xce: {  	[dreg:$0x1] =	wrdreg $0xFFFFFFFF  }
0xcf: {  	_ =	task.clear_ibuf [dreg:s22], $0x2FFFF;
	_ =	strace $0x9FFFFFFF  }
0xd0: {  	(tm) =	ssettm $0x7FFFFFFF  }
0xd1: {  	_ =	shalt  }
tec
execute0_lowered:
.L_overlay_start_1:
0x0: {  	(tag) =	ssettag $0x1  }
0x1: {  	s7 =	rddreg [dreg:$0x0]  }
0x2: {  	s0 =	rddreg [dreg:$0x1]  }
0x3: {  	s1 =	simm.s32 $0x0;
	s3 =	srdreg.scid;
	s11 =	simm.s32 $0x1  }
0x4: {  	s12 =	simm.s32 $0x280;
	s13 =	simm.s32 $0x480;
	s14 =	simm.s32 $0x680  }
0x5: {  	s15 =	simm.s32 $0x0;
	[smem:$0x7FF] =	sst s1;
	s2 =	sadd.s32 $0xBA00, s7  }
0x6: {  	s8 =	sand.u32 $0x1, s3;
	s4 =	sadd.s32 $0xFA00, s7;
	s5 =	sadd.s32 $0x1CA00, s7  }
0x7: {  	s6 =	sadd.s32 $0x1DA00, s7;
	s3 =	stileid.u32;
	s9 =	ssub.s32 $0x2, s8  }
0x8: {  	s7 =	sadd.s32 $0x21A00, s7;
	_ =	strace $0x8000004A;
	s10 =	sshrl.u32 s9, $0x1  }
0x9: {  	s8 =	sshll.u32 s8, $0x7;
	s31 =	sshll.u32 s3, $0x3;
	s9 =	ssub.s32 s9, s10  }
0xa: {  	s8 =	sor.u32 s31, s8;
	s10 =	simm.s32 $0x80;
	s9 =	smax.u32 s9, $0x1  }
.LBB2_1:
0xb: {  	s16 =	simm.s32 $0x0  }
.LBB2_2:
0xc: {  	s18 =	sadd.s32 s8, s16  }
0xd: {  	s17 =	sshll.u32 s18, $0x6  }
0xe: {  	s20 =	simm.s32 $0x0;
	s19 =	sadd.s32 s2, s17  }
0xf: {  	[tilespmem:s10], [sflag:$0x1] =	stream.linear.gather [hbm4b:s19+s20], $0x200, $0x38;
	[tilespmem:$0x880] =	vst v63  }
0x10: {  	_ =	swait.ge [sflag:s11], $0x200  }
0x11: {  	[sflag:s11] =	ssyncset.done $0x0  }
0x12: {  	s31 =	sadd.s32 s4, s17;
	[sflag:s11] =	ssyncadd.s32 $0xFFFFFE00  }
0x13: {  	[tilespmem:s12], [sflag:$0x1] =	stream.linear.gather [hbm4b:s31+s20], $0x200, $0x38;
	[tilespmem:$0x880] =	vst v63  }
0x14: {  	_ =	swait.ge [sflag:s11], $0x200  }
0x15: {  	s18 =	sshll.u32 s18, $0x4;
	[sflag:s11] =	ssyncset.done $0x0  }
0x16: {  	s18 =	sadd.s32 s5, s18;
	[sflag:s11] =	ssyncadd.s32 $0xFFFFFE00  }
0x17: {  	[tilespmem:s20], [sflag:$0x1] =	stream.linear.gather [hbm4b:s18+s20], $0x80, $0x38;
	[tilespmem:$0x880] =	vst v63  }
0x18: {  	_ =	swait.ge [sflag:s11], $0x80  }
0x19: {  	[sflag:s11] =	ssyncset.done $0x0  }
0x1a: {  	s18 =	simm.s32 $0x0;
	[sflag:s11] =	ssyncadd.s32 $0xFFFFFF80  }
0x1b: {  	v4 =	vld [tilespmem:s18+$0x80]  }
0x1c: {  	v5 =	vld [tilespmem:s18+$0x280]  }
0x1d: {  	v0 =	vld [tilespmem:$0x30]  }
0x1e: {  	v1 =	vld [tilespmem:$0x20]  }
0x1f: {  	v3 =	vld [tilespmem:$0x0]  }
0x20: {  	v2 =	vld [tilespmem:$0x10];
	v6 =	vshra.s32 v4, $0x4  }
0x21: {  	v4 =	vand.u32 $0xF, v4;
	v7 =	vshra.s32 v5, $0x4;
	v5 =	vand.u32 $0xF, v5  }
0x22: {  	vm0 =	veq.s32 v6, $0x3;
	vm1 =	veq.s32 v6, $0x2;
	v8 =	vperm.xlane v0, v4  }
0x23: {  	s19 =	simm.s32 $0x10;
	vm3 =	veq.s32 v6, $0x1;
	v9 =	vperm.xlane v1, v4;
	vm4 =	veq.s32 v7, $0x1  }
0x24: {  	v11 =	vld [tilespmem:s19+$0x80];
	vm5 =	veq.s32 v6, $0x0;
	v6 =	vperm.xlane v3, v4;
	v10 =	vperm.xlane v3, v5  }
0x25: {  	v13 =	vld [tilespmem:s19+$0x280];
	v4 =	vperm.xlane v2, v4;
	vm6 =	veq.s32 v7, $0x0;
	v12 =	vperm.xlane v2, v5  }
0x26: {  	v14 =	vperm.xlane v1, v5;
	v6 =	vnsel vm5, $0x0, v6;
	v10 =	vnsel vm6, $0x0, v10  }
0x27: {  	vm2 =	veq.s32 v7, $0x2;
	v4 =	vsel vm3, v4, v6;
	v6 =	vsel vm4, v12, v10  }
0x28: {  	v5 =	vperm.xlane v0, v5;
	v4 =	vsel vm1, v9, v4;
	v6 =	vsel vm2, v14, v6  }
0x29: {  	vm1 =	veq.s32 v7, $0x3;
	v7 =	vand.u32 $0xF, v11;
	v4 =	vsel vm0, v8, v4  }
0x2a: {  	v5 =	vsel vm1, v5, v6;
	v6 =	vshra.s32 v11, $0x4;
	v11 =	vshra.s32 v13, $0x4  }
0x2b: {  	v8 =	vand.u32 $0xF, v13;
	v10 =	vperm.xlane v1, v7;
	v61 =	vperm.xlane v2, v7  }
0x2c: {  	vm0 =	vlt.s32 v4, $0x20;
	vm1 =	vlt.s32 v5, $0x20;
	vm2 =	veq.s32 v6, $0x2  }
0x2d: {  	vm13 =	veq.s32 v6, $0x1;
	vm15 =	veq.s32 v6, $0x0;
	vm0 =	vmand vm0, vm1  }
0x2e: {  	vm1 =	veq.s32 v6, $0x3;
	v6 =	vperm.xlane v3, v7;
	v9 =	vnsel vm0, $0xFFFFFFFF, v5  }
0x2f: {  	s20 =	simm.s32 $0x20;
	vm14 =	veq.s32 v11, $0x1;
	v60 =	vperm.xlane v3, v8;
	vm7 =	veq.s32 v11, $0x0;
	[tilespmem:s18+$0x680] =	vst v9  }
0x30: {  	v62 =	vperm.xlane v2, v8;
	v5 =	vperm.xlane v0, v7;
	v6 =	vnsel vm15, $0x0, v6;
	v7 =	vld [tilespmem:s20+$0x80]  }
0x31: {  	v63 =	vperm.xlane v1, v8;
	v9 =	vnsel vm7, $0x0, v60;
	v13 =	vsel vm13, v61, v6;
	v6 =	vld [tilespmem:s20+$0x280]  }
0x32: {  	vm3 =	veq.s32 v11, $0x2;
	v8 =	vperm.xlane v0, v8;
	v14 =	vsel vm14, v62, v9  }
0x33: {  	s21 =	simm.s32 $0xC0;
	v9 =	vsel vm2, v10, v13;
	v10 =	vsel vm3, v63, v14;
	vm2 =	veq.s32 v11, $0x3  }
.LBB2_3:
0x34: {  	p0 =	sne.s32 s21, $0x7C0;
	v8 =	vsel vm2, v8, v10;
	v10 =	vnsel vm0, $0xFFFFFFFF, v4;
	v4 =	vsel vm1, v5, v9  }
0x35: {  	v9 =	vshra.s32 v7, $0x4;
	vm0 =	vlt.s32 v4, $0x20;
	vm1 =	vlt.s32 v8, $0x20;
	[tilespmem:s18+$0x480] =	vst v10;
	s18 =	smov.u32 s19;
	s19 =	smov.u32 s20  }
0x36: {  	v10 =	vand.u32 $0xF, v7;
	v11 =	vshra.s32 v6, $0x4;
	vm0 =	vmand vm0, vm1  }
0x37: {  	vm1 =	veq.s32 v9, $0x3;
	v12 =	vand.u32 $0xF, v6;
	v6 =	vnsel vm0, $0xFFFFFFFF, v8  }
0x38: {  	vm2 =	veq.s32 v9, $0x2;
	v5 =	vperm.xlane v0, v10;
	vm3 =	veq.s32 v11, $0x2;
	[tilespmem:s18+$0x680] =	vst v6  }
0x39: {  	vm4 =	veq.s32 v9, $0x1;
	v13 =	vperm.xlane v1, v10;
	vm5 =	veq.s32 v11, $0x1  }
.Ltmp0:
0x3a: {  	s20 =	sshra.s32 s21, $0x2;
	vm6 =	veq.s32 v9, $0x0;
	v8 =	vperm.xlane v3, v10;
	v9 =	vperm.xlane v3, v12;
	(pc) =	sbr.rel @p0 .LBB2_3-.Ltmp0, $4  }
0x3b: {  	v10 =	vperm.xlane v2, v10;
	vm7 =	veq.s32 v11, $0x0;
	v14 =	vperm.xlane v2, v12;
	v7 =	vld [tilespmem:s20+$0x80]  }
0x3c: {  	v15 =	vperm.xlane v1, v12;
	v8 =	vnsel vm6, $0x0, v8;
	v9 =	vnsel vm7, $0x0, v9;
	v6 =	vld [tilespmem:s20+$0x280]  }
0x3d: {  	v10 =	vsel vm4, v10, v8;
	v14 =	vsel vm5, v14, v9;
	v8 =	vperm.xlane v0, v12  }
0x3e: {  	s21 =	sadd.s32 $0x40, s21;
	v9 =	vsel vm2, v13, v10;
	v10 =	vsel vm3, v15, v14;
	vm2 =	veq.s32 v11, $0x3  }
0x3f: {  	v5 =	vsel vm1, v5, v9  }
0x40: {  	v8 =	vsel vm2, v8, v10;
	v4 =	vnsel vm0, $0xFFFFFFFF, v4;
	v11 =	vand.u32 $0xF, v7  }
0x41: {  	v48 =	vshra.s32 v7, $0x4;
	vm9 =	vlt.s32 v5, $0x20;
	vm4 =	vlt.s32 v8, $0x20  }
0x42: {  	v49 =	vperm.xlane v3, v11;
	vm14 =	veq.s32 v48, $0x0;
	v50 =	vperm.xlane v2, v11  }
0x43: {  	vm15 =	veq.s32 v48, $0x3;
	vm3 =	veq.s32 v48, $0x1;
	vm8 =	veq.s32 v48, $0x2  }
0x44: {  	v52 =	vand.u32 $0xF, v6;
	v53 =	vshra.s32 v6, $0x4;
	v56 =	vperm.xlane v1, v11  }
0x45: {  	v58 =	vperm.xlane v0, v11;
	v54 =	vperm.xlane v3, v52;
	vm10 =	veq.s32 v53, $0x0  }
0x46: {  	v55 =	vperm.xlane v2, v52;
	vm5 =	veq.s32 v53, $0x1;
	v57 =	vperm.xlane v1, v52  }
0x47: {  	vm11 =	veq.s32 v53, $0x2;
	v9 =	vnsel vm14, $0x0, v49;
	v3 =	vnsel vm10, $0x0, v54  }
0x48: {  	v59 =	vperm.xlane v0, v52;
	v51 =	vsel vm3, v50, v9;
	v2 =	vsel vm5, v55, v3  }
0x49: {  	vm12 =	veq.s32 v53, $0x3;
	v3 =	vsel vm8, v56, v51;
	v1 =	vsel vm11, v57, v2  }
0x4a: {  	vm0 =	vmand vm9, vm4;
	v60 =	vsel vm15, v58, v3;
	v0 =	vsel vm12, v59, v1  }
0x4b: {  	[tilespmem:s18+$0x480] =	vst v4;
	v61 =	vnsel vm0, $0xFFFFFFFF, v8;
	vm13 =	vlt.s32 v60, $0x20;
	vm14 =	vlt.s32 v0, $0x20  }
0x4c: {  	v62 =	vnsel vm0, $0xFFFFFFFF, v5;
	[tilespmem:s19+$0x680] =	vst v61;
	vm15 =	vmand vm13, vm14  }
0x4d: {  	[tilespmem:s19+$0x480] =	vst v62;
	v0 =	vnsel vm15, $0xFFFFFFFF, v0  }
0x4e: {  	v63 =	vnsel vm15, $0xFFFFFFFF, v60;
	[tilespmem:s20+$0x680] =	vst v0  }
0x4f: {  	s30 =	sadd.s32 s6, s17;
	[tilespmem:s20+$0x480] =	vst v63  }
0x50: {  	[hbm4b:s30+s1] =	stream.linear.scatter [tilespmem:s13], [sflag:$0x1], $0x200, $0x38;
	[tilespmem:$0x880] =	vst v63  }
0x51: {  	s16 =	sadd.s32 $0x1, s16;
	_ =	swait.ge [sflag:s11], $0x200  }
0x52: {  	p0 =	sne.s32 s16, $0x8;
	[sflag:s11] =	ssyncset.done $0x0  }
.Ltmp1:
0x53: {  	s31 =	sadd.s32 s7, s17;
	[sflag:s11] =	ssyncadd.s32 $0xFFFFFE00;
	(pc) =	sbr.rel @p0 .LBB2_2-.Ltmp1, $4  }
0x54: {  	[hbm4b:s31+s1] =	stream.linear.scatter [tilespmem:s14], [sflag:$0x1], $0x200, $0x38;
	[tilespmem:$0x880] =	vst v63  }
0x55: {  	_ =	swait.ge [sflag:s11], $0x200  }
0x56: {  	[sflag:s11] =	ssyncset.done $0x0  }
0x57: {  	[sflag:s11] =	ssyncadd.s32 $0xFFFFFE00  }
0x58: {  	s15 =	sadd.s32 $0x1, s15  }
0x59: {  	p0 =	sne.s32 s15, s9  }
.Ltmp2:
0x5a: {  	_ = 	snop;
	(pc) =	sbr.rel @p0 .LBB2_1-.Ltmp2, $1  }
0x5b: {  	_ =	sdelay $0x3  }
0x5c: {  	_ =	sfence.sel $0x180000  }
0x5d: {  	[bflag:$0x0] =	sbarrier.arrive $0xFFFF  }
0x5e: {  	p0 =	sne.s32 s3, $0x0;
	_ =	strace $0x9000004A  }
0x5f: {  	s0 =	sadd.s32 @!p0 $0x100000, s0;
	[bflag:$0x2] =	sbarrier.arrive $0xFFFF  }
0x60: {  	[sflag:s0] =	ssyncadd.tile.s32 @!p0 $0x1;
	_ =	shalt  }
.Lfunc_end2:
_tile_overlayer_lowered:
.L_overlay_start_2:
0x61: {  	(tag) =	ssettag $0x2  }
0x62: {  	s0 =	rddreg [dreg:$0x0];
	s2 =	stileid.u32  }
0x63: {  	s1 =	rddreg [dreg:$0x1];
	p0 =	sne.s32 s2, $0x0  }
0x64: {  	s3 =	rddreg [dreg:$0x2];
	[bflag:$0x3] =	sbarrier.arrive $0xFFFF;
	s2 =	simm.s32 @!p0 $0x1C01  }
0x65: {  	[timem:s3], [sflag:s2] =	dma.local @!p0 [hbm:s0], s1  }
0x66: {  	s0 =	simm.s32 @!p0 $0x1  }
0x67: {  	_ =	swait.ge @!p0 [sflag:s0], s1  }
0x68: {  	s1 =	ssub.s32 @!p0 $0x0, s1;
	[sflag:s0] =	ssyncset.done @!p0 $0x0  }
0x69: {  	[sflag:s0] =	ssyncadd.s32 @!p0 s1  }
0x6a: {  	[bflag:$0x3] =	sbarrier.arrive $0xFFFF  }
0x6b: {  	_ =	shalt  }

// kernel: kernel.9.cloned.1.call-start
scs
__scs_entry_jumppad:
0x0: {  	(pc) =	sbr.rel $0x88, $3  }
0x1: {  	(tag) =	ssettag $0x0;
	lr =	simm.s32 $0x1  }
0x2: {  	[smem:$0x3F91] =	sst lr;
	_ =	strace $0xD0000000  }
0x3: {  	_ = 	snop  }
0x4: {  	_ = 	snop  }
0x5: {  	_ = 	snop  }
0x6: {  	_ = 	snop  }
0x7: {  	_ = 	snop  }
__scs_overlays_trampoline_lowered:
0x8: {  	[smem:$0x3FA0] =	sst s0  }
0x9: {  	[smem:$0x3FA1] =	sst s1  }
0xa: {  	[smem:$0x3FA2] =	sst s2  }
0xb: {  	[smem:$0x3FA3] =	sst s3  }
0xc: {  	[smem:$0x3FA4] =	sst s4  }
0xd: {  	[smem:$0x3FA5] =	sst s5  }
0xe: {  	[smem:$0x3FA6] =	sst s6  }
0xf: {  	[smem:$0x3FA7] =	sst s7  }
0x10: {  	[smem:$0x3FA8] =	sst s8  }
0x11: {  	[smem:$0x3FA9] =	sst s9;
	s0 =	simm.s32 @!p0 $0x0  }
0x12: {  	s1 =	sld [smem:$0x3F8F];
	s0 =	simm.s32 @p0 $0x1  }
0x13: {  	[smem:$0x3FAA] =	sst s0;
	s0 =	simm.s32 @!p1 $0x0  }
0x14: {  	s2 =	sld [smem:$0x3F8E];
	s0 =	simm.s32 @p1 $0x1  }
0x15: {  	[smem:$0x3FAB] =	sst s0;
	s0 =	simm.s32 @!p2 $0x0  }
0x16: {  	s3 =	sld [smem:$0x3FDB];
	s0 =	simm.s32 @p2 $0x1  }
0x17: {  	s4 =	simm.s32 $0x1BF5;
	[smem:$0x3FAD] =	sst s0  }
0x18: {  	s0 =	sld [smem:$0x3F90];
	_ =	swait.ge [sflag:s4], $0x0  }
0x19: {  	s7 =	sld [smem:$0x3F91]  }
0x1a: {  	s8 =	sadd.s32 $0xFFFFE003, lr  }
0x1b: {  	s9 =	sadd.s32 $0xFFFFFEF7, lr;
	s5 =	simm.s32 $0xFFFFFFFF;
	p2 =	slt.u32 s8, $0xFFFFF086  }
0x1c: {  	p1 =	slt.u32 s9, $0xF7A;
	s5 =	simm.s32 @!p2 $0x0  }
0x1d: {  	s5 =	simm.s32 @p1 $0x1;
	p0 =	seq.s32 s7, s2  }
0x1e: {  	s7 =	smul.u32 @!p0 $0xF7A, s2;
	p2 =	seq.s32 @!p0 s5, $0x0  }
0x1f: {  	s9 =	smul.u32 $0xF7A, s1;
	s8 =	simm.s32 @!p0 $0x1BF5;
	p2 =	por !p2, p0  }
0x20: {  	[sflag:s8] =	ssyncset.s32 @!p0 $0xFFFFF086;
	s6 =	sadd.s32 @!p0 s3, s7;
	s7 =	simm.s32 @!p0 $0x108  }
0x21: {  	s3 =	sadd.s32 s3, s9;
	s6 =	sadd.s32 @!p0 $0x88, s6;
	s7 =	simm.s32 @p2 $0x1082  }
0x22: {  	[simem:s7], [sflag:s8] =	dma.local @!p0 [hbm:s6], $0xF7A  }
0x23: {  	s9 =	sor.u32 $0xD0000000, s2;
	s6 =	simm.s32 $0x108;
	_ =	swait.ge @!p0 [sflag:s8], $0x0  }
0x24: {  	s3 =	sadd.s32 $0x88, s3;
	s6 =	simm.s32 @!p1 $0x1082;
	[sflag:s4] =	ssyncset.s32 $0xFFFFF086  }
0x25: {  	[simem:s6], [sflag:s4] =	dma.local [hbm:s3], $0xF7A  }
0x26: {  	[smem:$0x3F91] =	sst s1;
	(tag) =	ssettag s2;
	_ =	strace s9  }
0x27: {  	s1 =	sld [smem:$0x3FA1]  }
0x28: {  	s2 =	sld [smem:$0x3FA2]  }
0x29: {  	s4 =	sld [smem:$0x3FA4]  }
0x2a: {  	p0 =	seq.s32 s5, $0x0;
	s5 =	sld [smem:$0x3FA5]  }
0x2b: {  	s6 =	sld [smem:$0x3FA6]  }
0x2c: {  	s7 =	sld [smem:$0x3FA7]  }
0x2d: {  	s3 =	simm.s32 $0x108;
	s8 =	sld [smem:$0x3FA8]  }
0x2e: {  	s3 =	simm.s32 @!p0 $0x1082;
	s9 =	sld [smem:$0x3FA9]  }
0x2f: {  	lr =	sadd.s32 s0, s3;
	s0 =	sld [smem:$0x3FA0]  }
0x30: {  	s3 =	sld [smem:$0x3FA3]  }
0x31: {  	[smem:$0x3FAC] =	sst s10  }
0x32: {  	s10 =	sld [smem:$0x3FAA];
	_ =	sdelay $0x3  }
0x33: {  	p0 =	seq.s32 s10, $0x1;
	s10 =	sld [smem:$0x3FAC];
	_ =	sdelay $0x3  }
0x34: {  	[smem:$0x3FAC] =	sst s10  }
0x35: {  	s10 =	sld [smem:$0x3FAB];
	_ =	sdelay $0x3  }
0x36: {  	p1 =	seq.s32 s10, $0x1;
	s10 =	sld [smem:$0x3FAC];
	_ =	sdelay $0x3  }
0x37: {  	[smem:$0x3FAC] =	sst s10  }
0x38: {  	s10 =	sld [smem:$0x3FAD]  }
0x39: {  	_ = 	snop;
	(pc) =	sbr.ind lr, $3  }
0x3a: {  	_ = 	snop  }
0x3b: {  	_ = 	snop  }
0x3c: {  	p2 =	seq.s32 s10, $0x1;
	s10 =	sld [smem:$0x3FAC]  }
0x3d: {  	_ =	shalt  }
0x3e: {  	_ =	shalt  }
0x3f: {  	_ =	shalt  }
0x40: {  	_ =	shalt  }
0x41: {  	_ =	shalt  }
0x42: {  	_ =	shalt  }
0x43: {  	_ =	shalt  }
0x44: {  	_ =	shalt  }
0x45: {  	_ =	shalt  }
0x46: {  	_ =	shalt  }
0x47: {  	_ =	shalt  }
0x48: {  	_ =	shalt  }
0x49: {  	_ =	shalt  }
0x4a: {  	_ =	shalt  }
0x4b: {  	_ =	shalt  }
0x4c: {  	_ =	shalt  }
0x4d: {  	_ =	shalt  }
0x4e: {  	_ =	shalt  }
0x4f: {  	_ =	shalt  }
0x50: {  	_ =	shalt  }
0x51: {  	_ =	shalt  }
0x52: {  	_ =	shalt  }
0x53: {  	_ =	shalt  }
0x54: {  	_ =	shalt  }
0x55: {  	_ =	shalt  }
0x56: {  	_ =	shalt  }
0x57: {  	_ =	shalt  }
0x58: {  	_ =	shalt  }
0x59: {  	_ =	shalt  }
0x5a: {  	_ =	shalt  }
0x5b: {  	_ =	shalt  }
0x5c: {  	_ =	shalt  }
0x5d: {  	_ =	shalt  }
0x5e: {  	_ =	shalt  }
0x5f: {  	_ =	shalt  }
0x60: {  	_ =	shalt  }
0x61: {  	_ =	shalt  }
0x62: {  	_ =	shalt  }
0x63: {  	_ =	shalt  }
0x64: {  	_ =	shalt  }
0x65: {  	_ =	shalt  }
0x66: {  	_ =	shalt  }
0x67: {  	_ =	shalt  }
0x68: {  	_ =	shalt  }
0x69: {  	_ =	shalt  }
0x6a: {  	_ =	shalt  }
0x6b: {  	_ =	shalt  }
0x6c: {  	_ =	shalt  }
0x6d: {  	_ =	shalt  }
0x6e: {  	_ =	shalt  }
0x6f: {  	_ =	shalt  }
0x70: {  	_ =	shalt  }
0x71: {  	_ =	shalt  }
0x72: {  	_ =	shalt  }
0x73: {  	_ =	shalt  }
0x74: {  	_ =	shalt  }
0x75: {  	_ =	shalt  }
0x76: {  	_ =	shalt  }
0x77: {  	_ =	shalt  }
0x78: {  	_ =	shalt  }
0x79: {  	_ =	shalt  }
0x7a: {  	_ =	shalt  }
0x7b: {  	_ =	shalt  }
0x7c: {  	_ =	shalt  }
0x7d: {  	_ =	shalt  }
0x7e: {  	_ =	shalt  }
0x7f: {  	_ =	shalt  }
0x80: {  	_ =	shalt  }
0x81: {  	_ =	shalt  }
0x82: {  	_ =	shalt  }
0x83: {  	_ =	shalt  }
0x84: {  	_ =	shalt  }
0x85: {  	_ =	shalt  }
0x86: {  	_ =	shalt  }
0x87: {  	_ =	shalt  }
.Lfunc_end0:
.L_simem_size_0:
called_computation_lowered:
.L_overlay_start_0:
0x88: {  	s2 =	sld [smem:$0x3FD9]  }
0x89: {  	s3 =	sld [smem:$0x3FFE];
	_ =	sdelay $0x1  }
0x8a: {  	s1 =	srdreg.scid  }
0x8b: {  	s0 =	sand.u32 $0x1, s1  }
0x8c: {  	s16 =	sshll.u32 s0, $0xA;
	s2 =	sadd.s32 s3, s2  }
0x8d: {  	s2 =	sadd.s32 s2, s16  }
0x8e: {  	[smem:$0x3FB8] =	sst s2  }
0x8f: {  	_ = 	snop  }
0x90: {  	(tm) =	ssettm $0x1  }
0x91: {  	s17 =	sld [smem:$0x3FFB];
	_ =	sdelay $0x3  }
0x92: {  	_ =	strace s17  }
0x93: {  	s2 =	sld [smem:$0x3FFC];
	_ =	sdelay $0x3  }
0x94: {  	_ =	strace s2  }
0x95: {  	s2 =	sld [smem:$0x3FFD];
	_ =	sdelay $0x3  }
0x96: {  	_ =	strace s2  }
0x97: {  	_ =	strace $0x8FFFFFFF  }
0x98: {  	s18 =	sld [smem:$0x3FDB];
	_ =	sdelay $0x1  }
0x99: {  	s19 =	simm.s32 $_scs_section_size  }
0x9a: {  	s4 =	simm.s32 $_size__tile_overlayer_lowered;
	s5 =	simm.s32 $_tile_overlayer_lowered  }
0x9b: {  	s22 =	simm.s32 $0x1BFF;
	s21 =	sshll.u32 s5, $0x1;
	s2 =	sadd.s32 s19, s18  }
0x9c: {  	s6 =	simm.s32 $0x0;
	s20 =	sshll.u32 s4, $0x1;
	s4 =	sadd.s32 s21, s2  }
0x9d: {  	[timem:s6], [sflag:s22] =	dma.local [hbm:s4], s20  }
0x9e: {  	_ =	swait.ge [sflag:s22], s20  }
0x9f: {  	s3 =	ssub.s32 $0x0, s20;
	[sflag:s22] =	ssyncset.done $0x0  }
0xa0: {  	[sflag:s22] =	ssyncadd.s32 s3;
	_ =	sdelay $0x1  }
0xa1: {  	s23 =	simm.s32 $0x1B8B  }
0xa2: {  	_ =	swait.ge [sflag:s23], $0x1  }
0xa3: {  	[sflag:s23] =	ssyncset.done $0x0  }
0xa4: {  	s25 =	simm.s32 $0x1B8E;
	s24 =	sld [smem:$0x3FFE];
	[sflag:s23] =	ssyncadd.s32 $0xFFFFFFFF  }
0xa5: {  	s26 =	simm.s32 $execute0_lowered;
	[smem:$0x3FD2] =	sst s25  }
0xa6: {  	s4 =	sshll.u32 s26, $0x1;
	_ =	strace $0x80000046;
	[dreg:$0x1] =	wrdreg $0xFFFFFFFF  }
0xa7: {  	s28 =	simm.s32 $_size_execute0_lowered;
	s2 =	sadd.s32 s2, s4;
	[dreg:$0x0] =	wrdreg $0x0  }
0xa8: {  	s4 =	sshll.u32 s28, $0x1;
	[dreg:$0x2] =	wrdreg s2  }
0xa9: {  	[dreg:$0x3] =	wrdreg s4  }
0xaa: {  	[dreg:$0x4] =	wrdreg $0xC0  }
0xab: {  	_ =	task [dreg:s6], $0x5FFFF  }
0xac: {  	[dreg:$0x1] =	wrdreg $0xFFFFFFFF  }
0xad: {  	[dreg:$0x0] =	wrdreg $0x60  }
0xae: {  	[dreg:$0x2] =	wrdreg s24  }
0xaf: {  	[dreg:$0x3] =	wrdreg $0x9  }
0xb0: {  	_ =	task.clear_ibuf [dreg:s6], $0x4FFFF;
	_ =	strace $0x90000046  }
0xb1: {  	s29 =	simm.s32 $0x9;
	_ =	strace $0x80000048  }
0xb2: {  	_ =	swait.ge [sflag:s29], $0x1  }
0xb3: {  	[sflag:s29] =	ssyncadd.s32 $0xFFFFFFFF  }
0xb4: {  	_ =	strace $0x90000048  }
0xb5: {  	_ =	sfence  }
0xb6: {  	s30 =	sld [smem:$0x0];
	_ =	sdelay $0x2  }
0xb7: {  	s31 =	sshll.u32 s1, $0xD;
	s1 =	sshrl.u32 s1, $0x2  }
0xb8: {  	s3 =	sand.u32 $0x4000, s31;
	s1 =	sadd.s32 s1, s30  }
0xb9: {  	s0 =	sor.u32 s3, s0;
	s1 =	sshll.u32 s1, $0x11  }
0xba: {  	s0 =	sor.u32 s1, s0  }
0xbb: {  	s0 =	sadd.s32 $0x8F2B, s0  }
0xbc: {  	[sflag:s0] =	ssyncadd.remote.s32 $0x1  }
0xbd: {  	_ =	sfence.sel $0xFFFF  }
0xbe: {  	[dreg:$0x0] =	wrdreg $0xFFFFFFFF;
	(pc) =	sbr.abs _section_cstart, $3  }
0xbf: {  	[dreg:$0x1] =	wrdreg $0xFFFFFFFF  }
0xc0: {  	_ =	task.clear_ibuf [dreg:s6], $0x2FFFF;
	_ =	strace $0x9FFFFFFF  }
0xc1: {  	(tm) =	ssettm $0x7FFFFFFF  }
tec
execute0_lowered:
.L_overlay_start_1:
0x0: {  	(tag) =	ssettag $0x1  }
0x1: {  	s7 =	rddreg [dreg:$0x0]  }
0x2: {  	s0 =	rddreg [dreg:$0x1]  }
0x3: {  	s1 =	simm.s32 $0x0;
	s3 =	srdreg.scid;
	s11 =	simm.s32 $0x1  }
0x4: {  	s12 =	simm.s32 $0x280;
	s13 =	simm.s32 $0x480;
	s14 =	simm.s32 $0x680  }
0x5: {  	s15 =	simm.s32 $0x0;
	[smem:$0x7FF] =	sst s1;
	s2 =	sadd.s32 $0x3A00, s7  }
0x6: {  	s8 =	sand.u32 $0x1, s3;
	s4 =	sadd.s32 $0x7A00, s7;
	s5 =	sadd.s32 $0x13A00, s7  }
0x7: {  	s6 =	sadd.s32 $0x14A00, s7;
	s3 =	stileid.u32;
	s9 =	ssub.s32 $0x2, s8  }
0x8: {  	s7 =	sadd.s32 $0x18A00, s7;
	_ =	strace $0x80000047;
	s10 =	sshrl.u32 s9, $0x1  }
0x9: {  	s8 =	sshll.u32 s8, $0x7;
	s31 =	sshll.u32 s3, $0x3;
	s9 =	ssub.s32 s9, s10  }
0xa: {  	s8 =	sor.u32 s31, s8;
	s10 =	simm.s32 $0x80;
	s9 =	smax.u32 s9, $0x1  }
.LBB2_1:
0xb: {  	s16 =	simm.s32 $0x0  }
.LBB2_2:
0xc: {  	s18 =	sadd.s32 s8, s16  }
0xd: {  	s17 =	sshll.u32 s18, $0x6  }
0xe: {  	s20 =	simm.s32 $0x0;
	s19 =	sadd.s32 s2, s17  }
0xf: {  	[tilespmem:s10], [sflag:$0x1] =	stream.linear.gather [hbm4b:s19+s20], $0x200, $0x38;
	[tilespmem:$0x880] =	vst v63  }
0x10: {  	_ =	swait.ge [sflag:s11], $0x200  }
0x11: {  	[sflag:s11] =	ssyncset.done $0x0  }
0x12: {  	s31 =	sadd.s32 s4, s17;
	[sflag:s11] =	ssyncadd.s32 $0xFFFFFE00  }
0x13: {  	[tilespmem:s12], [sflag:$0x1] =	stream.linear.gather [hbm4b:s31+s20], $0x200, $0x38;
	[tilespmem:$0x880] =	vst v63  }
0x14: {  	_ =	swait.ge [sflag:s11], $0x200  }
0x15: {  	s18 =	sshll.u32 s18, $0x4;
	[sflag:s11] =	ssyncset.done $0x0  }
0x16: {  	s18 =	sadd.s32 s5, s18;
	[sflag:s11] =	ssyncadd.s32 $0xFFFFFE00  }
0x17: {  	[tilespmem:s20], [sflag:$0x1] =	stream.linear.gather [hbm4b:s18+s20], $0x80, $0x38;
	[tilespmem:$0x880] =	vst v63  }
0x18: {  	_ =	swait.ge [sflag:s11], $0x80  }
0x19: {  	[sflag:s11] =	ssyncset.done $0x0  }
0x1a: {  	s18 =	simm.s32 $0x0;
	[sflag:s11] =	ssyncadd.s32 $0xFFFFFF80  }
0x1b: {  	v4 =	vld [tilespmem:s18+$0x80]  }
0x1c: {  	v5 =	vld [tilespmem:s18+$0x280]  }
0x1d: {  	v0 =	vld [tilespmem:$0x30]  }
0x1e: {  	v1 =	vld [tilespmem:$0x20]  }
0x1f: {  	v3 =	vld [tilespmem:$0x0]  }
0x20: {  	v2 =	vld [tilespmem:$0x10];
	v6 =	vshra.s32 v4, $0x4  }
0x21: {  	v4 =	vand.u32 $0xF, v4;
	v7 =	vshra.s32 v5, $0x4;
	v5 =	vand.u32 $0xF, v5  }
0x22: {  	vm0 =	veq.s32 v6, $0x3;
	vm1 =	veq.s32 v6, $0x2;
	v8 =	vperm.xlane v0, v4  }
0x23: {  	s19 =	simm.s32 $0x10;
	vm3 =	veq.s32 v6, $0x1;
	v9 =	vperm.xlane v1, v4;
	vm4 =	veq.s32 v7, $0x1  }
0x24: {  	v11 =	vld [tilespmem:s19+$0x80];
	vm5 =	veq.s32 v6, $0x0;
	v6 =	vperm.xlane v3, v4;
	v10 =	vperm.xlane v3, v5  }
0x25: {  	v13 =	vld [tilespmem:s19+$0x280];
	v4 =	vperm.xlane v2, v4;
	vm6 =	veq.s32 v7, $0x0;
	v12 =	vperm.xlane v2, v5  }
0x26: {  	v14 =	vperm.xlane v1, v5;
	v6 =	vnsel vm5, $0x0, v6;
	v10 =	vnsel vm6, $0x0, v10  }
0x27: {  	vm2 =	veq.s32 v7, $0x2;
	v4 =	vsel vm3, v4, v6;
	v6 =	vsel vm4, v12, v10  }
0x28: {  	v5 =	vperm.xlane v0, v5;
	v4 =	vsel vm1, v9, v4;
	v6 =	vsel vm2, v14, v6  }
0x29: {  	vm1 =	veq.s32 v7, $0x3;
	v7 =	vand.u32 $0xF, v11;
	v4 =	vsel vm0, v8, v4  }
0x2a: {  	v5 =	vsel vm1, v5, v6;
	v6 =	vshra.s32 v11, $0x4;
	v11 =	vshra.s32 v13, $0x4  }
0x2b: {  	v8 =	vand.u32 $0xF, v13;
	v10 =	vperm.xlane v1, v7;
	v61 =	vperm.xlane v2, v7  }
0x2c: {  	vm0 =	vlt.s32 v4, $0x20;
	vm1 =	vlt.s32 v5, $0x20;
	vm2 =	veq.s32 v6, $0x2  }
0x2d: {  	vm13 =	veq.s32 v6, $0x1;
	vm15 =	veq.s32 v6, $0x0;
	vm0 =	vmand vm0, vm1  }
0x2e: {  	vm1 =	veq.s32 v6, $0x3;
	v6 =	vperm.xlane v3, v7;
	v9 =	vnsel vm0, $0xFFFFFFFF, v5  }
0x2f: {  	s20 =	simm.s32 $0x20;
	vm14 =	veq.s32 v11, $0x1;
	v60 =	vperm.xlane v3, v8;
	vm7 =	veq.s32 v11, $0x0;
	[tilespmem:s18+$0x680] =	vst v9  }
0x30: {  	v62 =	vperm.xlane v2, v8;
	v5 =	vperm.xlane v0, v7;
	v6 =	vnsel vm15, $0x0, v6;
	v7 =	vld [tilespmem:s20+$0x80]  }
0x31: {  	v63 =	vperm.xlane v1, v8;
	v9 =	vnsel vm7, $0x0, v60;
	v13 =	vsel vm13, v61, v6;
	v6 =	vld [tilespmem:s20+$0x280]  }
0x32: {  	vm3 =	veq.s32 v11, $0x2;
	v8 =	vperm.xlane v0, v8;
	v14 =	vsel vm14, v62, v9  }
0x33: {  	s21 =	simm.s32 $0xC0;
	v9 =	vsel vm2, v10, v13;
	v10 =	vsel vm3, v63, v14;
	vm2 =	veq.s32 v11, $0x3  }
.LBB2_3:
0x34: {  	p0 =	sne.s32 s21, $0x7C0;
	v8 =	vsel vm2, v8, v10;
	v10 =	vnsel vm0, $0xFFFFFFFF, v4;
	v4 =	vsel vm1, v5, v9  }
0x35: {  	v9 =	vshra.s32 v7, $0x4;
	vm0 =	vlt.s32 v4, $0x20;
	vm1 =	vlt.s32 v8, $0x20;
	[tilespmem:s18+$0x480] =	vst v10;
	s18 =	smov.u32 s19;
	s19 =	smov.u32 s20  }
0x36: {  	v10 =	vand.u32 $0xF, v7;
	v11 =	vshra.s32 v6, $0x4;
	vm0 =	vmand vm0, vm1  }
0x37: {  	vm1 =	veq.s32 v9, $0x3;
	v12 =	vand.u32 $0xF, v6;
	v6 =	vnsel vm0, $0xFFFFFFFF, v8  }
0x38: {  	vm2 =	veq.s32 v9, $0x2;
	v5 =	vperm.xlane v0, v10;
	vm3 =	veq.s32 v11, $0x2;
	[tilespmem:s18+$0x680] =	vst v6  }
0x39: {  	vm4 =	veq.s32 v9, $0x1;
	v13 =	vperm.xlane v1, v10;
	vm5 =	veq.s32 v11, $0x1  }
.Ltmp0:
0x3a: {  	s20 =	sshra.s32 s21, $0x2;
	vm6 =	veq.s32 v9, $0x0;
	v8 =	vperm.xlane v3, v10;
	v9 =	vperm.xlane v3, v12;
	(pc) =	sbr.rel @p0 .LBB2_3-.Ltmp0, $4  }
0x3b: {  	v10 =	vperm.xlane v2, v10;
	vm7 =	veq.s32 v11, $0x0;
	v14 =	vperm.xlane v2, v12;
	v7 =	vld [tilespmem:s20+$0x80]  }
0x3c: {  	v15 =	vperm.xlane v1, v12;
	v8 =	vnsel vm6, $0x0, v8;
	v9 =	vnsel vm7, $0x0, v9;
	v6 =	vld [tilespmem:s20+$0x280]  }
0x3d: {  	v10 =	vsel vm4, v10, v8;
	v14 =	vsel vm5, v14, v9;
	v8 =	vperm.xlane v0, v12  }
0x3e: {  	s21 =	sadd.s32 $0x40, s21;
	v9 =	vsel vm2, v13, v10;
	v10 =	vsel vm3, v15, v14;
	vm2 =	veq.s32 v11, $0x3  }
0x3f: {  	v5 =	vsel vm1, v5, v9  }
0x40: {  	v8 =	vsel vm2, v8, v10;
	v4 =	vnsel vm0, $0xFFFFFFFF, v4;
	v11 =	vand.u32 $0xF, v7  }
0x41: {  	v48 =	vshra.s32 v7, $0x4;
	vm9 =	vlt.s32 v5, $0x20;
	vm4 =	vlt.s32 v8, $0x20  }
0x42: {  	v49 =	vperm.xlane v3, v11;
	vm14 =	veq.s32 v48, $0x0;
	v50 =	vperm.xlane v2, v11  }
0x43: {  	vm15 =	veq.s32 v48, $0x3;
	vm3 =	veq.s32 v48, $0x1;
	vm8 =	veq.s32 v48, $0x2  }
0x44: {  	v52 =	vand.u32 $0xF, v6;
	v53 =	vshra.s32 v6, $0x4;
	v56 =	vperm.xlane v1, v11  }
0x45: {  	v58 =	vperm.xlane v0, v11;
	v54 =	vperm.xlane v3, v52;
	vm10 =	veq.s32 v53, $0x0  }
0x46: {  	v55 =	vperm.xlane v2, v52;
	vm5 =	veq.s32 v53, $0x1;
	v57 =	vperm.xlane v1, v52  }
0x47: {  	vm11 =	veq.s32 v53, $0x2;
	v9 =	vnsel vm14, $0x0, v49;
	v3 =	vnsel vm10, $0x0, v54  }
0x48: {  	v59 =	vperm.xlane v0, v52;
	v51 =	vsel vm3, v50, v9;
	v2 =	vsel vm5, v55, v3  }
0x49: {  	vm12 =	veq.s32 v53, $0x3;
	v3 =	vsel vm8, v56, v51;
	v1 =	vsel vm11, v57, v2  }
0x4a: {  	vm0 =	vmand vm9, vm4;
	v60 =	vsel vm15, v58, v3;
	v0 =	vsel vm12, v59, v1  }
0x4b: {  	[tilespmem:s18+$0x480] =	vst v4;
	v61 =	vnsel vm0, $0xFFFFFFFF, v8;
	vm13 =	vlt.s32 v60, $0x20;
	vm14 =	vlt.s32 v0, $0x20  }
0x4c: {  	v62 =	vnsel vm0, $0xFFFFFFFF, v5;
	[tilespmem:s19+$0x680] =	vst v61;
	vm15 =	vmand vm13, vm14  }
0x4d: {  	[tilespmem:s19+$0x480] =	vst v62;
	v0 =	vnsel vm15, $0xFFFFFFFF, v0  }
0x4e: {  	v63 =	vnsel vm15, $0xFFFFFFFF, v60;
	[tilespmem:s20+$0x680] =	vst v0  }
0x4f: {  	s30 =	sadd.s32 s6, s17;
	[tilespmem:s20+$0x480] =	vst v63  }
0x50: {  	[hbm4b:s30+s1] =	stream.linear.scatter [tilespmem:s13], [sflag:$0x1], $0x200, $0x38;
	[tilespmem:$0x880] =	vst v63  }
0x51: {  	s16 =	sadd.s32 $0x1, s16;
	_ =	swait.ge [sflag:s11], $0x200  }
0x52: {  	p0 =	sne.s32 s16, $0x8;
	[sflag:s11] =	ssyncset.done $0x0  }
.Ltmp1:
0x53: {  	s31 =	sadd.s32 s7, s17;
	[sflag:s11] =	ssyncadd.s32 $0xFFFFFE00;
	(pc) =	sbr.rel @p0 .LBB2_2-.Ltmp1, $4  }
0x54: {  	[hbm4b:s31+s1] =	stream.linear.scatter [tilespmem:s14], [sflag:$0x1], $0x200, $0x38;
	[tilespmem:$0x880] =	vst v63  }
0x55: {  	_ =	swait.ge [sflag:s11], $0x200  }
0x56: {  	[sflag:s11] =	ssyncset.done $0x0  }
0x57: {  	[sflag:s11] =	ssyncadd.s32 $0xFFFFFE00  }
0x58: {  	s15 =	sadd.s32 $0x1, s15  }
0x59: {  	p0 =	sne.s32 s15, s9  }
.Ltmp2:
0x5a: {  	_ = 	snop;
	(pc) =	sbr.rel @p0 .LBB2_1-.Ltmp2, $1  }
0x5b: {  	_ =	sdelay $0x3  }
0x5c: {  	_ =	sfence.sel $0x180000  }
0x5d: {  	[bflag:$0x0] =	sbarrier.arrive $0xFFFF  }
0x5e: {  	p0 =	sne.s32 s3, $0x0;
	_ =	strace $0x90000047  }
0x5f: {  	s0 =	sadd.s32 @!p0 $0x100000, s0;
	[bflag:$0x2] =	sbarrier.arrive $0xFFFF  }
0x60: {  	[sflag:s0] =	ssyncadd.tile.s32 @!p0 $0x1;
	_ =	shalt  }
.Lfunc_end2:
_tile_overlayer_lowered:
.L_overlay_start_2:
0x61: {  	(tag) =	ssettag $0x2  }
0x62: {  	s0 =	rddreg [dreg:$0x0];
	s2 =	stileid.u32  }
0x63: {  	s1 =	rddreg [dreg:$0x1];
	p0 =	sne.s32 s2, $0x0  }
0x64: {  	s3 =	rddreg [dreg:$0x2];
	[bflag:$0x3] =	sbarrier.arrive $0xFFFF;
	s2 =	simm.s32 @!p0 $0x1C01  }
0x65: {  	[timem:s3], [sflag:s2] =	dma.local @!p0 [hbm:s0], s1  }
0x66: {  	s0 =	simm.s32 @!p0 $0x1  }
0x67: {  	_ =	swait.ge @!p0 [sflag:s0], s1  }
0x68: {  	s1 =	ssub.s32 @!p0 $0x0, s1;
	[sflag:s0] =	ssyncset.done @!p0 $0x0  }
0x69: {  	[sflag:s0] =	ssyncadd.s32 @!p0 s1  }
0x6a: {  	[bflag:$0x3] =	sbarrier.arrive $0xFFFF  }
0x6b: {  	_ =	shalt  }

</sc_bundles>
